<compile_context>
chip_gen: v7x
topology: tpu7x:2x2x1
jax: 0.10.2.dev20260603
libtpu: 0.0.44.dev20260713+nightly
codegen_flags: <defaults>
</compile_context>

<pallas_src>
import functools
import math

import numpy as np
import jax
import jax.numpy as jnp
from jax import lax
from jax.experimental import pallas as pl
from jax.experimental.pallas import tpu as pltpu
from jax.experimental.pallas import tpu_sc as plsc

_NC, _NS = 2, 16
_NW = _NC * _NS
_L = 16


def _pe_table(d_model: int, max_len: int) -> np.ndarray:
    position = np.arange(max_len, dtype=np.float32)[:, None]
    div_term = np.exp(
        np.arange(0, d_model, 2, dtype=np.float32) * (-math.log(10000.0) / d_model))
    pe = np.zeros((max_len, d_model), dtype=np.float32)
    pe[:, 0::2] = np.sin(position * div_term)
    pe[:, 1::2] = np.cos(position * div_term)
    return pe


_SHUF_DNUMS = lax.GatherDimensionNumbers(
    offset_dims=(), collapsed_slice_dims=(0,), start_index_map=(0,))


def _shuf(v, idx):
    return lax.gather(v, idx[:, None], _SHUF_DNUMS, (1,),
                      mode=lax.GatherScatterMode.PROMISE_IN_BOUNDS)


def _lanesum(v, bfly_idx):
    for idx in bfly_idx:
        v = v + _shuf(v, idx)
    return v


def _rsqrt16(x):
    i = lax.bitcast_convert_type(x, jnp.int32)
    i = jnp.int32(0x5F3759DF) - lax.shift_right_logical(i, 1)
    y = lax.bitcast_convert_type(i, jnp.float32)
    xh = x * jnp.float32(0.5)
    for _ in range(2):
        y = y * (jnp.float32(1.5) - xh * y * y)
    return y


def kernel(input_ids, type_ids, dpe_ids, E_in, E_type, gamma, beta):
    B, S, W = input_ids.shape
    V, D = E_in.shape
    N = B * S * W
    NJ = D // _L

    pe = jnp.asarray(_pe_table(D, 256)[:W])
    comb = (E_type[:, None, :] + pe[None, :, :]).reshape(-1, D)
    ids = input_ids.reshape(N)
    tids = type_ids.reshape(N)

    TPW = N // _NW
    C = 128
    NCHUNK = TPW // C

    mesh = plsc.VectorSubcoreMesh(
        core_axis_name="c", subcore_axis_name="s",
        num_cores=_NC, num_subcores=_NS)

    buf_types = [
        pltpu.VMEM((C,), jnp.int32),
        pltpu.VMEM((C,), jnp.int32),
        pltpu.VMEM((C,), jnp.int32),
        pltpu.VMEM((C, D), jnp.float32),
        pltpu.SemaphoreType.DMA,
        pltpu.SemaphoreType.DMA,
        pltpu.SemaphoreType.DMA,
        pltpu.SemaphoreType.DMA,
    ]

    @functools.partial(
        pl.kernel,
        out_type=jax.ShapeDtypeStruct((N, D), jnp.float32),
        mesh=mesh,
        scratch_types=buf_types * 4 + [
            pltpu.VMEM((D,), jnp.float32),
            pltpu.VMEM((D,), jnp.float32),
        ],
    )
    def sc_kernel(ids_hbm, tids_hbm, comb_hbm, ein_hbm, gamma_hbm, beta_hbm,
                  out_hbm,
                  i0, t0, c0_, r0, sb0, sa0, so0, si0,
                  i1, t1, c1_, r1, sb1, sa1, so1, si1,
                  i2, t2, c2_, r2, sb2, sa2, so2, si2,
                  i3, t3, c3_, r3, sb3, sa3, so3, si3,
                  g_v, b_v):
        wid = lax.axis_index("s") * _NC + lax.axis_index("c")
        base = wid * TPW
        pltpu.sync_copy(gamma_hbm, g_v)
        pltpu.sync_copy(beta_hbm, b_v)
        gs = [g_v[pl.ds(j * _L, _L)] for j in range(NJ)]
        bs = [b_v[pl.ds(j * _L, _L)] for j in range(NJ)]
        iota16 = lax.iota(jnp.int32, _L)
        inv_d = jnp.float32(1.0 / D)
        bfly_idx = [jnp.bitwise_xor(iota16, jnp.int32(k)) for k in (8, 4, 2, 1)]
        bufs = ((i0, t0, c0_, r0, sb0, sa0, so0, si0),
                (i1, t1, c1_, r1, sb1, sa1, so1, si1),
                (i2, t2, c2_, r2, sb2, sa2, so2, si2),
                (i3, t3, c3_, r3, sb3, sa3, so3, si3))

        def build_cidx_fire_comb(buf):
            idx_v, tid_v, cidx_v, rows, sem_b, sem_a, sem_o, sem_i = buf
            for g in range(C // _L):
                woff = (g * _L) % W
                t16 = tid_v[pl.ds(g * _L, _L)]
                cidx_v[pl.ds(g * _L, _L)] = t16 * W + (iota16 + woff)
            pltpu.async_copy(comb_hbm.at[cidx_v], rows, sem_b)

        def s1_fire_comb(c, buf):
            idx_v, tid_v, cidx_v, rows, sem_b, sem_a, sem_o, sem_i = buf
            tok0 = base + c * C
            pltpu.sync_copy(ids_hbm.at[pl.ds(tok0, C)], idx_v)
            pltpu.sync_copy(tids_hbm.at[pl.ds(tok0, C)], tid_v)
            build_cidx_fire_comb(buf)

        def fire_idx(c, buf):
            idx_v, tid_v, cidx_v, rows, sem_b, sem_a, sem_o, sem_i = buf
            tok0 = base + c * C
            pltpu.async_copy(ids_hbm.at[pl.ds(tok0, C)], idx_v, sem_i)
            pltpu.async_copy(tids_hbm.at[pl.ds(tok0, C)], tid_v, sem_i)

        def s1_prefetched(c, buf):
            idx_v, tid_v, cidx_v, rows, sem_b, sem_a, sem_o, sem_i = buf
            pltpu.make_async_copy(ids_hbm.at[pl.ds(base, C)], idx_v, sem_i).wait()
            pltpu.make_async_copy(tids_hbm.at[pl.ds(base, C)], tid_v, sem_i).wait()
            build_cidx_fire_comb(buf)

        def wait_out(buf):
            idx_v, tid_v, cidx_v, rows, sem_b, sem_a, sem_o, sem_i = buf
            pltpu.make_async_copy(rows, out_hbm.at[pl.ds(base, C)], sem_o).wait()

        def s2_fire_add(buf):
            idx_v, tid_v, cidx_v, rows, sem_b, sem_a, sem_o, sem_i = buf
            pltpu.make_async_copy(comb_hbm.at[cidx_v], rows, sem_b).wait()
            pltpu.async_copy(ein_hbm.at[idx_v], rows, sem_a, add=True)

        def s3_compute_out(c, buf):
            idx_v, tid_v, cidx_v, rows, sem_b, sem_a, sem_o, sem_i = buf
            pltpu.make_async_copy(ein_hbm.at[idx_v], rows, sem_a).wait()

            @pl.when(c + 4 < NCHUNK)
            def _():
                fire_idx(c + 4, buf)

            tok0 = base + c * C

            def tok_body(t):
                vs = [rows[t, pl.ds(j * _L, _L)] for j in range(NJ)]
                s = vs[0]
                for j in range(1, NJ):
                    s = s + vs[j]
                q = vs[0] * vs[0]
                for j in range(1, NJ):
                    q = q + vs[j] * vs[j]
                mean = _lanesum(s, bfly_idx) * inv_d
                msq = _lanesum(q, bfly_idx) * inv_d
                var = msq - mean * mean + jnp.float32(1e-12)
                r = _rsqrt16(var)
                m2 = mean * r
                for j in range(NJ):
                    rows[t, pl.ds(j * _L, _L)] = (vs[j] * r - m2) * gs[j] + bs[j]

            plsc.parallel_loop(0, C, 1, unroll=5)(tok_body)
            pltpu.async_copy(rows, out_hbm.at[pl.ds(tok0, C)], sem_o)

        def s1_guarded(c, buf):
            @pl.when(c < NCHUNK)
            def _():
                @pl.when(c >= 4)
                def _():
                    wait_out(buf)

                s1_prefetched(c, buf)

        def s2_guarded(c, buf):
            @pl.when(c < NCHUNK)
            def _():
                s2_fire_add(buf)

        def s3_guarded(c, buf):
            @pl.when(c < NCHUNK)
            def _():
                s3_compute_out(c, buf)

        s1_fire_comb(jnp.int32(0), bufs[0])
        s1_fire_comb(jnp.int32(1), bufs[1])
        s1_fire_comb(jnp.int32(2), bufs[2])
        fire_idx(jnp.int32(3), bufs[3])
        s2_fire_add(bufs[0])

        def rot_body(i, carry):
            c = i * 4
            s2_guarded(c + 1, bufs[1])
            s3_compute_out(c, bufs[0])
            s1_guarded(c + 3, bufs[3])

            s2_guarded(c + 2, bufs[2])
            s3_guarded(c + 1, bufs[1])
            s1_guarded(c + 4, bufs[0])

            s2_guarded(c + 3, bufs[3])
            s3_guarded(c + 2, bufs[2])
            s1_guarded(c + 5, bufs[1])

            s2_guarded(c + 4, bufs[0])
            s3_guarded(c + 3, bufs[3])
            s1_guarded(c + 6, bufs[2])
            return carry

        lax.fori_loop(0, (NCHUNK + 3) // 4, rot_body, 0)
        wait_out(bufs[0])
        wait_out(bufs[1])
        wait_out(bufs[2])
        wait_out(bufs[3])

    out = sc_kernel(ids, tids, comb, E_in, gamma, beta)
    return out.reshape(B * S, W, D)

# --- scband reference (transcript-rebuilt; emitter-appended) ---
"""Pipeline reference for scband-desc-emb-25632364823027 (READ-ONLY COPY).

The authoritative reference and input builder live on the scoring server;
editing this copy changes nothing except your own understanding.
"""

import jax, jax.numpy as jnp
import numpy as np
import math

EMBED_DIM = 128
MAX_WORD_LEN = 256
VOCAB = 28119
TYPE_VOCAB = 14


def make_pe(d_model, max_len):
    position = np.arange(max_len, dtype=np.float32)[:, None]
    div_term = np.exp(np.arange(0, d_model, 2, dtype=np.float32) * (-math.log(10000.0) / d_model))
    pe = np.zeros((1, max_len, d_model), dtype=np.float32)
    pe[0, :, 0::2] = np.sin(position * div_term)
    pe[0, :, 1::2] = np.cos(position * div_term)
    return jnp.asarray(pe)


def setup_inputs(seed: int = 0) -> dict:
    key = jax.random.key(seed)
    k1, k2, k3, k4, k5 = jax.random.split(key, 5)
    B, S, W = 8, 256, 128
    input_ids = jax.random.randint(k1, (B, S, W), 0, VOCAB, dtype=jnp.int32)
    type_ids = jax.random.randint(k2, (B, S, W), 0, TYPE_VOCAB, dtype=jnp.int32)
    dpe_ids = jax.random.randint(k3, (B, S, W), 0, 25, dtype=jnp.int32)
    # embedding tables (padding_idx=0 -> row 0 zeroed at init)
    E_in = jax.random.normal(k4, (VOCAB, EMBED_DIM), dtype=jnp.float32) * 0.02
    E_in = E_in.at[0].set(0.0)
    E_type = jax.random.normal(k5, (TYPE_VOCAB, EMBED_DIM), dtype=jnp.float32) * 0.02
    E_type = E_type.at[0].set(0.0)
    gamma = jnp.ones((EMBED_DIM,), dtype=jnp.float32)
    beta = jnp.zeros((EMBED_DIM,), dtype=jnp.float32)
    return {"input_ids": input_ids, "type_ids": type_ids, "dpe_ids": dpe_ids,
            "E_in": E_in, "E_type": E_type, "gamma": gamma, "beta": beta}


def reference(input_ids, type_ids, dpe_ids, E_in, E_type, gamma, beta):
    # DescEmb.forward (cfg.dpe=False so dpe_ids unused; cfg.type_token=True; cfg.pos_enc=True)
    B, S, W = input_ids.shape
    x = jnp.take(E_in, input_ids, axis=0)              # [B,S,W,D] gather
    x = x + jnp.take(E_type, type_ids, axis=0)         # [B,S,W,D] gather
    x = x.reshape(B * S, W, EMBED_DIM)
    pe = make_pe(EMBED_DIM, MAX_WORD_LEN)
    x = x + pe[:, :W]                                  # positional encoding (dropout = identity in eval)
    # LayerNorm eps=1e-12
    mean = jnp.mean(x, axis=-1, keepdims=True)
    var = jnp.mean((x - mean) ** 2, axis=-1, keepdims=True)
    x = (x - mean) / jnp.sqrt(var + 1e-12)
    return x * gamma + beta

if __name__ == "__main__":
    import jax
    _d = setup_inputs()
    print(jax.jit(kernel)(*tuple(_d.values())))

</pallas_src>

<mosaic_0001>
#map = affine_map<(d0, d1) -> (0)>
#map1 = affine_map<(d0, d1) -> (0, 0)>
module attributes {stable_mosaic.version = 14 : i64} {
  func.func @sc_kernel(%arg0: i32, %arg1: i32, %arg2: memref<262144xi32, #tpu.memory_space<hbm>>, %arg3: memref<262144xi32, #tpu.memory_space<hbm>>, %arg4: memref<1792x128xf32, #tpu.memory_space<hbm>>, %arg5: memref<28119x128xf32, #tpu.memory_space<hbm>>, %arg6: memref<128xf32, #tpu.memory_space<hbm>>, %arg7: memref<128xf32, #tpu.memory_space<hbm>>, %arg8: memref<262144x128xf32, #tpu.memory_space<hbm>>, %arg9: memref<128xi32, #tpu.memory_space<vmem>>, %arg10: memref<128xi32, #tpu.memory_space<vmem>>, %arg11: memref<128xi32, #tpu.memory_space<vmem>>, %arg12: memref<128x128xf32, #tpu.memory_space<vmem>>, %arg13: memref<!tpu.dma_semaphore, #tpu.memory_space<semaphore_mem>>, %arg14: memref<!tpu.dma_semaphore, #tpu.memory_space<semaphore_mem>>, %arg15: memref<!tpu.dma_semaphore, #tpu.memory_space<semaphore_mem>>, %arg16: memref<!tpu.dma_semaphore, #tpu.memory_space<semaphore_mem>>, %arg17: memref<128xi32, #tpu.memory_space<vmem>>, %arg18: memref<128xi32, #tpu.memory_space<vmem>>, %arg19: memref<128xi32, #tpu.memory_space<vmem>>, %arg20: memref<128x128xf32, #tpu.memory_space<vmem>>, %arg21: memref<!tpu.dma_semaphore, #tpu.memory_space<semaphore_mem>>, %arg22: memref<!tpu.dma_semaphore, #tpu.memory_space<semaphore_mem>>, %arg23: memref<!tpu.dma_semaphore, #tpu.memory_space<semaphore_mem>>, %arg24: memref<!tpu.dma_semaphore, #tpu.memory_space<semaphore_mem>>, %arg25: memref<128xi32, #tpu.memory_space<vmem>>, %arg26: memref<128xi32, #tpu.memory_space<vmem>>, %arg27: memref<128xi32, #tpu.memory_space<vmem>>, %arg28: memref<128x128xf32, #tpu.memory_space<vmem>>, %arg29: memref<!tpu.dma_semaphore, #tpu.memory_space<semaphore_mem>>, %arg30: memref<!tpu.dma_semaphore, #tpu.memory_space<semaphore_mem>>, %arg31: memref<!tpu.dma_semaphore, #tpu.memory_space<semaphore_mem>>, %arg32: memref<!tpu.dma_semaphore, #tpu.memory_space<semaphore_mem>>, %arg33: memref<128xi32, #tpu.memory_space<vmem>>, %arg34: memref<128xi32, #tpu.memory_space<vmem>>, %arg35: memref<128xi32, #tpu.memory_space<vmem>>, %arg36: memref<128x128xf32, #tpu.memory_space<vmem>>, %arg37: memref<!tpu.dma_semaphore, #tpu.memory_space<semaphore_mem>>, %arg38: memref<!tpu.dma_semaphore, #tpu.memory_space<semaphore_mem>>, %arg39: memref<!tpu.dma_semaphore, #tpu.memory_space<semaphore_mem>>, %arg40: memref<!tpu.dma_semaphore, #tpu.memory_space<semaphore_mem>>, %arg41: memref<128xf32, #tpu.memory_space<vmem>>, %arg42: memref<128xf32, #tpu.memory_space<vmem>>) attributes {dimension_semantics = [#tpu.dimension_semantics<core_parallel>, #tpu.dimension_semantics<subcore_parallel>], iteration_bounds = array<i64: 2, 16>, scalar_prefetch = 0 : i64, scratch_operands = 34 : i64, tpu.core_type = #tpu.core_type<sc_vector_subcore>, window_params = [{transform_indices = #map}, {transform_indices = #map}, {transform_indices = #map1}, {transform_indices = #map1}, {transform_indices = #map}, {transform_indices = #map}, {transform_indices = #map1}]} {
    %mul3A = arith.constant 2 : i32
    %mul3A_0 = arith.muli %arg1, %mul3A : i32
    %add3A = arith.addi %mul3A_0, %arg0 : i32
    %mul3A_1 = arith.constant 8192 : i32
    %mul3A_2 = arith.muli %add3A, %mul3A_1 : i32
    "tpu.region"() ({
      %run_scoped3A = tpu.sem_alloc : memref<!tpu.dma_semaphore, #tpu.memory_space<semaphore_mem>>
      tpu.enqueue_dma source(%arg6 : memref<128xf32, #tpu.memory_space<hbm>>) target(%arg41 : memref<128xf32, #tpu.memory_space<vmem>>) target_semaphore(%run_scoped3A : memref<!tpu.dma_semaphore, #tpu.memory_space<semaphore_mem>>)
      tpu.wait_dma2 semaphore(%run_scoped3A : memref<!tpu.dma_semaphore, #tpu.memory_space<semaphore_mem>>) src(%arg6 : memref<128xf32, #tpu.memory_space<hbm>>) dst(%arg41 : memref<128xf32, #tpu.memory_space<vmem>>)
      tpu.yield
    }) : () -> ()
    "tpu.region"() ({
      %run_scoped3A = tpu.sem_alloc : memref<!tpu.dma_semaphore, #tpu.memory_space<semaphore_mem>>
      tpu.enqueue_dma source(%arg7 : memref<128xf32, #tpu.memory_space<hbm>>) target(%arg42 : memref<128xf32, #tpu.memory_space<vmem>>) target_semaphore(%run_scoped3A : memref<!tpu.dma_semaphore, #tpu.memory_space<semaphore_mem>>)
      tpu.wait_dma2 semaphore(%run_scoped3A : memref<!tpu.dma_semaphore, #tpu.memory_space<semaphore_mem>>) src(%arg7 : memref<128xf32, #tpu.memory_space<hbm>>) dst(%arg42 : memref<128xf32, #tpu.memory_space<vmem>>)
      tpu.yield
    }) : () -> ()
    %get3A = arith.constant 0 : index
    %get3A_3 = tpu.vector_load %arg41[%get3A] {strides = array<i32>} : memref<128xf32, #tpu.memory_space<vmem>>, vector<16xf32>,
    %get3A_4 = vector.shape_cast %get3A_3 : vector<16xf32> to vector<16xf32>
    %get3A_5 = arith.constant 16 : index
    %get3A_6 = tpu.vector_load %arg41[%get3A_5] {strides = array<i32>} : memref<128xf32, #tpu.memory_space<vmem>>, vector<16xf32>,
    %get3A_7 = vector.shape_cast %get3A_6 : vector<16xf32> to vector<16xf32>
    %get3A_8 = arith.constant 32 : index
    %get3A_9 = tpu.vector_load %arg41[%get3A_8] {strides = array<i32>} : memref<128xf32, #tpu.memory_space<vmem>>, vector<16xf32>,
    %get3A_10 = vector.shape_cast %get3A_9 : vector<16xf32> to vector<16xf32>
    %get3A_11 = arith.constant 48 : index
    %get3A_12 = tpu.vector_load %arg41[%get3A_11] {strides = array<i32>} : memref<128xf32, #tpu.memory_space<vmem>>, vector<16xf32>,
    %get3A_13 = vector.shape_cast %get3A_12 : vector<16xf32> to vector<16xf32>
    %get3A_14 = arith.constant 64 : index
    %get3A_15 = tpu.vector_load %arg41[%get3A_14] {strides = array<i32>} : memref<128xf32, #tpu.memory_space<vmem>>, vector<16xf32>,
    %get3A_16 = vector.shape_cast %get3A_15 : vector<16xf32> to vector<16xf32>
    %get3A_17 = arith.constant 80 : index
    %get3A_18 = tpu.vector_load %arg41[%get3A_17] {strides = array<i32>} : memref<128xf32, #tpu.memory_space<vmem>>, vector<16xf32>,
    %get3A_19 = vector.shape_cast %get3A_18 : vector<16xf32> to vector<16xf32>
    %get3A_20 = arith.constant 96 : index
    %get3A_21 = tpu.vector_load %arg41[%get3A_20] {strides = array<i32>} : memref<128xf32, #tpu.memory_space<vmem>>, vector<16xf32>,
    %get3A_22 = vector.shape_cast %get3A_21 : vector<16xf32> to vector<16xf32>
    %get3A_23 = arith.constant 112 : index
    %get3A_24 = tpu.vector_load %arg41[%get3A_23] {strides = array<i32>} : memref<128xf32, #tpu.memory_space<vmem>>, vector<16xf32>,
    %get3A_25 = vector.shape_cast %get3A_24 : vector<16xf32> to vector<16xf32>
    %get3A_26 = arith.constant 0 : index
    %get3A_27 = tpu.vector_load %arg42[%get3A_26] {strides = array<i32>} : memref<128xf32, #tpu.memory_space<vmem>>, vector<16xf32>,
    %get3A_28 = vector.shape_cast %get3A_27 : vector<16xf32> to vector<16xf32>
    %get3A_29 = arith.constant 16 : index
    %get3A_30 = tpu.vector_load %arg42[%get3A_29] {strides = array<i32>} : memref<128xf32, #tpu.memory_space<vmem>>, vector<16xf32>,
    %get3A_31 = vector.shape_cast %get3A_30 : vector<16xf32> to vector<16xf32>
    %get3A_32 = arith.constant 32 : index
    %get3A_33 = tpu.vector_load %arg42[%get3A_32] {strides = array<i32>} : memref<128xf32, #tpu.memory_space<vmem>>, vector<16xf32>,
    %get3A_34 = vector.shape_cast %get3A_33 : vector<16xf32> to vector<16xf32>
    %get3A_35 = arith.constant 48 : index
    %get3A_36 = tpu.vector_load %arg42[%get3A_35] {strides = array<i32>} : memref<128xf32, #tpu.memory_space<vmem>>, vector<16xf32>,
    %get3A_37 = vector.shape_cast %get3A_36 : vector<16xf32> to vector<16xf32>
    %get3A_38 = arith.constant 64 : index
    %get3A_39 = tpu.vector_load %arg42[%get3A_38] {strides = array<i32>} : memref<128xf32, #tpu.memory_space<vmem>>, vector<16xf32>,
    %get3A_40 = vector.shape_cast %get3A_39 : vector<16xf32> to vector<16xf32>
    %get3A_41 = arith.constant 80 : index
    %get3A_42 = tpu.vector_load %arg42[%get3A_41] {strides = array<i32>} : memref<128xf32, #tpu.memory_space<vmem>>, vector<16xf32>,
    %get3A_43 = vector.shape_cast %get3A_42 : vector<16xf32> to vector<16xf32>
    %get3A_44 = arith.constant 96 : index
    %get3A_45 = tpu.vector_load %arg42[%get3A_44] {strides = array<i32>} : memref<128xf32, #tpu.memory_space<vmem>>, vector<16xf32>,
    %get3A_46 = vector.shape_cast %get3A_45 : vector<16xf32> to vector<16xf32>
    %get3A_47 = arith.constant 112 : index
    %get3A_48 = tpu.vector_load %arg42[%get3A_47] {strides = array<i32>} : memref<128xf32, #tpu.memory_space<vmem>>, vector<16xf32>,
    %get3A_49 = vector.shape_cast %get3A_48 : vector<16xf32> to vector<16xf32>
    %iota3A = tpu.iota {dimensions = array<i32: 0>} : vector<16xi32>
    %xor3A = arith.constant 8 : i32
    %xor3A_50 = vector.broadcast %xor3A : i32 to vector<16xi32>
    %xor3A_51 = arith.xori %iota3A, %xor3A_50 : vector<16xi32>
    %xor3A_52 = arith.constant 4 : i32
    %xor3A_53 = vector.broadcast %xor3A_52 : i32 to vector<16xi32>
    %xor3A_54 = arith.xori %iota3A, %xor3A_53 : vector<16xi32>
    %xor3A_55 = arith.constant 2 : i32
    %xor3A_56 = vector.broadcast %xor3A_55 : i32 to vector<16xi32>
    %xor3A_57 = arith.xori %iota3A, %xor3A_56 : vector<16xi32>
    %xor3A_58 = arith.constant 1 : i32
    %xor3A_59 = vector.broadcast %xor3A_58 : i32 to vector<16xi32>
    %xor3A_60 = arith.xori %iota3A, %xor3A_59 : vector<16xi32>
    %mul3A_61 = arith.constant 0 : i32
    %mul3A_62 = arith.constant 128 : i32
    %mul3A_63 = arith.muli %mul3A_61, %mul3A_62 : i32
    %add3A_64 = arith.addi %mul3A_2, %mul3A_63 : i32
    "tpu.region"() ({
      %run_scoped3A = tpu.sem_alloc : memref<!tpu.dma_semaphore, #tpu.memory_space<semaphore_mem>>
      %dma_start3A_451 = tpu.memref_slice %arg2[%add3A_64] : memref<262144xi32, #tpu.memory_space<hbm>> -> memref<128xi32, #tpu.memory_space<hbm>>
      %dma_start3A_452 = tpu.memref_slice %arg2[%add3A_64] : memref<262144xi32, #tpu.memory_space<hbm>> -> memref<128xi32, #tpu.memory_space<hbm>>
      tpu.enqueue_dma source(%dma_start3A_452 : memref<128xi32, #tpu.memory_space<hbm>>) target(%arg9 : memref<128xi32, #tpu.memory_space<vmem>>) target_semaphore(%run_scoped3A : memref<!tpu.dma_semaphore, #tpu.memory_space<semaphore_mem>>)
      %dma_wait3A_453 = tpu.memref_slice %arg2[%add3A_64] : memref<262144xi32, #tpu.memory_space<hbm>> -> memref<128xi32, #tpu.memory_space<hbm>>
      %dma_wait3A_454 = tpu.memref_slice %arg2[%add3A_64] : memref<262144xi32, #tpu.memory_space<hbm>> -> memref<128xi32, #tpu.memory_space<hbm>>
      tpu.wait_dma2 semaphore(%run_scoped3A : memref<!tpu.dma_semaphore, #tpu.memory_space<semaphore_mem>>) src(%dma_wait3A_454 : memref<128xi32, #tpu.memory_space<hbm>>) dst(%arg9 : memref<128xi32, #tpu.memory_space<vmem>>)
      tpu.yield
    }) : () -> ()
    "tpu.region"() ({
      %run_scoped3A = tpu.sem_alloc : memref<!tpu.dma_semaphore, #tpu.memory_space<semaphore_mem>>
      %dma_start3A_451 = tpu.memref_slice %arg3[%add3A_64] : memref<262144xi32, #tpu.memory_space<hbm>> -> memref<128xi32, #tpu.memory_space<hbm>>
      %dma_start3A_452 = tpu.memref_slice %arg3[%add3A_64] : memref<262144xi32, #tpu.memory_space<hbm>> -> memref<128xi32, #tpu.memory_space<hbm>>
      tpu.enqueue_dma source(%dma_start3A_452 : memref<128xi32, #tpu.memory_space<hbm>>) target(%arg10 : memref<128xi32, #tpu.memory_space<vmem>>) target_semaphore(%run_scoped3A : memref<!tpu.dma_semaphore, #tpu.memory_space<semaphore_mem>>)
      %dma_wait3A_453 = tpu.memref_slice %arg3[%add3A_64] : memref<262144xi32, #tpu.memory_space<hbm>> -> memref<128xi32, #tpu.memory_space<hbm>>
      %dma_wait3A_454 = tpu.memref_slice %arg3[%add3A_64] : memref<262144xi32, #tpu.memory_space<hbm>> -> memref<128xi32, #tpu.memory_space<hbm>>
      tpu.wait_dma2 semaphore(%run_scoped3A : memref<!tpu.dma_semaphore, #tpu.memory_space<semaphore_mem>>) src(%dma_wait3A_454 : memref<128xi32, #tpu.memory_space<hbm>>) dst(%arg10 : memref<128xi32, #tpu.memory_space<vmem>>)
      tpu.yield
    }) : () -> ()
    %get3A_65 = arith.constant 0 : index
    %get3A_66 = tpu.vector_load %arg10[%get3A_65] {strides = array<i32>} : memref<128xi32, #tpu.memory_space<vmem>>, vector<16xi32>,
    %get3A_67 = vector.shape_cast %get3A_66 : vector<16xi32> to vector<16xi32>
    %mul3A_68 = arith.constant 128 : i32
    %mul3A_69 = vector.broadcast %mul3A_68 : i32 to vector<16xi32>
    %mul3A_70 = arith.muli %get3A_67, %mul3A_69 : vector<16xi32>
    %add3A_71 = arith.constant 0 : i32
    %add3A_72 = vector.broadcast %add3A_71 : i32 to vector<16xi32>
    %add3A_73 = arith.addi %iota3A, %add3A_72 : vector<16xi32>
    %add3A_74 = arith.addi %mul3A_70, %add3A_73 : vector<16xi32>
    %swap3A = arith.constant 0 : index
    %swap3A_75 = tpu.vector_load %arg11[%swap3A] {strides = array<i32>} : memref<128xi32, #tpu.memory_space<vmem>>, vector<16xi32>,
    %swap3A_76 = vector.shape_cast %swap3A_75 : vector<16xi32> to vector<16xi32>
    %swap3A_77 = vector.shape_cast %add3A_74 : vector<16xi32> to vector<16xi32>
    tpu.vector_store %arg11[%swap3A], %swap3A_77 {strides = array<i32>} : memref<128xi32, #tpu.memory_space<vmem>>, vector<16xi32>,
    %get3A_78 = arith.constant 16 : index
    %get3A_79 = tpu.vector_load %arg10[%get3A_78] {strides = array<i32>} : memref<128xi32, #tpu.memory_space<vmem>>, vector<16xi32>,
    %get3A_80 = vector.shape_cast %get3A_79 : vector<16xi32> to vector<16xi32>
    %mul3A_81 = arith.constant 128 : i32
    %mul3A_82 = vector.broadcast %mul3A_81 : i32 to vector<16xi32>
    %mul3A_83 = arith.muli %get3A_80, %mul3A_82 : vector<16xi32>
    %add3A_84 = arith.constant 16 : i32
    %add3A_85 = vector.broadcast %add3A_84 : i32 to vector<16xi32>
    %add3A_86 = arith.addi %iota3A, %add3A_85 : vector<16xi32>
    %add3A_87 = arith.addi %mul3A_83, %add3A_86 : vector<16xi32>
    %swap3A_88 = arith.constant 16 : index
    %swap3A_89 = tpu.vector_load %arg11[%swap3A_88] {strides = array<i32>} : memref<128xi32, #tpu.memory_space<vmem>>, vector<16xi32>,
    %swap3A_90 = vector.shape_cast %swap3A_89 : vector<16xi32> to vector<16xi32>
    %swap3A_91 = vector.shape_cast %add3A_87 : vector<16xi32> to vector<16xi32>
    tpu.vector_store %arg11[%swap3A_88], %swap3A_91 {strides = array<i32>} : memref<128xi32, #tpu.memory_space<vmem>>, vector<16xi32>,
    %get3A_92 = arith.constant 32 : index
    %get3A_93 = tpu.vector_load %arg10[%get3A_92] {strides = array<i32>} : memref<128xi32, #tpu.memory_space<vmem>>, vector<16xi32>,
    %get3A_94 = vector.shape_cast %get3A_93 : vector<16xi32> to vector<16xi32>
    %mul3A_95 = arith.constant 128 : i32
    %mul3A_96 = vector.broadcast %mul3A_95 : i32 to vector<16xi32>
    %mul3A_97 = arith.muli %get3A_94, %mul3A_96 : vector<16xi32>
    %add3A_98 = arith.constant 32 : i32
    %add3A_99 = vector.broadcast %add3A_98 : i32 to vector<16xi32>
    %add3A_100 = arith.addi %iota3A, %add3A_99 : vector<16xi32>
    %add3A_101 = arith.addi %mul3A_97, %add3A_100 : vector<16xi32>
    %swap3A_102 = arith.constant 32 : index
    %swap3A_103 = tpu.vector_load %arg11[%swap3A_102] {strides = array<i32>} : memref<128xi32, #tpu.memory_space<vmem>>, vector<16xi32>,
    %swap3A_104 = vector.shape_cast %swap3A_103 : vector<16xi32> to vector<16xi32>
    %swap3A_105 = vector.shape_cast %add3A_101 : vector<16xi32> to vector<16xi32>
    tpu.vector_store %arg11[%swap3A_102], %swap3A_105 {strides = array<i32>} : memref<128xi32, #tpu.memory_space<vmem>>, vector<16xi32>,
    %get3A_106 = arith.constant 48 : index
    %get3A_107 = tpu.vector_load %arg10[%get3A_106] {strides = array<i32>} : memref<128xi32, #tpu.memory_space<vmem>>, vector<16xi32>,
    %get3A_108 = vector.shape_cast %get3A_107 : vector<16xi32> to vector<16xi32>
    %mul3A_109 = arith.constant 128 : i32
    %mul3A_110 = vector.broadcast %mul3A_109 : i32 to vector<16xi32>
    %mul3A_111 = arith.muli %get3A_108, %mul3A_110 : vector<16xi32>
    %add3A_112 = arith.constant 48 : i32
    %add3A_113 = vector.broadcast %add3A_112 : i32 to vector<16xi32>
    %add3A_114 = arith.addi %iota3A, %add3A_113 : vector<16xi32>
    %add3A_115 = arith.addi %mul3A_111, %add3A_114 : vector<16xi32>
    %swap3A_116 = arith.constant 48 : index
    %swap3A_117 = tpu.vector_load %arg11[%swap3A_116] {strides = array<i32>} : memref<128xi32, #tpu.memory_space<vmem>>, vector<16xi32>,
    %swap3A_118 = vector.shape_cast %swap3A_117 : vector<16xi32> to vector<16xi32>
    %swap3A_119 = vector.shape_cast %add3A_115 : vector<16xi32> to vector<16xi32>
    tpu.vector_store %arg11[%swap3A_116], %swap3A_119 {strides = array<i32>} : memref<128xi32, #tpu.memory_space<vmem>>, vector<16xi32>,
    %get3A_120 = arith.constant 64 : index
    %get3A_121 = tpu.vector_load %arg10[%get3A_120] {strides = array<i32>} : memref<128xi32, #tpu.memory_space<vmem>>, vector<16xi32>,
    %get3A_122 = vector.shape_cast %get3A_121 : vector<16xi32> to vector<16xi32>
    %mul3A_123 = arith.constant 128 : i32
    %mul3A_124 = vector.broadcast %mul3A_123 : i32 to vector<16xi32>
    %mul3A_125 = arith.muli %get3A_122, %mul3A_124 : vector<16xi32>
    %add3A_126 = arith.constant 64 : i32
    %add3A_127 = vector.broadcast %add3A_126 : i32 to vector<16xi32>
    %add3A_128 = arith.addi %iota3A, %add3A_127 : vector<16xi32>
    %add3A_129 = arith.addi %mul3A_125, %add3A_128 : vector<16xi32>
    %swap3A_130 = arith.constant 64 : index
    %swap3A_131 = tpu.vector_load %arg11[%swap3A_130] {strides = array<i32>} : memref<128xi32, #tpu.memory_space<vmem>>, vector<16xi32>,
    %swap3A_132 = vector.shape_cast %swap3A_131 : vector<16xi32> to vector<16xi32>
    %swap3A_133 = vector.shape_cast %add3A_129 : vector<16xi32> to vector<16xi32>
    tpu.vector_store %arg11[%swap3A_130], %swap3A_133 {strides = array<i32>} : memref<128xi32, #tpu.memory_space<vmem>>, vector<16xi32>,
    %get3A_134 = arith.constant 80 : index
    %get3A_135 = tpu.vector_load %arg10[%get3A_134] {strides = array<i32>} : memref<128xi32, #tpu.memory_space<vmem>>, vector<16xi32>,
    %get3A_136 = vector.shape_cast %get3A_135 : vector<16xi32> to vector<16xi32>
    %mul3A_137 = arith.constant 128 : i32
    %mul3A_138 = vector.broadcast %mul3A_137 : i32 to vector<16xi32>
    %mul3A_139 = arith.muli %get3A_136, %mul3A_138 : vector<16xi32>
    %add3A_140 = arith.constant 80 : i32
    %add3A_141 = vector.broadcast %add3A_140 : i32 to vector<16xi32>
    %add3A_142 = arith.addi %iota3A, %add3A_141 : vector<16xi32>
    %add3A_143 = arith.addi %mul3A_139, %add3A_142 : vector<16xi32>
    %swap3A_144 = arith.constant 80 : index
    %swap3A_145 = tpu.vector_load %arg11[%swap3A_144] {strides = array<i32>} : memref<128xi32, #tpu.memory_space<vmem>>, vector<16xi32>,
    %swap3A_146 = vector.shape_cast %swap3A_145 : vector<16xi32> to vector<16xi32>
    %swap3A_147 = vector.shape_cast %add3A_143 : vector<16xi32> to vector<16xi32>
    tpu.vector_store %arg11[%swap3A_144], %swap3A_147 {strides = array<i32>} : memref<128xi32, #tpu.memory_space<vmem>>, vector<16xi32>,
    %get3A_148 = arith.constant 96 : index
    %get3A_149 = tpu.vector_load %arg10[%get3A_148] {strides = array<i32>} : memref<128xi32, #tpu.memory_space<vmem>>, vector<16xi32>,
    %get3A_150 = vector.shape_cast %get3A_149 : vector<16xi32> to vector<16xi32>
    %mul3A_151 = arith.constant 128 : i32
    %mul3A_152 = vector.broadcast %mul3A_151 : i32 to vector<16xi32>
    %mul3A_153 = arith.muli %get3A_150, %mul3A_152 : vector<16xi32>
    %add3A_154 = arith.constant 96 : i32
    %add3A_155 = vector.broadcast %add3A_154 : i32 to vector<16xi32>
    %add3A_156 = arith.addi %iota3A, %add3A_155 : vector<16xi32>
    %add3A_157 = arith.addi %mul3A_153, %add3A_156 : vector<16xi32>
    %swap3A_158 = arith.constant 96 : index
    %swap3A_159 = tpu.vector_load %arg11[%swap3A_158] {strides = array<i32>} : memref<128xi32, #tpu.memory_space<vmem>>, vector<16xi32>,
    %swap3A_160 = vector.shape_cast %swap3A_159 : vector<16xi32> to vector<16xi32>
    %swap3A_161 = vector.shape_cast %add3A_157 : vector<16xi32> to vector<16xi32>
    tpu.vector_store %arg11[%swap3A_158], %swap3A_161 {strides = array<i32>} : memref<128xi32, #tpu.memory_space<vmem>>, vector<16xi32>,
    %get3A_162 = arith.constant 112 : index
    %get3A_163 = tpu.vector_load %arg10[%get3A_162] {strides = array<i32>} : memref<128xi32, #tpu.memory_space<vmem>>, vector<16xi32>,
    %get3A_164 = vector.shape_cast %get3A_163 : vector<16xi32> to vector<16xi32>
    %mul3A_165 = arith.constant 128 : i32
    %mul3A_166 = vector.broadcast %mul3A_165 : i32 to vector<16xi32>
    %mul3A_167 = arith.muli %get3A_164, %mul3A_166 : vector<16xi32>
    %add3A_168 = arith.constant 112 : i32
    %add3A_169 = vector.broadcast %add3A_168 : i32 to vector<16xi32>
    %add3A_170 = arith.addi %iota3A, %add3A_169 : vector<16xi32>
    %add3A_171 = arith.addi %mul3A_167, %add3A_170 : vector<16xi32>
    %swap3A_172 = arith.constant 112 : index
    %swap3A_173 = tpu.vector_load %arg11[%swap3A_172] {strides = array<i32>} : memref<128xi32, #tpu.memory_space<vmem>>, vector<16xi32>,
    %swap3A_174 = vector.shape_cast %swap3A_173 : vector<16xi32> to vector<16xi32>
    %swap3A_175 = vector.shape_cast %add3A_171 : vector<16xi32> to vector<16xi32>
    tpu.vector_store %arg11[%swap3A_172], %swap3A_175 {strides = array<i32>} : memref<128xi32, #tpu.memory_space<vmem>>, vector<16xi32>,
    %dma_start3A = arith.constant 0 : i32
    %dma_start3A_176 = arith.constant 0 : i32
    %dma_start3A_177 = tpu.memref_slice %arg4[%dma_start3A, %dma_start3A_176] : memref<1792x128xf32, #tpu.memory_space<hbm>> -> memref<1792x128xf32, #tpu.memory_space<hbm>>
    tpu.enqueue_indirect_dma source(%dma_start3A_177 : memref<1792x128xf32, #tpu.memory_space<hbm>>) target(%arg12 : memref<128x128xf32, #tpu.memory_space<vmem>>) offsets(%arg11 : memref<128xi32, #tpu.memory_space<vmem>>) semaphore(%arg13 : memref<!tpu.dma_semaphore, #tpu.memory_space<semaphore_mem>>)
    %mul3A_178 = arith.constant 1 : i32
    %mul3A_179 = arith.constant 128 : i32
    %mul3A_180 = arith.muli %mul3A_178, %mul3A_179 : i32
    %add3A_181 = arith.addi %mul3A_2, %mul3A_180 : i32
    "tpu.region"() ({
      %run_scoped3A = tpu.sem_alloc : memref<!tpu.dma_semaphore, #tpu.memory_space<semaphore_mem>>
      %dma_start3A_451 = tpu.memref_slice %arg2[%add3A_181] : memref<262144xi32, #tpu.memory_space<hbm>> -> memref<128xi32, #tpu.memory_space<hbm>>
      %dma_start3A_452 = tpu.memref_slice %arg2[%add3A_181] : memref<262144xi32, #tpu.memory_space<hbm>> -> memref<128xi32, #tpu.memory_space<hbm>>
      tpu.enqueue_dma source(%dma_start3A_452 : memref<128xi32, #tpu.memory_space<hbm>>) target(%arg17 : memref<128xi32, #tpu.memory_space<vmem>>) target_semaphore(%run_scoped3A : memref<!tpu.dma_semaphore, #tpu.memory_space<semaphore_mem>>)
      %dma_wait3A_453 = tpu.memref_slice %arg2[%add3A_181] : memref<262144xi32, #tpu.memory_space<hbm>> -> memref<128xi32, #tpu.memory_space<hbm>>
      %dma_wait3A_454 = tpu.memref_slice %arg2[%add3A_181] : memref<262144xi32, #tpu.memory_space<hbm>> -> memref<128xi32, #tpu.memory_space<hbm>>
      tpu.wait_dma2 semaphore(%run_scoped3A : memref<!tpu.dma_semaphore, #tpu.memory_space<semaphore_mem>>) src(%dma_wait3A_454 : memref<128xi32, #tpu.memory_space<hbm>>) dst(%arg17 : memref<128xi32, #tpu.memory_space<vmem>>)
      tpu.yield
    }) : () -> ()
    "tpu.region"() ({
      %run_scoped3A = tpu.sem_alloc : memref<!tpu.dma_semaphore, #tpu.memory_space<semaphore_mem>>
      %dma_start3A_451 = tpu.memref_slice %arg3[%add3A_181] : memref<262144xi32, #tpu.memory_space<hbm>> -> memref<128xi32, #tpu.memory_space<hbm>>
      %dma_start3A_452 = tpu.memref_slice %arg3[%add3A_181] : memref<262144xi32, #tpu.memory_space<hbm>> -> memref<128xi32, #tpu.memory_space<hbm>>
      tpu.enqueue_dma source(%dma_start3A_452 : memref<128xi32, #tpu.memory_space<hbm>>) target(%arg18 : memref<128xi32, #tpu.memory_space<vmem>>) target_semaphore(%run_scoped3A : memref<!tpu.dma_semaphore, #tpu.memory_space<semaphore_mem>>)
      %dma_wait3A_453 = tpu.memref_slice %arg3[%add3A_181] : memref<262144xi32, #tpu.memory_space<hbm>> -> memref<128xi32, #tpu.memory_space<hbm>>
      %dma_wait3A_454 = tpu.memref_slice %arg3[%add3A_181] : memref<262144xi32, #tpu.memory_space<hbm>> -> memref<128xi32, #tpu.memory_space<hbm>>
      tpu.wait_dma2 semaphore(%run_scoped3A : memref<!tpu.dma_semaphore, #tpu.memory_space<semaphore_mem>>) src(%dma_wait3A_454 : memref<128xi32, #tpu.memory_space<hbm>>) dst(%arg18 : memref<128xi32, #tpu.memory_space<vmem>>)
      tpu.yield
    }) : () -> ()
    %get3A_182 = arith.constant 0 : index
    %get3A_183 = tpu.vector_load %arg18[%get3A_182] {strides = array<i32>} : memref<128xi32, #tpu.memory_space<vmem>>, vector<16xi32>,
    %get3A_184 = vector.shape_cast %get3A_183 : vector<16xi32> to vector<16xi32>
    %mul3A_185 = arith.constant 128 : i32
    %mul3A_186 = vector.broadcast %mul3A_185 : i32 to vector<16xi32>
    %mul3A_187 = arith.muli %get3A_184, %mul3A_186 : vector<16xi32>
    %add3A_188 = arith.constant 0 : i32
    %add3A_189 = vector.broadcast %add3A_188 : i32 to vector<16xi32>
    %add3A_190 = arith.addi %iota3A, %add3A_189 : vector<16xi32>
    %add3A_191 = arith.addi %mul3A_187, %add3A_190 : vector<16xi32>
    %swap3A_192 = arith.constant 0 : index
    %swap3A_193 = tpu.vector_load %arg19[%swap3A_192] {strides = array<i32>} : memref<128xi32, #tpu.memory_space<vmem>>, vector<16xi32>,
    %swap3A_194 = vector.shape_cast %swap3A_193 : vector<16xi32> to vector<16xi32>
    %swap3A_195 = vector.shape_cast %add3A_191 : vector<16xi32> to vector<16xi32>
    tpu.vector_store %arg19[%swap3A_192], %swap3A_195 {strides = array<i32>} : memref<128xi32, #tpu.memory_space<vmem>>, vector<16xi32>,
    %get3A_196 = arith.constant 16 : index
    %get3A_197 = tpu.vector_load %arg18[%get3A_196] {strides = array<i32>} : memref<128xi32, #tpu.memory_space<vmem>>, vector<16xi32>,
    %get3A_198 = vector.shape_cast %get3A_197 : vector<16xi32> to vector<16xi32>
    %mul3A_199 = arith.constant 128 : i32
    %mul3A_200 = vector.broadcast %mul3A_199 : i32 to vector<16xi32>
    %mul3A_201 = arith.muli %get3A_198, %mul3A_200 : vector<16xi32>
    %add3A_202 = arith.constant 16 : i32
    %add3A_203 = vector.broadcast %add3A_202 : i32 to vector<16xi32>
    %add3A_204 = arith.addi %iota3A, %add3A_203 : vector<16xi32>
    %add3A_205 = arith.addi %mul3A_201, %add3A_204 : vector<16xi32>
    %swap3A_206 = arith.constant 16 : index
    %swap3A_207 = tpu.vector_load %arg19[%swap3A_206] {strides = array<i32>} : memref<128xi32, #tpu.memory_space<vmem>>, vector<16xi32>,
    %swap3A_208 = vector.shape_cast %swap3A_207 : vector<16xi32> to vector<16xi32>
    %swap3A_209 = vector.shape_cast %add3A_205 : vector<16xi32> to vector<16xi32>
    tpu.vector_store %arg19[%swap3A_206], %swap3A_209 {strides = array<i32>} : memref<128xi32, #tpu.memory_space<vmem>>, vector<16xi32>,
    %get3A_210 = arith.constant 32 : index
    %get3A_211 = tpu.vector_load %arg18[%get3A_210] {strides = array<i32>} : memref<128xi32, #tpu.memory_space<vmem>>, vector<16xi32>,
    %get3A_212 = vector.shape_cast %get3A_211 : vector<16xi32> to vector<16xi32>
    %mul3A_213 = arith.constant 128 : i32
    %mul3A_214 = vector.broadcast %mul3A_213 : i32 to vector<16xi32>
    %mul3A_215 = arith.muli %get3A_212, %mul3A_214 : vector<16xi32>
    %add3A_216 = arith.constant 32 : i32
    %add3A_217 = vector.broadcast %add3A_216 : i32 to vector<16xi32>
    %add3A_218 = arith.addi %iota3A, %add3A_217 : vector<16xi32>
    %add3A_219 = arith.addi %mul3A_215, %add3A_218 : vector<16xi32>
    %swap3A_220 = arith.constant 32 : index
    %swap3A_221 = tpu.vector_load %arg19[%swap3A_220] {strides = array<i32>} : memref<128xi32, #tpu.memory_space<vmem>>, vector<16xi32>,
    %swap3A_222 = vector.shape_cast %swap3A_221 : vector<16xi32> to vector<16xi32>
    %swap3A_223 = vector.shape_cast %add3A_219 : vector<16xi32> to vector<16xi32>
    tpu.vector_store %arg19[%swap3A_220], %swap3A_223 {strides = array<i32>} : memref<128xi32, #tpu.memory_space<vmem>>, vector<16xi32>,
    %get3A_224 = arith.constant 48 : index
    %get3A_225 = tpu.vector_load %arg18[%get3A_224] {strides = array<i32>} : memref<128xi32, #tpu.memory_space<vmem>>, vector<16xi32>,
    %get3A_226 = vector.shape_cast %get3A_225 : vector<16xi32> to vector<16xi32>
    %mul3A_227 = arith.constant 128 : i32
    %mul3A_228 = vector.broadcast %mul3A_227 : i32 to vector<16xi32>
    %mul3A_229 = arith.muli %get3A_226, %mul3A_228 : vector<16xi32>
    %add3A_230 = arith.constant 48 : i32
    %add3A_231 = vector.broadcast %add3A_230 : i32 to vector<16xi32>
    %add3A_232 = arith.addi %iota3A, %add3A_231 : vector<16xi32>
    %add3A_233 = arith.addi %mul3A_229, %add3A_232 : vector<16xi32>
    %swap3A_234 = arith.constant 48 : index
    %swap3A_235 = tpu.vector_load %arg19[%swap3A_234] {strides = array<i32>} : memref<128xi32, #tpu.memory_space<vmem>>, vector<16xi32>,
    %swap3A_236 = vector.shape_cast %swap3A_235 : vector<16xi32> to vector<16xi32>
    %swap3A_237 = vector.shape_cast %add3A_233 : vector<16xi32> to vector<16xi32>
    tpu.vector_store %arg19[%swap3A_234], %swap3A_237 {strides = array<i32>} : memref<128xi32, #tpu.memory_space<vmem>>, vector<16xi32>,
    %get3A_238 = arith.constant 64 : index
    %get3A_239 = tpu.vector_load %arg18[%get3A_238] {strides = array<i32>} : memref<128xi32, #tpu.memory_space<vmem>>, vector<16xi32>,
    %get3A_240 = vector.shape_cast %get3A_239 : vector<16xi32> to vector<16xi32>
    %mul3A_241 = arith.constant 128 : i32
    %mul3A_242 = vector.broadcast %mul3A_241 : i32 to vector<16xi32>
    %mul3A_243 = arith.muli %get3A_240, %mul3A_242 : vector<16xi32>
    %add3A_244 = arith.constant 64 : i32
    %add3A_245 = vector.broadcast %add3A_244 : i32 to vector<16xi32>
    %add3A_246 = arith.addi %iota3A, %add3A_245 : vector<16xi32>
    %add3A_247 = arith.addi %mul3A_243, %add3A_246 : vector<16xi32>
    %swap3A_248 = arith.constant 64 : index
    %swap3A_249 = tpu.vector_load %arg19[%swap3A_248] {strides = array<i32>} : memref<128xi32, #tpu.memory_space<vmem>>, vector<16xi32>,
    %swap3A_250 = vector.shape_cast %swap3A_249 : vector<16xi32> to vector<16xi32>
    %swap3A_251 = vector.shape_cast %add3A_247 : vector<16xi32> to vector<16xi32>
    tpu.vector_store %arg19[%swap3A_248], %swap3A_251 {strides = array<i32>} : memref<128xi32, #tpu.memory_space<vmem>>, vector<16xi32>,
    %get3A_252 = arith.constant 80 : index
    %get3A_253 = tpu.vector_load %arg18[%get3A_252] {strides = array<i32>} : memref<128xi32, #tpu.memory_space<vmem>>, vector<16xi32>,
    %get3A_254 = vector.shape_cast %get3A_253 : vector<16xi32> to vector<16xi32>
    %mul3A_255 = arith.constant 128 : i32
    %mul3A_256 = vector.broadcast %mul3A_255 : i32 to vector<16xi32>
    %mul3A_257 = arith.muli %get3A_254, %mul3A_256 : vector<16xi32>
    %add3A_258 = arith.constant 80 : i32
    %add3A_259 = vector.broadcast %add3A_258 : i32 to vector<16xi32>
    %add3A_260 = arith.addi %iota3A, %add3A_259 : vector<16xi32>
    %add3A_261 = arith.addi %mul3A_257, %add3A_260 : vector<16xi32>
    %swap3A_262 = arith.constant 80 : index
    %swap3A_263 = tpu.vector_load %arg19[%swap3A_262] {strides = array<i32>} : memref<128xi32, #tpu.memory_space<vmem>>, vector<16xi32>,
    %swap3A_264 = vector.shape_cast %swap3A_263 : vector<16xi32> to vector<16xi32>
    %swap3A_265 = vector.shape_cast %add3A_261 : vector<16xi32> to vector<16xi32>
    tpu.vector_store %arg19[%swap3A_262], %swap3A_265 {strides = array<i32>} : memref<128xi32, #tpu.memory_space<vmem>>, vector<16xi32>,
    %get3A_266 = arith.constant 96 : index
    %get3A_267 = tpu.vector_load %arg18[%get3A_266] {strides = array<i32>} : memref<128xi32, #tpu.memory_space<vmem>>, vector<16xi32>,
    %get3A_268 = vector.shape_cast %get3A_267 : vector<16xi32> to vector<16xi32>
    %mul3A_269 = arith.constant 128 : i32
    %mul3A_270 = vector.broadcast %mul3A_269 : i32 to vector<16xi32>
    %mul3A_271 = arith.muli %get3A_268, %mul3A_270 : vector<16xi32>
    %add3A_272 = arith.constant 96 : i32
    %add3A_273 = vector.broadcast %add3A_272 : i32 to vector<16xi32>
    %add3A_274 = arith.addi %iota3A, %add3A_273 : vector<16xi32>
    %add3A_275 = arith.addi %mul3A_271, %add3A_274 : vector<16xi32>
    %swap3A_276 = arith.constant 96 : index
    %swap3A_277 = tpu.vector_load %arg19[%swap3A_276] {strides = array<i32>} : memref<128xi32, #tpu.memory_space<vmem>>, vector<16xi32>,
    %swap3A_278 = vector.shape_cast %swap3A_277 : vector<16xi32> to vector<16xi32>
    %swap3A_279 = vector.shape_cast %add3A_275 : vector<16xi32> to vector<16xi32>
    tpu.vector_store %arg19[%swap3A_276], %swap3A_279 {strides = array<i32>} : memref<128xi32, #tpu.memory_space<vmem>>, vector<16xi32>,
    %get3A_280 = arith.constant 112 : index
    %get3A_281 = tpu.vector_load %arg18[%get3A_280] {strides = array<i32>} : memref<128xi32, #tpu.memory_space<vmem>>, vector<16xi32>,
    %get3A_282 = vector.shape_cast %get3A_281 : vector<16xi32> to vector<16xi32>
    %mul3A_283 = arith.constant 128 : i32
    %mul3A_284 = vector.broadcast %mul3A_283 : i32 to vector<16xi32>
    %mul3A_285 = arith.muli %get3A_282, %mul3A_284 : vector<16xi32>
    %add3A_286 = arith.constant 112 : i32
    %add3A_287 = vector.broadcast %add3A_286 : i32 to vector<16xi32>
    %add3A_288 = arith.addi %iota3A, %add3A_287 : vector<16xi32>
    %add3A_289 = arith.addi %mul3A_285, %add3A_288 : vector<16xi32>
    %swap3A_290 = arith.constant 112 : index
    %swap3A_291 = tpu.vector_load %arg19[%swap3A_290] {strides = array<i32>} : memref<128xi32, #tpu.memory_space<vmem>>, vector<16xi32>,
    %swap3A_292 = vector.shape_cast %swap3A_291 : vector<16xi32> to vector<16xi32>
    %swap3A_293 = vector.shape_cast %add3A_289 : vector<16xi32> to vector<16xi32>
    tpu.vector_store %arg19[%swap3A_290], %swap3A_293 {strides = array<i32>} : memref<128xi32, #tpu.memory_space<vmem>>, vector<16xi32>,
    %dma_start3A_294 = arith.constant 0 : i32
    %dma_start3A_295 = arith.constant 0 : i32
    %dma_start3A_296 = tpu.memref_slice %arg4[%dma_start3A_294, %dma_start3A_295] : memref<1792x128xf32, #tpu.memory_space<hbm>> -> memref<1792x128xf32, #tpu.memory_space<hbm>>
    tpu.enqueue_indirect_dma source(%dma_start3A_296 : memref<1792x128xf32, #tpu.memory_space<hbm>>) target(%arg20 : memref<128x128xf32, #tpu.memory_space<vmem>>) offsets(%arg19 : memref<128xi32, #tpu.memory_space<vmem>>) semaphore(%arg21 : memref<!tpu.dma_semaphore, #tpu.memory_space<semaphore_mem>>)
    %mul3A_297 = arith.constant 2 : i32
    %mul3A_298 = arith.constant 128 : i32
    %mul3A_299 = arith.muli %mul3A_297, %mul3A_298 : i32
    %add3A_300 = arith.addi %mul3A_2, %mul3A_299 : i32
    "tpu.region"() ({
      %run_scoped3A = tpu.sem_alloc : memref<!tpu.dma_semaphore, #tpu.memory_space<semaphore_mem>>
      %dma_start3A_451 = tpu.memref_slice %arg2[%add3A_300] : memref<262144xi32, #tpu.memory_space<hbm>> -> memref<128xi32, #tpu.memory_space<hbm>>
      %dma_start3A_452 = tpu.memref_slice %arg2[%add3A_300] : memref<262144xi32, #tpu.memory_space<hbm>> -> memref<128xi32, #tpu.memory_space<hbm>>
      tpu.enqueue_dma source(%dma_start3A_452 : memref<128xi32, #tpu.memory_space<hbm>>) target(%arg25 : memref<128xi32, #tpu.memory_space<vmem>>) target_semaphore(%run_scoped3A : memref<!tpu.dma_semaphore, #tpu.memory_space<semaphore_mem>>)
      %dma_wait3A_453 = tpu.memref_slice %arg2[%add3A_300] : memref<262144xi32, #tpu.memory_space<hbm>> -> memref<128xi32, #tpu.memory_space<hbm>>
      %dma_wait3A_454 = tpu.memref_slice %arg2[%add3A_300] : memref<262144xi32, #tpu.memory_space<hbm>> -> memref<128xi32, #tpu.memory_space<hbm>>
      tpu.wait_dma2 semaphore(%run_scoped3A : memref<!tpu.dma_semaphore, #tpu.memory_space<semaphore_mem>>) src(%dma_wait3A_454 : memref<128xi32, #tpu.memory_space<hbm>>) dst(%arg25 : memref<128xi32, #tpu.memory_space<vmem>>)
      tpu.yield
    }) : () -> ()
    "tpu.region"() ({
      %run_scoped3A = tpu.sem_alloc : memref<!tpu.dma_semaphore, #tpu.memory_space<semaphore_mem>>
      %dma_start3A_451 = tpu.memref_slice %arg3[%add3A_300] : memref<262144xi32, #tpu.memory_space<hbm>> -> memref<128xi32, #tpu.memory_space<hbm>>
      %dma_start3A_452 = tpu.memref_slice %arg3[%add3A_300] : memref<262144xi32, #tpu.memory_space<hbm>> -> memref<128xi32, #tpu.memory_space<hbm>>
      tpu.enqueue_dma source(%dma_start3A_452 : memref<128xi32, #tpu.memory_space<hbm>>) target(%arg26 : memref<128xi32, #tpu.memory_space<vmem>>) target_semaphore(%run_scoped3A : memref<!tpu.dma_semaphore, #tpu.memory_space<semaphore_mem>>)
      %dma_wait3A_453 = tpu.memref_slice %arg3[%add3A_300] : memref<262144xi32, #tpu.memory_space<hbm>> -> memref<128xi32, #tpu.memory_space<hbm>>
      %dma_wait3A_454 = tpu.memref_slice %arg3[%add3A_300] : memref<262144xi32, #tpu.memory_space<hbm>> -> memref<128xi32, #tpu.memory_space<hbm>>
      tpu.wait_dma2 semaphore(%run_scoped3A : memref<!tpu.dma_semaphore, #tpu.memory_space<semaphore_mem>>) src(%dma_wait3A_454 : memref<128xi32, #tpu.memory_space<hbm>>) dst(%arg26 : memref<128xi32, #tpu.memory_space<vmem>>)
      tpu.yield
    }) : () -> ()
    %get3A_301 = arith.constant 0 : index
    %get3A_302 = tpu.vector_load %arg26[%get3A_301] {strides = array<i32>} : memref<128xi32, #tpu.memory_space<vmem>>, vector<16xi32>,
    %get3A_303 = vector.shape_cast %get3A_302 : vector<16xi32> to vector<16xi32>
    %mul3A_304 = arith.constant 128 : i32
    %mul3A_305 = vector.broadcast %mul3A_304 : i32 to vector<16xi32>
    %mul3A_306 = arith.muli %get3A_303, %mul3A_305 : vector<16xi32>
    %add3A_307 = arith.constant 0 : i32
    %add3A_308 = vector.broadcast %add3A_307 : i32 to vector<16xi32>
    %add3A_309 = arith.addi %iota3A, %add3A_308 : vector<16xi32>
    %add3A_310 = arith.addi %mul3A_306, %add3A_309 : vector<16xi32>
    %swap3A_311 = arith.constant 0 : index
    %swap3A_312 = tpu.vector_load %arg27[%swap3A_311] {strides = array<i32>} : memref<128xi32, #tpu.memory_space<vmem>>, vector<16xi32>,
    %swap3A_313 = vector.shape_cast %swap3A_312 : vector<16xi32> to vector<16xi32>
    %swap3A_314 = vector.shape_cast %add3A_310 : vector<16xi32> to vector<16xi32>
    tpu.vector_store %arg27[%swap3A_311], %swap3A_314 {strides = array<i32>} : memref<128xi32, #tpu.memory_space<vmem>>, vector<16xi32>,
    %get3A_315 = arith.constant 16 : index
    %get3A_316 = tpu.vector_load %arg26[%get3A_315] {strides = array<i32>} : memref<128xi32, #tpu.memory_space<vmem>>, vector<16xi32>,
    %get3A_317 = vector.shape_cast %get3A_316 : vector<16xi32> to vector<16xi32>
    %mul3A_318 = arith.constant 128 : i32
    %mul3A_319 = vector.broadcast %mul3A_318 : i32 to vector<16xi32>
    %mul3A_320 = arith.muli %get3A_317, %mul3A_319 : vector<16xi32>
    %add3A_321 = arith.constant 16 : i32
    %add3A_322 = vector.broadcast %add3A_321 : i32 to vector<16xi32>
    %add3A_323 = arith.addi %iota3A, %add3A_322 : vector<16xi32>
    %add3A_324 = arith.addi %mul3A_320, %add3A_323 : vector<16xi32>
    %swap3A_325 = arith.constant 16 : index
    %swap3A_326 = tpu.vector_load %arg27[%swap3A_325] {strides = array<i32>} : memref<128xi32, #tpu.memory_space<vmem>>, vector<16xi32>,
    %swap3A_327 = vector.shape_cast %swap3A_326 : vector<16xi32> to vector<16xi32>
    %swap3A_328 = vector.shape_cast %add3A_324 : vector<16xi32> to vector<16xi32>
    tpu.vector_store %arg27[%swap3A_325], %swap3A_328 {strides = array<i32>} : memref<128xi32, #tpu.memory_space<vmem>>, vector<16xi32>,
    %get3A_329 = arith.constant 32 : index
    %get3A_330 = tpu.vector_load %arg26[%get3A_329] {strides = array<i32>} : memref<128xi32, #tpu.memory_space<vmem>>, vector<16xi32>,
    %get3A_331 = vector.shape_cast %get3A_330 : vector<16xi32> to vector<16xi32>
    %mul3A_332 = arith.constant 128 : i32
    %mul3A_333 = vector.broadcast %mul3A_332 : i32 to vector<16xi32>
    %mul3A_334 = arith.muli %get3A_331, %mul3A_333 : vector<16xi32>
    %add3A_335 = arith.constant 32 : i32
    %add3A_336 = vector.broadcast %add3A_335 : i32 to vector<16xi32>
    %add3A_337 = arith.addi %iota3A, %add3A_336 : vector<16xi32>
    %add3A_338 = arith.addi %mul3A_334, %add3A_337 : vector<16xi32>
    %swap3A_339 = arith.constant 32 : index
    %swap3A_340 = tpu.vector_load %arg27[%swap3A_339] {strides = array<i32>} : memref<128xi32, #tpu.memory_space<vmem>>, vector<16xi32>,
    %swap3A_341 = vector.shape_cast %swap3A_340 : vector<16xi32> to vector<16xi32>
    %swap3A_342 = vector.shape_cast %add3A_338 : vector<16xi32> to vector<16xi32>
    tpu.vector_store %arg27[%swap3A_339], %swap3A_342 {strides = array<i32>} : memref<128xi32, #tpu.memory_space<vmem>>, vector<16xi32>,
    %get3A_343 = arith.constant 48 : index
    %get3A_344 = tpu.vector_load %arg26[%get3A_343] {strides = array<i32>} : memref<128xi32, #tpu.memory_space<vmem>>, vector<16xi32>,
    %get3A_345 = vector.shape_cast %get3A_344 : vector<16xi32> to vector<16xi32>
    %mul3A_346 = arith.constant 128 : i32
    %mul3A_347 = vector.broadcast %mul3A_346 : i32 to vector<16xi32>
    %mul3A_348 = arith.muli %get3A_345, %mul3A_347 : vector<16xi32>
    %add3A_349 = arith.constant 48 : i32
    %add3A_350 = vector.broadcast %add3A_349 : i32 to vector<16xi32>
    %add3A_351 = arith.addi %iota3A, %add3A_350 : vector<16xi32>
    %add3A_352 = arith.addi %mul3A_348, %add3A_351 : vector<16xi32>
    %swap3A_353 = arith.constant 48 : index
    %swap3A_354 = tpu.vector_load %arg27[%swap3A_353] {strides = array<i32>} : memref<128xi32, #tpu.memory_space<vmem>>, vector<16xi32>,
    %swap3A_355 = vector.shape_cast %swap3A_354 : vector<16xi32> to vector<16xi32>
    %swap3A_356 = vector.shape_cast %add3A_352 : vector<16xi32> to vector<16xi32>
    tpu.vector_store %arg27[%swap3A_353], %swap3A_356 {strides = array<i32>} : memref<128xi32, #tpu.memory_space<vmem>>, vector<16xi32>,
    %get3A_357 = arith.constant 64 : index
    %get3A_358 = tpu.vector_load %arg26[%get3A_357] {strides = array<i32>} : memref<128xi32, #tpu.memory_space<vmem>>, vector<16xi32>,
    %get3A_359 = vector.shape_cast %get3A_358 : vector<16xi32> to vector<16xi32>
    %mul3A_360 = arith.constant 128 : i32
    %mul3A_361 = vector.broadcast %mul3A_360 : i32 to vector<16xi32>
    %mul3A_362 = arith.muli %get3A_359, %mul3A_361 : vector<16xi32>
    %add3A_363 = arith.constant 64 : i32
    %add3A_364 = vector.broadcast %add3A_363 : i32 to vector<16xi32>
    %add3A_365 = arith.addi %iota3A, %add3A_364 : vector<16xi32>
    %add3A_366 = arith.addi %mul3A_362, %add3A_365 : vector<16xi32>
    %swap3A_367 = arith.constant 64 : index
    %swap3A_368 = tpu.vector_load %arg27[%swap3A_367] {strides = array<i32>} : memref<128xi32, #tpu.memory_space<vmem>>, vector<16xi32>,
    %swap3A_369 = vector.shape_cast %swap3A_368 : vector<16xi32> to vector<16xi32>
    %swap3A_370 = vector.shape_cast %add3A_366 : vector<16xi32> to vector<16xi32>
    tpu.vector_store %arg27[%swap3A_367], %swap3A_370 {strides = array<i32>} : memref<128xi32, #tpu.memory_space<vmem>>, vector<16xi32>,
    %get3A_371 = arith.constant 80 : index
    %get3A_372 = tpu.vector_load %arg26[%get3A_371] {strides = array<i32>} : memref<128xi32, #tpu.memory_space<vmem>>, vector<16xi32>,
    %get3A_373 = vector.shape_cast %get3A_372 : vector<16xi32> to vector<16xi32>
    %mul3A_374 = arith.constant 128 : i32
    %mul3A_375 = vector.broadcast %mul3A_374 : i32 to vector<16xi32>
    %mul3A_376 = arith.muli %get3A_373, %mul3A_375 : vector<16xi32>
    %add3A_377 = arith.constant 80 : i32
    %add3A_378 = vector.broadcast %add3A_377 : i32 to vector<16xi32>
    %add3A_379 = arith.addi %iota3A, %add3A_378 : vector<16xi32>
    %add3A_380 = arith.addi %mul3A_376, %add3A_379 : vector<16xi32>
    %swap3A_381 = arith.constant 80 : index
    %swap3A_382 = tpu.vector_load %arg27[%swap3A_381] {strides = array<i32>} : memref<128xi32, #tpu.memory_space<vmem>>, vector<16xi32>,
    %swap3A_383 = vector.shape_cast %swap3A_382 : vector<16xi32> to vector<16xi32>
    %swap3A_384 = vector.shape_cast %add3A_380 : vector<16xi32> to vector<16xi32>
    tpu.vector_store %arg27[%swap3A_381], %swap3A_384 {strides = array<i32>} : memref<128xi32, #tpu.memory_space<vmem>>, vector<16xi32>,
    %get3A_385 = arith.constant 96 : index
    %get3A_386 = tpu.vector_load %arg26[%get3A_385] {strides = array<i32>} : memref<128xi32, #tpu.memory_space<vmem>>, vector<16xi32>,
    %get3A_387 = vector.shape_cast %get3A_386 : vector<16xi32> to vector<16xi32>
    %mul3A_388 = arith.constant 128 : i32
    %mul3A_389 = vector.broadcast %mul3A_388 : i32 to vector<16xi32>
    %mul3A_390 = arith.muli %get3A_387, %mul3A_389 : vector<16xi32>
    %add3A_391 = arith.constant 96 : i32
    %add3A_392 = vector.broadcast %add3A_391 : i32 to vector<16xi32>
    %add3A_393 = arith.addi %iota3A, %add3A_392 : vector<16xi32>
    %add3A_394 = arith.addi %mul3A_390, %add3A_393 : vector<16xi32>
    %swap3A_395 = arith.constant 96 : index
    %swap3A_396 = tpu.vector_load %arg27[%swap3A_395] {strides = array<i32>} : memref<128xi32, #tpu.memory_space<vmem>>, vector<16xi32>,
    %swap3A_397 = vector.shape_cast %swap3A_396 : vector<16xi32> to vector<16xi32>
    %swap3A_398 = vector.shape_cast %add3A_394 : vector<16xi32> to vector<16xi32>
    tpu.vector_store %arg27[%swap3A_395], %swap3A_398 {strides = array<i32>} : memref<128xi32, #tpu.memory_space<vmem>>, vector<16xi32>,
    %get3A_399 = arith.constant 112 : index
    %get3A_400 = tpu.vector_load %arg26[%get3A_399] {strides = array<i32>} : memref<128xi32, #tpu.memory_space<vmem>>, vector<16xi32>,
    %get3A_401 = vector.shape_cast %get3A_400 : vector<16xi32> to vector<16xi32>
    %mul3A_402 = arith.constant 128 : i32
    %mul3A_403 = vector.broadcast %mul3A_402 : i32 to vector<16xi32>
    %mul3A_404 = arith.muli %get3A_401, %mul3A_403 : vector<16xi32>
    %add3A_405 = arith.constant 112 : i32
    %add3A_406 = vector.broadcast %add3A_405 : i32 to vector<16xi32>
    %add3A_407 = arith.addi %iota3A, %add3A_406 : vector<16xi32>
    %add3A_408 = arith.addi %mul3A_404, %add3A_407 : vector<16xi32>
    %swap3A_409 = arith.constant 112 : index
    %swap3A_410 = tpu.vector_load %arg27[%swap3A_409] {strides = array<i32>} : memref<128xi32, #tpu.memory_space<vmem>>, vector<16xi32>,
    %swap3A_411 = vector.shape_cast %swap3A_410 : vector<16xi32> to vector<16xi32>
    %swap3A_412 = vector.shape_cast %add3A_408 : vector<16xi32> to vector<16xi32>
    tpu.vector_store %arg27[%swap3A_409], %swap3A_412 {strides = array<i32>} : memref<128xi32, #tpu.memory_space<vmem>>, vector<16xi32>,
    %dma_start3A_413 = arith.constant 0 : i32
    %dma_start3A_414 = arith.constant 0 : i32
    %dma_start3A_415 = tpu.memref_slice %arg4[%dma_start3A_413, %dma_start3A_414] : memref<1792x128xf32, #tpu.memory_space<hbm>> -> memref<1792x128xf32, #tpu.memory_space<hbm>>
    tpu.enqueue_indirect_dma source(%dma_start3A_415 : memref<1792x128xf32, #tpu.memory_space<hbm>>) target(%arg28 : memref<128x128xf32, #tpu.memory_space<vmem>>) offsets(%arg27 : memref<128xi32, #tpu.memory_space<vmem>>) semaphore(%arg29 : memref<!tpu.dma_semaphore, #tpu.memory_space<semaphore_mem>>)
    %mul3A_416 = arith.constant 3 : i32
    %mul3A_417 = arith.constant 128 : i32
    %mul3A_418 = arith.muli %mul3A_416, %mul3A_417 : i32
    %add3A_419 = arith.addi %mul3A_2, %mul3A_418 : i32
    %dma_start3A_420 = tpu.memref_slice %arg2[%add3A_419] : memref<262144xi32, #tpu.memory_space<hbm>> -> memref<128xi32, #tpu.memory_space<hbm>>
    %dma_start3A_421 = tpu.memref_slice %arg2[%add3A_419] : memref<262144xi32, #tpu.memory_space<hbm>> -> memref<128xi32, #tpu.memory_space<hbm>>
    tpu.enqueue_dma source(%dma_start3A_421 : memref<128xi32, #tpu.memory_space<hbm>>) target(%arg33 : memref<128xi32, #tpu.memory_space<vmem>>) target_semaphore(%arg40 : memref<!tpu.dma_semaphore, #tpu.memory_space<semaphore_mem>>)
    %dma_start3A_422 = tpu.memref_slice %arg3[%add3A_419] : memref<262144xi32, #tpu.memory_space<hbm>> -> memref<128xi32, #tpu.memory_space<hbm>>
    %dma_start3A_423 = tpu.memref_slice %arg3[%add3A_419] : memref<262144xi32, #tpu.memory_space<hbm>> -> memref<128xi32, #tpu.memory_space<hbm>>
    tpu.enqueue_dma source(%dma_start3A_423 : memref<128xi32, #tpu.memory_space<hbm>>) target(%arg34 : memref<128xi32, #tpu.memory_space<vmem>>) target_semaphore(%arg40 : memref<!tpu.dma_semaphore, #tpu.memory_space<semaphore_mem>>)
    %dma_wait3A = arith.constant 0 : i32
    %dma_wait3A_424 = arith.constant 0 : i32
    %dma_wait3A_425 = tpu.memref_slice %arg4[%dma_wait3A, %dma_wait3A_424] : memref<1792x128xf32, #tpu.memory_space<hbm>> -> memref<1792x128xf32, #tpu.memory_space<hbm>>
    tpu.wait_indirect_dma semaphore(%arg13 : memref<!tpu.dma_semaphore, #tpu.memory_space<semaphore_mem>>) src(%dma_wait3A_425 : memref<1792x128xf32, #tpu.memory_space<hbm>>) dst(%arg12 : memref<128x128xf32, #tpu.memory_space<vmem>>)
    %dma_start3A_426 = arith.constant 0 : i32
    %dma_start3A_427 = arith.constant 0 : i32
    %dma_start3A_428 = tpu.memref_slice %arg5[%dma_start3A_426, %dma_start3A_427] : memref<28119x128xf32, #tpu.memory_space<hbm>> -> memref<28119x128xf32, #tpu.memory_space<hbm>>
    tpu.enqueue_indirect_dma source(%dma_start3A_428 : memref<28119x128xf32, #tpu.memory_space<hbm>>) target(%arg12 : memref<128x128xf32, #tpu.memory_space<vmem>>) offsets(%arg9 : memref<128xi32, #tpu.memory_space<vmem>>) semaphore(%arg14 : memref<!tpu.dma_semaphore, #tpu.memory_space<semaphore_mem>>) {add = true}
    %scan3A = arith.constant 0 : i32
    %scan3A_429 = arith.constant 7.812500e-03 : f32
    %scan3A_430 = arith.constant 0 : i32
    %scan3A_431 = arith.constant 16 : i32
    %scan3A_432 = arith.addi %scan3A_430, %scan3A_431 : i32
    %scan3A_433 = arith.constant 1 : i32
    scf.for %scan3A_451 = %scan3A_430 to %scan3A_432 step %scan3A_433  : i32 {
      %mul3A_452 = arith.constant 4 : i32
      %mul3A_453 = arith.muli %scan3A_451, %mul3A_452 : i32
      %add3A_454 = arith.constant 1 : i32
      %add3A_455 = arith.addi %mul3A_453, %add3A_454 : i32
      %lt3A = arith.constant 64 : i32
      %lt3A_456 = arith.cmpi slt, %add3A_455, %lt3A : i32
      %convert_element_type3A = arith.extui %lt3A_456 : i1 to i32
      %cond3A = arith.constant 0 : i32
      %cond3A_457 = arith.cmpi ne, %convert_element_type3A, %cond3A : i32
      scf.if %cond3A_457 {
        %dma_wait3A_547 = arith.constant 0 : i32
        %dma_wait3A_548 = arith.constant 0 : i32
        %dma_wait3A_549 = tpu.memref_slice %arg4[%dma_wait3A_547, %dma_wait3A_548] : memref<1792x128xf32, #tpu.memory_space<hbm>> -> memref<1792x128xf32, #tpu.memory_space<hbm>>
        tpu.wait_indirect_dma semaphore(%arg21 : memref<!tpu.dma_semaphore, #tpu.memory_space<semaphore_mem>>) src(%dma_wait3A_549 : memref<1792x128xf32, #tpu.memory_space<hbm>>) dst(%arg20 : memref<128x128xf32, #tpu.memory_space<vmem>>)
        %dma_start3A_550 = arith.constant 0 : i32
        %dma_start3A_551 = arith.constant 0 : i32
        %dma_start3A_552 = tpu.memref_slice %arg5[%dma_start3A_550, %dma_start3A_551] : memref<28119x128xf32, #tpu.memory_space<hbm>> -> memref<28119x128xf32, #tpu.memory_space<hbm>>
        tpu.enqueue_indirect_dma source(%dma_start3A_552 : memref<28119x128xf32, #tpu.memory_space<hbm>>) target(%arg20 : memref<128x128xf32, #tpu.memory_space<vmem>>) offsets(%arg17 : memref<128xi32, #tpu.memory_space<vmem>>) semaphore(%arg22 : memref<!tpu.dma_semaphore, #tpu.memory_space<semaphore_mem>>) {add = true}
      } else {
      }
      %dma_wait3A_458 = arith.constant 0 : i32
      %dma_wait3A_459 = arith.constant 0 : i32
      %dma_wait3A_460 = tpu.memref_slice %arg5[%dma_wait3A_458, %dma_wait3A_459] : memref<28119x128xf32, #tpu.memory_space<hbm>> -> memref<28119x128xf32, #tpu.memory_space<hbm>>
      tpu.wait_indirect_dma semaphore(%arg14 : memref<!tpu.dma_semaphore, #tpu.memory_space<semaphore_mem>>) src(%dma_wait3A_460 : memref<28119x128xf32, #tpu.memory_space<hbm>>) dst(%arg12 : memref<128x128xf32, #tpu.memory_space<vmem>>)
      %add3A_461 = arith.constant 4 : i32
      %add3A_462 = arith.addi %mul3A_453, %add3A_461 : i32
      %lt3A_463 = arith.constant 64 : i32
      %lt3A_464 = arith.cmpi slt, %add3A_462, %lt3A_463 : i32
      %convert_element_type3A_465 = arith.extui %lt3A_464 : i1 to i32
      %cond3A_466 = arith.constant 0 : i32
      %cond3A_467 = arith.cmpi ne, %convert_element_type3A_465, %cond3A_466 : i32
      scf.if %cond3A_467 {
        %add3A_547 = arith.constant 4 : i32
        %add3A_548 = arith.addi %mul3A_453, %add3A_547 : i32
        %mul3A_549 = arith.constant 128 : i32
        %mul3A_550 = arith.muli %add3A_548, %mul3A_549 : i32
        %add3A_551 = arith.addi %mul3A_2, %mul3A_550 : i32
        %dma_start3A_552 = tpu.memref_slice %arg2[%add3A_551] : memref<262144xi32, #tpu.memory_space<hbm>> -> memref<128xi32, #tpu.memory_space<hbm>>
        %dma_start3A_553 = tpu.memref_slice %arg2[%add3A_551] : memref<262144xi32, #tpu.memory_space<hbm>> -> memref<128xi32, #tpu.memory_space<hbm>>
        tpu.enqueue_dma source(%dma_start3A_553 : memref<128xi32, #tpu.memory_space<hbm>>) target(%arg9 : memref<128xi32, #tpu.memory_space<vmem>>) target_semaphore(%arg16 : memref<!tpu.dma_semaphore, #tpu.memory_space<semaphore_mem>>)
        %dma_start3A_554 = tpu.memref_slice %arg3[%add3A_551] : memref<262144xi32, #tpu.memory_space<hbm>> -> memref<128xi32, #tpu.memory_space<hbm>>
        %dma_start3A_555 = tpu.memref_slice %arg3[%add3A_551] : memref<262144xi32, #tpu.memory_space<hbm>> -> memref<128xi32, #tpu.memory_space<hbm>>
        tpu.enqueue_dma source(%dma_start3A_555 : memref<128xi32, #tpu.memory_space<hbm>>) target(%arg10 : memref<128xi32, #tpu.memory_space<vmem>>) target_semaphore(%arg16 : memref<!tpu.dma_semaphore, #tpu.memory_space<semaphore_mem>>)
      } else {
      }
      %mul3A_468 = arith.constant 128 : i32
      %mul3A_469 = arith.muli %mul3A_453, %mul3A_468 : i32
      %add3A_470 = arith.addi %mul3A_2, %mul3A_469 : i32
      %parallel_loop3A = arith.constant 0 : i32
      %parallel_loop3A_471 = arith.constant 128 : i32
      %parallel_loop3A_472 = arith.constant 1 : i32
      scf.for %parallel_loop3A_547 = %parallel_loop3A to %parallel_loop3A_471 step %parallel_loop3A_472  : i32 {
        %parallel_loop3A_548 = arith.index_cast %parallel_loop3A_547 : i32 to index
        %parallel_loop3A_549 = arith.constant 0 : index
        %parallel_loop3A_550 = tpu.vector_load %arg12[%parallel_loop3A_548, %parallel_loop3A_549] {strides = array<i32>} : memref<128x128xf32, #tpu.memory_space<vmem>>, vector<1x16xf32>,
        %parallel_loop3A_551 = vector.shape_cast %parallel_loop3A_550 : vector<1x16xf32> to vector<16xf32>
        %parallel_loop3A_552 = arith.index_cast %parallel_loop3A_547 : i32 to index
        %parallel_loop3A_553 = arith.constant 16 : index
        %parallel_loop3A_554 = tpu.vector_load %arg12[%parallel_loop3A_552, %parallel_loop3A_553] {strides = array<i32>} : memref<128x128xf32, #tpu.memory_space<vmem>>, vector<1x16xf32>,
        %parallel_loop3A_555 = vector.shape_cast %parallel_loop3A_554 : vector<1x16xf32> to vector<16xf32>
        %parallel_loop3A_556 = arith.index_cast %parallel_loop3A_547 : i32 to index
        %parallel_loop3A_557 = arith.constant 32 : index
        %parallel_loop3A_558 = tpu.vector_load %arg12[%parallel_loop3A_556, %parallel_loop3A_557] {strides = array<i32>} : memref<128x128xf32, #tpu.memory_space<vmem>>, vector<1x16xf32>,
        %parallel_loop3A_559 = vector.shape_cast %parallel_loop3A_558 : vector<1x16xf32> to vector<16xf32>
        %parallel_loop3A_560 = arith.index_cast %parallel_loop3A_547 : i32 to index
        %parallel_loop3A_561 = arith.constant 48 : index
        %parallel_loop3A_562 = tpu.vector_load %arg12[%parallel_loop3A_560, %parallel_loop3A_561] {strides = array<i32>} : memref<128x128xf32, #tpu.memory_space<vmem>>, vector<1x16xf32>,
        %parallel_loop3A_563 = vector.shape_cast %parallel_loop3A_562 : vector<1x16xf32> to vector<16xf32>
        %parallel_loop3A_564 = arith.index_cast %parallel_loop3A_547 : i32 to index
        %parallel_loop3A_565 = arith.constant 64 : index
        %parallel_loop3A_566 = tpu.vector_load %arg12[%parallel_loop3A_564, %parallel_loop3A_565] {strides = array<i32>} : memref<128x128xf32, #tpu.memory_space<vmem>>, vector<1x16xf32>,
        %parallel_loop3A_567 = vector.shape_cast %parallel_loop3A_566 : vector<1x16xf32> to vector<16xf32>
        %parallel_loop3A_568 = arith.index_cast %parallel_loop3A_547 : i32 to index
        %parallel_loop3A_569 = arith.constant 80 : index
        %parallel_loop3A_570 = tpu.vector_load %arg12[%parallel_loop3A_568, %parallel_loop3A_569] {strides = array<i32>} : memref<128x128xf32, #tpu.memory_space<vmem>>, vector<1x16xf32>,
        %parallel_loop3A_571 = vector.shape_cast %parallel_loop3A_570 : vector<1x16xf32> to vector<16xf32>
        %parallel_loop3A_572 = arith.index_cast %parallel_loop3A_547 : i32 to index
        %parallel_loop3A_573 = arith.constant 96 : index
        %parallel_loop3A_574 = tpu.vector_load %arg12[%parallel_loop3A_572, %parallel_loop3A_573] {strides = array<i32>} : memref<128x128xf32, #tpu.memory_space<vmem>>, vector<1x16xf32>,
        %parallel_loop3A_575 = vector.shape_cast %parallel_loop3A_574 : vector<1x16xf32> to vector<16xf32>
        %parallel_loop3A_576 = arith.index_cast %parallel_loop3A_547 : i32 to index
        %parallel_loop3A_577 = arith.constant 112 : index
        %parallel_loop3A_578 = tpu.vector_load %arg12[%parallel_loop3A_576, %parallel_loop3A_577] {strides = array<i32>} : memref<128x128xf32, #tpu.memory_space<vmem>>, vector<1x16xf32>,
        %parallel_loop3A_579 = vector.shape_cast %parallel_loop3A_578 : vector<1x16xf32> to vector<16xf32>
        %parallel_loop3A_580 = arith.addf %parallel_loop3A_551, %parallel_loop3A_555 : vector<16xf32>
        %parallel_loop3A_581 = arith.addf %parallel_loop3A_580, %parallel_loop3A_559 : vector<16xf32>
        %parallel_loop3A_582 = arith.addf %parallel_loop3A_581, %parallel_loop3A_563 : vector<16xf32>
        %parallel_loop3A_583 = arith.addf %parallel_loop3A_582, %parallel_loop3A_567 : vector<16xf32>
        %parallel_loop3A_584 = arith.addf %parallel_loop3A_583, %parallel_loop3A_571 : vector<16xf32>
        %parallel_loop3A_585 = arith.addf %parallel_loop3A_584, %parallel_loop3A_575 : vector<16xf32>
        %parallel_loop3A_586 = arith.addf %parallel_loop3A_585, %parallel_loop3A_579 : vector<16xf32>
        %parallel_loop3A_587 = arith.mulf %parallel_loop3A_551, %parallel_loop3A_551 : vector<16xf32>
        %parallel_loop3A_588 = arith.mulf %parallel_loop3A_555, %parallel_loop3A_555 : vector<16xf32>
        %parallel_loop3A_589 = arith.addf %parallel_loop3A_587, %parallel_loop3A_588 : vector<16xf32>
        %parallel_loop3A_590 = arith.mulf %parallel_loop3A_559, %parallel_loop3A_559 : vector<16xf32>
        %parallel_loop3A_591 = arith.addf %parallel_loop3A_589, %parallel_loop3A_590 : vector<16xf32>
        %parallel_loop3A_592 = arith.mulf %parallel_loop3A_563, %parallel_loop3A_563 : vector<16xf32>
        %parallel_loop3A_593 = arith.addf %parallel_loop3A_591, %parallel_loop3A_592 : vector<16xf32>
        %parallel_loop3A_594 = arith.mulf %parallel_loop3A_567, %parallel_loop3A_567 : vector<16xf32>
        %parallel_loop3A_595 = arith.addf %parallel_loop3A_593, %parallel_loop3A_594 : vector<16xf32>
        %parallel_loop3A_596 = arith.mulf %parallel_loop3A_571, %parallel_loop3A_571 : vector<16xf32>
        %parallel_loop3A_597 = arith.addf %parallel_loop3A_595, %parallel_loop3A_596 : vector<16xf32>
        %parallel_loop3A_598 = arith.mulf %parallel_loop3A_575, %parallel_loop3A_575 : vector<16xf32>
        %parallel_loop3A_599 = arith.addf %parallel_loop3A_597, %parallel_loop3A_598 : vector<16xf32>
        %parallel_loop3A_600 = arith.mulf %parallel_loop3A_579, %parallel_loop3A_579 : vector<16xf32>
        %parallel_loop3A_601 = arith.addf %parallel_loop3A_599, %parallel_loop3A_600 : vector<16xf32>
        %parallel_loop3A_602 = vector.shape_cast %xor3A_51 : vector<16xi32> to vector<16x1xi32>
        %parallel_loop3A_603 = vector.shape_cast %parallel_loop3A_602 : vector<16x1xi32> to vector<16xi32>
        %parallel_loop3A_604 = tpu.dynamic_gather %parallel_loop3A_586[%parallel_loop3A_603] in [0] : vector<16xf32>, vector<16xi32> -> vector<16xf32>
        %parallel_loop3A_605 = arith.addf %parallel_loop3A_586, %parallel_loop3A_604 : vector<16xf32>
        %parallel_loop3A_606 = vector.shape_cast %xor3A_54 : vector<16xi32> to vector<16x1xi32>
        %parallel_loop3A_607 = vector.shape_cast %parallel_loop3A_606 : vector<16x1xi32> to vector<16xi32>
        %parallel_loop3A_608 = tpu.dynamic_gather %parallel_loop3A_605[%parallel_loop3A_607] in [0] : vector<16xf32>, vector<16xi32> -> vector<16xf32>
        %parallel_loop3A_609 = arith.addf %parallel_loop3A_605, %parallel_loop3A_608 : vector<16xf32>
        %parallel_loop3A_610 = vector.shape_cast %xor3A_57 : vector<16xi32> to vector<16x1xi32>
        %parallel_loop3A_611 = vector.shape_cast %parallel_loop3A_610 : vector<16x1xi32> to vector<16xi32>
        %parallel_loop3A_612 = tpu.dynamic_gather %parallel_loop3A_609[%parallel_loop3A_611] in [0] : vector<16xf32>, vector<16xi32> -> vector<16xf32>
        %parallel_loop3A_613 = arith.addf %parallel_loop3A_609, %parallel_loop3A_612 : vector<16xf32>
        %parallel_loop3A_614 = vector.shape_cast %xor3A_60 : vector<16xi32> to vector<16x1xi32>
        %parallel_loop3A_615 = vector.shape_cast %parallel_loop3A_614 : vector<16x1xi32> to vector<16xi32>
        %parallel_loop3A_616 = tpu.dynamic_gather %parallel_loop3A_613[%parallel_loop3A_615] in [0] : vector<16xf32>, vector<16xi32> -> vector<16xf32>
        %parallel_loop3A_617 = arith.addf %parallel_loop3A_613, %parallel_loop3A_616 : vector<16xf32>
        %parallel_loop3A_618 = vector.broadcast %scan3A_429 : f32 to vector<16xf32>
        %parallel_loop3A_619 = arith.mulf %parallel_loop3A_617, %parallel_loop3A_618 : vector<16xf32>
        %parallel_loop3A_620 = vector.shape_cast %xor3A_51 : vector<16xi32> to vector<16x1xi32>
        %parallel_loop3A_621 = vector.shape_cast %parallel_loop3A_620 : vector<16x1xi32> to vector<16xi32>
        %parallel_loop3A_622 = tpu.dynamic_gather %parallel_loop3A_601[%parallel_loop3A_621] in [0] : vector<16xf32>, vector<16xi32> -> vector<16xf32>
        %parallel_loop3A_623 = arith.addf %parallel_loop3A_601, %parallel_loop3A_622 : vector<16xf32>
        %parallel_loop3A_624 = vector.shape_cast %xor3A_54 : vector<16xi32> to vector<16x1xi32>
        %parallel_loop3A_625 = vector.shape_cast %parallel_loop3A_624 : vector<16x1xi32> to vector<16xi32>
        %parallel_loop3A_626 = tpu.dynamic_gather %parallel_loop3A_623[%parallel_loop3A_625] in [0] : vector<16xf32>, vector<16xi32> -> vector<16xf32>
        %parallel_loop3A_627 = arith.addf %parallel_loop3A_623, %parallel_loop3A_626 : vector<16xf32>
        %parallel_loop3A_628 = vector.shape_cast %xor3A_57 : vector<16xi32> to vector<16x1xi32>
        %parallel_loop3A_629 = vector.shape_cast %parallel_loop3A_628 : vector<16x1xi32> to vector<16xi32>
        %parallel_loop3A_630 = tpu.dynamic_gather %parallel_loop3A_627[%parallel_loop3A_629] in [0] : vector<16xf32>, vector<16xi32> -> vector<16xf32>
        %parallel_loop3A_631 = arith.addf %parallel_loop3A_627, %parallel_loop3A_630 : vector<16xf32>
        %parallel_loop3A_632 = vector.shape_cast %xor3A_60 : vector<16xi32> to vector<16x1xi32>
        %parallel_loop3A_633 = vector.shape_cast %parallel_loop3A_632 : vector<16x1xi32> to vector<16xi32>
        %parallel_loop3A_634 = tpu.dynamic_gather %parallel_loop3A_631[%parallel_loop3A_633] in [0] : vector<16xf32>, vector<16xi32> -> vector<16xf32>
        %parallel_loop3A_635 = arith.addf %parallel_loop3A_631, %parallel_loop3A_634 : vector<16xf32>
        %parallel_loop3A_636 = vector.broadcast %scan3A_429 : f32 to vector<16xf32>
        %parallel_loop3A_637 = arith.mulf %parallel_loop3A_635, %parallel_loop3A_636 : vector<16xf32>
        %parallel_loop3A_638 = arith.mulf %parallel_loop3A_619, %parallel_loop3A_619 : vector<16xf32>
        %parallel_loop3A_639 = arith.subf %parallel_loop3A_637, %parallel_loop3A_638 : vector<16xf32>
        %parallel_loop3A_640 = arith.constant 9.99999996E-13 : f32
        %parallel_loop3A_641 = vector.broadcast %parallel_loop3A_640 : f32 to vector<16xf32>
        %parallel_loop3A_642 = arith.addf %parallel_loop3A_639, %parallel_loop3A_641 : vector<16xf32>
        %parallel_loop3A_643 = tpu.bitcast %parallel_loop3A_642 : vector<16xf32> -> vector<16xi32>
        %parallel_loop3A_644 = arith.constant 1 : i32
        %parallel_loop3A_645 = vector.broadcast %parallel_loop3A_644 : i32 to vector<16xi32>
        %parallel_loop3A_646 = arith.shrui %parallel_loop3A_643, %parallel_loop3A_645 : vector<16xi32>
        %parallel_loop3A_647 = arith.constant 1597463007 : i32
        %parallel_loop3A_648 = vector.broadcast %parallel_loop3A_647 : i32 to vector<16xi32>
        %parallel_loop3A_649 = arith.subi %parallel_loop3A_648, %parallel_loop3A_646 : vector<16xi32>
        %parallel_loop3A_650 = tpu.bitcast %parallel_loop3A_649 : vector<16xi32> -> vector<16xf32>
        %parallel_loop3A_651 = arith.constant 5.000000e-01 : f32
        %parallel_loop3A_652 = vector.broadcast %parallel_loop3A_651 : f32 to vector<16xf32>
        %parallel_loop3A_653 = arith.mulf %parallel_loop3A_642, %parallel_loop3A_652 : vector<16xf32>
        %parallel_loop3A_654 = arith.mulf %parallel_loop3A_653, %parallel_loop3A_650 : vector<16xf32>
        %parallel_loop3A_655 = arith.mulf %parallel_loop3A_654, %parallel_loop3A_650 : vector<16xf32>
        %parallel_loop3A_656 = arith.constant 1.500000e+00 : f32
        %parallel_loop3A_657 = vector.broadcast %parallel_loop3A_656 : f32 to vector<16xf32>
        %parallel_loop3A_658 = arith.subf %parallel_loop3A_657, %parallel_loop3A_655 : vector<16xf32>
        %parallel_loop3A_659 = arith.mulf %parallel_loop3A_650, %parallel_loop3A_658 : vector<16xf32>
        %parallel_loop3A_660 = arith.mulf %parallel_loop3A_653, %parallel_loop3A_659 : vector<16xf32>
        %parallel_loop3A_661 = arith.mulf %parallel_loop3A_660, %parallel_loop3A_659 : vector<16xf32>
        %parallel_loop3A_662 = arith.constant 1.500000e+00 : f32
        %parallel_loop3A_663 = vector.broadcast %parallel_loop3A_662 : f32 to vector<16xf32>
        %parallel_loop3A_664 = arith.subf %parallel_loop3A_663, %parallel_loop3A_661 : vector<16xf32>
        %parallel_loop3A_665 = arith.mulf %parallel_loop3A_659, %parallel_loop3A_664 : vector<16xf32>
        %parallel_loop3A_666 = arith.mulf %parallel_loop3A_619, %parallel_loop3A_665 : vector<16xf32>
        %parallel_loop3A_667 = arith.mulf %parallel_loop3A_551, %parallel_loop3A_665 : vector<16xf32>
        %parallel_loop3A_668 = arith.subf %parallel_loop3A_667, %parallel_loop3A_666 : vector<16xf32>
        %parallel_loop3A_669 = arith.mulf %parallel_loop3A_668, %get3A_4 : vector<16xf32>
        %parallel_loop3A_670 = arith.addf %parallel_loop3A_669, %get3A_28 : vector<16xf32>
        %parallel_loop3A_671 = arith.index_cast %parallel_loop3A_547 : i32 to index
        %parallel_loop3A_672 = arith.constant 0 : index
        %parallel_loop3A_673 = tpu.vector_load %arg12[%parallel_loop3A_671, %parallel_loop3A_672] {strides = array<i32>} : memref<128x128xf32, #tpu.memory_space<vmem>>, vector<1x16xf32>,
        %parallel_loop3A_674 = vector.shape_cast %parallel_loop3A_673 : vector<1x16xf32> to vector<16xf32>
        %parallel_loop3A_675 = vector.shape_cast %parallel_loop3A_670 : vector<16xf32> to vector<1x16xf32>
        tpu.vector_store %arg12[%parallel_loop3A_671, %parallel_loop3A_672], %parallel_loop3A_675 {strides = array<i32>} : memref<128x128xf32, #tpu.memory_space<vmem>>, vector<1x16xf32>,
        %parallel_loop3A_676 = arith.mulf %parallel_loop3A_555, %parallel_loop3A_665 : vector<16xf32>
        %parallel_loop3A_677 = arith.subf %parallel_loop3A_676, %parallel_loop3A_666 : vector<16xf32>
        %parallel_loop3A_678 = arith.mulf %parallel_loop3A_677, %get3A_7 : vector<16xf32>
        %parallel_loop3A_679 = arith.addf %parallel_loop3A_678, %get3A_31 : vector<16xf32>
        %parallel_loop3A_680 = arith.index_cast %parallel_loop3A_547 : i32 to index
        %parallel_loop3A_681 = arith.constant 16 : index
        %parallel_loop3A_682 = tpu.vector_load %arg12[%parallel_loop3A_680, %parallel_loop3A_681] {strides = array<i32>} : memref<128x128xf32, #tpu.memory_space<vmem>>, vector<1x16xf32>,
        %parallel_loop3A_683 = vector.shape_cast %parallel_loop3A_682 : vector<1x16xf32> to vector<16xf32>
        %parallel_loop3A_684 = vector.shape_cast %parallel_loop3A_679 : vector<16xf32> to vector<1x16xf32>
        tpu.vector_store %arg12[%parallel_loop3A_680, %parallel_loop3A_681], %parallel_loop3A_684 {strides = array<i32>} : memref<128x128xf32, #tpu.memory_space<vmem>>, vector<1x16xf32>,
        %parallel_loop3A_685 = arith.mulf %parallel_loop3A_559, %parallel_loop3A_665 : vector<16xf32>
        %parallel_loop3A_686 = arith.subf %parallel_loop3A_685, %parallel_loop3A_666 : vector<16xf32>
        %parallel_loop3A_687 = arith.mulf %parallel_loop3A_686, %get3A_10 : vector<16xf32>
        %parallel_loop3A_688 = arith.addf %parallel_loop3A_687, %get3A_34 : vector<16xf32>
        %parallel_loop3A_689 = arith.index_cast %parallel_loop3A_547 : i32 to index
        %parallel_loop3A_690 = arith.constant 32 : index
        %parallel_loop3A_691 = tpu.vector_load %arg12[%parallel_loop3A_689, %parallel_loop3A_690] {strides = array<i32>} : memref<128x128xf32, #tpu.memory_space<vmem>>, vector<1x16xf32>,
        %parallel_loop3A_692 = vector.shape_cast %parallel_loop3A_691 : vector<1x16xf32> to vector<16xf32>
        %parallel_loop3A_693 = vector.shape_cast %parallel_loop3A_688 : vector<16xf32> to vector<1x16xf32>
        tpu.vector_store %arg12[%parallel_loop3A_689, %parallel_loop3A_690], %parallel_loop3A_693 {strides = array<i32>} : memref<128x128xf32, #tpu.memory_space<vmem>>, vector<1x16xf32>,
        %parallel_loop3A_694 = arith.mulf %parallel_loop3A_563, %parallel_loop3A_665 : vector<16xf32>
        %parallel_loop3A_695 = arith.subf %parallel_loop3A_694, %parallel_loop3A_666 : vector<16xf32>
        %parallel_loop3A_696 = arith.mulf %parallel_loop3A_695, %get3A_13 : vector<16xf32>
        %parallel_loop3A_697 = arith.addf %parallel_loop3A_696, %get3A_37 : vector<16xf32>
        %parallel_loop3A_698 = arith.index_cast %parallel_loop3A_547 : i32 to index
        %parallel_loop3A_699 = arith.constant 48 : index
        %parallel_loop3A_700 = tpu.vector_load %arg12[%parallel_loop3A_698, %parallel_loop3A_699] {strides = array<i32>} : memref<128x128xf32, #tpu.memory_space<vmem>>, vector<1x16xf32>,
        %parallel_loop3A_701 = vector.shape_cast %parallel_loop3A_700 : vector<1x16xf32> to vector<16xf32>
        %parallel_loop3A_702 = vector.shape_cast %parallel_loop3A_697 : vector<16xf32> to vector<1x16xf32>
        tpu.vector_store %arg12[%parallel_loop3A_698, %parallel_loop3A_699], %parallel_loop3A_702 {strides = array<i32>} : memref<128x128xf32, #tpu.memory_space<vmem>>, vector<1x16xf32>,
        %parallel_loop3A_703 = arith.mulf %parallel_loop3A_567, %parallel_loop3A_665 : vector<16xf32>
        %parallel_loop3A_704 = arith.subf %parallel_loop3A_703, %parallel_loop3A_666 : vector<16xf32>
        %parallel_loop3A_705 = arith.mulf %parallel_loop3A_704, %get3A_16 : vector<16xf32>
        %parallel_loop3A_706 = arith.addf %parallel_loop3A_705, %get3A_40 : vector<16xf32>
        %parallel_loop3A_707 = arith.index_cast %parallel_loop3A_547 : i32 to index
        %parallel_loop3A_708 = arith.constant 64 : index
        %parallel_loop3A_709 = tpu.vector_load %arg12[%parallel_loop3A_707, %parallel_loop3A_708] {strides = array<i32>} : memref<128x128xf32, #tpu.memory_space<vmem>>, vector<1x16xf32>,
        %parallel_loop3A_710 = vector.shape_cast %parallel_loop3A_709 : vector<1x16xf32> to vector<16xf32>
        %parallel_loop3A_711 = vector.shape_cast %parallel_loop3A_706 : vector<16xf32> to vector<1x16xf32>
        tpu.vector_store %arg12[%parallel_loop3A_707, %parallel_loop3A_708], %parallel_loop3A_711 {strides = array<i32>} : memref<128x128xf32, #tpu.memory_space<vmem>>, vector<1x16xf32>,
        %parallel_loop3A_712 = arith.mulf %parallel_loop3A_571, %parallel_loop3A_665 : vector<16xf32>
        %parallel_loop3A_713 = arith.subf %parallel_loop3A_712, %parallel_loop3A_666 : vector<16xf32>
        %parallel_loop3A_714 = arith.mulf %parallel_loop3A_713, %get3A_19 : vector<16xf32>
        %parallel_loop3A_715 = arith.addf %parallel_loop3A_714, %get3A_43 : vector<16xf32>
        %parallel_loop3A_716 = arith.index_cast %parallel_loop3A_547 : i32 to index
        %parallel_loop3A_717 = arith.constant 80 : index
        %parallel_loop3A_718 = tpu.vector_load %arg12[%parallel_loop3A_716, %parallel_loop3A_717] {strides = array<i32>} : memref<128x128xf32, #tpu.memory_space<vmem>>, vector<1x16xf32>,
        %parallel_loop3A_719 = vector.shape_cast %parallel_loop3A_718 : vector<1x16xf32> to vector<16xf32>
        %parallel_loop3A_720 = vector.shape_cast %parallel_loop3A_715 : vector<16xf32> to vector<1x16xf32>
        tpu.vector_store %arg12[%parallel_loop3A_716, %parallel_loop3A_717], %parallel_loop3A_720 {strides = array<i32>} : memref<128x128xf32, #tpu.memory_space<vmem>>, vector<1x16xf32>,
        %parallel_loop3A_721 = arith.mulf %parallel_loop3A_575, %parallel_loop3A_665 : vector<16xf32>
        %parallel_loop3A_722 = arith.subf %parallel_loop3A_721, %parallel_loop3A_666 : vector<16xf32>
        %parallel_loop3A_723 = arith.mulf %parallel_loop3A_722, %get3A_22 : vector<16xf32>
        %parallel_loop3A_724 = arith.addf %parallel_loop3A_723, %get3A_46 : vector<16xf32>
        %parallel_loop3A_725 = arith.index_cast %parallel_loop3A_547 : i32 to index
        %parallel_loop3A_726 = arith.constant 96 : index
        %parallel_loop3A_727 = tpu.vector_load %arg12[%parallel_loop3A_725, %parallel_loop3A_726] {strides = array<i32>} : memref<128x128xf32, #tpu.memory_space<vmem>>, vector<1x16xf32>,
        %parallel_loop3A_728 = vector.shape_cast %parallel_loop3A_727 : vector<1x16xf32> to vector<16xf32>
        %parallel_loop3A_729 = vector.shape_cast %parallel_loop3A_724 : vector<16xf32> to vector<1x16xf32>
        tpu.vector_store %arg12[%parallel_loop3A_725, %parallel_loop3A_726], %parallel_loop3A_729 {strides = array<i32>} : memref<128x128xf32, #tpu.memory_space<vmem>>, vector<1x16xf32>,
        %parallel_loop3A_730 = arith.mulf %parallel_loop3A_579, %parallel_loop3A_665 : vector<16xf32>
        %parallel_loop3A_731 = arith.subf %parallel_loop3A_730, %parallel_loop3A_666 : vector<16xf32>
        %parallel_loop3A_732 = arith.mulf %parallel_loop3A_731, %get3A_25 : vector<16xf32>
        %parallel_loop3A_733 = arith.addf %parallel_loop3A_732, %get3A_49 : vector<16xf32>
        %parallel_loop3A_734 = arith.index_cast %parallel_loop3A_547 : i32 to index
        %parallel_loop3A_735 = arith.constant 112 : index
        %parallel_loop3A_736 = tpu.vector_load %arg12[%parallel_loop3A_734, %parallel_loop3A_735] {strides = array<i32>} : memref<128x128xf32, #tpu.memory_space<vmem>>, vector<1x16xf32>,
        %parallel_loop3A_737 = vector.shape_cast %parallel_loop3A_736 : vector<1x16xf32> to vector<16xf32>
        %parallel_loop3A_738 = vector.shape_cast %parallel_loop3A_733 : vector<16xf32> to vector<1x16xf32>
        tpu.vector_store %arg12[%parallel_loop3A_734, %parallel_loop3A_735], %parallel_loop3A_738 {strides = array<i32>} : memref<128x128xf32, #tpu.memory_space<vmem>>, vector<1x16xf32>,
      } {sc.loop_unroll_factor = 5 : i64, sc.parallel_access}
      %dma_start3A_473 = arith.constant 0 : i32
      %dma_start3A_474 = tpu.memref_slice %arg8[%add3A_470, %dma_start3A_473] : memref<262144x128xf32, #tpu.memory_space<hbm>> -> memref<128x128xf32, #tpu.memory_space<hbm>>
      %dma_start3A_475 = arith.constant 0 : i32
      %dma_start3A_476 = tpu.memref_slice %arg8[%add3A_470, %dma_start3A_475] : memref<262144x128xf32, #tpu.memory_space<hbm>> -> memref<128x128xf32, #tpu.memory_space<hbm>>
      tpu.enqueue_dma source(%arg12 : memref<128x128xf32, #tpu.memory_space<vmem>>) target(%dma_start3A_476 : memref<128x128xf32, #tpu.memory_space<hbm>>) target_semaphore(%arg15 : memref<!tpu.dma_semaphore, #tpu.memory_space<semaphore_mem>>)
      %add3A_477 = arith.constant 3 : i32
      %add3A_478 = arith.addi %mul3A_453, %add3A_477 : i32
      %lt3A_479 = arith.constant 64 : i32
      %lt3A_480 = arith.cmpi slt, %add3A_478, %lt3A_479 : i32
      %convert_element_type3A_481 = arith.extui %lt3A_480 : i1 to i32
      %cond3A_482 = arith.constant 0 : i32
      %cond3A_483 = arith.cmpi ne, %convert_element_type3A_481, %cond3A_482 : i32
      scf.if %cond3A_483 {
        %ge3A = arith.constant 4 : i32
        %ge3A_547 = arith.cmpi sge, %add3A_478, %ge3A : i32
        %convert_element_type3A_548 = arith.extui %ge3A_547 : i1 to i32
        %cond3A_549 = arith.constant 0 : i32
        %cond3A_550 = arith.cmpi ne, %convert_element_type3A_548, %cond3A_549 : i32
        scf.if %cond3A_550 {
          %dma_wait3A_670 = arith.constant 0 : i32
          %dma_wait3A_671 = tpu.memref_slice %arg8[%mul3A_2, %dma_wait3A_670] : memref<262144x128xf32, #tpu.memory_space<hbm>> -> memref<128x128xf32, #tpu.memory_space<hbm>>
          %dma_wait3A_672 = arith.constant 0 : i32
          %dma_wait3A_673 = tpu.memref_slice %arg8[%mul3A_2, %dma_wait3A_672] : memref<262144x128xf32, #tpu.memory_space<hbm>> -> memref<128x128xf32, #tpu.memory_space<hbm>>
          tpu.wait_dma2 semaphore(%arg39 : memref<!tpu.dma_semaphore, #tpu.memory_space<semaphore_mem>>) src(%arg36 : memref<128x128xf32, #tpu.memory_space<vmem>>) dst(%dma_wait3A_673 : memref<128x128xf32, #tpu.memory_space<hbm>>)
        } else {
        }
        %dma_wait3A_551 = tpu.memref_slice %arg2[%mul3A_2] : memref<262144xi32, #tpu.memory_space<hbm>> -> memref<128xi32, #tpu.memory_space<hbm>>
        %dma_wait3A_552 = tpu.memref_slice %arg2[%mul3A_2] : memref<262144xi32, #tpu.memory_space<hbm>> -> memref<128xi32, #tpu.memory_space<hbm>>
        tpu.wait_dma2 semaphore(%arg40 : memref<!tpu.dma_semaphore, #tpu.memory_space<semaphore_mem>>) src(%dma_wait3A_552 : memref<128xi32, #tpu.memory_space<hbm>>) dst(%arg33 : memref<128xi32, #tpu.memory_space<vmem>>)
        %dma_wait3A_553 = tpu.memref_slice %arg3[%mul3A_2] : memref<262144xi32, #tpu.memory_space<hbm>> -> memref<128xi32, #tpu.memory_space<hbm>>
        %dma_wait3A_554 = tpu.memref_slice %arg3[%mul3A_2] : memref<262144xi32, #tpu.memory_space<hbm>> -> memref<128xi32, #tpu.memory_space<hbm>>
        tpu.wait_dma2 semaphore(%arg40 : memref<!tpu.dma_semaphore, #tpu.memory_space<semaphore_mem>>) src(%dma_wait3A_554 : memref<128xi32, #tpu.memory_space<hbm>>) dst(%arg34 : memref<128xi32, #tpu.memory_space<vmem>>)
        %get3A_555 = arith.constant 0 : index
        %get3A_556 = tpu.vector_load %arg34[%get3A_555] {strides = array<i32>} : memref<128xi32, #tpu.memory_space<vmem>>, vector<16xi32>,
        %get3A_557 = vector.shape_cast %get3A_556 : vector<16xi32> to vector<16xi32>
        %mul3A_558 = arith.constant 128 : i32
        %mul3A_559 = vector.broadcast %mul3A_558 : i32 to vector<16xi32>
        %mul3A_560 = arith.muli %get3A_557, %mul3A_559 : vector<16xi32>
        %add3A_561 = arith.constant 0 : i32
        %add3A_562 = vector.broadcast %add3A_561 : i32 to vector<16xi32>
        %add3A_563 = arith.addi %iota3A, %add3A_562 : vector<16xi32>
        %add3A_564 = arith.addi %mul3A_560, %add3A_563 : vector<16xi32>
        %swap3A_565 = arith.constant 0 : index
        %swap3A_566 = tpu.vector_load %arg35[%swap3A_565] {strides = array<i32>} : memref<128xi32, #tpu.memory_space<vmem>>, vector<16xi32>,
        %swap3A_567 = vector.shape_cast %swap3A_566 : vector<16xi32> to vector<16xi32>
        %swap3A_568 = vector.shape_cast %add3A_564 : vector<16xi32> to vector<16xi32>
        tpu.vector_store %arg35[%swap3A_565], %swap3A_568 {strides = array<i32>} : memref<128xi32, #tpu.memory_space<vmem>>, vector<16xi32>,
        %get3A_569 = arith.constant 16 : index
        %get3A_570 = tpu.vector_load %arg34[%get3A_569] {strides = array<i32>} : memref<128xi32, #tpu.memory_space<vmem>>, vector<16xi32>,
        %get3A_571 = vector.shape_cast %get3A_570 : vector<16xi32> to vector<16xi32>
        %mul3A_572 = arith.constant 128 : i32
        %mul3A_573 = vector.broadcast %mul3A_572 : i32 to vector<16xi32>
        %mul3A_574 = arith.muli %get3A_571, %mul3A_573 : vector<16xi32>
        %add3A_575 = arith.constant 16 : i32
        %add3A_576 = vector.broadcast %add3A_575 : i32 to vector<16xi32>
        %add3A_577 = arith.addi %iota3A, %add3A_576 : vector<16xi32>
        %add3A_578 = arith.addi %mul3A_574, %add3A_577 : vector<16xi32>
        %swap3A_579 = arith.constant 16 : index
        %swap3A_580 = tpu.vector_load %arg35[%swap3A_579] {strides = array<i32>} : memref<128xi32, #tpu.memory_space<vmem>>, vector<16xi32>,
        %swap3A_581 = vector.shape_cast %swap3A_580 : vector<16xi32> to vector<16xi32>
        %swap3A_582 = vector.shape_cast %add3A_578 : vector<16xi32> to vector<16xi32>
        tpu.vector_store %arg35[%swap3A_579], %swap3A_582 {strides = array<i32>} : memref<128xi32, #tpu.memory_space<vmem>>, vector<16xi32>,
        %get3A_583 = arith.constant 32 : index
        %get3A_584 = tpu.vector_load %arg34[%get3A_583] {strides = array<i32>} : memref<128xi32, #tpu.memory_space<vmem>>, vector<16xi32>,
        %get3A_585 = vector.shape_cast %get3A_584 : vector<16xi32> to vector<16xi32>
        %mul3A_586 = arith.constant 128 : i32
        %mul3A_587 = vector.broadcast %mul3A_586 : i32 to vector<16xi32>
        %mul3A_588 = arith.muli %get3A_585, %mul3A_587 : vector<16xi32>
        %add3A_589 = arith.constant 32 : i32
        %add3A_590 = vector.broadcast %add3A_589 : i32 to vector<16xi32>
        %add3A_591 = arith.addi %iota3A, %add3A_590 : vector<16xi32>
        %add3A_592 = arith.addi %mul3A_588, %add3A_591 : vector<16xi32>
        %swap3A_593 = arith.constant 32 : index
        %swap3A_594 = tpu.vector_load %arg35[%swap3A_593] {strides = array<i32>} : memref<128xi32, #tpu.memory_space<vmem>>, vector<16xi32>,
        %swap3A_595 = vector.shape_cast %swap3A_594 : vector<16xi32> to vector<16xi32>
        %swap3A_596 = vector.shape_cast %add3A_592 : vector<16xi32> to vector<16xi32>
        tpu.vector_store %arg35[%swap3A_593], %swap3A_596 {strides = array<i32>} : memref<128xi32, #tpu.memory_space<vmem>>, vector<16xi32>,
        %get3A_597 = arith.constant 48 : index
        %get3A_598 = tpu.vector_load %arg34[%get3A_597] {strides = array<i32>} : memref<128xi32, #tpu.memory_space<vmem>>, vector<16xi32>,
        %get3A_599 = vector.shape_cast %get3A_598 : vector<16xi32> to vector<16xi32>
        %mul3A_600 = arith.constant 128 : i32
        %mul3A_601 = vector.broadcast %mul3A_600 : i32 to vector<16xi32>
        %mul3A_602 = arith.muli %get3A_599, %mul3A_601 : vector<16xi32>
        %add3A_603 = arith.constant 48 : i32
        %add3A_604 = vector.broadcast %add3A_603 : i32 to vector<16xi32>
        %add3A_605 = arith.addi %iota3A, %add3A_604 : vector<16xi32>
        %add3A_606 = arith.addi %mul3A_602, %add3A_605 : vector<16xi32>
        %swap3A_607 = arith.constant 48 : index
        %swap3A_608 = tpu.vector_load %arg35[%swap3A_607] {strides = array<i32>} : memref<128xi32, #tpu.memory_space<vmem>>, vector<16xi32>,
        %swap3A_609 = vector.shape_cast %swap3A_608 : vector<16xi32> to vector<16xi32>
        %swap3A_610 = vector.shape_cast %add3A_606 : vector<16xi32> to vector<16xi32>
        tpu.vector_store %arg35[%swap3A_607], %swap3A_610 {strides = array<i32>} : memref<128xi32, #tpu.memory_space<vmem>>, vector<16xi32>,
        %get3A_611 = arith.constant 64 : index
        %get3A_612 = tpu.vector_load %arg34[%get3A_611] {strides = array<i32>} : memref<128xi32, #tpu.memory_space<vmem>>, vector<16xi32>,
        %get3A_613 = vector.shape_cast %get3A_612 : vector<16xi32> to vector<16xi32>
        %mul3A_614 = arith.constant 128 : i32
        %mul3A_615 = vector.broadcast %mul3A_614 : i32 to vector<16xi32>
        %mul3A_616 = arith.muli %get3A_613, %mul3A_615 : vector<16xi32>
        %add3A_617 = arith.constant 64 : i32
        %add3A_618 = vector.broadcast %add3A_617 : i32 to vector<16xi32>
        %add3A_619 = arith.addi %iota3A, %add3A_618 : vector<16xi32>
        %add3A_620 = arith.addi %mul3A_616, %add3A_619 : vector<16xi32>
        %swap3A_621 = arith.constant 64 : index
        %swap3A_622 = tpu.vector_load %arg35[%swap3A_621] {strides = array<i32>} : memref<128xi32, #tpu.memory_space<vmem>>, vector<16xi32>,
        %swap3A_623 = vector.shape_cast %swap3A_622 : vector<16xi32> to vector<16xi32>
        %swap3A_624 = vector.shape_cast %add3A_620 : vector<16xi32> to vector<16xi32>
        tpu.vector_store %arg35[%swap3A_621], %swap3A_624 {strides = array<i32>} : memref<128xi32, #tpu.memory_space<vmem>>, vector<16xi32>,
        %get3A_625 = arith.constant 80 : index
        %get3A_626 = tpu.vector_load %arg34[%get3A_625] {strides = array<i32>} : memref<128xi32, #tpu.memory_space<vmem>>, vector<16xi32>,
        %get3A_627 = vector.shape_cast %get3A_626 : vector<16xi32> to vector<16xi32>
        %mul3A_628 = arith.constant 128 : i32
        %mul3A_629 = vector.broadcast %mul3A_628 : i32 to vector<16xi32>
        %mul3A_630 = arith.muli %get3A_627, %mul3A_629 : vector<16xi32>
        %add3A_631 = arith.constant 80 : i32
        %add3A_632 = vector.broadcast %add3A_631 : i32 to vector<16xi32>
        %add3A_633 = arith.addi %iota3A, %add3A_632 : vector<16xi32>
        %add3A_634 = arith.addi %mul3A_630, %add3A_633 : vector<16xi32>
        %swap3A_635 = arith.constant 80 : index
        %swap3A_636 = tpu.vector_load %arg35[%swap3A_635] {strides = array<i32>} : memref<128xi32, #tpu.memory_space<vmem>>, vector<16xi32>,
        %swap3A_637 = vector.shape_cast %swap3A_636 : vector<16xi32> to vector<16xi32>
        %swap3A_638 = vector.shape_cast %add3A_634 : vector<16xi32> to vector<16xi32>
        tpu.vector_store %arg35[%swap3A_635], %swap3A_638 {strides = array<i32>} : memref<128xi32, #tpu.memory_space<vmem>>, vector<16xi32>,
        %get3A_639 = arith.constant 96 : index
        %get3A_640 = tpu.vector_load %arg34[%get3A_639] {strides = array<i32>} : memref<128xi32, #tpu.memory_space<vmem>>, vector<16xi32>,
        %get3A_641 = vector.shape_cast %get3A_640 : vector<16xi32> to vector<16xi32>
        %mul3A_642 = arith.constant 128 : i32
        %mul3A_643 = vector.broadcast %mul3A_642 : i32 to vector<16xi32>
        %mul3A_644 = arith.muli %get3A_641, %mul3A_643 : vector<16xi32>
        %add3A_645 = arith.constant 96 : i32
        %add3A_646 = vector.broadcast %add3A_645 : i32 to vector<16xi32>
        %add3A_647 = arith.addi %iota3A, %add3A_646 : vector<16xi32>
        %add3A_648 = arith.addi %mul3A_644, %add3A_647 : vector<16xi32>
        %swap3A_649 = arith.constant 96 : index
        %swap3A_650 = tpu.vector_load %arg35[%swap3A_649] {strides = array<i32>} : memref<128xi32, #tpu.memory_space<vmem>>, vector<16xi32>,
        %swap3A_651 = vector.shape_cast %swap3A_650 : vector<16xi32> to vector<16xi32>
        %swap3A_652 = vector.shape_cast %add3A_648 : vector<16xi32> to vector<16xi32>
        tpu.vector_store %arg35[%swap3A_649], %swap3A_652 {strides = array<i32>} : memref<128xi32, #tpu.memory_space<vmem>>, vector<16xi32>,
        %get3A_653 = arith.constant 112 : index
        %get3A_654 = tpu.vector_load %arg34[%get3A_653] {strides = array<i32>} : memref<128xi32, #tpu.memory_space<vmem>>, vector<16xi32>,
        %get3A_655 = vector.shape_cast %get3A_654 : vector<16xi32> to vector<16xi32>
        %mul3A_656 = arith.constant 128 : i32
        %mul3A_657 = vector.broadcast %mul3A_656 : i32 to vector<16xi32>
        %mul3A_658 = arith.muli %get3A_655, %mul3A_657 : vector<16xi32>
        %add3A_659 = arith.constant 112 : i32
        %add3A_660 = vector.broadcast %add3A_659 : i32 to vector<16xi32>
        %add3A_661 = arith.addi %iota3A, %add3A_660 : vector<16xi32>
        %add3A_662 = arith.addi %mul3A_658, %add3A_661 : vector<16xi32>
        %swap3A_663 = arith.constant 112 : index
        %swap3A_664 = tpu.vector_load %arg35[%swap3A_663] {strides = array<i32>} : memref<128xi32, #tpu.memory_space<vmem>>, vector<16xi32>,
        %swap3A_665 = vector.shape_cast %swap3A_664 : vector<16xi32> to vector<16xi32>
        %swap3A_666 = vector.shape_cast %add3A_662 : vector<16xi32> to vector<16xi32>
        tpu.vector_store %arg35[%swap3A_663], %swap3A_666 {strides = array<i32>} : memref<128xi32, #tpu.memory_space<vmem>>, vector<16xi32>,
        %dma_start3A_667 = arith.constant 0 : i32
        %dma_start3A_668 = arith.constant 0 : i32
        %dma_start3A_669 = tpu.memref_slice %arg4[%dma_start3A_667, %dma_start3A_668] : memref<1792x128xf32, #tpu.memory_space<hbm>> -> memref<1792x128xf32, #tpu.memory_space<hbm>>
        tpu.enqueue_indirect_dma source(%dma_start3A_669 : memref<1792x128xf32, #tpu.memory_space<hbm>>) target(%arg36 : memref<128x128xf32, #tpu.memory_space<vmem>>) offsets(%arg35 : memref<128xi32, #tpu.memory_space<vmem>>) semaphore(%arg37 : memref<!tpu.dma_semaphore, #tpu.memory_space<semaphore_mem>>)
      } else {
      }
      %add3A_484 = arith.constant 2 : i32
      %add3A_485 = arith.addi %mul3A_453, %add3A_484 : i32
      %lt3A_486 = arith.constant 64 : i32
      %lt3A_487 = arith.cmpi slt, %add3A_485, %lt3A_486 : i32
      %convert_element_type3A_488 = arith.extui %lt3A_487 : i1 to i32
      %cond3A_489 = arith.constant 0 : i32
      %cond3A_490 = arith.cmpi ne, %convert_element_type3A_488, %cond3A_489 : i32
      scf.if %cond3A_490 {
        %dma_wait3A_547 = arith.constant 0 : i32
        %dma_wait3A_548 = arith.constant 0 : i32
        %dma_wait3A_549 = tpu.memref_slice %arg4[%dma_wait3A_547, %dma_wait3A_548] : memref<1792x128xf32, #tpu.memory_space<hbm>> -> memref<1792x128xf32, #tpu.memory_space<hbm>>
        tpu.wait_indirect_dma semaphore(%arg29 : memref<!tpu.dma_semaphore, #tpu.memory_space<semaphore_mem>>) src(%dma_wait3A_549 : memref<1792x128xf32, #tpu.memory_space<hbm>>) dst(%arg28 : memref<128x128xf32, #tpu.memory_space<vmem>>)
        %dma_start3A_550 = arith.constant 0 : i32
        %dma_start3A_551 = arith.constant 0 : i32
        %dma_start3A_552 = tpu.memref_slice %arg5[%dma_start3A_550, %dma_start3A_551] : memref<28119x128xf32, #tpu.memory_space<hbm>> -> memref<28119x128xf32, #tpu.memory_space<hbm>>
        tpu.enqueue_indirect_dma source(%dma_start3A_552 : memref<28119x128xf32, #tpu.memory_space<hbm>>) target(%arg28 : memref<128x128xf32, #tpu.memory_space<vmem>>) offsets(%arg25 : memref<128xi32, #tpu.memory_space<vmem>>) semaphore(%arg30 : memref<!tpu.dma_semaphore, #tpu.memory_space<semaphore_mem>>) {add = true}
      } else {
      }
      %add3A_491 = arith.constant 1 : i32
      %add3A_492 = arith.addi %mul3A_453, %add3A_491 : i32
      %lt3A_493 = arith.constant 64 : i32
      %lt3A_494 = arith.cmpi slt, %add3A_492, %lt3A_493 : i32
      %convert_element_type3A_495 = arith.extui %lt3A_494 : i1 to i32
      %cond3A_496 = arith.constant 0 : i32
      %cond3A_497 = arith.cmpi ne, %convert_element_type3A_495, %cond3A_496 : i32
      scf.if %cond3A_497 {
        %dma_wait3A_547 = arith.constant 0 : i32
        %dma_wait3A_548 = arith.constant 0 : i32
        %dma_wait3A_549 = tpu.memref_slice %arg5[%dma_wait3A_547, %dma_wait3A_548] : memref<28119x128xf32, #tpu.memory_space<hbm>> -> memref<28119x128xf32, #tpu.memory_space<hbm>>
        tpu.wait_indirect_dma semaphore(%arg22 : memref<!tpu.dma_semaphore, #tpu.memory_space<semaphore_mem>>) src(%dma_wait3A_549 : memref<28119x128xf32, #tpu.memory_space<hbm>>) dst(%arg20 : memref<128x128xf32, #tpu.memory_space<vmem>>)
        %add3A_550 = arith.constant 4 : i32
        %add3A_551 = arith.addi %add3A_492, %add3A_550 : i32
        %lt3A_552 = arith.constant 64 : i32
        %lt3A_553 = arith.cmpi slt, %add3A_551, %lt3A_552 : i32
        %convert_element_type3A_554 = arith.extui %lt3A_553 : i1 to i32
        %cond3A_555 = arith.constant 0 : i32
        %cond3A_556 = arith.cmpi ne, %convert_element_type3A_554, %cond3A_555 : i32
        scf.if %cond3A_556 {
          %add3A_567 = arith.constant 4 : i32
          %add3A_568 = arith.addi %add3A_492, %add3A_567 : i32
          %mul3A_569 = arith.constant 128 : i32
          %mul3A_570 = arith.muli %add3A_568, %mul3A_569 : i32
          %add3A_571 = arith.addi %mul3A_2, %mul3A_570 : i32
          %dma_start3A_572 = tpu.memref_slice %arg2[%add3A_571] : memref<262144xi32, #tpu.memory_space<hbm>> -> memref<128xi32, #tpu.memory_space<hbm>>
          %dma_start3A_573 = tpu.memref_slice %arg2[%add3A_571] : memref<262144xi32, #tpu.memory_space<hbm>> -> memref<128xi32, #tpu.memory_space<hbm>>
          tpu.enqueue_dma source(%dma_start3A_573 : memref<128xi32, #tpu.memory_space<hbm>>) target(%arg17 : memref<128xi32, #tpu.memory_space<vmem>>) target_semaphore(%arg24 : memref<!tpu.dma_semaphore, #tpu.memory_space<semaphore_mem>>)
          %dma_start3A_574 = tpu.memref_slice %arg3[%add3A_571] : memref<262144xi32, #tpu.memory_space<hbm>> -> memref<128xi32, #tpu.memory_space<hbm>>
          %dma_start3A_575 = tpu.memref_slice %arg3[%add3A_571] : memref<262144xi32, #tpu.memory_space<hbm>> -> memref<128xi32, #tpu.memory_space<hbm>>
          tpu.enqueue_dma source(%dma_start3A_575 : memref<128xi32, #tpu.memory_space<hbm>>) target(%arg18 : memref<128xi32, #tpu.memory_space<vmem>>) target_semaphore(%arg24 : memref<!tpu.dma_semaphore, #tpu.memory_space<semaphore_mem>>)
        } else {
        }
        %mul3A_557 = arith.constant 128 : i32
        %mul3A_558 = arith.muli %add3A_492, %mul3A_557 : i32
        %add3A_559 = arith.addi %mul3A_2, %mul3A_558 : i32
        %parallel_loop3A_560 = arith.constant 0 : i32
        %parallel_loop3A_561 = arith.constant 128 : i32
        %parallel_loop3A_562 = arith.constant 1 : i32
        scf.for %parallel_loop3A_567 = %parallel_loop3A_560 to %parallel_loop3A_561 step %parallel_loop3A_562  : i32 {
          %parallel_loop3A_568 = arith.index_cast %parallel_loop3A_567 : i32 to index
          %parallel_loop3A_569 = arith.constant 0 : index
          %parallel_loop3A_570 = tpu.vector_load %arg20[%parallel_loop3A_568, %parallel_loop3A_569] {strides = array<i32>} : memref<128x128xf32, #tpu.memory_space<vmem>>, vector<1x16xf32>,
          %parallel_loop3A_571 = vector.shape_cast %parallel_loop3A_570 : vector<1x16xf32> to vector<16xf32>
          %parallel_loop3A_572 = arith.index_cast %parallel_loop3A_567 : i32 to index
          %parallel_loop3A_573 = arith.constant 16 : index
          %parallel_loop3A_574 = tpu.vector_load %arg20[%parallel_loop3A_572, %parallel_loop3A_573] {strides = array<i32>} : memref<128x128xf32, #tpu.memory_space<vmem>>, vector<1x16xf32>,
          %parallel_loop3A_575 = vector.shape_cast %parallel_loop3A_574 : vector<1x16xf32> to vector<16xf32>
          %parallel_loop3A_576 = arith.index_cast %parallel_loop3A_567 : i32 to index
          %parallel_loop3A_577 = arith.constant 32 : index
          %parallel_loop3A_578 = tpu.vector_load %arg20[%parallel_loop3A_576, %parallel_loop3A_577] {strides = array<i32>} : memref<128x128xf32, #tpu.memory_space<vmem>>, vector<1x16xf32>,
          %parallel_loop3A_579 = vector.shape_cast %parallel_loop3A_578 : vector<1x16xf32> to vector<16xf32>
          %parallel_loop3A_580 = arith.index_cast %parallel_loop3A_567 : i32 to index
          %parallel_loop3A_581 = arith.constant 48 : index
          %parallel_loop3A_582 = tpu.vector_load %arg20[%parallel_loop3A_580, %parallel_loop3A_581] {strides = array<i32>} : memref<128x128xf32, #tpu.memory_space<vmem>>, vector<1x16xf32>,
          %parallel_loop3A_583 = vector.shape_cast %parallel_loop3A_582 : vector<1x16xf32> to vector<16xf32>
          %parallel_loop3A_584 = arith.index_cast %parallel_loop3A_567 : i32 to index
          %parallel_loop3A_585 = arith.constant 64 : index
          %parallel_loop3A_586 = tpu.vector_load %arg20[%parallel_loop3A_584, %parallel_loop3A_585] {strides = array<i32>} : memref<128x128xf32, #tpu.memory_space<vmem>>, vector<1x16xf32>,
          %parallel_loop3A_587 = vector.shape_cast %parallel_loop3A_586 : vector<1x16xf32> to vector<16xf32>
          %parallel_loop3A_588 = arith.index_cast %parallel_loop3A_567 : i32 to index
          %parallel_loop3A_589 = arith.constant 80 : index
          %parallel_loop3A_590 = tpu.vector_load %arg20[%parallel_loop3A_588, %parallel_loop3A_589] {strides = array<i32>} : memref<128x128xf32, #tpu.memory_space<vmem>>, vector<1x16xf32>,
          %parallel_loop3A_591 = vector.shape_cast %parallel_loop3A_590 : vector<1x16xf32> to vector<16xf32>
          %parallel_loop3A_592 = arith.index_cast %parallel_loop3A_567 : i32 to index
          %parallel_loop3A_593 = arith.constant 96 : index
          %parallel_loop3A_594 = tpu.vector_load %arg20[%parallel_loop3A_592, %parallel_loop3A_593] {strides = array<i32>} : memref<128x128xf32, #tpu.memory_space<vmem>>, vector<1x16xf32>,
          %parallel_loop3A_595 = vector.shape_cast %parallel_loop3A_594 : vector<1x16xf32> to vector<16xf32>
          %parallel_loop3A_596 = arith.index_cast %parallel_loop3A_567 : i32 to index
          %parallel_loop3A_597 = arith.constant 112 : index
          %parallel_loop3A_598 = tpu.vector_load %arg20[%parallel_loop3A_596, %parallel_loop3A_597] {strides = array<i32>} : memref<128x128xf32, #tpu.memory_space<vmem>>, vector<1x16xf32>,
          %parallel_loop3A_599 = vector.shape_cast %parallel_loop3A_598 : vector<1x16xf32> to vector<16xf32>
          %parallel_loop3A_600 = arith.addf %parallel_loop3A_571, %parallel_loop3A_575 : vector<16xf32>
          %parallel_loop3A_601 = arith.addf %parallel_loop3A_600, %parallel_loop3A_579 : vector<16xf32>
          %parallel_loop3A_602 = arith.addf %parallel_loop3A_601, %parallel_loop3A_583 : vector<16xf32>
          %parallel_loop3A_603 = arith.addf %parallel_loop3A_602, %parallel_loop3A_587 : vector<16xf32>
          %parallel_loop3A_604 = arith.addf %parallel_loop3A_603, %parallel_loop3A_591 : vector<16xf32>
          %parallel_loop3A_605 = arith.addf %parallel_loop3A_604, %parallel_loop3A_595 : vector<16xf32>
          %parallel_loop3A_606 = arith.addf %parallel_loop3A_605, %parallel_loop3A_599 : vector<16xf32>
          %parallel_loop3A_607 = arith.mulf %parallel_loop3A_571, %parallel_loop3A_571 : vector<16xf32>
          %parallel_loop3A_608 = arith.mulf %parallel_loop3A_575, %parallel_loop3A_575 : vector<16xf32>
          %parallel_loop3A_609 = arith.addf %parallel_loop3A_607, %parallel_loop3A_608 : vector<16xf32>
          %parallel_loop3A_610 = arith.mulf %parallel_loop3A_579, %parallel_loop3A_579 : vector<16xf32>
          %parallel_loop3A_611 = arith.addf %parallel_loop3A_609, %parallel_loop3A_610 : vector<16xf32>
          %parallel_loop3A_612 = arith.mulf %parallel_loop3A_583, %parallel_loop3A_583 : vector<16xf32>
          %parallel_loop3A_613 = arith.addf %parallel_loop3A_611, %parallel_loop3A_612 : vector<16xf32>
          %parallel_loop3A_614 = arith.mulf %parallel_loop3A_587, %parallel_loop3A_587 : vector<16xf32>
          %parallel_loop3A_615 = arith.addf %parallel_loop3A_613, %parallel_loop3A_614 : vector<16xf32>
          %parallel_loop3A_616 = arith.mulf %parallel_loop3A_591, %parallel_loop3A_591 : vector<16xf32>
          %parallel_loop3A_617 = arith.addf %parallel_loop3A_615, %parallel_loop3A_616 : vector<16xf32>
          %parallel_loop3A_618 = arith.mulf %parallel_loop3A_595, %parallel_loop3A_595 : vector<16xf32>
          %parallel_loop3A_619 = arith.addf %parallel_loop3A_617, %parallel_loop3A_618 : vector<16xf32>
          %parallel_loop3A_620 = arith.mulf %parallel_loop3A_599, %parallel_loop3A_599 : vector<16xf32>
          %parallel_loop3A_621 = arith.addf %parallel_loop3A_619, %parallel_loop3A_620 : vector<16xf32>
          %parallel_loop3A_622 = vector.shape_cast %xor3A_51 : vector<16xi32> to vector<16x1xi32>
          %parallel_loop3A_623 = vector.shape_cast %parallel_loop3A_622 : vector<16x1xi32> to vector<16xi32>
          %parallel_loop3A_624 = tpu.dynamic_gather %parallel_loop3A_606[%parallel_loop3A_623] in [0] : vector<16xf32>, vector<16xi32> -> vector<16xf32>
          %parallel_loop3A_625 = arith.addf %parallel_loop3A_606, %parallel_loop3A_624 : vector<16xf32>
          %parallel_loop3A_626 = vector.shape_cast %xor3A_54 : vector<16xi32> to vector<16x1xi32>
          %parallel_loop3A_627 = vector.shape_cast %parallel_loop3A_626 : vector<16x1xi32> to vector<16xi32>
          %parallel_loop3A_628 = tpu.dynamic_gather %parallel_loop3A_625[%parallel_loop3A_627] in [0] : vector<16xf32>, vector<16xi32> -> vector<16xf32>
          %parallel_loop3A_629 = arith.addf %parallel_loop3A_625, %parallel_loop3A_628 : vector<16xf32>
          %parallel_loop3A_630 = vector.shape_cast %xor3A_57 : vector<16xi32> to vector<16x1xi32>
          %parallel_loop3A_631 = vector.shape_cast %parallel_loop3A_630 : vector<16x1xi32> to vector<16xi32>
          %parallel_loop3A_632 = tpu.dynamic_gather %parallel_loop3A_629[%parallel_loop3A_631] in [0] : vector<16xf32>, vector<16xi32> -> vector<16xf32>
          %parallel_loop3A_633 = arith.addf %parallel_loop3A_629, %parallel_loop3A_632 : vector<16xf32>
          %parallel_loop3A_634 = vector.shape_cast %xor3A_60 : vector<16xi32> to vector<16x1xi32>
          %parallel_loop3A_635 = vector.shape_cast %parallel_loop3A_634 : vector<16x1xi32> to vector<16xi32>
          %parallel_loop3A_636 = tpu.dynamic_gather %parallel_loop3A_633[%parallel_loop3A_635] in [0] : vector<16xf32>, vector<16xi32> -> vector<16xf32>
          %parallel_loop3A_637 = arith.addf %parallel_loop3A_633, %parallel_loop3A_636 : vector<16xf32>
          %parallel_loop3A_638 = vector.broadcast %scan3A_429 : f32 to vector<16xf32>
          %parallel_loop3A_639 = arith.mulf %parallel_loop3A_637, %parallel_loop3A_638 : vector<16xf32>
          %parallel_loop3A_640 = vector.shape_cast %xor3A_51 : vector<16xi32> to vector<16x1xi32>
          %parallel_loop3A_641 = vector.shape_cast %parallel_loop3A_640 : vector<16x1xi32> to vector<16xi32>
          %parallel_loop3A_642 = tpu.dynamic_gather %parallel_loop3A_621[%parallel_loop3A_641] in [0] : vector<16xf32>, vector<16xi32> -> vector<16xf32>
          %parallel_loop3A_643 = arith.addf %parallel_loop3A_621, %parallel_loop3A_642 : vector<16xf32>
          %parallel_loop3A_644 = vector.shape_cast %xor3A_54 : vector<16xi32> to vector<16x1xi32>
          %parallel_loop3A_645 = vector.shape_cast %parallel_loop3A_644 : vector<16x1xi32> to vector<16xi32>
          %parallel_loop3A_646 = tpu.dynamic_gather %parallel_loop3A_643[%parallel_loop3A_645] in [0] : vector<16xf32>, vector<16xi32> -> vector<16xf32>
          %parallel_loop3A_647 = arith.addf %parallel_loop3A_643, %parallel_loop3A_646 : vector<16xf32>
          %parallel_loop3A_648 = vector.shape_cast %xor3A_57 : vector<16xi32> to vector<16x1xi32>
          %parallel_loop3A_649 = vector.shape_cast %parallel_loop3A_648 : vector<16x1xi32> to vector<16xi32>
          %parallel_loop3A_650 = tpu.dynamic_gather %parallel_loop3A_647[%parallel_loop3A_649] in [0] : vector<16xf32>, vector<16xi32> -> vector<16xf32>
          %parallel_loop3A_651 = arith.addf %parallel_loop3A_647, %parallel_loop3A_650 : vector<16xf32>
          %parallel_loop3A_652 = vector.shape_cast %xor3A_60 : vector<16xi32> to vector<16x1xi32>
          %parallel_loop3A_653 = vector.shape_cast %parallel_loop3A_652 : vector<16x1xi32> to vector<16xi32>
          %parallel_loop3A_654 = tpu.dynamic_gather %parallel_loop3A_651[%parallel_loop3A_653] in [0] : vector<16xf32>, vector<16xi32> -> vector<16xf32>
          %parallel_loop3A_655 = arith.addf %parallel_loop3A_651, %parallel_loop3A_654 : vector<16xf32>
          %parallel_loop3A_656 = vector.broadcast %scan3A_429 : f32 to vector<16xf32>
          %parallel_loop3A_657 = arith.mulf %parallel_loop3A_655, %parallel_loop3A_656 : vector<16xf32>
          %parallel_loop3A_658 = arith.mulf %parallel_loop3A_639, %parallel_loop3A_639 : vector<16xf32>
          %parallel_loop3A_659 = arith.subf %parallel_loop3A_657, %parallel_loop3A_658 : vector<16xf32>
          %parallel_loop3A_660 = arith.constant 9.99999996E-13 : f32
          %parallel_loop3A_661 = vector.broadcast %parallel_loop3A_660 : f32 to vector<16xf32>
          %parallel_loop3A_662 = arith.addf %parallel_loop3A_659, %parallel_loop3A_661 : vector<16xf32>
          %parallel_loop3A_663 = tpu.bitcast %parallel_loop3A_662 : vector<16xf32> -> vector<16xi32>
          %parallel_loop3A_664 = arith.constant 1 : i32
          %parallel_loop3A_665 = vector.broadcast %parallel_loop3A_664 : i32 to vector<16xi32>
          %parallel_loop3A_666 = arith.shrui %parallel_loop3A_663, %parallel_loop3A_665 : vector<16xi32>
          %parallel_loop3A_667 = arith.constant 1597463007 : i32
          %parallel_loop3A_668 = vector.broadcast %parallel_loop3A_667 : i32 to vector<16xi32>
          %parallel_loop3A_669 = arith.subi %parallel_loop3A_668, %parallel_loop3A_666 : vector<16xi32>
          %parallel_loop3A_670 = tpu.bitcast %parallel_loop3A_669 : vector<16xi32> -> vector<16xf32>
          %parallel_loop3A_671 = arith.constant 5.000000e-01 : f32
          %parallel_loop3A_672 = vector.broadcast %parallel_loop3A_671 : f32 to vector<16xf32>
          %parallel_loop3A_673 = arith.mulf %parallel_loop3A_662, %parallel_loop3A_672 : vector<16xf32>
          %parallel_loop3A_674 = arith.mulf %parallel_loop3A_673, %parallel_loop3A_670 : vector<16xf32>
          %parallel_loop3A_675 = arith.mulf %parallel_loop3A_674, %parallel_loop3A_670 : vector<16xf32>
          %parallel_loop3A_676 = arith.constant 1.500000e+00 : f32
          %parallel_loop3A_677 = vector.broadcast %parallel_loop3A_676 : f32 to vector<16xf32>
          %parallel_loop3A_678 = arith.subf %parallel_loop3A_677, %parallel_loop3A_675 : vector<16xf32>
          %parallel_loop3A_679 = arith.mulf %parallel_loop3A_670, %parallel_loop3A_678 : vector<16xf32>
          %parallel_loop3A_680 = arith.mulf %parallel_loop3A_673, %parallel_loop3A_679 : vector<16xf32>
          %parallel_loop3A_681 = arith.mulf %parallel_loop3A_680, %parallel_loop3A_679 : vector<16xf32>
          %parallel_loop3A_682 = arith.constant 1.500000e+00 : f32
          %parallel_loop3A_683 = vector.broadcast %parallel_loop3A_682 : f32 to vector<16xf32>
          %parallel_loop3A_684 = arith.subf %parallel_loop3A_683, %parallel_loop3A_681 : vector<16xf32>
          %parallel_loop3A_685 = arith.mulf %parallel_loop3A_679, %parallel_loop3A_684 : vector<16xf32>
          %parallel_loop3A_686 = arith.mulf %parallel_loop3A_639, %parallel_loop3A_685 : vector<16xf32>
          %parallel_loop3A_687 = arith.mulf %parallel_loop3A_571, %parallel_loop3A_685 : vector<16xf32>
          %parallel_loop3A_688 = arith.subf %parallel_loop3A_687, %parallel_loop3A_686 : vector<16xf32>
          %parallel_loop3A_689 = arith.mulf %parallel_loop3A_688, %get3A_4 : vector<16xf32>
          %parallel_loop3A_690 = arith.addf %parallel_loop3A_689, %get3A_28 : vector<16xf32>
          %parallel_loop3A_691 = arith.index_cast %parallel_loop3A_567 : i32 to index
          %parallel_loop3A_692 = arith.constant 0 : index
          %parallel_loop3A_693 = tpu.vector_load %arg20[%parallel_loop3A_691, %parallel_loop3A_692] {strides = array<i32>} : memref<128x128xf32, #tpu.memory_space<vmem>>, vector<1x16xf32>,
          %parallel_loop3A_694 = vector.shape_cast %parallel_loop3A_693 : vector<1x16xf32> to vector<16xf32>
          %parallel_loop3A_695 = vector.shape_cast %parallel_loop3A_690 : vector<16xf32> to vector<1x16xf32>
          tpu.vector_store %arg20[%parallel_loop3A_691, %parallel_loop3A_692], %parallel_loop3A_695 {strides = array<i32>} : memref<128x128xf32, #tpu.memory_space<vmem>>, vector<1x16xf32>,
          %parallel_loop3A_696 = arith.mulf %parallel_loop3A_575, %parallel_loop3A_685 : vector<16xf32>
          %parallel_loop3A_697 = arith.subf %parallel_loop3A_696, %parallel_loop3A_686 : vector<16xf32>
          %parallel_loop3A_698 = arith.mulf %parallel_loop3A_697, %get3A_7 : vector<16xf32>
          %parallel_loop3A_699 = arith.addf %parallel_loop3A_698, %get3A_31 : vector<16xf32>
          %parallel_loop3A_700 = arith.index_cast %parallel_loop3A_567 : i32 to index
          %parallel_loop3A_701 = arith.constant 16 : index
          %parallel_loop3A_702 = tpu.vector_load %arg20[%parallel_loop3A_700, %parallel_loop3A_701] {strides = array<i32>} : memref<128x128xf32, #tpu.memory_space<vmem>>, vector<1x16xf32>,
          %parallel_loop3A_703 = vector.shape_cast %parallel_loop3A_702 : vector<1x16xf32> to vector<16xf32>
          %parallel_loop3A_704 = vector.shape_cast %parallel_loop3A_699 : vector<16xf32> to vector<1x16xf32>
          tpu.vector_store %arg20[%parallel_loop3A_700, %parallel_loop3A_701], %parallel_loop3A_704 {strides = array<i32>} : memref<128x128xf32, #tpu.memory_space<vmem>>, vector<1x16xf32>,
          %parallel_loop3A_705 = arith.mulf %parallel_loop3A_579, %parallel_loop3A_685 : vector<16xf32>
          %parallel_loop3A_706 = arith.subf %parallel_loop3A_705, %parallel_loop3A_686 : vector<16xf32>
          %parallel_loop3A_707 = arith.mulf %parallel_loop3A_706, %get3A_10 : vector<16xf32>
          %parallel_loop3A_708 = arith.addf %parallel_loop3A_707, %get3A_34 : vector<16xf32>
          %parallel_loop3A_709 = arith.index_cast %parallel_loop3A_567 : i32 to index
          %parallel_loop3A_710 = arith.constant 32 : index
          %parallel_loop3A_711 = tpu.vector_load %arg20[%parallel_loop3A_709, %parallel_loop3A_710] {strides = array<i32>} : memref<128x128xf32, #tpu.memory_space<vmem>>, vector<1x16xf32>,
          %parallel_loop3A_712 = vector.shape_cast %parallel_loop3A_711 : vector<1x16xf32> to vector<16xf32>
          %parallel_loop3A_713 = vector.shape_cast %parallel_loop3A_708 : vector<16xf32> to vector<1x16xf32>
          tpu.vector_store %arg20[%parallel_loop3A_709, %parallel_loop3A_710], %parallel_loop3A_713 {strides = array<i32>} : memref<128x128xf32, #tpu.memory_space<vmem>>, vector<1x16xf32>,
          %parallel_loop3A_714 = arith.mulf %parallel_loop3A_583, %parallel_loop3A_685 : vector<16xf32>
          %parallel_loop3A_715 = arith.subf %parallel_loop3A_714, %parallel_loop3A_686 : vector<16xf32>
          %parallel_loop3A_716 = arith.mulf %parallel_loop3A_715, %get3A_13 : vector<16xf32>
          %parallel_loop3A_717 = arith.addf %parallel_loop3A_716, %get3A_37 : vector<16xf32>
          %parallel_loop3A_718 = arith.index_cast %parallel_loop3A_567 : i32 to index
          %parallel_loop3A_719 = arith.constant 48 : index
          %parallel_loop3A_720 = tpu.vector_load %arg20[%parallel_loop3A_718, %parallel_loop3A_719] {strides = array<i32>} : memref<128x128xf32, #tpu.memory_space<vmem>>, vector<1x16xf32>,
          %parallel_loop3A_721 = vector.shape_cast %parallel_loop3A_720 : vector<1x16xf32> to vector<16xf32>
          %parallel_loop3A_722 = vector.shape_cast %parallel_loop3A_717 : vector<16xf32> to vector<1x16xf32>
          tpu.vector_store %arg20[%parallel_loop3A_718, %parallel_loop3A_719], %parallel_loop3A_722 {strides = array<i32>} : memref<128x128xf32, #tpu.memory_space<vmem>>, vector<1x16xf32>,
          %parallel_loop3A_723 = arith.mulf %parallel_loop3A_587, %parallel_loop3A_685 : vector<16xf32>
          %parallel_loop3A_724 = arith.subf %parallel_loop3A_723, %parallel_loop3A_686 : vector<16xf32>
          %parallel_loop3A_725 = arith.mulf %parallel_loop3A_724, %get3A_16 : vector<16xf32>
          %parallel_loop3A_726 = arith.addf %parallel_loop3A_725, %get3A_40 : vector<16xf32>
          %parallel_loop3A_727 = arith.index_cast %parallel_loop3A_567 : i32 to index
          %parallel_loop3A_728 = arith.constant 64 : index
          %parallel_loop3A_729 = tpu.vector_load %arg20[%parallel_loop3A_727, %parallel_loop3A_728] {strides = array<i32>} : memref<128x128xf32, #tpu.memory_space<vmem>>, vector<1x16xf32>,
          %parallel_loop3A_730 = vector.shape_cast %parallel_loop3A_729 : vector<1x16xf32> to vector<16xf32>
          %parallel_loop3A_731 = vector.shape_cast %parallel_loop3A_726 : vector<16xf32> to vector<1x16xf32>
          tpu.vector_store %arg20[%parallel_loop3A_727, %parallel_loop3A_728], %parallel_loop3A_731 {strides = array<i32>} : memref<128x128xf32, #tpu.memory_space<vmem>>, vector<1x16xf32>,
          %parallel_loop3A_732 = arith.mulf %parallel_loop3A_591, %parallel_loop3A_685 : vector<16xf32>
          %parallel_loop3A_733 = arith.subf %parallel_loop3A_732, %parallel_loop3A_686 : vector<16xf32>
          %parallel_loop3A_734 = arith.mulf %parallel_loop3A_733, %get3A_19 : vector<16xf32>
          %parallel_loop3A_735 = arith.addf %parallel_loop3A_734, %get3A_43 : vector<16xf32>
          %parallel_loop3A_736 = arith.index_cast %parallel_loop3A_567 : i32 to index
          %parallel_loop3A_737 = arith.constant 80 : index
          %parallel_loop3A_738 = tpu.vector_load %arg20[%parallel_loop3A_736, %parallel_loop3A_737] {strides = array<i32>} : memref<128x128xf32, #tpu.memory_space<vmem>>, vector<1x16xf32>,
          %parallel_loop3A_739 = vector.shape_cast %parallel_loop3A_738 : vector<1x16xf32> to vector<16xf32>
          %parallel_loop3A_740 = vector.shape_cast %parallel_loop3A_735 : vector<16xf32> to vector<1x16xf32>
          tpu.vector_store %arg20[%parallel_loop3A_736, %parallel_loop3A_737], %parallel_loop3A_740 {strides = array<i32>} : memref<128x128xf32, #tpu.memory_space<vmem>>, vector<1x16xf32>,
          %parallel_loop3A_741 = arith.mulf %parallel_loop3A_595, %parallel_loop3A_685 : vector<16xf32>
          %parallel_loop3A_742 = arith.subf %parallel_loop3A_741, %parallel_loop3A_686 : vector<16xf32>
          %parallel_loop3A_743 = arith.mulf %parallel_loop3A_742, %get3A_22 : vector<16xf32>
          %parallel_loop3A_744 = arith.addf %parallel_loop3A_743, %get3A_46 : vector<16xf32>
          %parallel_loop3A_745 = arith.index_cast %parallel_loop3A_567 : i32 to index
          %parallel_loop3A_746 = arith.constant 96 : index
          %parallel_loop3A_747 = tpu.vector_load %arg20[%parallel_loop3A_745, %parallel_loop3A_746] {strides = array<i32>} : memref<128x128xf32, #tpu.memory_space<vmem>>, vector<1x16xf32>,
          %parallel_loop3A_748 = vector.shape_cast %parallel_loop3A_747 : vector<1x16xf32> to vector<16xf32>
          %parallel_loop3A_749 = vector.shape_cast %parallel_loop3A_744 : vector<16xf32> to vector<1x16xf32>
          tpu.vector_store %arg20[%parallel_loop3A_745, %parallel_loop3A_746], %parallel_loop3A_749 {strides = array<i32>} : memref<128x128xf32, #tpu.memory_space<vmem>>, vector<1x16xf32>,
          %parallel_loop3A_750 = arith.mulf %parallel_loop3A_599, %parallel_loop3A_685 : vector<16xf32>
          %parallel_loop3A_751 = arith.subf %parallel_loop3A_750, %parallel_loop3A_686 : vector<16xf32>
          %parallel_loop3A_752 = arith.mulf %parallel_loop3A_751, %get3A_25 : vector<16xf32>
          %parallel_loop3A_753 = arith.addf %parallel_loop3A_752, %get3A_49 : vector<16xf32>
          %parallel_loop3A_754 = arith.index_cast %parallel_loop3A_567 : i32 to index
          %parallel_loop3A_755 = arith.constant 112 : index
          %parallel_loop3A_756 = tpu.vector_load %arg20[%parallel_loop3A_754, %parallel_loop3A_755] {strides = array<i32>} : memref<128x128xf32, #tpu.memory_space<vmem>>, vector<1x16xf32>,
          %parallel_loop3A_757 = vector.shape_cast %parallel_loop3A_756 : vector<1x16xf32> to vector<16xf32>
          %parallel_loop3A_758 = vector.shape_cast %parallel_loop3A_753 : vector<16xf32> to vector<1x16xf32>
          tpu.vector_store %arg20[%parallel_loop3A_754, %parallel_loop3A_755], %parallel_loop3A_758 {strides = array<i32>} : memref<128x128xf32, #tpu.memory_space<vmem>>, vector<1x16xf32>,
        } {sc.loop_unroll_factor = 5 : i64, sc.parallel_access}
        %dma_start3A_563 = arith.constant 0 : i32
        %dma_start3A_564 = tpu.memref_slice %arg8[%add3A_559, %dma_start3A_563] : memref<262144x128xf32, #tpu.memory_space<hbm>> -> memref<128x128xf32, #tpu.memory_space<hbm>>
        %dma_start3A_565 = arith.constant 0 : i32
        %dma_start3A_566 = tpu.memref_slice %arg8[%add3A_559, %dma_start3A_565] : memref<262144x128xf32, #tpu.memory_space<hbm>> -> memref<128x128xf32, #tpu.memory_space<hbm>>
        tpu.enqueue_dma source(%arg20 : memref<128x128xf32, #tpu.memory_space<vmem>>) target(%dma_start3A_566 : memref<128x128xf32, #tpu.memory_space<hbm>>) target_semaphore(%arg23 : memref<!tpu.dma_semaphore, #tpu.memory_space<semaphore_mem>>)
      } else {
      }
      %add3A_498 = arith.constant 4 : i32
      %add3A_499 = arith.addi %mul3A_453, %add3A_498 : i32
      %lt3A_500 = arith.constant 64 : i32
      %lt3A_501 = arith.cmpi slt, %add3A_499, %lt3A_500 : i32
      %convert_element_type3A_502 = arith.extui %lt3A_501 : i1 to i32
      %cond3A_503 = arith.constant 0 : i32
      %cond3A_504 = arith.cmpi ne, %convert_element_type3A_502, %cond3A_503 : i32
      scf.if %cond3A_504 {
        %ge3A = arith.constant 4 : i32
        %ge3A_547 = arith.cmpi sge, %add3A_499, %ge3A : i32
        %convert_element_type3A_548 = arith.extui %ge3A_547 : i1 to i32
        %cond3A_549 = arith.constant 0 : i32
        %cond3A_550 = arith.cmpi ne, %convert_element_type3A_548, %cond3A_549 : i32
        scf.if %cond3A_550 {
          %dma_wait3A_670 = arith.constant 0 : i32
          %dma_wait3A_671 = tpu.memref_slice %arg8[%mul3A_2, %dma_wait3A_670] : memref<262144x128xf32, #tpu.memory_space<hbm>> -> memref<128x128xf32, #tpu.memory_space<hbm>>
          %dma_wait3A_672 = arith.constant 0 : i32
          %dma_wait3A_673 = tpu.memref_slice %arg8[%mul3A_2, %dma_wait3A_672] : memref<262144x128xf32, #tpu.memory_space<hbm>> -> memref<128x128xf32, #tpu.memory_space<hbm>>
          tpu.wait_dma2 semaphore(%arg15 : memref<!tpu.dma_semaphore, #tpu.memory_space<semaphore_mem>>) src(%arg12 : memref<128x128xf32, #tpu.memory_space<vmem>>) dst(%dma_wait3A_673 : memref<128x128xf32, #tpu.memory_space<hbm>>)
        } else {
        }
        %dma_wait3A_551 = tpu.memref_slice %arg2[%mul3A_2] : memref<262144xi32, #tpu.memory_space<hbm>> -> memref<128xi32, #tpu.memory_space<hbm>>
        %dma_wait3A_552 = tpu.memref_slice %arg2[%mul3A_2] : memref<262144xi32, #tpu.memory_space<hbm>> -> memref<128xi32, #tpu.memory_space<hbm>>
        tpu.wait_dma2 semaphore(%arg16 : memref<!tpu.dma_semaphore, #tpu.memory_space<semaphore_mem>>) src(%dma_wait3A_552 : memref<128xi32, #tpu.memory_space<hbm>>) dst(%arg9 : memref<128xi32, #tpu.memory_space<vmem>>)
        %dma_wait3A_553 = tpu.memref_slice %arg3[%mul3A_2] : memref<262144xi32, #tpu.memory_space<hbm>> -> memref<128xi32, #tpu.memory_space<hbm>>
        %dma_wait3A_554 = tpu.memref_slice %arg3[%mul3A_2] : memref<262144xi32, #tpu.memory_space<hbm>> -> memref<128xi32, #tpu.memory_space<hbm>>
        tpu.wait_dma2 semaphore(%arg16 : memref<!tpu.dma_semaphore, #tpu.memory_space<semaphore_mem>>) src(%dma_wait3A_554 : memref<128xi32, #tpu.memory_space<hbm>>) dst(%arg10 : memref<128xi32, #tpu.memory_space<vmem>>)
        %get3A_555 = arith.constant 0 : index
        %get3A_556 = tpu.vector_load %arg10[%get3A_555] {strides = array<i32>} : memref<128xi32, #tpu.memory_space<vmem>>, vector<16xi32>,
        %get3A_557 = vector.shape_cast %get3A_556 : vector<16xi32> to vector<16xi32>
        %mul3A_558 = arith.constant 128 : i32
        %mul3A_559 = vector.broadcast %mul3A_558 : i32 to vector<16xi32>
        %mul3A_560 = arith.muli %get3A_557, %mul3A_559 : vector<16xi32>
        %add3A_561 = arith.constant 0 : i32
        %add3A_562 = vector.broadcast %add3A_561 : i32 to vector<16xi32>
        %add3A_563 = arith.addi %iota3A, %add3A_562 : vector<16xi32>
        %add3A_564 = arith.addi %mul3A_560, %add3A_563 : vector<16xi32>
        %swap3A_565 = arith.constant 0 : index
        %swap3A_566 = tpu.vector_load %arg11[%swap3A_565] {strides = array<i32>} : memref<128xi32, #tpu.memory_space<vmem>>, vector<16xi32>,
        %swap3A_567 = vector.shape_cast %swap3A_566 : vector<16xi32> to vector<16xi32>
        %swap3A_568 = vector.shape_cast %add3A_564 : vector<16xi32> to vector<16xi32>
        tpu.vector_store %arg11[%swap3A_565], %swap3A_568 {strides = array<i32>} : memref<128xi32, #tpu.memory_space<vmem>>, vector<16xi32>,
        %get3A_569 = arith.constant 16 : index
        %get3A_570 = tpu.vector_load %arg10[%get3A_569] {strides = array<i32>} : memref<128xi32, #tpu.memory_space<vmem>>, vector<16xi32>,
        %get3A_571 = vector.shape_cast %get3A_570 : vector<16xi32> to vector<16xi32>
        %mul3A_572 = arith.constant 128 : i32
        %mul3A_573 = vector.broadcast %mul3A_572 : i32 to vector<16xi32>
        %mul3A_574 = arith.muli %get3A_571, %mul3A_573 : vector<16xi32>
        %add3A_575 = arith.constant 16 : i32
        %add3A_576 = vector.broadcast %add3A_575 : i32 to vector<16xi32>
        %add3A_577 = arith.addi %iota3A, %add3A_576 : vector<16xi32>
        %add3A_578 = arith.addi %mul3A_574, %add3A_577 : vector<16xi32>
        %swap3A_579 = arith.constant 16 : index
        %swap3A_580 = tpu.vector_load %arg11[%swap3A_579] {strides = array<i32>} : memref<128xi32, #tpu.memory_space<vmem>>, vector<16xi32>,
        %swap3A_581 = vector.shape_cast %swap3A_580 : vector<16xi32> to vector<16xi32>
        %swap3A_582 = vector.shape_cast %add3A_578 : vector<16xi32> to vector<16xi32>
        tpu.vector_store %arg11[%swap3A_579], %swap3A_582 {strides = array<i32>} : memref<128xi32, #tpu.memory_space<vmem>>, vector<16xi32>,
        %get3A_583 = arith.constant 32 : index
        %get3A_584 = tpu.vector_load %arg10[%get3A_583] {strides = array<i32>} : memref<128xi32, #tpu.memory_space<vmem>>, vector<16xi32>,
        %get3A_585 = vector.shape_cast %get3A_584 : vector<16xi32> to vector<16xi32>
        %mul3A_586 = arith.constant 128 : i32
        %mul3A_587 = vector.broadcast %mul3A_586 : i32 to vector<16xi32>
        %mul3A_588 = arith.muli %get3A_585, %mul3A_587 : vector<16xi32>
        %add3A_589 = arith.constant 32 : i32
        %add3A_590 = vector.broadcast %add3A_589 : i32 to vector<16xi32>
        %add3A_591 = arith.addi %iota3A, %add3A_590 : vector<16xi32>
        %add3A_592 = arith.addi %mul3A_588, %add3A_591 : vector<16xi32>
        %swap3A_593 = arith.constant 32 : index
        %swap3A_594 = tpu.vector_load %arg11[%swap3A_593] {strides = array<i32>} : memref<128xi32, #tpu.memory_space<vmem>>, vector<16xi32>,
        %swap3A_595 = vector.shape_cast %swap3A_594 : vector<16xi32> to vector<16xi32>
        %swap3A_596 = vector.shape_cast %add3A_592 : vector<16xi32> to vector<16xi32>
        tpu.vector_store %arg11[%swap3A_593], %swap3A_596 {strides = array<i32>} : memref<128xi32, #tpu.memory_space<vmem>>, vector<16xi32>,
        %get3A_597 = arith.constant 48 : index
        %get3A_598 = tpu.vector_load %arg10[%get3A_597] {strides = array<i32>} : memref<128xi32, #tpu.memory_space<vmem>>, vector<16xi32>,
        %get3A_599 = vector.shape_cast %get3A_598 : vector<16xi32> to vector<16xi32>
        %mul3A_600 = arith.constant 128 : i32
        %mul3A_601 = vector.broadcast %mul3A_600 : i32 to vector<16xi32>
        %mul3A_602 = arith.muli %get3A_599, %mul3A_601 : vector<16xi32>
        %add3A_603 = arith.constant 48 : i32
        %add3A_604 = vector.broadcast %add3A_603 : i32 to vector<16xi32>
        %add3A_605 = arith.addi %iota3A, %add3A_604 : vector<16xi32>
        %add3A_606 = arith.addi %mul3A_602, %add3A_605 : vector<16xi32>
        %swap3A_607 = arith.constant 48 : index
        %swap3A_608 = tpu.vector_load %arg11[%swap3A_607] {strides = array<i32>} : memref<128xi32, #tpu.memory_space<vmem>>, vector<16xi32>,
        %swap3A_609 = vector.shape_cast %swap3A_608 : vector<16xi32> to vector<16xi32>
        %swap3A_610 = vector.shape_cast %add3A_606 : vector<16xi32> to vector<16xi32>
        tpu.vector_store %arg11[%swap3A_607], %swap3A_610 {strides = array<i32>} : memref<128xi32, #tpu.memory_space<vmem>>, vector<16xi32>,
        %get3A_611 = arith.constant 64 : index
        %get3A_612 = tpu.vector_load %arg10[%get3A_611] {strides = array<i32>} : memref<128xi32, #tpu.memory_space<vmem>>, vector<16xi32>,
        %get3A_613 = vector.shape_cast %get3A_612 : vector<16xi32> to vector<16xi32>
        %mul3A_614 = arith.constant 128 : i32
        %mul3A_615 = vector.broadcast %mul3A_614 : i32 to vector<16xi32>
        %mul3A_616 = arith.muli %get3A_613, %mul3A_615 : vector<16xi32>
        %add3A_617 = arith.constant 64 : i32
        %add3A_618 = vector.broadcast %add3A_617 : i32 to vector<16xi32>
        %add3A_619 = arith.addi %iota3A, %add3A_618 : vector<16xi32>
        %add3A_620 = arith.addi %mul3A_616, %add3A_619 : vector<16xi32>
        %swap3A_621 = arith.constant 64 : index
        %swap3A_622 = tpu.vector_load %arg11[%swap3A_621] {strides = array<i32>} : memref<128xi32, #tpu.memory_space<vmem>>, vector<16xi32>,
        %swap3A_623 = vector.shape_cast %swap3A_622 : vector<16xi32> to vector<16xi32>
        %swap3A_624 = vector.shape_cast %add3A_620 : vector<16xi32> to vector<16xi32>
        tpu.vector_store %arg11[%swap3A_621], %swap3A_624 {strides = array<i32>} : memref<128xi32, #tpu.memory_space<vmem>>, vector<16xi32>,
        %get3A_625 = arith.constant 80 : index
        %get3A_626 = tpu.vector_load %arg10[%get3A_625] {strides = array<i32>} : memref<128xi32, #tpu.memory_space<vmem>>, vector<16xi32>,
        %get3A_627 = vector.shape_cast %get3A_626 : vector<16xi32> to vector<16xi32>
        %mul3A_628 = arith.constant 128 : i32
        %mul3A_629 = vector.broadcast %mul3A_628 : i32 to vector<16xi32>
        %mul3A_630 = arith.muli %get3A_627, %mul3A_629 : vector<16xi32>
        %add3A_631 = arith.constant 80 : i32
        %add3A_632 = vector.broadcast %add3A_631 : i32 to vector<16xi32>
        %add3A_633 = arith.addi %iota3A, %add3A_632 : vector<16xi32>
        %add3A_634 = arith.addi %mul3A_630, %add3A_633 : vector<16xi32>
        %swap3A_635 = arith.constant 80 : index
        %swap3A_636 = tpu.vector_load %arg11[%swap3A_635] {strides = array<i32>} : memref<128xi32, #tpu.memory_space<vmem>>, vector<16xi32>,
        %swap3A_637 = vector.shape_cast %swap3A_636 : vector<16xi32> to vector<16xi32>
        %swap3A_638 = vector.shape_cast %add3A_634 : vector<16xi32> to vector<16xi32>
        tpu.vector_store %arg11[%swap3A_635], %swap3A_638 {strides = array<i32>} : memref<128xi32, #tpu.memory_space<vmem>>, vector<16xi32>,
        %get3A_639 = arith.constant 96 : index
        %get3A_640 = tpu.vector_load %arg10[%get3A_639] {strides = array<i32>} : memref<128xi32, #tpu.memory_space<vmem>>, vector<16xi32>,
        %get3A_641 = vector.shape_cast %get3A_640 : vector<16xi32> to vector<16xi32>
        %mul3A_642 = arith.constant 128 : i32
        %mul3A_643 = vector.broadcast %mul3A_642 : i32 to vector<16xi32>
        %mul3A_644 = arith.muli %get3A_641, %mul3A_643 : vector<16xi32>
        %add3A_645 = arith.constant 96 : i32
        %add3A_646 = vector.broadcast %add3A_645 : i32 to vector<16xi32>
        %add3A_647 = arith.addi %iota3A, %add3A_646 : vector<16xi32>
        %add3A_648 = arith.addi %mul3A_644, %add3A_647 : vector<16xi32>
        %swap3A_649 = arith.constant 96 : index
        %swap3A_650 = tpu.vector_load %arg11[%swap3A_649] {strides = array<i32>} : memref<128xi32, #tpu.memory_space<vmem>>, vector<16xi32>,
        %swap3A_651 = vector.shape_cast %swap3A_650 : vector<16xi32> to vector<16xi32>
        %swap3A_652 = vector.shape_cast %add3A_648 : vector<16xi32> to vector<16xi32>
        tpu.vector_store %arg11[%swap3A_649], %swap3A_652 {strides = array<i32>} : memref<128xi32, #tpu.memory_space<vmem>>, vector<16xi32>,
        %get3A_653 = arith.constant 112 : index
        %get3A_654 = tpu.vector_load %arg10[%get3A_653] {strides = array<i32>} : memref<128xi32, #tpu.memory_space<vmem>>, vector<16xi32>,
        %get3A_655 = vector.shape_cast %get3A_654 : vector<16xi32> to vector<16xi32>
        %mul3A_656 = arith.constant 128 : i32
        %mul3A_657 = vector.broadcast %mul3A_656 : i32 to vector<16xi32>
        %mul3A_658 = arith.muli %get3A_655, %mul3A_657 : vector<16xi32>
        %add3A_659 = arith.constant 112 : i32
        %add3A_660 = vector.broadcast %add3A_659 : i32 to vector<16xi32>
        %add3A_661 = arith.addi %iota3A, %add3A_660 : vector<16xi32>
        %add3A_662 = arith.addi %mul3A_658, %add3A_661 : vector<16xi32>
        %swap3A_663 = arith.constant 112 : index
        %swap3A_664 = tpu.vector_load %arg11[%swap3A_663] {strides = array<i32>} : memref<128xi32, #tpu.memory_space<vmem>>, vector<16xi32>,
        %swap3A_665 = vector.shape_cast %swap3A_664 : vector<16xi32> to vector<16xi32>
        %swap3A_666 = vector.shape_cast %add3A_662 : vector<16xi32> to vector<16xi32>
        tpu.vector_store %arg11[%swap3A_663], %swap3A_666 {strides = array<i32>} : memref<128xi32, #tpu.memory_space<vmem>>, vector<16xi32>,
        %dma_start3A_667 = arith.constant 0 : i32
        %dma_start3A_668 = arith.constant 0 : i32
        %dma_start3A_669 = tpu.memref_slice %arg4[%dma_start3A_667, %dma_start3A_668] : memref<1792x128xf32, #tpu.memory_space<hbm>> -> memref<1792x128xf32, #tpu.memory_space<hbm>>
        tpu.enqueue_indirect_dma source(%dma_start3A_669 : memref<1792x128xf32, #tpu.memory_space<hbm>>) target(%arg12 : memref<128x128xf32, #tpu.memory_space<vmem>>) offsets(%arg11 : memref<128xi32, #tpu.memory_space<vmem>>) semaphore(%arg13 : memref<!tpu.dma_semaphore, #tpu.memory_space<semaphore_mem>>)
      } else {
      }
      %add3A_505 = arith.constant 3 : i32
      %add3A_506 = arith.addi %mul3A_453, %add3A_505 : i32
      %lt3A_507 = arith.constant 64 : i32
      %lt3A_508 = arith.cmpi slt, %add3A_506, %lt3A_507 : i32
      %convert_element_type3A_509 = arith.extui %lt3A_508 : i1 to i32
      %cond3A_510 = arith.constant 0 : i32
      %cond3A_511 = arith.cmpi ne, %convert_element_type3A_509, %cond3A_510 : i32
      scf.if %cond3A_511 {
        %dma_wait3A_547 = arith.constant 0 : i32
        %dma_wait3A_548 = arith.constant 0 : i32
        %dma_wait3A_549 = tpu.memref_slice %arg4[%dma_wait3A_547, %dma_wait3A_548] : memref<1792x128xf32, #tpu.memory_space<hbm>> -> memref<1792x128xf32, #tpu.memory_space<hbm>>
        tpu.wait_indirect_dma semaphore(%arg37 : memref<!tpu.dma_semaphore, #tpu.memory_space<semaphore_mem>>) src(%dma_wait3A_549 : memref<1792x128xf32, #tpu.memory_space<hbm>>) dst(%arg36 : memref<128x128xf32, #tpu.memory_space<vmem>>)
        %dma_start3A_550 = arith.constant 0 : i32
        %dma_start3A_551 = arith.constant 0 : i32
        %dma_start3A_552 = tpu.memref_slice %arg5[%dma_start3A_550, %dma_start3A_551] : memref<28119x128xf32, #tpu.memory_space<hbm>> -> memref<28119x128xf32, #tpu.memory_space<hbm>>
        tpu.enqueue_indirect_dma source(%dma_start3A_552 : memref<28119x128xf32, #tpu.memory_space<hbm>>) target(%arg36 : memref<128x128xf32, #tpu.memory_space<vmem>>) offsets(%arg33 : memref<128xi32, #tpu.memory_space<vmem>>) semaphore(%arg38 : memref<!tpu.dma_semaphore, #tpu.memory_space<semaphore_mem>>) {add = true}
      } else {
      }
      %add3A_512 = arith.constant 2 : i32
      %add3A_513 = arith.addi %mul3A_453, %add3A_512 : i32
      %lt3A_514 = arith.constant 64 : i32
      %lt3A_515 = arith.cmpi slt, %add3A_513, %lt3A_514 : i32
      %convert_element_type3A_516 = arith.extui %lt3A_515 : i1 to i32
      %cond3A_517 = arith.constant 0 : i32
      %cond3A_518 = arith.cmpi ne, %convert_element_type3A_516, %cond3A_517 : i32
      scf.if %cond3A_518 {
        %dma_wait3A_547 = arith.constant 0 : i32
        %dma_wait3A_548 = arith.constant 0 : i32
        %dma_wait3A_549 = tpu.memref_slice %arg5[%dma_wait3A_547, %dma_wait3A_548] : memref<28119x128xf32, #tpu.memory_space<hbm>> -> memref<28119x128xf32, #tpu.memory_space<hbm>>
        tpu.wait_indirect_dma semaphore(%arg30 : memref<!tpu.dma_semaphore, #tpu.memory_space<semaphore_mem>>) src(%dma_wait3A_549 : memref<28119x128xf32, #tpu.memory_space<hbm>>) dst(%arg28 : memref<128x128xf32, #tpu.memory_space<vmem>>)
        %add3A_550 = arith.constant 4 : i32
        %add3A_551 = arith.addi %add3A_513, %add3A_550 : i32
        %lt3A_552 = arith.constant 64 : i32
        %lt3A_553 = arith.cmpi slt, %add3A_551, %lt3A_552 : i32
        %convert_element_type3A_554 = arith.extui %lt3A_553 : i1 to i32
        %cond3A_555 = arith.constant 0 : i32
        %cond3A_556 = arith.cmpi ne, %convert_element_type3A_554, %cond3A_555 : i32
        scf.if %cond3A_556 {
          %add3A_567 = arith.constant 4 : i32
          %add3A_568 = arith.addi %add3A_513, %add3A_567 : i32
          %mul3A_569 = arith.constant 128 : i32
          %mul3A_570 = arith.muli %add3A_568, %mul3A_569 : i32
          %add3A_571 = arith.addi %mul3A_2, %mul3A_570 : i32
          %dma_start3A_572 = tpu.memref_slice %arg2[%add3A_571] : memref<262144xi32, #tpu.memory_space<hbm>> -> memref<128xi32, #tpu.memory_space<hbm>>
          %dma_start3A_573 = tpu.memref_slice %arg2[%add3A_571] : memref<262144xi32, #tpu.memory_space<hbm>> -> memref<128xi32, #tpu.memory_space<hbm>>
          tpu.enqueue_dma source(%dma_start3A_573 : memref<128xi32, #tpu.memory_space<hbm>>) target(%arg25 : memref<128xi32, #tpu.memory_space<vmem>>) target_semaphore(%arg32 : memref<!tpu.dma_semaphore, #tpu.memory_space<semaphore_mem>>)
          %dma_start3A_574 = tpu.memref_slice %arg3[%add3A_571] : memref<262144xi32, #tpu.memory_space<hbm>> -> memref<128xi32, #tpu.memory_space<hbm>>
          %dma_start3A_575 = tpu.memref_slice %arg3[%add3A_571] : memref<262144xi32, #tpu.memory_space<hbm>> -> memref<128xi32, #tpu.memory_space<hbm>>
          tpu.enqueue_dma source(%dma_start3A_575 : memref<128xi32, #tpu.memory_space<hbm>>) target(%arg26 : memref<128xi32, #tpu.memory_space<vmem>>) target_semaphore(%arg32 : memref<!tpu.dma_semaphore, #tpu.memory_space<semaphore_mem>>)
        } else {
        }
        %mul3A_557 = arith.constant 128 : i32
        %mul3A_558 = arith.muli %add3A_513, %mul3A_557 : i32
        %add3A_559 = arith.addi %mul3A_2, %mul3A_558 : i32
        %parallel_loop3A_560 = arith.constant 0 : i32
        %parallel_loop3A_561 = arith.constant 128 : i32
        %parallel_loop3A_562 = arith.constant 1 : i32
        scf.for %parallel_loop3A_567 = %parallel_loop3A_560 to %parallel_loop3A_561 step %parallel_loop3A_562  : i32 {
          %parallel_loop3A_568 = arith.index_cast %parallel_loop3A_567 : i32 to index
          %parallel_loop3A_569 = arith.constant 0 : index
          %parallel_loop3A_570 = tpu.vector_load %arg28[%parallel_loop3A_568, %parallel_loop3A_569] {strides = array<i32>} : memref<128x128xf32, #tpu.memory_space<vmem>>, vector<1x16xf32>,
          %parallel_loop3A_571 = vector.shape_cast %parallel_loop3A_570 : vector<1x16xf32> to vector<16xf32>
          %parallel_loop3A_572 = arith.index_cast %parallel_loop3A_567 : i32 to index
          %parallel_loop3A_573 = arith.constant 16 : index
          %parallel_loop3A_574 = tpu.vector_load %arg28[%parallel_loop3A_572, %parallel_loop3A_573] {strides = array<i32>} : memref<128x128xf32, #tpu.memory_space<vmem>>, vector<1x16xf32>,
          %parallel_loop3A_575 = vector.shape_cast %parallel_loop3A_574 : vector<1x16xf32> to vector<16xf32>
          %parallel_loop3A_576 = arith.index_cast %parallel_loop3A_567 : i32 to index
          %parallel_loop3A_577 = arith.constant 32 : index
          %parallel_loop3A_578 = tpu.vector_load %arg28[%parallel_loop3A_576, %parallel_loop3A_577] {strides = array<i32>} : memref<128x128xf32, #tpu.memory_space<vmem>>, vector<1x16xf32>,
          %parallel_loop3A_579 = vector.shape_cast %parallel_loop3A_578 : vector<1x16xf32> to vector<16xf32>
          %parallel_loop3A_580 = arith.index_cast %parallel_loop3A_567 : i32 to index
          %parallel_loop3A_581 = arith.constant 48 : index
          %parallel_loop3A_582 = tpu.vector_load %arg28[%parallel_loop3A_580, %parallel_loop3A_581] {strides = array<i32>} : memref<128x128xf32, #tpu.memory_space<vmem>>, vector<1x16xf32>,
          %parallel_loop3A_583 = vector.shape_cast %parallel_loop3A_582 : vector<1x16xf32> to vector<16xf32>
          %parallel_loop3A_584 = arith.index_cast %parallel_loop3A_567 : i32 to index
          %parallel_loop3A_585 = arith.constant 64 : index
          %parallel_loop3A_586 = tpu.vector_load %arg28[%parallel_loop3A_584, %parallel_loop3A_585] {strides = array<i32>} : memref<128x128xf32, #tpu.memory_space<vmem>>, vector<1x16xf32>,
          %parallel_loop3A_587 = vector.shape_cast %parallel_loop3A_586 : vector<1x16xf32> to vector<16xf32>
          %parallel_loop3A_588 = arith.index_cast %parallel_loop3A_567 : i32 to index
          %parallel_loop3A_589 = arith.constant 80 : index
          %parallel_loop3A_590 = tpu.vector_load %arg28[%parallel_loop3A_588, %parallel_loop3A_589] {strides = array<i32>} : memref<128x128xf32, #tpu.memory_space<vmem>>, vector<1x16xf32>,
          %parallel_loop3A_591 = vector.shape_cast %parallel_loop3A_590 : vector<1x16xf32> to vector<16xf32>
          %parallel_loop3A_592 = arith.index_cast %parallel_loop3A_567 : i32 to index
          %parallel_loop3A_593 = arith.constant 96 : index
          %parallel_loop3A_594 = tpu.vector_load %arg28[%parallel_loop3A_592, %parallel_loop3A_593] {strides = array<i32>} : memref<128x128xf32, #tpu.memory_space<vmem>>, vector<1x16xf32>,
          %parallel_loop3A_595 = vector.shape_cast %parallel_loop3A_594 : vector<1x16xf32> to vector<16xf32>
          %parallel_loop3A_596 = arith.index_cast %parallel_loop3A_567 : i32 to index
          %parallel_loop3A_597 = arith.constant 112 : index
          %parallel_loop3A_598 = tpu.vector_load %arg28[%parallel_loop3A_596, %parallel_loop3A_597] {strides = array<i32>} : memref<128x128xf32, #tpu.memory_space<vmem>>, vector<1x16xf32>,
          %parallel_loop3A_599 = vector.shape_cast %parallel_loop3A_598 : vector<1x16xf32> to vector<16xf32>
          %parallel_loop3A_600 = arith.addf %parallel_loop3A_571, %parallel_loop3A_575 : vector<16xf32>
          %parallel_loop3A_601 = arith.addf %parallel_loop3A_600, %parallel_loop3A_579 : vector<16xf32>
          %parallel_loop3A_602 = arith.addf %parallel_loop3A_601, %parallel_loop3A_583 : vector<16xf32>
          %parallel_loop3A_603 = arith.addf %parallel_loop3A_602, %parallel_loop3A_587 : vector<16xf32>
          %parallel_loop3A_604 = arith.addf %parallel_loop3A_603, %parallel_loop3A_591 : vector<16xf32>
          %parallel_loop3A_605 = arith.addf %parallel_loop3A_604, %parallel_loop3A_595 : vector<16xf32>
          %parallel_loop3A_606 = arith.addf %parallel_loop3A_605, %parallel_loop3A_599 : vector<16xf32>
          %parallel_loop3A_607 = arith.mulf %parallel_loop3A_571, %parallel_loop3A_571 : vector<16xf32>
          %parallel_loop3A_608 = arith.mulf %parallel_loop3A_575, %parallel_loop3A_575 : vector<16xf32>
          %parallel_loop3A_609 = arith.addf %parallel_loop3A_607, %parallel_loop3A_608 : vector<16xf32>
          %parallel_loop3A_610 = arith.mulf %parallel_loop3A_579, %parallel_loop3A_579 : vector<16xf32>
          %parallel_loop3A_611 = arith.addf %parallel_loop3A_609, %parallel_loop3A_610 : vector<16xf32>
          %parallel_loop3A_612 = arith.mulf %parallel_loop3A_583, %parallel_loop3A_583 : vector<16xf32>
          %parallel_loop3A_613 = arith.addf %parallel_loop3A_611, %parallel_loop3A_612 : vector<16xf32>
          %parallel_loop3A_614 = arith.mulf %parallel_loop3A_587, %parallel_loop3A_587 : vector<16xf32>
          %parallel_loop3A_615 = arith.addf %parallel_loop3A_613, %parallel_loop3A_614 : vector<16xf32>
          %parallel_loop3A_616 = arith.mulf %parallel_loop3A_591, %parallel_loop3A_591 : vector<16xf32>
          %parallel_loop3A_617 = arith.addf %parallel_loop3A_615, %parallel_loop3A_616 : vector<16xf32>
          %parallel_loop3A_618 = arith.mulf %parallel_loop3A_595, %parallel_loop3A_595 : vector<16xf32>
          %parallel_loop3A_619 = arith.addf %parallel_loop3A_617, %parallel_loop3A_618 : vector<16xf32>
          %parallel_loop3A_620 = arith.mulf %parallel_loop3A_599, %parallel_loop3A_599 : vector<16xf32>
          %parallel_loop3A_621 = arith.addf %parallel_loop3A_619, %parallel_loop3A_620 : vector<16xf32>
          %parallel_loop3A_622 = vector.shape_cast %xor3A_51 : vector<16xi32> to vector<16x1xi32>
          %parallel_loop3A_623 = vector.shape_cast %parallel_loop3A_622 : vector<16x1xi32> to vector<16xi32>
          %parallel_loop3A_624 = tpu.dynamic_gather %parallel_loop3A_606[%parallel_loop3A_623] in [0] : vector<16xf32>, vector<16xi32> -> vector<16xf32>
          %parallel_loop3A_625 = arith.addf %parallel_loop3A_606, %parallel_loop3A_624 : vector<16xf32>
          %parallel_loop3A_626 = vector.shape_cast %xor3A_54 : vector<16xi32> to vector<16x1xi32>
          %parallel_loop3A_627 = vector.shape_cast %parallel_loop3A_626 : vector<16x1xi32> to vector<16xi32>
          %parallel_loop3A_628 = tpu.dynamic_gather %parallel_loop3A_625[%parallel_loop3A_627] in [0] : vector<16xf32>, vector<16xi32> -> vector<16xf32>
          %parallel_loop3A_629 = arith.addf %parallel_loop3A_625, %parallel_loop3A_628 : vector<16xf32>
          %parallel_loop3A_630 = vector.shape_cast %xor3A_57 : vector<16xi32> to vector<16x1xi32>
          %parallel_loop3A_631 = vector.shape_cast %parallel_loop3A_630 : vector<16x1xi32> to vector<16xi32>
          %parallel_loop3A_632 = tpu.dynamic_gather %parallel_loop3A_629[%parallel_loop3A_631] in [0] : vector<16xf32>, vector<16xi32> -> vector<16xf32>
          %parallel_loop3A_633 = arith.addf %parallel_loop3A_629, %parallel_loop3A_632 : vector<16xf32>
          %parallel_loop3A_634 = vector.shape_cast %xor3A_60 : vector<16xi32> to vector<16x1xi32>
          %parallel_loop3A_635 = vector.shape_cast %parallel_loop3A_634 : vector<16x1xi32> to vector<16xi32>
          %parallel_loop3A_636 = tpu.dynamic_gather %parallel_loop3A_633[%parallel_loop3A_635] in [0] : vector<16xf32>, vector<16xi32> -> vector<16xf32>
          %parallel_loop3A_637 = arith.addf %parallel_loop3A_633, %parallel_loop3A_636 : vector<16xf32>
          %parallel_loop3A_638 = vector.broadcast %scan3A_429 : f32 to vector<16xf32>
          %parallel_loop3A_639 = arith.mulf %parallel_loop3A_637, %parallel_loop3A_638 : vector<16xf32>
          %parallel_loop3A_640 = vector.shape_cast %xor3A_51 : vector<16xi32> to vector<16x1xi32>
          %parallel_loop3A_641 = vector.shape_cast %parallel_loop3A_640 : vector<16x1xi32> to vector<16xi32>
          %parallel_loop3A_642 = tpu.dynamic_gather %parallel_loop3A_621[%parallel_loop3A_641] in [0] : vector<16xf32>, vector<16xi32> -> vector<16xf32>
          %parallel_loop3A_643 = arith.addf %parallel_loop3A_621, %parallel_loop3A_642 : vector<16xf32>
          %parallel_loop3A_644 = vector.shape_cast %xor3A_54 : vector<16xi32> to vector<16x1xi32>
          %parallel_loop3A_645 = vector.shape_cast %parallel_loop3A_644 : vector<16x1xi32> to vector<16xi32>
          %parallel_loop3A_646 = tpu.dynamic_gather %parallel_loop3A_643[%parallel_loop3A_645] in [0] : vector<16xf32>, vector<16xi32> -> vector<16xf32>
          %parallel_loop3A_647 = arith.addf %parallel_loop3A_643, %parallel_loop3A_646 : vector<16xf32>
          %parallel_loop3A_648 = vector.shape_cast %xor3A_57 : vector<16xi32> to vector<16x1xi32>
          %parallel_loop3A_649 = vector.shape_cast %parallel_loop3A_648 : vector<16x1xi32> to vector<16xi32>
          %parallel_loop3A_650 = tpu.dynamic_gather %parallel_loop3A_647[%parallel_loop3A_649] in [0] : vector<16xf32>, vector<16xi32> -> vector<16xf32>
          %parallel_loop3A_651 = arith.addf %parallel_loop3A_647, %parallel_loop3A_650 : vector<16xf32>
          %parallel_loop3A_652 = vector.shape_cast %xor3A_60 : vector<16xi32> to vector<16x1xi32>
          %parallel_loop3A_653 = vector.shape_cast %parallel_loop3A_652 : vector<16x1xi32> to vector<16xi32>
          %parallel_loop3A_654 = tpu.dynamic_gather %parallel_loop3A_651[%parallel_loop3A_653] in [0] : vector<16xf32>, vector<16xi32> -> vector<16xf32>
          %parallel_loop3A_655 = arith.addf %parallel_loop3A_651, %parallel_loop3A_654 : vector<16xf32>
          %parallel_loop3A_656 = vector.broadcast %scan3A_429 : f32 to vector<16xf32>
          %parallel_loop3A_657 = arith.mulf %parallel_loop3A_655, %parallel_loop3A_656 : vector<16xf32>
          %parallel_loop3A_658 = arith.mulf %parallel_loop3A_639, %parallel_loop3A_639 : vector<16xf32>
          %parallel_loop3A_659 = arith.subf %parallel_loop3A_657, %parallel_loop3A_658 : vector<16xf32>
          %parallel_loop3A_660 = arith.constant 9.99999996E-13 : f32
          %parallel_loop3A_661 = vector.broadcast %parallel_loop3A_660 : f32 to vector<16xf32>
          %parallel_loop3A_662 = arith.addf %parallel_loop3A_659, %parallel_loop3A_661 : vector<16xf32>
          %parallel_loop3A_663 = tpu.bitcast %parallel_loop3A_662 : vector<16xf32> -> vector<16xi32>
          %parallel_loop3A_664 = arith.constant 1 : i32
          %parallel_loop3A_665 = vector.broadcast %parallel_loop3A_664 : i32 to vector<16xi32>
          %parallel_loop3A_666 = arith.shrui %parallel_loop3A_663, %parallel_loop3A_665 : vector<16xi32>
          %parallel_loop3A_667 = arith.constant 1597463007 : i32
          %parallel_loop3A_668 = vector.broadcast %parallel_loop3A_667 : i32 to vector<16xi32>
          %parallel_loop3A_669 = arith.subi %parallel_loop3A_668, %parallel_loop3A_666 : vector<16xi32>
          %parallel_loop3A_670 = tpu.bitcast %parallel_loop3A_669 : vector<16xi32> -> vector<16xf32>
          %parallel_loop3A_671 = arith.constant 5.000000e-01 : f32
          %parallel_loop3A_672 = vector.broadcast %parallel_loop3A_671 : f32 to vector<16xf32>
          %parallel_loop3A_673 = arith.mulf %parallel_loop3A_662, %parallel_loop3A_672 : vector<16xf32>
          %parallel_loop3A_674 = arith.mulf %parallel_loop3A_673, %parallel_loop3A_670 : vector<16xf32>
          %parallel_loop3A_675 = arith.mulf %parallel_loop3A_674, %parallel_loop3A_670 : vector<16xf32>
          %parallel_loop3A_676 = arith.constant 1.500000e+00 : f32
          %parallel_loop3A_677 = vector.broadcast %parallel_loop3A_676 : f32 to vector<16xf32>
          %parallel_loop3A_678 = arith.subf %parallel_loop3A_677, %parallel_loop3A_675 : vector<16xf32>
          %parallel_loop3A_679 = arith.mulf %parallel_loop3A_670, %parallel_loop3A_678 : vector<16xf32>
          %parallel_loop3A_680 = arith.mulf %parallel_loop3A_673, %parallel_loop3A_679 : vector<16xf32>
          %parallel_loop3A_681 = arith.mulf %parallel_loop3A_680, %parallel_loop3A_679 : vector<16xf32>
          %parallel_loop3A_682 = arith.constant 1.500000e+00 : f32
          %parallel_loop3A_683 = vector.broadcast %parallel_loop3A_682 : f32 to vector<16xf32>
          %parallel_loop3A_684 = arith.subf %parallel_loop3A_683, %parallel_loop3A_681 : vector<16xf32>
          %parallel_loop3A_685 = arith.mulf %parallel_loop3A_679, %parallel_loop3A_684 : vector<16xf32>
          %parallel_loop3A_686 = arith.mulf %parallel_loop3A_639, %parallel_loop3A_685 : vector<16xf32>
          %parallel_loop3A_687 = arith.mulf %parallel_loop3A_571, %parallel_loop3A_685 : vector<16xf32>
          %parallel_loop3A_688 = arith.subf %parallel_loop3A_687, %parallel_loop3A_686 : vector<16xf32>
          %parallel_loop3A_689 = arith.mulf %parallel_loop3A_688, %get3A_4 : vector<16xf32>
          %parallel_loop3A_690 = arith.addf %parallel_loop3A_689, %get3A_28 : vector<16xf32>
          %parallel_loop3A_691 = arith.index_cast %parallel_loop3A_567 : i32 to index
          %parallel_loop3A_692 = arith.constant 0 : index
          %parallel_loop3A_693 = tpu.vector_load %arg28[%parallel_loop3A_691, %parallel_loop3A_692] {strides = array<i32>} : memref<128x128xf32, #tpu.memory_space<vmem>>, vector<1x16xf32>,
          %parallel_loop3A_694 = vector.shape_cast %parallel_loop3A_693 : vector<1x16xf32> to vector<16xf32>
          %parallel_loop3A_695 = vector.shape_cast %parallel_loop3A_690 : vector<16xf32> to vector<1x16xf32>
          tpu.vector_store %arg28[%parallel_loop3A_691, %parallel_loop3A_692], %parallel_loop3A_695 {strides = array<i32>} : memref<128x128xf32, #tpu.memory_space<vmem>>, vector<1x16xf32>,
          %parallel_loop3A_696 = arith.mulf %parallel_loop3A_575, %parallel_loop3A_685 : vector<16xf32>
          %parallel_loop3A_697 = arith.subf %parallel_loop3A_696, %parallel_loop3A_686 : vector<16xf32>
          %parallel_loop3A_698 = arith.mulf %parallel_loop3A_697, %get3A_7 : vector<16xf32>
          %parallel_loop3A_699 = arith.addf %parallel_loop3A_698, %get3A_31 : vector<16xf32>
          %parallel_loop3A_700 = arith.index_cast %parallel_loop3A_567 : i32 to index
          %parallel_loop3A_701 = arith.constant 16 : index
          %parallel_loop3A_702 = tpu.vector_load %arg28[%parallel_loop3A_700, %parallel_loop3A_701] {strides = array<i32>} : memref<128x128xf32, #tpu.memory_space<vmem>>, vector<1x16xf32>,
          %parallel_loop3A_703 = vector.shape_cast %parallel_loop3A_702 : vector<1x16xf32> to vector<16xf32>
          %parallel_loop3A_704 = vector.shape_cast %parallel_loop3A_699 : vector<16xf32> to vector<1x16xf32>
          tpu.vector_store %arg28[%parallel_loop3A_700, %parallel_loop3A_701], %parallel_loop3A_704 {strides = array<i32>} : memref<128x128xf32, #tpu.memory_space<vmem>>, vector<1x16xf32>,
          %parallel_loop3A_705 = arith.mulf %parallel_loop3A_579, %parallel_loop3A_685 : vector<16xf32>
          %parallel_loop3A_706 = arith.subf %parallel_loop3A_705, %parallel_loop3A_686 : vector<16xf32>
          %parallel_loop3A_707 = arith.mulf %parallel_loop3A_706, %get3A_10 : vector<16xf32>
          %parallel_loop3A_708 = arith.addf %parallel_loop3A_707, %get3A_34 : vector<16xf32>
          %parallel_loop3A_709 = arith.index_cast %parallel_loop3A_567 : i32 to index
          %parallel_loop3A_710 = arith.constant 32 : index
          %parallel_loop3A_711 = tpu.vector_load %arg28[%parallel_loop3A_709, %parallel_loop3A_710] {strides = array<i32>} : memref<128x128xf32, #tpu.memory_space<vmem>>, vector<1x16xf32>,
          %parallel_loop3A_712 = vector.shape_cast %parallel_loop3A_711 : vector<1x16xf32> to vector<16xf32>
          %parallel_loop3A_713 = vector.shape_cast %parallel_loop3A_708 : vector<16xf32> to vector<1x16xf32>
          tpu.vector_store %arg28[%parallel_loop3A_709, %parallel_loop3A_710], %parallel_loop3A_713 {strides = array<i32>} : memref<128x128xf32, #tpu.memory_space<vmem>>, vector<1x16xf32>,
          %parallel_loop3A_714 = arith.mulf %parallel_loop3A_583, %parallel_loop3A_685 : vector<16xf32>
          %parallel_loop3A_715 = arith.subf %parallel_loop3A_714, %parallel_loop3A_686 : vector<16xf32>
          %parallel_loop3A_716 = arith.mulf %parallel_loop3A_715, %get3A_13 : vector<16xf32>
          %parallel_loop3A_717 = arith.addf %parallel_loop3A_716, %get3A_37 : vector<16xf32>
          %parallel_loop3A_718 = arith.index_cast %parallel_loop3A_567 : i32 to index
          %parallel_loop3A_719 = arith.constant 48 : index
          %parallel_loop3A_720 = tpu.vector_load %arg28[%parallel_loop3A_718, %parallel_loop3A_719] {strides = array<i32>} : memref<128x128xf32, #tpu.memory_space<vmem>>, vector<1x16xf32>,
          %parallel_loop3A_721 = vector.shape_cast %parallel_loop3A_720 : vector<1x16xf32> to vector<16xf32>
          %parallel_loop3A_722 = vector.shape_cast %parallel_loop3A_717 : vector<16xf32> to vector<1x16xf32>
          tpu.vector_store %arg28[%parallel_loop3A_718, %parallel_loop3A_719], %parallel_loop3A_722 {strides = array<i32>} : memref<128x128xf32, #tpu.memory_space<vmem>>, vector<1x16xf32>,
          %parallel_loop3A_723 = arith.mulf %parallel_loop3A_587, %parallel_loop3A_685 : vector<16xf32>
          %parallel_loop3A_724 = arith.subf %parallel_loop3A_723, %parallel_loop3A_686 : vector<16xf32>
          %parallel_loop3A_725 = arith.mulf %parallel_loop3A_724, %get3A_16 : vector<16xf32>
          %parallel_loop3A_726 = arith.addf %parallel_loop3A_725, %get3A_40 : vector<16xf32>
          %parallel_loop3A_727 = arith.index_cast %parallel_loop3A_567 : i32 to index
          %parallel_loop3A_728 = arith.constant 64 : index
          %parallel_loop3A_729 = tpu.vector_load %arg28[%parallel_loop3A_727, %parallel_loop3A_728] {strides = array<i32>} : memref<128x128xf32, #tpu.memory_space<vmem>>, vector<1x16xf32>,
          %parallel_loop3A_730 = vector.shape_cast %parallel_loop3A_729 : vector<1x16xf32> to vector<16xf32>
          %parallel_loop3A_731 = vector.shape_cast %parallel_loop3A_726 : vector<16xf32> to vector<1x16xf32>
          tpu.vector_store %arg28[%parallel_loop3A_727, %parallel_loop3A_728], %parallel_loop3A_731 {strides = array<i32>} : memref<128x128xf32, #tpu.memory_space<vmem>>, vector<1x16xf32>,
          %parallel_loop3A_732 = arith.mulf %parallel_loop3A_591, %parallel_loop3A_685 : vector<16xf32>
          %parallel_loop3A_733 = arith.subf %parallel_loop3A_732, %parallel_loop3A_686 : vector<16xf32>
          %parallel_loop3A_734 = arith.mulf %parallel_loop3A_733, %get3A_19 : vector<16xf32>
          %parallel_loop3A_735 = arith.addf %parallel_loop3A_734, %get3A_43 : vector<16xf32>
          %parallel_loop3A_736 = arith.index_cast %parallel_loop3A_567 : i32 to index
          %parallel_loop3A_737 = arith.constant 80 : index
          %parallel_loop3A_738 = tpu.vector_load %arg28[%parallel_loop3A_736, %parallel_loop3A_737] {strides = array<i32>} : memref<128x128xf32, #tpu.memory_space<vmem>>, vector<1x16xf32>,
          %parallel_loop3A_739 = vector.shape_cast %parallel_loop3A_738 : vector<1x16xf32> to vector<16xf32>
          %parallel_loop3A_740 = vector.shape_cast %parallel_loop3A_735 : vector<16xf32> to vector<1x16xf32>
          tpu.vector_store %arg28[%parallel_loop3A_736, %parallel_loop3A_737], %parallel_loop3A_740 {strides = array<i32>} : memref<128x128xf32, #tpu.memory_space<vmem>>, vector<1x16xf32>,
          %parallel_loop3A_741 = arith.mulf %parallel_loop3A_595, %parallel_loop3A_685 : vector<16xf32>
          %parallel_loop3A_742 = arith.subf %parallel_loop3A_741, %parallel_loop3A_686 : vector<16xf32>
          %parallel_loop3A_743 = arith.mulf %parallel_loop3A_742, %get3A_22 : vector<16xf32>
          %parallel_loop3A_744 = arith.addf %parallel_loop3A_743, %get3A_46 : vector<16xf32>
          %parallel_loop3A_745 = arith.index_cast %parallel_loop3A_567 : i32 to index
          %parallel_loop3A_746 = arith.constant 96 : index
          %parallel_loop3A_747 = tpu.vector_load %arg28[%parallel_loop3A_745, %parallel_loop3A_746] {strides = array<i32>} : memref<128x128xf32, #tpu.memory_space<vmem>>, vector<1x16xf32>,
          %parallel_loop3A_748 = vector.shape_cast %parallel_loop3A_747 : vector<1x16xf32> to vector<16xf32>
          %parallel_loop3A_749 = vector.shape_cast %parallel_loop3A_744 : vector<16xf32> to vector<1x16xf32>
          tpu.vector_store %arg28[%parallel_loop3A_745, %parallel_loop3A_746], %parallel_loop3A_749 {strides = array<i32>} : memref<128x128xf32, #tpu.memory_space<vmem>>, vector<1x16xf32>,
          %parallel_loop3A_750 = arith.mulf %parallel_loop3A_599, %parallel_loop3A_685 : vector<16xf32>
          %parallel_loop3A_751 = arith.subf %parallel_loop3A_750, %parallel_loop3A_686 : vector<16xf32>
          %parallel_loop3A_752 = arith.mulf %parallel_loop3A_751, %get3A_25 : vector<16xf32>
          %parallel_loop3A_753 = arith.addf %parallel_loop3A_752, %get3A_49 : vector<16xf32>
          %parallel_loop3A_754 = arith.index_cast %parallel_loop3A_567 : i32 to index
          %parallel_loop3A_755 = arith.constant 112 : index
          %parallel_loop3A_756 = tpu.vector_load %arg28[%parallel_loop3A_754, %parallel_loop3A_755] {strides = array<i32>} : memref<128x128xf32, #tpu.memory_space<vmem>>, vector<1x16xf32>,
          %parallel_loop3A_757 = vector.shape_cast %parallel_loop3A_756 : vector<1x16xf32> to vector<16xf32>
          %parallel_loop3A_758 = vector.shape_cast %parallel_loop3A_753 : vector<16xf32> to vector<1x16xf32>
          tpu.vector_store %arg28[%parallel_loop3A_754, %parallel_loop3A_755], %parallel_loop3A_758 {strides = array<i32>} : memref<128x128xf32, #tpu.memory_space<vmem>>, vector<1x16xf32>,
        } {sc.loop_unroll_factor = 5 : i64, sc.parallel_access}
        %dma_start3A_563 = arith.constant 0 : i32
        %dma_start3A_564 = tpu.memref_slice %arg8[%add3A_559, %dma_start3A_563] : memref<262144x128xf32, #tpu.memory_space<hbm>> -> memref<128x128xf32, #tpu.memory_space<hbm>>
        %dma_start3A_565 = arith.constant 0 : i32
        %dma_start3A_566 = tpu.memref_slice %arg8[%add3A_559, %dma_start3A_565] : memref<262144x128xf32, #tpu.memory_space<hbm>> -> memref<128x128xf32, #tpu.memory_space<hbm>>
        tpu.enqueue_dma source(%arg28 : memref<128x128xf32, #tpu.memory_space<vmem>>) target(%dma_start3A_566 : memref<128x128xf32, #tpu.memory_space<hbm>>) target_semaphore(%arg31 : memref<!tpu.dma_semaphore, #tpu.memory_space<semaphore_mem>>)
      } else {
      }
      %add3A_519 = arith.constant 5 : i32
      %add3A_520 = arith.addi %mul3A_453, %add3A_519 : i32
      %lt3A_521 = arith.constant 64 : i32
      %lt3A_522 = arith.cmpi slt, %add3A_520, %lt3A_521 : i32
      %convert_element_type3A_523 = arith.extui %lt3A_522 : i1 to i32
      %cond3A_524 = arith.constant 0 : i32
      %cond3A_525 = arith.cmpi ne, %convert_element_type3A_523, %cond3A_524 : i32
      scf.if %cond3A_525 {
        %ge3A = arith.constant 4 : i32
        %ge3A_547 = arith.cmpi sge, %add3A_520, %ge3A : i32
        %convert_element_type3A_548 = arith.extui %ge3A_547 : i1 to i32
        %cond3A_549 = arith.constant 0 : i32
        %cond3A_550 = arith.cmpi ne, %convert_element_type3A_548, %cond3A_549 : i32
        scf.if %cond3A_550 {
          %dma_wait3A_670 = arith.constant 0 : i32
          %dma_wait3A_671 = tpu.memref_slice %arg8[%mul3A_2, %dma_wait3A_670] : memref<262144x128xf32, #tpu.memory_space<hbm>> -> memref<128x128xf32, #tpu.memory_space<hbm>>
          %dma_wait3A_672 = arith.constant 0 : i32
          %dma_wait3A_673 = tpu.memref_slice %arg8[%mul3A_2, %dma_wait3A_672] : memref<262144x128xf32, #tpu.memory_space<hbm>> -> memref<128x128xf32, #tpu.memory_space<hbm>>
          tpu.wait_dma2 semaphore(%arg23 : memref<!tpu.dma_semaphore, #tpu.memory_space<semaphore_mem>>) src(%arg20 : memref<128x128xf32, #tpu.memory_space<vmem>>) dst(%dma_wait3A_673 : memref<128x128xf32, #tpu.memory_space<hbm>>)
        } else {
        }
        %dma_wait3A_551 = tpu.memref_slice %arg2[%mul3A_2] : memref<262144xi32, #tpu.memory_space<hbm>> -> memref<128xi32, #tpu.memory_space<hbm>>
        %dma_wait3A_552 = tpu.memref_slice %arg2[%mul3A_2] : memref<262144xi32, #tpu.memory_space<hbm>> -> memref<128xi32, #tpu.memory_space<hbm>>
        tpu.wait_dma2 semaphore(%arg24 : memref<!tpu.dma_semaphore, #tpu.memory_space<semaphore_mem>>) src(%dma_wait3A_552 : memref<128xi32, #tpu.memory_space<hbm>>) dst(%arg17 : memref<128xi32, #tpu.memory_space<vmem>>)
        %dma_wait3A_553 = tpu.memref_slice %arg3[%mul3A_2] : memref<262144xi32, #tpu.memory_space<hbm>> -> memref<128xi32, #tpu.memory_space<hbm>>
        %dma_wait3A_554 = tpu.memref_slice %arg3[%mul3A_2] : memref<262144xi32, #tpu.memory_space<hbm>> -> memref<128xi32, #tpu.memory_space<hbm>>
        tpu.wait_dma2 semaphore(%arg24 : memref<!tpu.dma_semaphore, #tpu.memory_space<semaphore_mem>>) src(%dma_wait3A_554 : memref<128xi32, #tpu.memory_space<hbm>>) dst(%arg18 : memref<128xi32, #tpu.memory_space<vmem>>)
        %get3A_555 = arith.constant 0 : index
        %get3A_556 = tpu.vector_load %arg18[%get3A_555] {strides = array<i32>} : memref<128xi32, #tpu.memory_space<vmem>>, vector<16xi32>,
        %get3A_557 = vector.shape_cast %get3A_556 : vector<16xi32> to vector<16xi32>
        %mul3A_558 = arith.constant 128 : i32
        %mul3A_559 = vector.broadcast %mul3A_558 : i32 to vector<16xi32>
        %mul3A_560 = arith.muli %get3A_557, %mul3A_559 : vector<16xi32>
        %add3A_561 = arith.constant 0 : i32
        %add3A_562 = vector.broadcast %add3A_561 : i32 to vector<16xi32>
        %add3A_563 = arith.addi %iota3A, %add3A_562 : vector<16xi32>
        %add3A_564 = arith.addi %mul3A_560, %add3A_563 : vector<16xi32>
        %swap3A_565 = arith.constant 0 : index
        %swap3A_566 = tpu.vector_load %arg19[%swap3A_565] {strides = array<i32>} : memref<128xi32, #tpu.memory_space<vmem>>, vector<16xi32>,
        %swap3A_567 = vector.shape_cast %swap3A_566 : vector<16xi32> to vector<16xi32>
        %swap3A_568 = vector.shape_cast %add3A_564 : vector<16xi32> to vector<16xi32>
        tpu.vector_store %arg19[%swap3A_565], %swap3A_568 {strides = array<i32>} : memref<128xi32, #tpu.memory_space<vmem>>, vector<16xi32>,
        %get3A_569 = arith.constant 16 : index
        %get3A_570 = tpu.vector_load %arg18[%get3A_569] {strides = array<i32>} : memref<128xi32, #tpu.memory_space<vmem>>, vector<16xi32>,
        %get3A_571 = vector.shape_cast %get3A_570 : vector<16xi32> to vector<16xi32>
        %mul3A_572 = arith.constant 128 : i32
        %mul3A_573 = vector.broadcast %mul3A_572 : i32 to vector<16xi32>
        %mul3A_574 = arith.muli %get3A_571, %mul3A_573 : vector<16xi32>
        %add3A_575 = arith.constant 16 : i32
        %add3A_576 = vector.broadcast %add3A_575 : i32 to vector<16xi32>
        %add3A_577 = arith.addi %iota3A, %add3A_576 : vector<16xi32>
        %add3A_578 = arith.addi %mul3A_574, %add3A_577 : vector<16xi32>
        %swap3A_579 = arith.constant 16 : index
        %swap3A_580 = tpu.vector_load %arg19[%swap3A_579] {strides = array<i32>} : memref<128xi32, #tpu.memory_space<vmem>>, vector<16xi32>,
        %swap3A_581 = vector.shape_cast %swap3A_580 : vector<16xi32> to vector<16xi32>
        %swap3A_582 = vector.shape_cast %add3A_578 : vector<16xi32> to vector<16xi32>
        tpu.vector_store %arg19[%swap3A_579], %swap3A_582 {strides = array<i32>} : memref<128xi32, #tpu.memory_space<vmem>>, vector<16xi32>,
        %get3A_583 = arith.constant 32 : index
        %get3A_584 = tpu.vector_load %arg18[%get3A_583] {strides = array<i32>} : memref<128xi32, #tpu.memory_space<vmem>>, vector<16xi32>,
        %get3A_585 = vector.shape_cast %get3A_584 : vector<16xi32> to vector<16xi32>
        %mul3A_586 = arith.constant 128 : i32
        %mul3A_587 = vector.broadcast %mul3A_586 : i32 to vector<16xi32>
        %mul3A_588 = arith.muli %get3A_585, %mul3A_587 : vector<16xi32>
        %add3A_589 = arith.constant 32 : i32
        %add3A_590 = vector.broadcast %add3A_589 : i32 to vector<16xi32>
        %add3A_591 = arith.addi %iota3A, %add3A_590 : vector<16xi32>
        %add3A_592 = arith.addi %mul3A_588, %add3A_591 : vector<16xi32>
        %swap3A_593 = arith.constant 32 : index
        %swap3A_594 = tpu.vector_load %arg19[%swap3A_593] {strides = array<i32>} : memref<128xi32, #tpu.memory_space<vmem>>, vector<16xi32>,
        %swap3A_595 = vector.shape_cast %swap3A_594 : vector<16xi32> to vector<16xi32>
        %swap3A_596 = vector.shape_cast %add3A_592 : vector<16xi32> to vector<16xi32>
        tpu.vector_store %arg19[%swap3A_593], %swap3A_596 {strides = array<i32>} : memref<128xi32, #tpu.memory_space<vmem>>, vector<16xi32>,
        %get3A_597 = arith.constant 48 : index
        %get3A_598 = tpu.vector_load %arg18[%get3A_597] {strides = array<i32>} : memref<128xi32, #tpu.memory_space<vmem>>, vector<16xi32>,
        %get3A_599 = vector.shape_cast %get3A_598 : vector<16xi32> to vector<16xi32>
        %mul3A_600 = arith.constant 128 : i32
        %mul3A_601 = vector.broadcast %mul3A_600 : i32 to vector<16xi32>
        %mul3A_602 = arith.muli %get3A_599, %mul3A_601 : vector<16xi32>
        %add3A_603 = arith.constant 48 : i32
        %add3A_604 = vector.broadcast %add3A_603 : i32 to vector<16xi32>
        %add3A_605 = arith.addi %iota3A, %add3A_604 : vector<16xi32>
        %add3A_606 = arith.addi %mul3A_602, %add3A_605 : vector<16xi32>
        %swap3A_607 = arith.constant 48 : index
        %swap3A_608 = tpu.vector_load %arg19[%swap3A_607] {strides = array<i32>} : memref<128xi32, #tpu.memory_space<vmem>>, vector<16xi32>,
        %swap3A_609 = vector.shape_cast %swap3A_608 : vector<16xi32> to vector<16xi32>
        %swap3A_610 = vector.shape_cast %add3A_606 : vector<16xi32> to vector<16xi32>
        tpu.vector_store %arg19[%swap3A_607], %swap3A_610 {strides = array<i32>} : memref<128xi32, #tpu.memory_space<vmem>>, vector<16xi32>,
        %get3A_611 = arith.constant 64 : index
        %get3A_612 = tpu.vector_load %arg18[%get3A_611] {strides = array<i32>} : memref<128xi32, #tpu.memory_space<vmem>>, vector<16xi32>,
        %get3A_613 = vector.shape_cast %get3A_612 : vector<16xi32> to vector<16xi32>
        %mul3A_614 = arith.constant 128 : i32
        %mul3A_615 = vector.broadcast %mul3A_614 : i32 to vector<16xi32>
        %mul3A_616 = arith.muli %get3A_613, %mul3A_615 : vector<16xi32>
        %add3A_617 = arith.constant 64 : i32
        %add3A_618 = vector.broadcast %add3A_617 : i32 to vector<16xi32>
        %add3A_619 = arith.addi %iota3A, %add3A_618 : vector<16xi32>
        %add3A_620 = arith.addi %mul3A_616, %add3A_619 : vector<16xi32>
        %swap3A_621 = arith.constant 64 : index
        %swap3A_622 = tpu.vector_load %arg19[%swap3A_621] {strides = array<i32>} : memref<128xi32, #tpu.memory_space<vmem>>, vector<16xi32>,
        %swap3A_623 = vector.shape_cast %swap3A_622 : vector<16xi32> to vector<16xi32>
        %swap3A_624 = vector.shape_cast %add3A_620 : vector<16xi32> to vector<16xi32>
        tpu.vector_store %arg19[%swap3A_621], %swap3A_624 {strides = array<i32>} : memref<128xi32, #tpu.memory_space<vmem>>, vector<16xi32>,
        %get3A_625 = arith.constant 80 : index
        %get3A_626 = tpu.vector_load %arg18[%get3A_625] {strides = array<i32>} : memref<128xi32, #tpu.memory_space<vmem>>, vector<16xi32>,
        %get3A_627 = vector.shape_cast %get3A_626 : vector<16xi32> to vector<16xi32>
        %mul3A_628 = arith.constant 128 : i32
        %mul3A_629 = vector.broadcast %mul3A_628 : i32 to vector<16xi32>
        %mul3A_630 = arith.muli %get3A_627, %mul3A_629 : vector<16xi32>
        %add3A_631 = arith.constant 80 : i32
        %add3A_632 = vector.broadcast %add3A_631 : i32 to vector<16xi32>
        %add3A_633 = arith.addi %iota3A, %add3A_632 : vector<16xi32>
        %add3A_634 = arith.addi %mul3A_630, %add3A_633 : vector<16xi32>
        %swap3A_635 = arith.constant 80 : index
        %swap3A_636 = tpu.vector_load %arg19[%swap3A_635] {strides = array<i32>} : memref<128xi32, #tpu.memory_space<vmem>>, vector<16xi32>,
        %swap3A_637 = vector.shape_cast %swap3A_636 : vector<16xi32> to vector<16xi32>
        %swap3A_638 = vector.shape_cast %add3A_634 : vector<16xi32> to vector<16xi32>
        tpu.vector_store %arg19[%swap3A_635], %swap3A_638 {strides = array<i32>} : memref<128xi32, #tpu.memory_space<vmem>>, vector<16xi32>,
        %get3A_639 = arith.constant 96 : index
        %get3A_640 = tpu.vector_load %arg18[%get3A_639] {strides = array<i32>} : memref<128xi32, #tpu.memory_space<vmem>>, vector<16xi32>,
        %get3A_641 = vector.shape_cast %get3A_640 : vector<16xi32> to vector<16xi32>
        %mul3A_642 = arith.constant 128 : i32
        %mul3A_643 = vector.broadcast %mul3A_642 : i32 to vector<16xi32>
        %mul3A_644 = arith.muli %get3A_641, %mul3A_643 : vector<16xi32>
        %add3A_645 = arith.constant 96 : i32
        %add3A_646 = vector.broadcast %add3A_645 : i32 to vector<16xi32>
        %add3A_647 = arith.addi %iota3A, %add3A_646 : vector<16xi32>
        %add3A_648 = arith.addi %mul3A_644, %add3A_647 : vector<16xi32>
        %swap3A_649 = arith.constant 96 : index
        %swap3A_650 = tpu.vector_load %arg19[%swap3A_649] {strides = array<i32>} : memref<128xi32, #tpu.memory_space<vmem>>, vector<16xi32>,
        %swap3A_651 = vector.shape_cast %swap3A_650 : vector<16xi32> to vector<16xi32>
        %swap3A_652 = vector.shape_cast %add3A_648 : vector<16xi32> to vector<16xi32>
        tpu.vector_store %arg19[%swap3A_649], %swap3A_652 {strides = array<i32>} : memref<128xi32, #tpu.memory_space<vmem>>, vector<16xi32>,
        %get3A_653 = arith.constant 112 : index
        %get3A_654 = tpu.vector_load %arg18[%get3A_653] {strides = array<i32>} : memref<128xi32, #tpu.memory_space<vmem>>, vector<16xi32>,
        %get3A_655 = vector.shape_cast %get3A_654 : vector<16xi32> to vector<16xi32>
        %mul3A_656 = arith.constant 128 : i32
        %mul3A_657 = vector.broadcast %mul3A_656 : i32 to vector<16xi32>
        %mul3A_658 = arith.muli %get3A_655, %mul3A_657 : vector<16xi32>
        %add3A_659 = arith.constant 112 : i32
        %add3A_660 = vector.broadcast %add3A_659 : i32 to vector<16xi32>
        %add3A_661 = arith.addi %iota3A, %add3A_660 : vector<16xi32>
        %add3A_662 = arith.addi %mul3A_658, %add3A_661 : vector<16xi32>
        %swap3A_663 = arith.constant 112 : index
        %swap3A_664 = tpu.vector_load %arg19[%swap3A_663] {strides = array<i32>} : memref<128xi32, #tpu.memory_space<vmem>>, vector<16xi32>,
        %swap3A_665 = vector.shape_cast %swap3A_664 : vector<16xi32> to vector<16xi32>
        %swap3A_666 = vector.shape_cast %add3A_662 : vector<16xi32> to vector<16xi32>
        tpu.vector_store %arg19[%swap3A_663], %swap3A_666 {strides = array<i32>} : memref<128xi32, #tpu.memory_space<vmem>>, vector<16xi32>,
        %dma_start3A_667 = arith.constant 0 : i32
        %dma_start3A_668 = arith.constant 0 : i32
        %dma_start3A_669 = tpu.memref_slice %arg4[%dma_start3A_667, %dma_start3A_668] : memref<1792x128xf32, #tpu.memory_space<hbm>> -> memref<1792x128xf32, #tpu.memory_space<hbm>>
        tpu.enqueue_indirect_dma source(%dma_start3A_669 : memref<1792x128xf32, #tpu.memory_space<hbm>>) target(%arg20 : memref<128x128xf32, #tpu.memory_space<vmem>>) offsets(%arg19 : memref<128xi32, #tpu.memory_space<vmem>>) semaphore(%arg21 : memref<!tpu.dma_semaphore, #tpu.memory_space<semaphore_mem>>)
      } else {
      }
      %add3A_526 = arith.constant 4 : i32
      %add3A_527 = arith.addi %mul3A_453, %add3A_526 : i32
      %lt3A_528 = arith.constant 64 : i32
      %lt3A_529 = arith.cmpi slt, %add3A_527, %lt3A_528 : i32
      %convert_element_type3A_530 = arith.extui %lt3A_529 : i1 to i32
      %cond3A_531 = arith.constant 0 : i32
      %cond3A_532 = arith.cmpi ne, %convert_element_type3A_530, %cond3A_531 : i32
      scf.if %cond3A_532 {
        %dma_wait3A_547 = arith.constant 0 : i32
        %dma_wait3A_548 = arith.constant 0 : i32
        %dma_wait3A_549 = tpu.memref_slice %arg4[%dma_wait3A_547, %dma_wait3A_548] : memref<1792x128xf32, #tpu.memory_space<hbm>> -> memref<1792x128xf32, #tpu.memory_space<hbm>>
        tpu.wait_indirect_dma semaphore(%arg13 : memref<!tpu.dma_semaphore, #tpu.memory_space<semaphore_mem>>) src(%dma_wait3A_549 : memref<1792x128xf32, #tpu.memory_space<hbm>>) dst(%arg12 : memref<128x128xf32, #tpu.memory_space<vmem>>)
        %dma_start3A_550 = arith.constant 0 : i32
        %dma_start3A_551 = arith.constant 0 : i32
        %dma_start3A_552 = tpu.memref_slice %arg5[%dma_start3A_550, %dma_start3A_551] : memref<28119x128xf32, #tpu.memory_space<hbm>> -> memref<28119x128xf32, #tpu.memory_space<hbm>>
        tpu.enqueue_indirect_dma source(%dma_start3A_552 : memref<28119x128xf32, #tpu.memory_space<hbm>>) target(%arg12 : memref<128x128xf32, #tpu.memory_space<vmem>>) offsets(%arg9 : memref<128xi32, #tpu.memory_space<vmem>>) semaphore(%arg14 : memref<!tpu.dma_semaphore, #tpu.memory_space<semaphore_mem>>) {add = true}
      } else {
      }
      %add3A_533 = arith.constant 3 : i32
      %add3A_534 = arith.addi %mul3A_453, %add3A_533 : i32
      %lt3A_535 = arith.constant 64 : i32
      %lt3A_536 = arith.cmpi slt, %add3A_534, %lt3A_535 : i32
      %convert_element_type3A_537 = arith.extui %lt3A_536 : i1 to i32
      %cond3A_538 = arith.constant 0 : i32
      %cond3A_539 = arith.cmpi ne, %convert_element_type3A_537, %cond3A_538 : i32
      scf.if %cond3A_539 {
        %dma_wait3A_547 = arith.constant 0 : i32
        %dma_wait3A_548 = arith.constant 0 : i32
        %dma_wait3A_549 = tpu.memref_slice %arg5[%dma_wait3A_547, %dma_wait3A_548] : memref<28119x128xf32, #tpu.memory_space<hbm>> -> memref<28119x128xf32, #tpu.memory_space<hbm>>
        tpu.wait_indirect_dma semaphore(%arg38 : memref<!tpu.dma_semaphore, #tpu.memory_space<semaphore_mem>>) src(%dma_wait3A_549 : memref<28119x128xf32, #tpu.memory_space<hbm>>) dst(%arg36 : memref<128x128xf32, #tpu.memory_space<vmem>>)
        %add3A_550 = arith.constant 4 : i32
        %add3A_551 = arith.addi %add3A_534, %add3A_550 : i32
        %lt3A_552 = arith.constant 64 : i32
        %lt3A_553 = arith.cmpi slt, %add3A_551, %lt3A_552 : i32
        %convert_element_type3A_554 = arith.extui %lt3A_553 : i1 to i32
        %cond3A_555 = arith.constant 0 : i32
        %cond3A_556 = arith.cmpi ne, %convert_element_type3A_554, %cond3A_555 : i32
        scf.if %cond3A_556 {
          %add3A_567 = arith.constant 4 : i32
          %add3A_568 = arith.addi %add3A_534, %add3A_567 : i32
          %mul3A_569 = arith.constant 128 : i32
          %mul3A_570 = arith.muli %add3A_568, %mul3A_569 : i32
          %add3A_571 = arith.addi %mul3A_2, %mul3A_570 : i32
          %dma_start3A_572 = tpu.memref_slice %arg2[%add3A_571] : memref<262144xi32, #tpu.memory_space<hbm>> -> memref<128xi32, #tpu.memory_space<hbm>>
          %dma_start3A_573 = tpu.memref_slice %arg2[%add3A_571] : memref<262144xi32, #tpu.memory_space<hbm>> -> memref<128xi32, #tpu.memory_space<hbm>>
          tpu.enqueue_dma source(%dma_start3A_573 : memref<128xi32, #tpu.memory_space<hbm>>) target(%arg33 : memref<128xi32, #tpu.memory_space<vmem>>) target_semaphore(%arg40 : memref<!tpu.dma_semaphore, #tpu.memory_space<semaphore_mem>>)
          %dma_start3A_574 = tpu.memref_slice %arg3[%add3A_571] : memref<262144xi32, #tpu.memory_space<hbm>> -> memref<128xi32, #tpu.memory_space<hbm>>
          %dma_start3A_575 = tpu.memref_slice %arg3[%add3A_571] : memref<262144xi32, #tpu.memory_space<hbm>> -> memref<128xi32, #tpu.memory_space<hbm>>
          tpu.enqueue_dma source(%dma_start3A_575 : memref<128xi32, #tpu.memory_space<hbm>>) target(%arg34 : memref<128xi32, #tpu.memory_space<vmem>>) target_semaphore(%arg40 : memref<!tpu.dma_semaphore, #tpu.memory_space<semaphore_mem>>)
        } else {
        }
        %mul3A_557 = arith.constant 128 : i32
        %mul3A_558 = arith.muli %add3A_534, %mul3A_557 : i32
        %add3A_559 = arith.addi %mul3A_2, %mul3A_558 : i32
        %parallel_loop3A_560 = arith.constant 0 : i32
        %parallel_loop3A_561 = arith.constant 128 : i32
        %parallel_loop3A_562 = arith.constant 1 : i32
        scf.for %parallel_loop3A_567 = %parallel_loop3A_560 to %parallel_loop3A_561 step %parallel_loop3A_562  : i32 {
          %parallel_loop3A_568 = arith.index_cast %parallel_loop3A_567 : i32 to index
          %parallel_loop3A_569 = arith.constant 0 : index
          %parallel_loop3A_570 = tpu.vector_load %arg36[%parallel_loop3A_568, %parallel_loop3A_569] {strides = array<i32>} : memref<128x128xf32, #tpu.memory_space<vmem>>, vector<1x16xf32>,
          %parallel_loop3A_571 = vector.shape_cast %parallel_loop3A_570 : vector<1x16xf32> to vector<16xf32>
          %parallel_loop3A_572 = arith.index_cast %parallel_loop3A_567 : i32 to index
          %parallel_loop3A_573 = arith.constant 16 : index
          %parallel_loop3A_574 = tpu.vector_load %arg36[%parallel_loop3A_572, %parallel_loop3A_573] {strides = array<i32>} : memref<128x128xf32, #tpu.memory_space<vmem>>, vector<1x16xf32>,
          %parallel_loop3A_575 = vector.shape_cast %parallel_loop3A_574 : vector<1x16xf32> to vector<16xf32>
          %parallel_loop3A_576 = arith.index_cast %parallel_loop3A_567 : i32 to index
          %parallel_loop3A_577 = arith.constant 32 : index
          %parallel_loop3A_578 = tpu.vector_load %arg36[%parallel_loop3A_576, %parallel_loop3A_577] {strides = array<i32>} : memref<128x128xf32, #tpu.memory_space<vmem>>, vector<1x16xf32>,
          %parallel_loop3A_579 = vector.shape_cast %parallel_loop3A_578 : vector<1x16xf32> to vector<16xf32>
          %parallel_loop3A_580 = arith.index_cast %parallel_loop3A_567 : i32 to index
          %parallel_loop3A_581 = arith.constant 48 : index
          %parallel_loop3A_582 = tpu.vector_load %arg36[%parallel_loop3A_580, %parallel_loop3A_581] {strides = array<i32>} : memref<128x128xf32, #tpu.memory_space<vmem>>, vector<1x16xf32>,
          %parallel_loop3A_583 = vector.shape_cast %parallel_loop3A_582 : vector<1x16xf32> to vector<16xf32>
          %parallel_loop3A_584 = arith.index_cast %parallel_loop3A_567 : i32 to index
          %parallel_loop3A_585 = arith.constant 64 : index
          %parallel_loop3A_586 = tpu.vector_load %arg36[%parallel_loop3A_584, %parallel_loop3A_585] {strides = array<i32>} : memref<128x128xf32, #tpu.memory_space<vmem>>, vector<1x16xf32>,
          %parallel_loop3A_587 = vector.shape_cast %parallel_loop3A_586 : vector<1x16xf32> to vector<16xf32>
          %parallel_loop3A_588 = arith.index_cast %parallel_loop3A_567 : i32 to index
          %parallel_loop3A_589 = arith.constant 80 : index
          %parallel_loop3A_590 = tpu.vector_load %arg36[%parallel_loop3A_588, %parallel_loop3A_589] {strides = array<i32>} : memref<128x128xf32, #tpu.memory_space<vmem>>, vector<1x16xf32>,
          %parallel_loop3A_591 = vector.shape_cast %parallel_loop3A_590 : vector<1x16xf32> to vector<16xf32>
          %parallel_loop3A_592 = arith.index_cast %parallel_loop3A_567 : i32 to index
          %parallel_loop3A_593 = arith.constant 96 : index
          %parallel_loop3A_594 = tpu.vector_load %arg36[%parallel_loop3A_592, %parallel_loop3A_593] {strides = array<i32>} : memref<128x128xf32, #tpu.memory_space<vmem>>, vector<1x16xf32>,
          %parallel_loop3A_595 = vector.shape_cast %parallel_loop3A_594 : vector<1x16xf32> to vector<16xf32>
          %parallel_loop3A_596 = arith.index_cast %parallel_loop3A_567 : i32 to index
          %parallel_loop3A_597 = arith.constant 112 : index
          %parallel_loop3A_598 = tpu.vector_load %arg36[%parallel_loop3A_596, %parallel_loop3A_597] {strides = array<i32>} : memref<128x128xf32, #tpu.memory_space<vmem>>, vector<1x16xf32>,
          %parallel_loop3A_599 = vector.shape_cast %parallel_loop3A_598 : vector<1x16xf32> to vector<16xf32>
          %parallel_loop3A_600 = arith.addf %parallel_loop3A_571, %parallel_loop3A_575 : vector<16xf32>
          %parallel_loop3A_601 = arith.addf %parallel_loop3A_600, %parallel_loop3A_579 : vector<16xf32>
          %parallel_loop3A_602 = arith.addf %parallel_loop3A_601, %parallel_loop3A_583 : vector<16xf32>
          %parallel_loop3A_603 = arith.addf %parallel_loop3A_602, %parallel_loop3A_587 : vector<16xf32>
          %parallel_loop3A_604 = arith.addf %parallel_loop3A_603, %parallel_loop3A_591 : vector<16xf32>
          %parallel_loop3A_605 = arith.addf %parallel_loop3A_604, %parallel_loop3A_595 : vector<16xf32>
          %parallel_loop3A_606 = arith.addf %parallel_loop3A_605, %parallel_loop3A_599 : vector<16xf32>
          %parallel_loop3A_607 = arith.mulf %parallel_loop3A_571, %parallel_loop3A_571 : vector<16xf32>
          %parallel_loop3A_608 = arith.mulf %parallel_loop3A_575, %parallel_loop3A_575 : vector<16xf32>
          %parallel_loop3A_609 = arith.addf %parallel_loop3A_607, %parallel_loop3A_608 : vector<16xf32>
          %parallel_loop3A_610 = arith.mulf %parallel_loop3A_579, %parallel_loop3A_579 : vector<16xf32>
          %parallel_loop3A_611 = arith.addf %parallel_loop3A_609, %parallel_loop3A_610 : vector<16xf32>
          %parallel_loop3A_612 = arith.mulf %parallel_loop3A_583, %parallel_loop3A_583 : vector<16xf32>
          %parallel_loop3A_613 = arith.addf %parallel_loop3A_611, %parallel_loop3A_612 : vector<16xf32>
          %parallel_loop3A_614 = arith.mulf %parallel_loop3A_587, %parallel_loop3A_587 : vector<16xf32>
          %parallel_loop3A_615 = arith.addf %parallel_loop3A_613, %parallel_loop3A_614 : vector<16xf32>
          %parallel_loop3A_616 = arith.mulf %parallel_loop3A_591, %parallel_loop3A_591 : vector<16xf32>
          %parallel_loop3A_617 = arith.addf %parallel_loop3A_615, %parallel_loop3A_616 : vector<16xf32>
          %parallel_loop3A_618 = arith.mulf %parallel_loop3A_595, %parallel_loop3A_595 : vector<16xf32>
          %parallel_loop3A_619 = arith.addf %parallel_loop3A_617, %parallel_loop3A_618 : vector<16xf32>
          %parallel_loop3A_620 = arith.mulf %parallel_loop3A_599, %parallel_loop3A_599 : vector<16xf32>
          %parallel_loop3A_621 = arith.addf %parallel_loop3A_619, %parallel_loop3A_620 : vector<16xf32>
          %parallel_loop3A_622 = vector.shape_cast %xor3A_51 : vector<16xi32> to vector<16x1xi32>
          %parallel_loop3A_623 = vector.shape_cast %parallel_loop3A_622 : vector<16x1xi32> to vector<16xi32>
          %parallel_loop3A_624 = tpu.dynamic_gather %parallel_loop3A_606[%parallel_loop3A_623] in [0] : vector<16xf32>, vector<16xi32> -> vector<16xf32>
          %parallel_loop3A_625 = arith.addf %parallel_loop3A_606, %parallel_loop3A_624 : vector<16xf32>
          %parallel_loop3A_626 = vector.shape_cast %xor3A_54 : vector<16xi32> to vector<16x1xi32>
          %parallel_loop3A_627 = vector.shape_cast %parallel_loop3A_626 : vector<16x1xi32> to vector<16xi32>
          %parallel_loop3A_628 = tpu.dynamic_gather %parallel_loop3A_625[%parallel_loop3A_627] in [0] : vector<16xf32>, vector<16xi32> -> vector<16xf32>
          %parallel_loop3A_629 = arith.addf %parallel_loop3A_625, %parallel_loop3A_628 : vector<16xf32>
          %parallel_loop3A_630 = vector.shape_cast %xor3A_57 : vector<16xi32> to vector<16x1xi32>
          %parallel_loop3A_631 = vector.shape_cast %parallel_loop3A_630 : vector<16x1xi32> to vector<16xi32>
          %parallel_loop3A_632 = tpu.dynamic_gather %parallel_loop3A_629[%parallel_loop3A_631] in [0] : vector<16xf32>, vector<16xi32> -> vector<16xf32>
          %parallel_loop3A_633 = arith.addf %parallel_loop3A_629, %parallel_loop3A_632 : vector<16xf32>
          %parallel_loop3A_634 = vector.shape_cast %xor3A_60 : vector<16xi32> to vector<16x1xi32>
          %parallel_loop3A_635 = vector.shape_cast %parallel_loop3A_634 : vector<16x1xi32> to vector<16xi32>
          %parallel_loop3A_636 = tpu.dynamic_gather %parallel_loop3A_633[%parallel_loop3A_635] in [0] : vector<16xf32>, vector<16xi32> -> vector<16xf32>
          %parallel_loop3A_637 = arith.addf %parallel_loop3A_633, %parallel_loop3A_636 : vector<16xf32>
          %parallel_loop3A_638 = vector.broadcast %scan3A_429 : f32 to vector<16xf32>
          %parallel_loop3A_639 = arith.mulf %parallel_loop3A_637, %parallel_loop3A_638 : vector<16xf32>
          %parallel_loop3A_640 = vector.shape_cast %xor3A_51 : vector<16xi32> to vector<16x1xi32>
          %parallel_loop3A_641 = vector.shape_cast %parallel_loop3A_640 : vector<16x1xi32> to vector<16xi32>
          %parallel_loop3A_642 = tpu.dynamic_gather %parallel_loop3A_621[%parallel_loop3A_641] in [0] : vector<16xf32>, vector<16xi32> -> vector<16xf32>
          %parallel_loop3A_643 = arith.addf %parallel_loop3A_621, %parallel_loop3A_642 : vector<16xf32>
          %parallel_loop3A_644 = vector.shape_cast %xor3A_54 : vector<16xi32> to vector<16x1xi32>
          %parallel_loop3A_645 = vector.shape_cast %parallel_loop3A_644 : vector<16x1xi32> to vector<16xi32>
          %parallel_loop3A_646 = tpu.dynamic_gather %parallel_loop3A_643[%parallel_loop3A_645] in [0] : vector<16xf32>, vector<16xi32> -> vector<16xf32>
          %parallel_loop3A_647 = arith.addf %parallel_loop3A_643, %parallel_loop3A_646 : vector<16xf32>
          %parallel_loop3A_648 = vector.shape_cast %xor3A_57 : vector<16xi32> to vector<16x1xi32>
          %parallel_loop3A_649 = vector.shape_cast %parallel_loop3A_648 : vector<16x1xi32> to vector<16xi32>
          %parallel_loop3A_650 = tpu.dynamic_gather %parallel_loop3A_647[%parallel_loop3A_649] in [0] : vector<16xf32>, vector<16xi32> -> vector<16xf32>
          %parallel_loop3A_651 = arith.addf %parallel_loop3A_647, %parallel_loop3A_650 : vector<16xf32>
          %parallel_loop3A_652 = vector.shape_cast %xor3A_60 : vector<16xi32> to vector<16x1xi32>
          %parallel_loop3A_653 = vector.shape_cast %parallel_loop3A_652 : vector<16x1xi32> to vector<16xi32>
          %parallel_loop3A_654 = tpu.dynamic_gather %parallel_loop3A_651[%parallel_loop3A_653] in [0] : vector<16xf32>, vector<16xi32> -> vector<16xf32>
          %parallel_loop3A_655 = arith.addf %parallel_loop3A_651, %parallel_loop3A_654 : vector<16xf32>
          %parallel_loop3A_656 = vector.broadcast %scan3A_429 : f32 to vector<16xf32>
          %parallel_loop3A_657 = arith.mulf %parallel_loop3A_655, %parallel_loop3A_656 : vector<16xf32>
          %parallel_loop3A_658 = arith.mulf %parallel_loop3A_639, %parallel_loop3A_639 : vector<16xf32>
          %parallel_loop3A_659 = arith.subf %parallel_loop3A_657, %parallel_loop3A_658 : vector<16xf32>
          %parallel_loop3A_660 = arith.constant 9.99999996E-13 : f32
          %parallel_loop3A_661 = vector.broadcast %parallel_loop3A_660 : f32 to vector<16xf32>
          %parallel_loop3A_662 = arith.addf %parallel_loop3A_659, %parallel_loop3A_661 : vector<16xf32>
          %parallel_loop3A_663 = tpu.bitcast %parallel_loop3A_662 : vector<16xf32> -> vector<16xi32>
          %parallel_loop3A_664 = arith.constant 1 : i32
          %parallel_loop3A_665 = vector.broadcast %parallel_loop3A_664 : i32 to vector<16xi32>
          %parallel_loop3A_666 = arith.shrui %parallel_loop3A_663, %parallel_loop3A_665 : vector<16xi32>
          %parallel_loop3A_667 = arith.constant 1597463007 : i32
          %parallel_loop3A_668 = vector.broadcast %parallel_loop3A_667 : i32 to vector<16xi32>
          %parallel_loop3A_669 = arith.subi %parallel_loop3A_668, %parallel_loop3A_666 : vector<16xi32>
          %parallel_loop3A_670 = tpu.bitcast %parallel_loop3A_669 : vector<16xi32> -> vector<16xf32>
          %parallel_loop3A_671 = arith.constant 5.000000e-01 : f32
          %parallel_loop3A_672 = vector.broadcast %parallel_loop3A_671 : f32 to vector<16xf32>
          %parallel_loop3A_673 = arith.mulf %parallel_loop3A_662, %parallel_loop3A_672 : vector<16xf32>
          %parallel_loop3A_674 = arith.mulf %parallel_loop3A_673, %parallel_loop3A_670 : vector<16xf32>
          %parallel_loop3A_675 = arith.mulf %parallel_loop3A_674, %parallel_loop3A_670 : vector<16xf32>
          %parallel_loop3A_676 = arith.constant 1.500000e+00 : f32
          %parallel_loop3A_677 = vector.broadcast %parallel_loop3A_676 : f32 to vector<16xf32>
          %parallel_loop3A_678 = arith.subf %parallel_loop3A_677, %parallel_loop3A_675 : vector<16xf32>
          %parallel_loop3A_679 = arith.mulf %parallel_loop3A_670, %parallel_loop3A_678 : vector<16xf32>
          %parallel_loop3A_680 = arith.mulf %parallel_loop3A_673, %parallel_loop3A_679 : vector<16xf32>
          %parallel_loop3A_681 = arith.mulf %parallel_loop3A_680, %parallel_loop3A_679 : vector<16xf32>
          %parallel_loop3A_682 = arith.constant 1.500000e+00 : f32
          %parallel_loop3A_683 = vector.broadcast %parallel_loop3A_682 : f32 to vector<16xf32>
          %parallel_loop3A_684 = arith.subf %parallel_loop3A_683, %parallel_loop3A_681 : vector<16xf32>
          %parallel_loop3A_685 = arith.mulf %parallel_loop3A_679, %parallel_loop3A_684 : vector<16xf32>
          %parallel_loop3A_686 = arith.mulf %parallel_loop3A_639, %parallel_loop3A_685 : vector<16xf32>
          %parallel_loop3A_687 = arith.mulf %parallel_loop3A_571, %parallel_loop3A_685 : vector<16xf32>
          %parallel_loop3A_688 = arith.subf %parallel_loop3A_687, %parallel_loop3A_686 : vector<16xf32>
          %parallel_loop3A_689 = arith.mulf %parallel_loop3A_688, %get3A_4 : vector<16xf32>
          %parallel_loop3A_690 = arith.addf %parallel_loop3A_689, %get3A_28 : vector<16xf32>
          %parallel_loop3A_691 = arith.index_cast %parallel_loop3A_567 : i32 to index
          %parallel_loop3A_692 = arith.constant 0 : index
          %parallel_loop3A_693 = tpu.vector_load %arg36[%parallel_loop3A_691, %parallel_loop3A_692] {strides = array<i32>} : memref<128x128xf32, #tpu.memory_space<vmem>>, vector<1x16xf32>,
          %parallel_loop3A_694 = vector.shape_cast %parallel_loop3A_693 : vector<1x16xf32> to vector<16xf32>
          %parallel_loop3A_695 = vector.shape_cast %parallel_loop3A_690 : vector<16xf32> to vector<1x16xf32>
          tpu.vector_store %arg36[%parallel_loop3A_691, %parallel_loop3A_692], %parallel_loop3A_695 {strides = array<i32>} : memref<128x128xf32, #tpu.memory_space<vmem>>, vector<1x16xf32>,
          %parallel_loop3A_696 = arith.mulf %parallel_loop3A_575, %parallel_loop3A_685 : vector<16xf32>
          %parallel_loop3A_697 = arith.subf %parallel_loop3A_696, %parallel_loop3A_686 : vector<16xf32>
          %parallel_loop3A_698 = arith.mulf %parallel_loop3A_697, %get3A_7 : vector<16xf32>
          %parallel_loop3A_699 = arith.addf %parallel_loop3A_698, %get3A_31 : vector<16xf32>
          %parallel_loop3A_700 = arith.index_cast %parallel_loop3A_567 : i32 to index
          %parallel_loop3A_701 = arith.constant 16 : index
          %parallel_loop3A_702 = tpu.vector_load %arg36[%parallel_loop3A_700, %parallel_loop3A_701] {strides = array<i32>} : memref<128x128xf32, #tpu.memory_space<vmem>>, vector<1x16xf32>,
          %parallel_loop3A_703 = vector.shape_cast %parallel_loop3A_702 : vector<1x16xf32> to vector<16xf32>
          %parallel_loop3A_704 = vector.shape_cast %parallel_loop3A_699 : vector<16xf32> to vector<1x16xf32>
          tpu.vector_store %arg36[%parallel_loop3A_700, %parallel_loop3A_701], %parallel_loop3A_704 {strides = array<i32>} : memref<128x128xf32, #tpu.memory_space<vmem>>, vector<1x16xf32>,
          %parallel_loop3A_705 = arith.mulf %parallel_loop3A_579, %parallel_loop3A_685 : vector<16xf32>
          %parallel_loop3A_706 = arith.subf %parallel_loop3A_705, %parallel_loop3A_686 : vector<16xf32>
          %parallel_loop3A_707 = arith.mulf %parallel_loop3A_706, %get3A_10 : vector<16xf32>
          %parallel_loop3A_708 = arith.addf %parallel_loop3A_707, %get3A_34 : vector<16xf32>
          %parallel_loop3A_709 = arith.index_cast %parallel_loop3A_567 : i32 to index
          %parallel_loop3A_710 = arith.constant 32 : index
          %parallel_loop3A_711 = tpu.vector_load %arg36[%parallel_loop3A_709, %parallel_loop3A_710] {strides = array<i32>} : memref<128x128xf32, #tpu.memory_space<vmem>>, vector<1x16xf32>,
          %parallel_loop3A_712 = vector.shape_cast %parallel_loop3A_711 : vector<1x16xf32> to vector<16xf32>
          %parallel_loop3A_713 = vector.shape_cast %parallel_loop3A_708 : vector<16xf32> to vector<1x16xf32>
          tpu.vector_store %arg36[%parallel_loop3A_709, %parallel_loop3A_710], %parallel_loop3A_713 {strides = array<i32>} : memref<128x128xf32, #tpu.memory_space<vmem>>, vector<1x16xf32>,
          %parallel_loop3A_714 = arith.mulf %parallel_loop3A_583, %parallel_loop3A_685 : vector<16xf32>
          %parallel_loop3A_715 = arith.subf %parallel_loop3A_714, %parallel_loop3A_686 : vector<16xf32>
          %parallel_loop3A_716 = arith.mulf %parallel_loop3A_715, %get3A_13 : vector<16xf32>
          %parallel_loop3A_717 = arith.addf %parallel_loop3A_716, %get3A_37 : vector<16xf32>
          %parallel_loop3A_718 = arith.index_cast %parallel_loop3A_567 : i32 to index
          %parallel_loop3A_719 = arith.constant 48 : index
          %parallel_loop3A_720 = tpu.vector_load %arg36[%parallel_loop3A_718, %parallel_loop3A_719] {strides = array<i32>} : memref<128x128xf32, #tpu.memory_space<vmem>>, vector<1x16xf32>,
          %parallel_loop3A_721 = vector.shape_cast %parallel_loop3A_720 : vector<1x16xf32> to vector<16xf32>
          %parallel_loop3A_722 = vector.shape_cast %parallel_loop3A_717 : vector<16xf32> to vector<1x16xf32>
          tpu.vector_store %arg36[%parallel_loop3A_718, %parallel_loop3A_719], %parallel_loop3A_722 {strides = array<i32>} : memref<128x128xf32, #tpu.memory_space<vmem>>, vector<1x16xf32>,
          %parallel_loop3A_723 = arith.mulf %parallel_loop3A_587, %parallel_loop3A_685 : vector<16xf32>
          %parallel_loop3A_724 = arith.subf %parallel_loop3A_723, %parallel_loop3A_686 : vector<16xf32>
          %parallel_loop3A_725 = arith.mulf %parallel_loop3A_724, %get3A_16 : vector<16xf32>
          %parallel_loop3A_726 = arith.addf %parallel_loop3A_725, %get3A_40 : vector<16xf32>
          %parallel_loop3A_727 = arith.index_cast %parallel_loop3A_567 : i32 to index
          %parallel_loop3A_728 = arith.constant 64 : index
          %parallel_loop3A_729 = tpu.vector_load %arg36[%parallel_loop3A_727, %parallel_loop3A_728] {strides = array<i32>} : memref<128x128xf32, #tpu.memory_space<vmem>>, vector<1x16xf32>,
          %parallel_loop3A_730 = vector.shape_cast %parallel_loop3A_729 : vector<1x16xf32> to vector<16xf32>
          %parallel_loop3A_731 = vector.shape_cast %parallel_loop3A_726 : vector<16xf32> to vector<1x16xf32>
          tpu.vector_store %arg36[%parallel_loop3A_727, %parallel_loop3A_728], %parallel_loop3A_731 {strides = array<i32>} : memref<128x128xf32, #tpu.memory_space<vmem>>, vector<1x16xf32>,
          %parallel_loop3A_732 = arith.mulf %parallel_loop3A_591, %parallel_loop3A_685 : vector<16xf32>
          %parallel_loop3A_733 = arith.subf %parallel_loop3A_732, %parallel_loop3A_686 : vector<16xf32>
          %parallel_loop3A_734 = arith.mulf %parallel_loop3A_733, %get3A_19 : vector<16xf32>
          %parallel_loop3A_735 = arith.addf %parallel_loop3A_734, %get3A_43 : vector<16xf32>
          %parallel_loop3A_736 = arith.index_cast %parallel_loop3A_567 : i32 to index
          %parallel_loop3A_737 = arith.constant 80 : index
          %parallel_loop3A_738 = tpu.vector_load %arg36[%parallel_loop3A_736, %parallel_loop3A_737] {strides = array<i32>} : memref<128x128xf32, #tpu.memory_space<vmem>>, vector<1x16xf32>,
          %parallel_loop3A_739 = vector.shape_cast %parallel_loop3A_738 : vector<1x16xf32> to vector<16xf32>
          %parallel_loop3A_740 = vector.shape_cast %parallel_loop3A_735 : vector<16xf32> to vector<1x16xf32>
          tpu.vector_store %arg36[%parallel_loop3A_736, %parallel_loop3A_737], %parallel_loop3A_740 {strides = array<i32>} : memref<128x128xf32, #tpu.memory_space<vmem>>, vector<1x16xf32>,
          %parallel_loop3A_741 = arith.mulf %parallel_loop3A_595, %parallel_loop3A_685 : vector<16xf32>
          %parallel_loop3A_742 = arith.subf %parallel_loop3A_741, %parallel_loop3A_686 : vector<16xf32>
          %parallel_loop3A_743 = arith.mulf %parallel_loop3A_742, %get3A_22 : vector<16xf32>
          %parallel_loop3A_744 = arith.addf %parallel_loop3A_743, %get3A_46 : vector<16xf32>
          %parallel_loop3A_745 = arith.index_cast %parallel_loop3A_567 : i32 to index
          %parallel_loop3A_746 = arith.constant 96 : index
          %parallel_loop3A_747 = tpu.vector_load %arg36[%parallel_loop3A_745, %parallel_loop3A_746] {strides = array<i32>} : memref<128x128xf32, #tpu.memory_space<vmem>>, vector<1x16xf32>,
          %parallel_loop3A_748 = vector.shape_cast %parallel_loop3A_747 : vector<1x16xf32> to vector<16xf32>
          %parallel_loop3A_749 = vector.shape_cast %parallel_loop3A_744 : vector<16xf32> to vector<1x16xf32>
          tpu.vector_store %arg36[%parallel_loop3A_745, %parallel_loop3A_746], %parallel_loop3A_749 {strides = array<i32>} : memref<128x128xf32, #tpu.memory_space<vmem>>, vector<1x16xf32>,
          %parallel_loop3A_750 = arith.mulf %parallel_loop3A_599, %parallel_loop3A_685 : vector<16xf32>
          %parallel_loop3A_751 = arith.subf %parallel_loop3A_750, %parallel_loop3A_686 : vector<16xf32>
          %parallel_loop3A_752 = arith.mulf %parallel_loop3A_751, %get3A_25 : vector<16xf32>
          %parallel_loop3A_753 = arith.addf %parallel_loop3A_752, %get3A_49 : vector<16xf32>
          %parallel_loop3A_754 = arith.index_cast %parallel_loop3A_567 : i32 to index
          %parallel_loop3A_755 = arith.constant 112 : index
          %parallel_loop3A_756 = tpu.vector_load %arg36[%parallel_loop3A_754, %parallel_loop3A_755] {strides = array<i32>} : memref<128x128xf32, #tpu.memory_space<vmem>>, vector<1x16xf32>,
          %parallel_loop3A_757 = vector.shape_cast %parallel_loop3A_756 : vector<1x16xf32> to vector<16xf32>
          %parallel_loop3A_758 = vector.shape_cast %parallel_loop3A_753 : vector<16xf32> to vector<1x16xf32>
          tpu.vector_store %arg36[%parallel_loop3A_754, %parallel_loop3A_755], %parallel_loop3A_758 {strides = array<i32>} : memref<128x128xf32, #tpu.memory_space<vmem>>, vector<1x16xf32>,
        } {sc.loop_unroll_factor = 5 : i64, sc.parallel_access}
        %dma_start3A_563 = arith.constant 0 : i32
        %dma_start3A_564 = tpu.memref_slice %arg8[%add3A_559, %dma_start3A_563] : memref<262144x128xf32, #tpu.memory_space<hbm>> -> memref<128x128xf32, #tpu.memory_space<hbm>>
        %dma_start3A_565 = arith.constant 0 : i32
        %dma_start3A_566 = tpu.memref_slice %arg8[%add3A_559, %dma_start3A_565] : memref<262144x128xf32, #tpu.memory_space<hbm>> -> memref<128x128xf32, #tpu.memory_space<hbm>>
        tpu.enqueue_dma source(%arg36 : memref<128x128xf32, #tpu.memory_space<vmem>>) target(%dma_start3A_566 : memref<128x128xf32, #tpu.memory_space<hbm>>) target_semaphore(%arg39 : memref<!tpu.dma_semaphore, #tpu.memory_space<semaphore_mem>>)
      } else {
      }
      %add3A_540 = arith.constant 6 : i32
      %add3A_541 = arith.addi %mul3A_453, %add3A_540 : i32
      %lt3A_542 = arith.constant 64 : i32
      %lt3A_543 = arith.cmpi slt, %add3A_541, %lt3A_542 : i32
      %convert_element_type3A_544 = arith.extui %lt3A_543 : i1 to i32
      %cond3A_545 = arith.constant 0 : i32
      %cond3A_546 = arith.cmpi ne, %convert_element_type3A_544, %cond3A_545 : i32
      scf.if %cond3A_546 {
        %ge3A = arith.constant 4 : i32
        %ge3A_547 = arith.cmpi sge, %add3A_541, %ge3A : i32
        %convert_element_type3A_548 = arith.extui %ge3A_547 : i1 to i32
        %cond3A_549 = arith.constant 0 : i32
        %cond3A_550 = arith.cmpi ne, %convert_element_type3A_548, %cond3A_549 : i32
        scf.if %cond3A_550 {
          %dma_wait3A_670 = arith.constant 0 : i32
          %dma_wait3A_671 = tpu.memref_slice %arg8[%mul3A_2, %dma_wait3A_670] : memref<262144x128xf32, #tpu.memory_space<hbm>> -> memref<128x128xf32, #tpu.memory_space<hbm>>
          %dma_wait3A_672 = arith.constant 0 : i32
          %dma_wait3A_673 = tpu.memref_slice %arg8[%mul3A_2, %dma_wait3A_672] : memref<262144x128xf32, #tpu.memory_space<hbm>> -> memref<128x128xf32, #tpu.memory_space<hbm>>
          tpu.wait_dma2 semaphore(%arg31 : memref<!tpu.dma_semaphore, #tpu.memory_space<semaphore_mem>>) src(%arg28 : memref<128x128xf32, #tpu.memory_space<vmem>>) dst(%dma_wait3A_673 : memref<128x128xf32, #tpu.memory_space<hbm>>)
        } else {
        }
        %dma_wait3A_551 = tpu.memref_slice %arg2[%mul3A_2] : memref<262144xi32, #tpu.memory_space<hbm>> -> memref<128xi32, #tpu.memory_space<hbm>>
        %dma_wait3A_552 = tpu.memref_slice %arg2[%mul3A_2] : memref<262144xi32, #tpu.memory_space<hbm>> -> memref<128xi32, #tpu.memory_space<hbm>>
        tpu.wait_dma2 semaphore(%arg32 : memref<!tpu.dma_semaphore, #tpu.memory_space<semaphore_mem>>) src(%dma_wait3A_552 : memref<128xi32, #tpu.memory_space<hbm>>) dst(%arg25 : memref<128xi32, #tpu.memory_space<vmem>>)
        %dma_wait3A_553 = tpu.memref_slice %arg3[%mul3A_2] : memref<262144xi32, #tpu.memory_space<hbm>> -> memref<128xi32, #tpu.memory_space<hbm>>
        %dma_wait3A_554 = tpu.memref_slice %arg3[%mul3A_2] : memref<262144xi32, #tpu.memory_space<hbm>> -> memref<128xi32, #tpu.memory_space<hbm>>
        tpu.wait_dma2 semaphore(%arg32 : memref<!tpu.dma_semaphore, #tpu.memory_space<semaphore_mem>>) src(%dma_wait3A_554 : memref<128xi32, #tpu.memory_space<hbm>>) dst(%arg26 : memref<128xi32, #tpu.memory_space<vmem>>)
        %get3A_555 = arith.constant 0 : index
        %get3A_556 = tpu.vector_load %arg26[%get3A_555] {strides = array<i32>} : memref<128xi32, #tpu.memory_space<vmem>>, vector<16xi32>,
        %get3A_557 = vector.shape_cast %get3A_556 : vector<16xi32> to vector<16xi32>
        %mul3A_558 = arith.constant 128 : i32
        %mul3A_559 = vector.broadcast %mul3A_558 : i32 to vector<16xi32>
        %mul3A_560 = arith.muli %get3A_557, %mul3A_559 : vector<16xi32>
        %add3A_561 = arith.constant 0 : i32
        %add3A_562 = vector.broadcast %add3A_561 : i32 to vector<16xi32>
        %add3A_563 = arith.addi %iota3A, %add3A_562 : vector<16xi32>
        %add3A_564 = arith.addi %mul3A_560, %add3A_563 : vector<16xi32>
        %swap3A_565 = arith.constant 0 : index
        %swap3A_566 = tpu.vector_load %arg27[%swap3A_565] {strides = array<i32>} : memref<128xi32, #tpu.memory_space<vmem>>, vector<16xi32>,
        %swap3A_567 = vector.shape_cast %swap3A_566 : vector<16xi32> to vector<16xi32>
        %swap3A_568 = vector.shape_cast %add3A_564 : vector<16xi32> to vector<16xi32>
        tpu.vector_store %arg27[%swap3A_565], %swap3A_568 {strides = array<i32>} : memref<128xi32, #tpu.memory_space<vmem>>, vector<16xi32>,
        %get3A_569 = arith.constant 16 : index
        %get3A_570 = tpu.vector_load %arg26[%get3A_569] {strides = array<i32>} : memref<128xi32, #tpu.memory_space<vmem>>, vector<16xi32>,
        %get3A_571 = vector.shape_cast %get3A_570 : vector<16xi32> to vector<16xi32>
        %mul3A_572 = arith.constant 128 : i32
        %mul3A_573 = vector.broadcast %mul3A_572 : i32 to vector<16xi32>
        %mul3A_574 = arith.muli %get3A_571, %mul3A_573 : vector<16xi32>
        %add3A_575 = arith.constant 16 : i32
        %add3A_576 = vector.broadcast %add3A_575 : i32 to vector<16xi32>
        %add3A_577 = arith.addi %iota3A, %add3A_576 : vector<16xi32>
        %add3A_578 = arith.addi %mul3A_574, %add3A_577 : vector<16xi32>
        %swap3A_579 = arith.constant 16 : index
        %swap3A_580 = tpu.vector_load %arg27[%swap3A_579] {strides = array<i32>} : memref<128xi32, #tpu.memory_space<vmem>>, vector<16xi32>,
        %swap3A_581 = vector.shape_cast %swap3A_580 : vector<16xi32> to vector<16xi32>
        %swap3A_582 = vector.shape_cast %add3A_578 : vector<16xi32> to vector<16xi32>
        tpu.vector_store %arg27[%swap3A_579], %swap3A_582 {strides = array<i32>} : memref<128xi32, #tpu.memory_space<vmem>>, vector<16xi32>,
        %get3A_583 = arith.constant 32 : index
        %get3A_584 = tpu.vector_load %arg26[%get3A_583] {strides = array<i32>} : memref<128xi32, #tpu.memory_space<vmem>>, vector<16xi32>,
        %get3A_585 = vector.shape_cast %get3A_584 : vector<16xi32> to vector<16xi32>
        %mul3A_586 = arith.constant 128 : i32
        %mul3A_587 = vector.broadcast %mul3A_586 : i32 to vector<16xi32>
        %mul3A_588 = arith.muli %get3A_585, %mul3A_587 : vector<16xi32>
        %add3A_589 = arith.constant 32 : i32
        %add3A_590 = vector.broadcast %add3A_589 : i32 to vector<16xi32>
        %add3A_591 = arith.addi %iota3A, %add3A_590 : vector<16xi32>
        %add3A_592 = arith.addi %mul3A_588, %add3A_591 : vector<16xi32>
        %swap3A_593 = arith.constant 32 : index
        %swap3A_594 = tpu.vector_load %arg27[%swap3A_593] {strides = array<i32>} : memref<128xi32, #tpu.memory_space<vmem>>, vector<16xi32>,
        %swap3A_595 = vector.shape_cast %swap3A_594 : vector<16xi32> to vector<16xi32>
        %swap3A_596 = vector.shape_cast %add3A_592 : vector<16xi32> to vector<16xi32>
        tpu.vector_store %arg27[%swap3A_593], %swap3A_596 {strides = array<i32>} : memref<128xi32, #tpu.memory_space<vmem>>, vector<16xi32>,
        %get3A_597 = arith.constant 48 : index
        %get3A_598 = tpu.vector_load %arg26[%get3A_597] {strides = array<i32>} : memref<128xi32, #tpu.memory_space<vmem>>, vector<16xi32>,
        %get3A_599 = vector.shape_cast %get3A_598 : vector<16xi32> to vector<16xi32>
        %mul3A_600 = arith.constant 128 : i32
        %mul3A_601 = vector.broadcast %mul3A_600 : i32 to vector<16xi32>
        %mul3A_602 = arith.muli %get3A_599, %mul3A_601 : vector<16xi32>
        %add3A_603 = arith.constant 48 : i32
        %add3A_604 = vector.broadcast %add3A_603 : i32 to vector<16xi32>
        %add3A_605 = arith.addi %iota3A, %add3A_604 : vector<16xi32>
        %add3A_606 = arith.addi %mul3A_602, %add3A_605 : vector<16xi32>
        %swap3A_607 = arith.constant 48 : index
        %swap3A_608 = tpu.vector_load %arg27[%swap3A_607] {strides = array<i32>} : memref<128xi32, #tpu.memory_space<vmem>>, vector<16xi32>,
        %swap3A_609 = vector.shape_cast %swap3A_608 : vector<16xi32> to vector<16xi32>
        %swap3A_610 = vector.shape_cast %add3A_606 : vector<16xi32> to vector<16xi32>
        tpu.vector_store %arg27[%swap3A_607], %swap3A_610 {strides = array<i32>} : memref<128xi32, #tpu.memory_space<vmem>>, vector<16xi32>,
        %get3A_611 = arith.constant 64 : index
        %get3A_612 = tpu.vector_load %arg26[%get3A_611] {strides = array<i32>} : memref<128xi32, #tpu.memory_space<vmem>>, vector<16xi32>,
        %get3A_613 = vector.shape_cast %get3A_612 : vector<16xi32> to vector<16xi32>
        %mul3A_614 = arith.constant 128 : i32
        %mul3A_615 = vector.broadcast %mul3A_614 : i32 to vector<16xi32>
        %mul3A_616 = arith.muli %get3A_613, %mul3A_615 : vector<16xi32>
        %add3A_617 = arith.constant 64 : i32
        %add3A_618 = vector.broadcast %add3A_617 : i32 to vector<16xi32>
        %add3A_619 = arith.addi %iota3A, %add3A_618 : vector<16xi32>
        %add3A_620 = arith.addi %mul3A_616, %add3A_619 : vector<16xi32>
        %swap3A_621 = arith.constant 64 : index
        %swap3A_622 = tpu.vector_load %arg27[%swap3A_621] {strides = array<i32>} : memref<128xi32, #tpu.memory_space<vmem>>, vector<16xi32>,
        %swap3A_623 = vector.shape_cast %swap3A_622 : vector<16xi32> to vector<16xi32>
        %swap3A_624 = vector.shape_cast %add3A_620 : vector<16xi32> to vector<16xi32>
        tpu.vector_store %arg27[%swap3A_621], %swap3A_624 {strides = array<i32>} : memref<128xi32, #tpu.memory_space<vmem>>, vector<16xi32>,
        %get3A_625 = arith.constant 80 : index
        %get3A_626 = tpu.vector_load %arg26[%get3A_625] {strides = array<i32>} : memref<128xi32, #tpu.memory_space<vmem>>, vector<16xi32>,
        %get3A_627 = vector.shape_cast %get3A_626 : vector<16xi32> to vector<16xi32>
        %mul3A_628 = arith.constant 128 : i32
        %mul3A_629 = vector.broadcast %mul3A_628 : i32 to vector<16xi32>
        %mul3A_630 = arith.muli %get3A_627, %mul3A_629 : vector<16xi32>
        %add3A_631 = arith.constant 80 : i32
        %add3A_632 = vector.broadcast %add3A_631 : i32 to vector<16xi32>
        %add3A_633 = arith.addi %iota3A, %add3A_632 : vector<16xi32>
        %add3A_634 = arith.addi %mul3A_630, %add3A_633 : vector<16xi32>
        %swap3A_635 = arith.constant 80 : index
        %swap3A_636 = tpu.vector_load %arg27[%swap3A_635] {strides = array<i32>} : memref<128xi32, #tpu.memory_space<vmem>>, vector<16xi32>,
        %swap3A_637 = vector.shape_cast %swap3A_636 : vector<16xi32> to vector<16xi32>
        %swap3A_638 = vector.shape_cast %add3A_634 : vector<16xi32> to vector<16xi32>
        tpu.vector_store %arg27[%swap3A_635], %swap3A_638 {strides = array<i32>} : memref<128xi32, #tpu.memory_space<vmem>>, vector<16xi32>,
        %get3A_639 = arith.constant 96 : index
        %get3A_640 = tpu.vector_load %arg26[%get3A_639] {strides = array<i32>} : memref<128xi32, #tpu.memory_space<vmem>>, vector<16xi32>,
        %get3A_641 = vector.shape_cast %get3A_640 : vector<16xi32> to vector<16xi32>
        %mul3A_642 = arith.constant 128 : i32
        %mul3A_643 = vector.broadcast %mul3A_642 : i32 to vector<16xi32>
        %mul3A_644 = arith.muli %get3A_641, %mul3A_643 : vector<16xi32>
        %add3A_645 = arith.constant 96 : i32
        %add3A_646 = vector.broadcast %add3A_645 : i32 to vector<16xi32>
        %add3A_647 = arith.addi %iota3A, %add3A_646 : vector<16xi32>
        %add3A_648 = arith.addi %mul3A_644, %add3A_647 : vector<16xi32>
        %swap3A_649 = arith.constant 96 : index
        %swap3A_650 = tpu.vector_load %arg27[%swap3A_649] {strides = array<i32>} : memref<128xi32, #tpu.memory_space<vmem>>, vector<16xi32>,
        %swap3A_651 = vector.shape_cast %swap3A_650 : vector<16xi32> to vector<16xi32>
        %swap3A_652 = vector.shape_cast %add3A_648 : vector<16xi32> to vector<16xi32>
        tpu.vector_store %arg27[%swap3A_649], %swap3A_652 {strides = array<i32>} : memref<128xi32, #tpu.memory_space<vmem>>, vector<16xi32>,
        %get3A_653 = arith.constant 112 : index
        %get3A_654 = tpu.vector_load %arg26[%get3A_653] {strides = array<i32>} : memref<128xi32, #tpu.memory_space<vmem>>, vector<16xi32>,
        %get3A_655 = vector.shape_cast %get3A_654 : vector<16xi32> to vector<16xi32>
        %mul3A_656 = arith.constant 128 : i32
        %mul3A_657 = vector.broadcast %mul3A_656 : i32 to vector<16xi32>
        %mul3A_658 = arith.muli %get3A_655, %mul3A_657 : vector<16xi32>
        %add3A_659 = arith.constant 112 : i32
        %add3A_660 = vector.broadcast %add3A_659 : i32 to vector<16xi32>
        %add3A_661 = arith.addi %iota3A, %add3A_660 : vector<16xi32>
        %add3A_662 = arith.addi %mul3A_658, %add3A_661 : vector<16xi32>
        %swap3A_663 = arith.constant 112 : index
        %swap3A_664 = tpu.vector_load %arg27[%swap3A_663] {strides = array<i32>} : memref<128xi32, #tpu.memory_space<vmem>>, vector<16xi32>,
        %swap3A_665 = vector.shape_cast %swap3A_664 : vector<16xi32> to vector<16xi32>
        %swap3A_666 = vector.shape_cast %add3A_662 : vector<16xi32> to vector<16xi32>
        tpu.vector_store %arg27[%swap3A_663], %swap3A_666 {strides = array<i32>} : memref<128xi32, #tpu.memory_space<vmem>>, vector<16xi32>,
        %dma_start3A_667 = arith.constant 0 : i32
        %dma_start3A_668 = arith.constant 0 : i32
        %dma_start3A_669 = tpu.memref_slice %arg4[%dma_start3A_667, %dma_start3A_668] : memref<1792x128xf32, #tpu.memory_space<hbm>> -> memref<1792x128xf32, #tpu.memory_space<hbm>>
        tpu.enqueue_indirect_dma source(%dma_start3A_669 : memref<1792x128xf32, #tpu.memory_space<hbm>>) target(%arg28 : memref<128x128xf32, #tpu.memory_space<vmem>>) offsets(%arg27 : memref<128xi32, #tpu.memory_space<vmem>>) semaphore(%arg29 : memref<!tpu.dma_semaphore, #tpu.memory_space<semaphore_mem>>)
      } else {
      }
    }
    %scan3A_434 = arith.constant 16 : i32
    %dma_wait3A_435 = arith.constant 0 : i32
    %dma_wait3A_436 = tpu.memref_slice %arg8[%mul3A_2, %dma_wait3A_435] : memref<262144x128xf32, #tpu.memory_space<hbm>> -> memref<128x128xf32, #tpu.memory_space<hbm>>
    %dma_wait3A_437 = arith.constant 0 : i32
    %dma_wait3A_438 = tpu.memref_slice %arg8[%mul3A_2, %dma_wait3A_437] : memref<262144x128xf32, #tpu.memory_space<hbm>> -> memref<128x128xf32, #tpu.memory_space<hbm>>
    tpu.wait_dma2 semaphore(%arg15 : memref<!tpu.dma_semaphore, #tpu.memory_space<semaphore_mem>>) src(%arg12 : memref<128x128xf32, #tpu.memory_space<vmem>>) dst(%dma_wait3A_438 : memref<128x128xf32, #tpu.memory_space<hbm>>)
    %dma_wait3A_439 = arith.constant 0 : i32
    %dma_wait3A_440 = tpu.memref_slice %arg8[%mul3A_2, %dma_wait3A_439] : memref<262144x128xf32, #tpu.memory_space<hbm>> -> memref<128x128xf32, #tpu.memory_space<hbm>>
    %dma_wait3A_441 = arith.constant 0 : i32
    %dma_wait3A_442 = tpu.memref_slice %arg8[%mul3A_2, %dma_wait3A_441] : memref<262144x128xf32, #tpu.memory_space<hbm>> -> memref<128x128xf32, #tpu.memory_space<hbm>>
    tpu.wait_dma2 semaphore(%arg23 : memref<!tpu.dma_semaphore, #tpu.memory_space<semaphore_mem>>) src(%arg20 : memref<128x128xf32, #tpu.memory_space<vmem>>) dst(%dma_wait3A_442 : memref<128x128xf32, #tpu.memory_space<hbm>>)
    %dma_wait3A_443 = arith.constant 0 : i32
    %dma_wait3A_444 = tpu.memref_slice %arg8[%mul3A_2, %dma_wait3A_443] : memref<262144x128xf32, #tpu.memory_space<hbm>> -> memref<128x128xf32, #tpu.memory_space<hbm>>
    %dma_wait3A_445 = arith.constant 0 : i32
    %dma_wait3A_446 = tpu.memref_slice %arg8[%mul3A_2, %dma_wait3A_445] : memref<262144x128xf32, #tpu.memory_space<hbm>> -> memref<128x128xf32, #tpu.memory_space<hbm>>
    tpu.wait_dma2 semaphore(%arg31 : memref<!tpu.dma_semaphore, #tpu.memory_space<semaphore_mem>>) src(%arg28 : memref<128x128xf32, #tpu.memory_space<vmem>>) dst(%dma_wait3A_446 : memref<128x128xf32, #tpu.memory_space<hbm>>)
    %dma_wait3A_447 = arith.constant 0 : i32
    %dma_wait3A_448 = tpu.memref_slice %arg8[%mul3A_2, %dma_wait3A_447] : memref<262144x128xf32, #tpu.memory_space<hbm>> -> memref<128x128xf32, #tpu.memory_space<hbm>>
    %dma_wait3A_449 = arith.constant 0 : i32
    %dma_wait3A_450 = tpu.memref_slice %arg8[%mul3A_2, %dma_wait3A_449] : memref<262144x128xf32, #tpu.memory_space<hbm>> -> memref<128x128xf32, #tpu.memory_space<hbm>>
    tpu.wait_dma2 semaphore(%arg39 : memref<!tpu.dma_semaphore, #tpu.memory_space<semaphore_mem>>) src(%arg36 : memref<128x128xf32, #tpu.memory_space<vmem>>) dst(%dma_wait3A_450 : memref<128x128xf32, #tpu.memory_space<hbm>>)
    return
  }
}

</mosaic_0001>

<sc_bundles>
// kernel: kernel.3.cloned.1.call-start
scs
__scs_entry_jumppad:
0x0: {  	(pc) =	sbr.rel $0x88, $3  }
0x1: {  	(tag) =	ssettag $0x0;
	lr =	simm.s32 $0x1  }
0x2: {  	[smem:$0x3F9B] =	sst lr;
	_ =	strace $0xD0000000  }
0x3: {  	_ = 	snop  }
0x4: {  	_ = 	snop  }
0x5: {  	_ = 	snop  }
0x6: {  	_ = 	snop  }
0x7: {  	_ = 	snop  }
__scs_overlays_trampoline_lowered:
0x8: {  	[smem:$0x3FAA] =	sst s0  }
0x9: {  	[smem:$0x3FAB] =	sst s1  }
0xa: {  	[smem:$0x3FAC] =	sst s2  }
0xb: {  	[smem:$0x3FAD] =	sst s3  }
0xc: {  	[smem:$0x3FAE] =	sst s4  }
0xd: {  	[smem:$0x3FAF] =	sst s5  }
0xe: {  	[smem:$0x3FB0] =	sst s6  }
0xf: {  	[smem:$0x3FB1] =	sst s7  }
0x10: {  	[smem:$0x3FB2] =	sst s8  }
0x11: {  	[smem:$0x3FB3] =	sst s9;
	s0 =	simm.s32 @!p0 $0x0  }
0x12: {  	s1 =	sld [smem:$0x3F99];
	s0 =	simm.s32 @p0 $0x1  }
0x13: {  	[smem:$0x3FB4] =	sst s0;
	s0 =	simm.s32 @!p1 $0x0  }
0x14: {  	s2 =	sld [smem:$0x3F98];
	s0 =	simm.s32 @p1 $0x1  }
0x15: {  	[smem:$0x3FB5] =	sst s0;
	s0 =	simm.s32 @!p2 $0x0  }
0x16: {  	s3 =	sld [smem:$0x3FDB];
	s0 =	simm.s32 @p2 $0x1  }
0x17: {  	s4 =	simm.s32 $0x1BF5;
	[smem:$0x3FB7] =	sst s0  }
0x18: {  	s0 =	sld [smem:$0x3F9A];
	_ =	swait.ge [sflag:s4], $0x0  }
0x19: {  	s7 =	sld [smem:$0x3F9B]  }
0x1a: {  	s8 =	sadd.s32 $0xFFFFE003, lr  }
0x1b: {  	s9 =	sadd.s32 $0xFFFFFEF7, lr;
	s5 =	simm.s32 $0xFFFFFFFF;
	p2 =	slt.u32 s8, $0xFFFFF086  }
0x1c: {  	p1 =	slt.u32 s9, $0xF7A;
	s5 =	simm.s32 @!p2 $0x0  }
0x1d: {  	s5 =	simm.s32 @p1 $0x1;
	p0 =	seq.s32 s7, s2  }
0x1e: {  	s7 =	smul.u32 @!p0 $0xF7A, s2;
	p2 =	seq.s32 @!p0 s5, $0x0  }
0x1f: {  	s9 =	smul.u32 $0xF7A, s1;
	s8 =	simm.s32 @!p0 $0x1BF5;
	p2 =	por !p2, p0  }
0x20: {  	[sflag:s8] =	ssyncset.s32 @!p0 $0xFFFFF086;
	s6 =	sadd.s32 @!p0 s3, s7;
	s7 =	simm.s32 @!p0 $0x108  }
0x21: {  	s3 =	sadd.s32 s3, s9;
	s6 =	sadd.s32 @!p0 $0x88, s6;
	s7 =	simm.s32 @p2 $0x1082  }
0x22: {  	[simem:s7], [sflag:s8] =	dma.local @!p0 [hbm:s6], $0xF7A  }
0x23: {  	s9 =	sor.u32 $0xD0000000, s2;
	s6 =	simm.s32 $0x108;
	_ =	swait.ge @!p0 [sflag:s8], $0x0  }
0x24: {  	s3 =	sadd.s32 $0x88, s3;
	s6 =	simm.s32 @!p1 $0x1082;
	[sflag:s4] =	ssyncset.s32 $0xFFFFF086  }
0x25: {  	[simem:s6], [sflag:s4] =	dma.local [hbm:s3], $0xF7A  }
0x26: {  	[smem:$0x3F9B] =	sst s1;
	(tag) =	ssettag s2;
	_ =	strace s9  }
0x27: {  	s1 =	sld [smem:$0x3FAB]  }
0x28: {  	s2 =	sld [smem:$0x3FAC]  }
0x29: {  	s4 =	sld [smem:$0x3FAE]  }
0x2a: {  	p0 =	seq.s32 s5, $0x0;
	s5 =	sld [smem:$0x3FAF]  }
0x2b: {  	s6 =	sld [smem:$0x3FB0]  }
0x2c: {  	s7 =	sld [smem:$0x3FB1]  }
0x2d: {  	s3 =	simm.s32 $0x108;
	s8 =	sld [smem:$0x3FB2]  }
0x2e: {  	s3 =	simm.s32 @!p0 $0x1082;
	s9 =	sld [smem:$0x3FB3]  }
0x2f: {  	lr =	sadd.s32 s0, s3;
	s0 =	sld [smem:$0x3FAA]  }
0x30: {  	s3 =	sld [smem:$0x3FAD]  }
0x31: {  	[smem:$0x3FB6] =	sst s10  }
0x32: {  	s10 =	sld [smem:$0x3FB4];
	_ =	sdelay $0x3  }
0x33: {  	p0 =	seq.s32 s10, $0x1;
	s10 =	sld [smem:$0x3FB6];
	_ =	sdelay $0x3  }
0x34: {  	[smem:$0x3FB6] =	sst s10  }
0x35: {  	s10 =	sld [smem:$0x3FB5];
	_ =	sdelay $0x3  }
0x36: {  	p1 =	seq.s32 s10, $0x1;
	s10 =	sld [smem:$0x3FB6];
	_ =	sdelay $0x3  }
0x37: {  	[smem:$0x3FB6] =	sst s10  }
0x38: {  	s10 =	sld [smem:$0x3FB7]  }
0x39: {  	_ = 	snop;
	(pc) =	sbr.ind lr, $3  }
0x3a: {  	_ = 	snop  }
0x3b: {  	_ = 	snop  }
0x3c: {  	p2 =	seq.s32 s10, $0x1;
	s10 =	sld [smem:$0x3FB6]  }
0x3d: {  	_ =	shalt  }
0x3e: {  	_ =	shalt  }
0x3f: {  	_ =	shalt  }
0x40: {  	_ =	shalt  }
0x41: {  	_ =	shalt  }
0x42: {  	_ =	shalt  }
0x43: {  	_ =	shalt  }
0x44: {  	_ =	shalt  }
0x45: {  	_ =	shalt  }
0x46: {  	_ =	shalt  }
0x47: {  	_ =	shalt  }
0x48: {  	_ =	shalt  }
0x49: {  	_ =	shalt  }
0x4a: {  	_ =	shalt  }
0x4b: {  	_ =	shalt  }
0x4c: {  	_ =	shalt  }
0x4d: {  	_ =	shalt  }
0x4e: {  	_ =	shalt  }
0x4f: {  	_ =	shalt  }
0x50: {  	_ =	shalt  }
0x51: {  	_ =	shalt  }
0x52: {  	_ =	shalt  }
0x53: {  	_ =	shalt  }
0x54: {  	_ =	shalt  }
0x55: {  	_ =	shalt  }
0x56: {  	_ =	shalt  }
0x57: {  	_ =	shalt  }
0x58: {  	_ =	shalt  }
0x59: {  	_ =	shalt  }
0x5a: {  	_ =	shalt  }
0x5b: {  	_ =	shalt  }
0x5c: {  	_ =	shalt  }
0x5d: {  	_ =	shalt  }
0x5e: {  	_ =	shalt  }
0x5f: {  	_ =	shalt  }
0x60: {  	_ =	shalt  }
0x61: {  	_ =	shalt  }
0x62: {  	_ =	shalt  }
0x63: {  	_ =	shalt  }
0x64: {  	_ =	shalt  }
0x65: {  	_ =	shalt  }
0x66: {  	_ =	shalt  }
0x67: {  	_ =	shalt  }
0x68: {  	_ =	shalt  }
0x69: {  	_ =	shalt  }
0x6a: {  	_ =	shalt  }
0x6b: {  	_ =	shalt  }
0x6c: {  	_ =	shalt  }
0x6d: {  	_ =	shalt  }
0x6e: {  	_ =	shalt  }
0x6f: {  	_ =	shalt  }
0x70: {  	_ =	shalt  }
0x71: {  	_ =	shalt  }
0x72: {  	_ =	shalt  }
0x73: {  	_ =	shalt  }
0x74: {  	_ =	shalt  }
0x75: {  	_ =	shalt  }
0x76: {  	_ =	shalt  }
0x77: {  	_ =	shalt  }
0x78: {  	_ =	shalt  }
0x79: {  	_ =	shalt  }
0x7a: {  	_ =	shalt  }
0x7b: {  	_ =	shalt  }
0x7c: {  	_ =	shalt  }
0x7d: {  	_ =	shalt  }
0x7e: {  	_ =	shalt  }
0x7f: {  	_ =	shalt  }
0x80: {  	_ =	shalt  }
0x81: {  	_ =	shalt  }
0x82: {  	_ =	shalt  }
0x83: {  	_ =	shalt  }
0x84: {  	_ =	shalt  }
0x85: {  	_ =	shalt  }
0x86: {  	_ =	shalt  }
0x87: {  	_ =	shalt  }
.Lfunc_end0:
.L_simem_size_0:
called_computation_lowered:
.L_overlay_start_0:
0x88: {  	s2 =	sld [smem:$0x3FD9]  }
0x89: {  	s3 =	sld [smem:$0x3FFE];
	_ =	sdelay $0x1  }
0x8a: {  	s1 =	srdreg.scid  }
0x8b: {  	s0 =	sand.u32 $0x1, s1  }
0x8c: {  	s17 =	sshll.u32 s0, $0xA;
	s2 =	sadd.s32 s3, s2  }
0x8d: {  	s2 =	sadd.s32 s2, s17  }
0x8e: {  	[smem:$0x3FC2] =	sst s2  }
0x8f: {  	_ = 	snop  }
0x90: {  	s2 =	sld [smem:$0x3FC9]  }
0x91: {  	s18 =	sld [smem:$0x3FC8]  }
0x92: {  	s4 =	sld [smem:$0x3FC7]  }
0x93: {  	s5 =	sld [smem:$0x3FC5]  }
0x94: {  	s6 =	sld [smem:$0x3FC4]  }
0x95: {  	s7 =	sld [smem:$0x3FD0];
	(tm) =	ssettm $0x1  }
0x96: {  	s8 =	sld [smem:$0x3FFB];
	_ =	sdelay $0x3  }
0x97: {  	_ =	strace s8  }
0x98: {  	s8 =	sld [smem:$0x3FFC];
	_ =	sdelay $0x3  }
0x99: {  	_ =	strace s8  }
0x9a: {  	s8 =	sld [smem:$0x3FFD];
	_ =	sdelay $0x3  }
0x9b: {  	_ =	strace s8  }
0x9c: {  	_ =	strace $0x8FFFFFFF  }
0x9d: {  	s19 =	sld [smem:$0x3FDB];
	_ =	sdelay $0x1  }
0x9e: {  	s9 =	simm.s32 $_scs_section_size  }
0x9f: {  	s10 =	simm.s32 $_size__tile_overlayer_lowered;
	s11 =	simm.s32 $_tile_overlayer_lowered  }
0xa0: {  	s22 =	simm.s32 $0x1BFF;
	s21 =	sshll.u32 s11, $0x1;
	s8 =	sadd.s32 s9, s19  }
0xa1: {  	s12 =	simm.s32 $0x0;
	s20 =	sshll.u32 s10, $0x1;
	s10 =	sadd.s32 s21, s8  }
0xa2: {  	[timem:s12], [sflag:s22] =	dma.local [hbm:s10], s20  }
0xa3: {  	_ =	swait.ge [sflag:s22], s20  }
0xa4: {  	s9 =	ssub.s32 $0x0, s20;
	[sflag:s22] =	ssyncset.done $0x0  }
0xa5: {  	[sflag:s22] =	ssyncadd.s32 s9;
	_ =	sdelay $0x1  }
0xa6: {  	s23 =	simm.s32 $0x1B8B  }
0xa7: {  	_ =	swait.ge [sflag:s23], $0x1  }
0xa8: {  	[sflag:s23] =	ssyncset.done $0x0  }
0xa9: {  	s25 =	simm.s32 $0x1B8E;
	s24 =	sld [smem:$0x3FFE];
	[sflag:s23] =	ssyncadd.s32 $0xFFFFFFFF  }
0xaa: {  	s26 =	simm.s32 $execute0_lowered;
	[smem:$0x3FD2] =	sst s25  }
0xab: {  	s10 =	sshll.u32 s26, $0x1;
	_ =	strace $0x80000046;
	[dreg:$0x1] =	wrdreg $0xFFFFFFFF  }
0xac: {  	s28 =	simm.s32 $_size_execute0_lowered;
	s8 =	sadd.s32 s8, s10;
	[dreg:$0x0] =	wrdreg $0x0  }
0xad: {  	s10 =	sshll.u32 s28, $0x1;
	[dreg:$0x2] =	wrdreg s8  }
0xae: {  	[dreg:$0x3] =	wrdreg s10  }
0xaf: {  	[dreg:$0x4] =	wrdreg $0xC0  }
0xb0: {  	_ =	task [dreg:s12], $0x5FFFF  }
0xb1: {  	[dreg:$0x1] =	wrdreg $0xFFFFFFFF  }
0xb2: {  	[dreg:$0x0] =	wrdreg $0x60  }
0xb3: {  	[dreg:$0x2] =	wrdreg s2  }
0xb4: {  	[dreg:$0x3] =	wrdreg s18  }
0xb5: {  	[dreg:$0x4] =	wrdreg s24  }
0xb6: {  	[dreg:$0x5] =	wrdreg s4  }
0xb7: {  	[dreg:$0x6] =	wrdreg s5  }
0xb8: {  	[dreg:$0x7] =	wrdreg s6  }
0xb9: {  	[dreg:$0x8] =	wrdreg s7  }
0xba: {  	[dreg:$0x9] =	wrdreg $0x9  }
0xbb: {  	_ =	task.clear_ibuf [dreg:s12], $0xAFFFF;
	_ =	strace $0x90000046  }
0xbc: {  	s29 =	simm.s32 $0x9;
	_ =	strace $0x80000048  }
0xbd: {  	_ =	swait.ge [sflag:s29], $0x1  }
0xbe: {  	[sflag:s29] =	ssyncadd.s32 $0xFFFFFFFF  }
0xbf: {  	_ =	strace $0x90000048  }
0xc0: {  	_ =	sfence  }
0xc1: {  	s30 =	sld [smem:$0x0];
	_ =	sdelay $0x2  }
0xc2: {  	s31 =	sshll.u32 s1, $0xD;
	s1 =	sshrl.u32 s1, $0x2  }
0xc3: {  	s3 =	sand.u32 $0x4000, s31;
	s1 =	sadd.s32 s1, s30  }
0xc4: {  	s0 =	sor.u32 s3, s0;
	s1 =	sshll.u32 s1, $0x11  }
0xc5: {  	s0 =	sor.u32 s1, s0  }
0xc6: {  	s0 =	sadd.s32 $0x8F2B, s0  }
0xc7: {  	[sflag:s0] =	ssyncadd.remote.s32 $0x1  }
0xc8: {  	_ =	sfence.sel $0xFFFF  }
0xc9: {  	[dreg:$0x0] =	wrdreg $0xFFFFFFFF;
	(pc) =	sbr.abs _section_cstart, $3  }
0xca: {  	[dreg:$0x1] =	wrdreg $0xFFFFFFFF  }
0xcb: {  	_ =	task.clear_ibuf [dreg:s12], $0x2FFFF;
	_ =	strace $0x9FFFFFFF  }
0xcc: {  	(tm) =	ssettm $0x7FFFFFFF  }
0xcd: {  	_ =	shalt  }
tec
execute0_lowered:
.L_overlay_start_1:
0x0: {  	(tag) =	ssettag $0x1  }
0x1: {  	s0 =	rddreg [dreg:$0x0]  }
0x2: {  	s1 =	rddreg [dreg:$0x1]  }
0x3: {  	s2 =	rddreg [dreg:$0x2]  }
0x4: {  	s3 =	rddreg [dreg:$0x3]  }
0x5: {  	s10 =	rddreg [dreg:$0x6];
	s4 =	srdreg.scid  }
0x6: {  	s5 =	stileid.u32;
	s8 =	simm.s32 $0x0;
	s31 =	simm.s32 $0x80  }
0x7: {  	s30 =	simm.s32 $0x4300;
	s28 =	simm.s32 $0xC600;
	s29 =	simm.s32 $0xD  }
0x8: {  	s4 =	sand.u32 $0x1, s4;
	s5 =	sshll.u32 s5, $0xE;
	[smem:$0x7FF] =	sst s8  }
0x9: {  	s9 =	sadd.s32 $0x400, s2;
	s24 =	sadd.s32 $0x800, s10;
	s6 =	sshll.u32 s4, $0xD  }
0xa: {  	s4 =	ssub.s32 $0x2, s4;
	_ =	strace $0x80000047;
	[dreg:$0x12] =	wrdreg s24  }
0xb: {  	v56 =	vimm.s32 $0x76543210;
	v1 =	vimm.s32 $0xFEDCBA98;
	v57 =	vimm.s32 $0xBA98FEDC;
	s5 =	sor.u32 s6, s5;
	s11 =	sshrl.u32 s4, $0x1;
	s6 =	simm.s32 $0x8  }
0xc: {  	v3 =	vimm.s32 $0x32107654;
	v4 =	vimm.s32 $0xDCFE98BA;
	s7 =	sshrl.u32 s5, $0x3;
	s12 =	ssub.s32 s4, s11;
	s22 =	sor.u32 $0x200, s5  }
0xd: {  	v8 =	vlaneseq.u32;
	v58 =	vimm.s32 $0x54761032;
	s23 =	sor.u32 $0x280, s5;
	s25 =	sor.u32 $0x300, s5;
	s26 =	sor.u32 $0x380, s5  }
0xe: {  	v6 =	vimm.s32 $0xEFCDAB89;
	v7 =	vimm.s32 $0x67452301;
	v0 =	vor.u32 $0x10, v8;
	s13 =	sor.u32 $0x10, s7;
	s14 =	sadd.s32 s0, s7;
	[dreg:$0x10] =	wrdreg s22  }
0xf: {  	v55 =	vor.u32 $0x20, v8;
	v2 =	vor.u32 $0x30, v8;
	v1 =	vunpack.c.l.s4.s8 v1;
	s15 =	sadd.s32 s1, s7;
	s17 =	sor.u32 $0x20, s7;
	[dreg:$0x11] =	wrdreg s23  }
0x10: {  	v5 =	vor.u32 $0x40, v8;
	v3 =	vunpack.c.l.s4.s8 v3;
	v4 =	vunpack.c.l.s4.s8 v4;
	s18 =	sor.u32 $0x30, s7;
	[dreg:$0x13] =	wrdreg s25;
	s22 =	sadd.s32 $0x1000, s10  }
0x11: {  	v6 =	vunpack.c.l.s4.s8 v6;
	v7 =	vunpack.c.l.s4.s8 v7;
	v59 =	vor.u32 $0x50, v8;
	[tilespmem:$0x1FF50] =	vst v0;
	s23 =	sshll.u32 s5, $0x4;
	[dreg:$0x14] =	wrdreg s26;
	s2 =	smax.u32 s12, $0x1  }
0x12: {  	v62 =	vor.u32 $0x60, v8;
	v63 =	vor.u32 $0x70, v8;
	[tilespmem:$0x1FF60] =	vst v55;
	v0 =	vunpack.c.l.s4.s8 v56;
	s26 =	sadd.s32 $0x1800, s10;
	s5 =	simm.s32 $0x180;
	s12 =	simm.s32 $0x8480  }
0x13: {  	[tilespmem:$0x1FF70] =	vst v2;
	v2 =	vunpack.c.l.s4.s8 v57;
	v6 =	vunpack.c.0.s8.s32 v6;
	v7 =	vunpack.c.0.s8.s32 v7;
	s25 =	simm.s32 $0x10;
	s10 =	simm.s32 $0x9;
	[dreg:$0x8] =	wrdreg s14  }
0x14: {  	[tilespmem:$0x1FF80] =	vst v5;
	v5 =	vunpack.c.l.s4.s8 v58;
	v1 =	vunpack.c.0.s8.s32 v1;
	v3 =	vunpack.c.0.s8.s32 v3;
	s7 =	simm.s32 $0xA;
	[dreg:$0x9] =	wrdreg s15;
	s16 =	sadd.s32 s0, s13  }
0x15: {  	[tilespmem:$0x1FF90] =	vst v59;
	v2 =	vunpack.c.0.s8.s32 v2;
	v0 =	vunpack.c.0.s8.s32 v0;
	v61 =	vcombine.low v7, v6;
	s4 =	sadd.s32 s1, s13;
	s19 =	sadd.s32 s0, s17;
	[dreg:$0x15] =	wrdreg s2  }
0x16: {  	[tilespmem:$0x1FFA0] =	vst v62;
	v4 =	vunpack.c.0.s8.s32 v4;
	v5 =	vunpack.c.0.s8.s32 v5;
	v1 =	vand.u32 $0xF, v1;
	s20 =	sadd.s32 s0, s18;
	s21 =	sadd.s32 s1, s18;
	[dreg:$0xa] =	wrdreg s16  }
.Ltmp0:
0x17: {  	[tilespmem:$0x1FFB0] =	vst v63;
	v2 =	vcombine.low v3, v2;
	s14 =	simm.s32 $0x6;
	v43 =	vcombine.low v1, v0;
	[dreg:$0xb] =	wrdreg s4;
	v47 =	vand.u32 $0xF, v61;
	(pc) =	sbr.rel .LBB2_1-.Ltmp0, $4  }
0x18: {  	v60 =	vcombine.low v5, v4;
	s2 =	simm.s32 $0xB;
	s13 =	simm.s32 $0x4;
	[dreg:$0xc] =	wrdreg s19;
	[tilespmem:$0x1FFC0] =	vst v47  }
0x19: {  	s18 =	simm.s32 $0x0;
	s4 =	sadd.s32 s1, s17;
	[dreg:$0xe] =	wrdreg s20;
	v53 =	vand.u32 $0xF, v2;
	[tilespmem:$0x1FFD0] =	vst v43  }
0x1a: {  	[dreg:$0xf] =	wrdreg s21;
	s16 =	simm.s32 $0x5;
	s17 =	simm.s32 $0x2;
	v21 =	vand.u32 $0xF, v60;
	[tilespmem:$0x1FFE0] =	vst v53  }
0x1b: {  	s21 =	simm.s32 $0xE;
	[dreg:$0xd] =	wrdreg s4;
	s4 =	simm.s32 $0xC;
	[tilespmem:$0x1FFF0] =	vst v21  }
.LBB2_26:
0x1c: {  	s11 =	simm.s32 $0x3  }
0x1d: {  	_ =	swait.ge [sflag:s11], $0x4000  }
0x1e: {  	[sflag:s11] =	ssyncset.done $0x0  }
0x1f: {  	s20 =	simm.s32 $0x7;
	[sflag:s11] =	ssyncadd.s32 $0xFFFFC000  }
0x20: {  	_ =	swait.ge [sflag:s20], $0x4000  }
0x21: {  	[sflag:s20] =	ssyncset.done $0x0  }
0x22: {  	[sflag:s20] =	ssyncadd.s32 $0xFFFFC000  }
0x23: {  	_ =	swait.ge [sflag:s2], $0x4000  }
0x24: {  	[sflag:s2] =	ssyncset.done $0x0  }
0x25: {  	s15 =	simm.s32 $0xF;
	[sflag:s2] =	ssyncadd.s32 $0xFFFFC000  }
0x26: {  	_ =	swait.ge [sflag:s15], $0x4000  }
0x27: {  	s18 =	rddreg [dreg:$0x16]  }
0x28: {  	s24 =	rddreg [dreg:$0x15];
	s18 =	sadd.s32 $0x1, s18  }
0x29: {  	p0 =	sne.s32 s18, s24  }
.Ltmp1:
0x2a: {  	_ = 	snop;
	(pc) =	sbr.rel @!p0 .LBB2_27-.Ltmp1, $3  }
0x2b: {  	_ =	sdelay $0x1  }
0x2c: {  	[sflag:s15] =	ssyncset.done $0x0  }
0x2d: {  	[sflag:s15] =	ssyncadd.s32 $0xFFFFC000  }
.LBB2_1:
0x2e: {  	s11 =	rddreg [dreg:$0x4];
	s15 =	simm.s32 $0x10600  }
0x2f: {  	[tilespmem:s15], [sflag:$0x11] =	stream.linear.gather [hbm4b:s11+s8], $0x80, $0x38;
	[tilespmem:$0x10700] =	vst v63  }
0x30: {  	[dreg:$0x16] =	wrdreg s18;
	s15 =	simm.s32 $0x11  }
0x31: {  	_ =	swait.ge [sflag:s15], $0x80  }
0x32: {  	[sflag:s15] =	ssyncset.done $0x0  }
0x33: {  	[sflag:s15] =	ssyncadd.s32 $0xFFFFFF80  }
0x34: {  	s24 =	simm.s32 $0x10680;
	s20 =	rddreg [dreg:$0x5]  }
0x35: {  	[tilespmem:s24], [sflag:$0x11] =	stream.linear.gather [hbm4b:s20+s8], $0x80, $0x38;
	[tilespmem:$0x10700] =	vst v63  }
0x36: {  	_ =	swait.ge [sflag:s15], $0x80  }
0x37: {  	[sflag:s15] =	ssyncset.done $0x0  }
0x38: {  	[sflag:s15] =	ssyncadd.s32 $0xFFFFFF80  }
0x39: {  	v0 =	vld [tilespmem:$0x10600]  }
0x3a: {  	v32 =	vld [tilespmem:$0x10610]  }
0x3b: {  	v33 =	vld [tilespmem:$0x10620]  }
0x3c: {  	v34 =	vld [tilespmem:$0x10630]  }
0x3d: {  	v35 =	vld [tilespmem:$0x10640]  }
0x3e: {  	v36 =	vld [tilespmem:$0x10650]  }
0x3f: {  	v37 =	vld [tilespmem:$0x10660]  }
0x40: {  	v38 =	vld [tilespmem:$0x10670]  }
0x41: {  	v26 =	vld [tilespmem:$0x10680]  }
0x42: {  	v22 =	vld [tilespmem:$0x10690]  }
0x43: {  	v23 =	vld [tilespmem:$0x106A0]  }
0x44: {  	v24 =	vld [tilespmem:$0x106B0]  }
0x45: {  	v39 =	vld [tilespmem:$0x106C0]  }
0x46: {  	v40 =	vld [tilespmem:$0x106D0]  }
0x47: {  	s19 =	rddreg [dreg:$0x8];
	v41 =	vld [tilespmem:$0x106E0]  }
0x48: {  	v27 =	vld [tilespmem:$0x106F0];
	[tilespmem:s8], [sflag:$0x11] =	stream.linear.gather [hbm4b:s19+s8], $0x80, $0x38  }
0x49: {  	[tilespmem:$0x1FE50] =	vst v0  }
0x4a: {  	[tilespmem:$0x1FE60] =	vst v32  }
0x4b: {  	[tilespmem:$0x1FE70] =	vst v33  }
0x4c: {  	[tilespmem:$0x1FE80] =	vst v34  }
0x4d: {  	[tilespmem:$0x1FE90] =	vst v35  }
0x4e: {  	[tilespmem:$0x1FEA0] =	vst v36  }
0x4f: {  	[tilespmem:$0x1FEB0] =	vst v37  }
0x50: {  	[tilespmem:$0x1FEC0] =	vst v38  }
0x51: {  	[tilespmem:$0x1FED0] =	vst v39  }
0x52: {  	[tilespmem:$0x1FEE0] =	vst v40  }
0x53: {  	[tilespmem:$0x1FEF0] =	vst v41  }
0x54: {  	_ =	swait.ge [sflag:s15], $0x80  }
0x55: {  	[sflag:s15] =	ssyncset.done $0x0  }
0x56: {  	s20 =	rddreg [dreg:$0x9];
	[sflag:s15] =	ssyncadd.s32 $0xFFFFFF80  }
0x57: {  	[tilespmem:s31], [sflag:$0x11] =	stream.linear.gather [hbm4b:s20+s8], $0x80, $0x38;
	[tilespmem:$0x10700] =	vst v63  }
0x58: {  	_ =	swait.ge [sflag:s15], $0x80  }
0x59: {  	v8 =	vld [tilespmem:$0x1FF50]  }
0x5a: {  	v9 =	vld [tilespmem:$0x1FF60]  }
0x5b: {  	v10 =	vld [tilespmem:$0x1FF70]  }
0x5c: {  	v11 =	vld [tilespmem:$0x1FF80]  }
0x5d: {  	[sflag:s15] =	ssyncset.done $0x0;
	v12 =	vld [tilespmem:$0x1FF90]  }
0x5e: {  	v13 =	vld [tilespmem:$0x1FFA0];
	[sflag:s15] =	ssyncadd.s32 $0xFFFFFF80  }
0x5f: {  	v42 =	vld [tilespmem:$0x80]  }
0x60: {  	v1 =	vld [tilespmem:$0x90]  }
0x61: {  	v2 =	vld [tilespmem:$0xA0]  }
0x62: {  	v3 =	vld [tilespmem:$0xB0]  }
0x63: {  	v4 =	vld [tilespmem:$0xC0]  }
0x64: {  	v7 =	vlaneseq.u32;
	v5 =	vld [tilespmem:$0xD0];
	v0 =	vshll.u32 v42, $0x7  }
0x65: {  	v6 =	vld [tilespmem:$0xE0];
	v1 =	vshll.u32 v1, $0x7;
	v0 =	vor.u32 v7, v0  }
0x66: {  	v46 =	vld [tilespmem:$0xF0];
	v45 =	vshll.u32 v2, $0x7;
	v44 =	vor.u32 v8, v1;
	[tilespmem:$0x100] =	vst v0  }
0x67: {  	v14 =	vld [tilespmem:$0x1FFB0];
	v48 =	vshll.u32 v3, $0x7;
	v47 =	vor.u32 v9, v45;
	[tilespmem:$0x110] =	vst v44  }
0x68: {  	v50 =	vshll.u32 v4, $0x7;
	v49 =	vor.u32 v10, v48;
	[tilespmem:$0x120] =	vst v47  }
0x69: {  	v52 =	vshll.u32 v5, $0x7;
	v51 =	vor.u32 v11, v50;
	[tilespmem:$0x130] =	vst v49  }
0x6a: {  	v55 =	vshll.u32 v6, $0x7;
	v54 =	vor.u32 v12, v52;
	[tilespmem:$0x140] =	vst v51  }
0x6b: {  	v57 =	vshll.u32 v46, $0x7;
	v56 =	vor.u32 v13, v55;
	[tilespmem:$0x150] =	vst v54  }
0x6c: {  	v58 =	vor.u32 v14, v57;
	[tilespmem:$0x160] =	vst v56  }
0x6d: {  	s24 =	simm.s32 $0x100;
	[tilespmem:$0x170] =	vst v58  }
0x6e: {  	[tilespmem:s5], [sflag:$0x1] =	stream.indirect.gather [hbm4b:s9+s31], $0x80, s24, s31, $0xb8;
	[tilespmem:$0x10700] =	vst v63  }
0x6f: {  	s19 =	simm.s32 $0x4180;
	s18 =	rddreg [dreg:$0xa]  }
0x70: {  	[tilespmem:s19], [sflag:$0x11] =	stream.linear.gather [hbm4b:s18+s8], $0x80, $0x38;
	[tilespmem:$0x10700] =	vst v63  }
0x71: {  	_ =	swait.ge [sflag:s15], $0x80  }
0x72: {  	[sflag:s15] =	ssyncset.done $0x0  }
0x73: {  	s24 =	simm.s32 $0x4200;
	s20 =	rddreg [dreg:$0xb];
	[sflag:s15] =	ssyncadd.s32 $0xFFFFFF80  }
0x74: {  	[tilespmem:s24], [sflag:$0x11] =	stream.linear.gather [hbm4b:s20+s8], $0x80, $0x38;
	[tilespmem:$0x10700] =	vst v63  }
0x75: {  	_ =	swait.ge [sflag:s15], $0x80  }
0x76: {  	[sflag:s15] =	ssyncset.done $0x0  }
0x77: {  	[sflag:s15] =	ssyncadd.s32 $0xFFFFFF80  }
0x78: {  	v59 =	vld [tilespmem:$0x4200]  }
0x79: {  	v60 =	vld [tilespmem:$0x4210]  }
0x7a: {  	v61 =	vld [tilespmem:$0x4220]  }
0x7b: {  	v62 =	vld [tilespmem:$0x4230]  }
0x7c: {  	v63 =	vld [tilespmem:$0x4240]  }
0x7d: {  	v15 =	vld [tilespmem:$0x4250];
	v0 =	vshll.u32 v59, $0x7  }
0x7e: {  	v16 =	vld [tilespmem:$0x4260];
	v1 =	vshll.u32 v60, $0x7;
	v0 =	vor.u32 v7, v0  }
0x7f: {  	v19 =	vld [tilespmem:$0x4270];
	v18 =	vshll.u32 v61, $0x7;
	v17 =	vor.u32 v8, v1;
	[tilespmem:$0x4280] =	vst v0  }
0x80: {  	v31 =	vshll.u32 v62, $0x7;
	v30 =	vor.u32 v9, v18;
	[tilespmem:$0x4290] =	vst v17  }
0x81: {  	v33 =	vshll.u32 v63, $0x7;
	v32 =	vor.u32 v10, v31;
	[tilespmem:$0x42A0] =	vst v30  }
0x82: {  	v35 =	vshll.u32 v15, $0x7;
	v34 =	vor.u32 v11, v33;
	[tilespmem:$0x42B0] =	vst v32  }
0x83: {  	v37 =	vshll.u32 v16, $0x7;
	v36 =	vor.u32 v12, v35;
	[tilespmem:$0x42C0] =	vst v34  }
0x84: {  	v39 =	vshll.u32 v19, $0x7;
	v38 =	vor.u32 v13, v37;
	[tilespmem:$0x42D0] =	vst v36  }
0x85: {  	v40 =	vor.u32 v14, v39;
	[tilespmem:$0x42E0] =	vst v38  }
0x86: {  	s19 =	simm.s32 $0x4280;
	[tilespmem:$0x42F0] =	vst v40  }
0x87: {  	[tilespmem:s30], [sflag:$0x5] =	stream.indirect.gather [hbm4b:s9+s31], $0x80, s19, s31, $0xb8;
	[tilespmem:$0x10700] =	vst v63  }
0x88: {  	s24 =	simm.s32 $0x8300;
	s20 =	rddreg [dreg:$0xc]  }
0x89: {  	[tilespmem:s24], [sflag:$0x11] =	stream.linear.gather [hbm4b:s20+s8], $0x80, $0x38;
	[tilespmem:$0x10700] =	vst v63  }
0x8a: {  	_ =	swait.ge [sflag:s15], $0x80  }
0x8b: {  	[sflag:s15] =	ssyncset.done $0x0  }
0x8c: {  	s20 =	simm.s32 $0x8380;
	s19 =	rddreg [dreg:$0xd];
	[sflag:s15] =	ssyncadd.s32 $0xFFFFFF80  }
0x8d: {  	[tilespmem:s20], [sflag:$0x11] =	stream.linear.gather [hbm4b:s19+s8], $0x80, $0x38;
	[tilespmem:$0x10700] =	vst v63  }
0x8e: {  	_ =	swait.ge [sflag:s15], $0x80  }
0x8f: {  	[sflag:s15] =	ssyncset.done $0x0  }
0x90: {  	[sflag:s15] =	ssyncadd.s32 $0xFFFFFF80  }
0x91: {  	v41 =	vld [tilespmem:$0x8380]  }
0x92: {  	v42 =	vld [tilespmem:$0x8390]  }
0x93: {  	v44 =	vld [tilespmem:$0x83A0]  }
0x94: {  	v45 =	vld [tilespmem:$0x83B0]  }
0x95: {  	v46 =	vld [tilespmem:$0x83C0]  }
0x96: {  	v47 =	vld [tilespmem:$0x83D0];
	v0 =	vshll.u32 v41, $0x7  }
0x97: {  	v48 =	vld [tilespmem:$0x83E0];
	v1 =	vshll.u32 v42, $0x7;
	v0 =	vor.u32 v7, v0  }
0x98: {  	v51 =	vld [tilespmem:$0x83F0];
	v50 =	vshll.u32 v44, $0x7;
	v49 =	vor.u32 v8, v1;
	[tilespmem:$0x8400] =	vst v0  }
0x99: {  	v54 =	vshll.u32 v45, $0x7;
	v52 =	vor.u32 v9, v50;
	[tilespmem:$0x8410] =	vst v49  }
0x9a: {  	v56 =	vshll.u32 v46, $0x7;
	v55 =	vor.u32 v10, v54;
	[tilespmem:$0x8420] =	vst v52  }
0x9b: {  	v58 =	vshll.u32 v47, $0x7;
	v57 =	vor.u32 v11, v56;
	[tilespmem:$0x8430] =	vst v55  }
0x9c: {  	v60 =	vshll.u32 v48, $0x7;
	v59 =	vor.u32 v12, v58;
	[tilespmem:$0x8440] =	vst v57  }
0x9d: {  	v62 =	vshll.u32 v51, $0x7;
	v61 =	vor.u32 v13, v60;
	[tilespmem:$0x8450] =	vst v59  }
0x9e: {  	v63 =	vor.u32 v14, v62;
	[tilespmem:$0x8460] =	vst v61  }
0x9f: {  	s24 =	simm.s32 $0x8400;
	[tilespmem:$0x8470] =	vst v63  }
0xa0: {  	[tilespmem:s12], [sflag:$0x9] =	stream.indirect.gather [hbm4b:s9+s31], $0x80, s24, s31, $0xb8;
	[tilespmem:$0x10700] =	vst v63  }
0xa1: {  	s18 =	simm.s32 $0xC480;
	s15 =	rddreg [dreg:$0xe]  }
0xa2: {  	[tilespmem:s18], [sflag:$0x10] =	stream.linear.gather [hbm4b:s15+s8], $0x80, $0x38;
	[tilespmem:$0x10700] =	vst v63  }
0xa3: {  	s20 =	simm.s32 $0xC500;
	s19 =	rddreg [dreg:$0xf];
	s24 =	simm.s32 $0x1  }
0xa4: {  	[tilespmem:s20], [sflag:$0x10] =	stream.linear.gather [hbm4b:s19+s8], $0x80, $0x38;
	[tilespmem:$0x10700] =	vst v63  }
0xa5: {  	_ =	swait.ge [sflag:s24], $0x4000  }
0xa6: {  	[tilespmem:$0x1FF00] =	vst v26  }
0xa7: {  	[tilespmem:$0x1FF10] =	vst v22  }
0xa8: {  	[tilespmem:$0x1FF20] =	vst v23  }
0xa9: {  	[sflag:s24] =	ssyncset.done $0x0;
	[tilespmem:$0x1FF30] =	vst v24  }
0xaa: {  	s15 =	simm.s32 $0x0;
	[tilespmem:$0x1FF40] =	vst v27;
	[sflag:s24] =	ssyncadd.s32 $0xFFFFC000  }
0xab: {  	[tilespmem:s5], [sflag:$0x2] =	stream.indirect.gather.add.f32 [hbm:s3], $0x80, s8, s31, $0xb8;
	[tilespmem:$0x10700] =	vst v63  }
.LBB2_2:
0xac: {  	_ =	swait.ge [sflag:s16], $0x4000  }
0xad: {  	[sflag:s16] =	ssyncset.done $0x0  }
0xae: {  	s11 =	simm.s32 $0x4180;
	[sflag:s16] =	ssyncadd.s32 $0xFFFFC000  }
0xaf: {  	[tilespmem:s30], [sflag:$0x6] =	stream.indirect.gather.add.f32 [hbm:s3], $0x80, s11, s31, $0xb8;
	[tilespmem:$0x10700] =	vst v63  }
0xb0: {  	p0 =	seq.s32 s15, $0xF;
	_ =	swait.ge [sflag:s17], $0x4000  }
0xb1: {  	s11 =	sshll.u32 @!p0 s15, $0x9;
	s18 =	rddreg [dreg:$0x10]  }
0xb2: {  	s18 =	sadd.s32 @!p0 s11, s18  }
0xb3: {  	[sflag:s17] =	ssyncset.done $0x0;
	s18 =	sshrl.u32 @!p0 s18, $0x3  }
0xb4: {  	s20 =	simm.s32 @!p0 $0x0;
	[sflag:s17] =	ssyncadd.s32 $0xFFFFC000;
	s19 =	sadd.s32 @!p0 s0, s18  }
0xb5: {  	[tilespmem:s20], [sflag:$0x4] =	stream.linear.gather @!p0 [hbm4b:s19+s20], $0x80, $0x38;
	[tilespmem:$0x10700] =	vst v63  }
0xb6: {  	s24 =	simm.s32 $0x2C0;
	s18 =	sadd.s32 @!p0 s1, s18;
	s19 =	simm.s32 @!p0 $0x80  }
0xb7: {  	[tilespmem:s19], [sflag:$0x4] =	stream.linear.gather @!p0 [hbm4b:s18+s20], $0x80, $0x38;
	[tilespmem:$0x10700] =	vst v63  }
0xb8: {  	v30 =	vld [tilespmem:s24+$0xC0]  }
0xb9: {  	v31 =	vld [tilespmem:s24+$0xD0]  }
0xba: {  	v6 =	vld [tilespmem:s24+$0xFFFFFED0]  }
0xbb: {  	v32 =	vld [tilespmem:s24+$0xE0]  }
0xbc: {  	v4 =	vld [tilespmem:s24+$0xFFFFFF40]  }
0xbd: {  	v34 =	vld [tilespmem:s24+$0xF0]  }
0xbe: {  	v5 =	vld [tilespmem:s24+$0xFFFFFF50]  }
0xbf: {  	v28 =	vld [tilespmem:s24+$0x100]  }
0xc0: {  	v11 =	vld [tilespmem:s24+$0xFFFFFFC0]  }
0xc1: {  	v33 =	vld [tilespmem:s24+$0x110]  }
0xc2: {  	v1 =	vld [tilespmem:s24+$0xFFFFFFD0]  }
0xc3: {  	v35 =	vld [tilespmem:s24+$0x120];
	v2 =	vmul.f32 v30, v30  }
0xc4: {  	v10 =	vld [tilespmem:s24+$0x40];
	v0 =	vadd.f32 v31, v30;
	v3 =	vmul.f32 v31, v31;
	v7 =	vmul.f32 v32, v32;
	[tilespmem:$0x1FE20] =	vst v4  }
0xc5: {  	v13 =	vmul.f32 v28, v28;
	v14 =	vmul.f32 v4, v4;
	[tilespmem:$0x1FE30] =	vst v5  }
0xc6: {  	v16 =	vmul.f32 v5, v5;
	v25 =	vld [tilespmem:s24+$0x50];
	v0 =	vadd.f32 v32, v0;
	v2 =	vadd.f32 v3, v2  }
0xc7: {  	v15 =	vadd.f32 v5, v4;
	v17 =	vmul.f32 v1, v1;
	v18 =	vmul.f32 v6, v6  }
0xc8: {  	v38 =	vld [tilespmem:s24+$0xFFFFFEC0];
	v12 =	vadd.f32 v34, v0;
	v2 =	vadd.f32 v7, v2;
	v7 =	vmul.f32 v34, v34  }
0xc9: {  	v19 =	vadd.f32 v1, v11;
	v8 =	vld [tilespmem:s24+$0x130];
	[tilespmem:$0x1FE40] =	vst v1;
	v14 =	vadd.f32 v16, v14;
	v16 =	vmul.f32 v11, v11  }
0xca: {  	v39 =	vmul.f32 v10, v10;
	v36 =	vld [tilespmem:s24+$0xFFFFFEE0];
	[tilespmem:$0x1FE10] =	vst v6;
	v12 =	vadd.f32 v28, v12;
	v7 =	vadd.f32 v7, v2  }
0xcb: {  	v29 =	vld [tilespmem:s24+$0xFFFFFF60];
	v16 =	vadd.f32 v17, v16;
	v40 =	vadd.f32 v25, v10;
	v42 =	vmul.f32 v25, v25  }
0xcc: {  	v41 =	vld [tilespmem:s24+$0xFFFFFEF0];
	v12 =	vadd.f32 v33, v12;
	v7 =	vadd.f32 v13, v7;
	v13 =	vmul.f32 v33, v33  }
0xcd: {  	v44 =	vadd.f32 v6, v38;
	v45 =	vmul.f32 v38, v38;
	v48 =	vadd.f32 v42, v39  }
0xce: {  	v47 =	vld [tilespmem:s24+$0xFFFFFF00];
	v12 =	vadd.f32 v35, v12;
	v7 =	vadd.f32 v13, v7;
	v13 =	vmul.f32 v35, v35  }
0xcf: {  	v39 =	vld [tilespmem:s24+$0xFFFFFF70];
	v56 =	vadd.f32 v36, v44;
	v18 =	vadd.f32 v18, v45  }
0xd0: {  	v37 =	vmul.f32 v8, v8;
	v17 =	vadd.f32 v8, v12;
	v13 =	vadd.f32 v13, v7  }
0xd1: {  	v9 =	vld [tilespmem:s24+$0xFFFFFF80];
	v46 =	vmul.f32 v36, v36;
	v15 =	vadd.f32 v29, v15;
	v52 =	vadd.f32 v41, v56  }
0xd2: {  	v49 =	vmul.f32 v29, v29;
	v12 =	vld [tilespmem:s24+$0xFFFFFFE0];
	v13 =	vadd.f32 v37, v13;
	v55 =	vperm.xlane v17, v43  }
0xd3: {  	v18 =	vadd.f32 v46, v18;
	v46 =	vmul.f32 v41, v41;
	v7 =	vld [tilespmem:s24+$0x60];
	v56 =	vadd.f32 v47, v52  }
0xd4: {  	v52 =	vld [tilespmem:s24+$0xFFFFFF90];
	v15 =	vadd.f32 v39, v15;
	v17 =	vadd.f32 v55, v17;
	v57 =	vperm.xlane v13, v43  }
0xd5: {  	v14 =	vadd.f32 v49, v14;
	v18 =	vadd.f32 v46, v18;
	v61 =	vmul.f32 v39, v39;
	v37 =	vld [tilespmem:s24+$0xFFFFFFF0]  }
0xd6: {  	v15 =	vadd.f32 v9, v15;
	v58 =	vperm.xlane v17, v53;
	v44 =	vadd.f32 v57, v13  }
0xd7: {  	v42 =	vld [tilespmem:s24+$0x0];
	v14 =	vadd.f32 v61, v14;
	v19 =	vadd.f32 v12, v19;
	v50 =	vmul.f32 v12, v12  }
0xd8: {  	v40 =	vadd.f32 v7, v40;
	v13 =	vld [tilespmem:s24+$0x70];
	v17 =	vadd.f32 v58, v17;
	v59 =	vperm.xlane v44, v53  }
0xd9: {  	v5 =	vld [tilespmem:$0x1FFC0];
	v51 =	vmul.f32 v7, v7;
	v15 =	vadd.f32 v52, v15;
	v61 =	vmul.f32 v52, v52  }
0xda: {  	v19 =	vadd.f32 v37, v19;
	v60 =	vperm.xlane v17, v21;
	v44 =	vadd.f32 v59, v44  }
0xdb: {  	v49 =	vld [tilespmem:s24+$0x10];
	v16 =	vadd.f32 v50, v16;
	v54 =	vmul.f32 v37, v37;
	v51 =	vadd.f32 v51, v48  }
0xdc: {  	v48 =	vld [tilespmem:s24+$0xFFFFFF10];
	v50 =	vmul.f32 v42, v42;
	v17 =	vadd.f32 v60, v17;
	v63 =	vperm.xlane v44, v21  }
0xdd: {  	v58 =	vmul.f32 v47, v47;
	v19 =	vadd.f32 v42, v19;
	v62 =	vadd.f32 v13, v40  }
0xde: {  	v40 =	vld [tilespmem:s24+$0x80];
	v55 =	vmul.f32 v13, v13;
	v57 =	vperm.xlane v17, v5;
	v44 =	vadd.f32 v63, v44  }
0xdf: {  	v16 =	vadd.f32 v54, v16;
	v59 =	vmul.f32 v9, v9;
	v18 =	vadd.f32 v58, v18  }
0xe0: {  	v20 =	vmovc v53;
	v51 =	vadd.f32 v55, v51;
	v55 =	vld [tilespmem:s24+$0xFFFFFFA0];
	v17 =	vadd.f32 v57, v17;
	v53 =	vperm.xlane v44, v5  }
0xe1: {  	v19 =	vadd.f32 v49, v19;
	v16 =	vadd.f32 v50, v16;
	v45 =	vmul.f32 v48, v48  }
0xe2: {  	v14 =	vadd.f32 v59, v14;
	v59 =	vld [tilespmem:s24+$0xFFFFFFB0];
	v46 =	vmul.f32 $7.812500000e-03, v17;
	v17 =	vadd.f32 v53, v44  }
0xe3: {  	v56 =	vadd.f32 v48, v56;
	v60 =	vadd.f32 v40, v62;
	v62 =	vmul.f32 v49, v49;
	v44 =	vld [tilespmem:s24+$0x90]  }
0xe4: {  	v18 =	vadd.f32 v45, v18;
	v57 =	vld [tilespmem:s24+$0xFFFFFF20];
	v17 =	vmul.f32 $7.812500000e-03, v17;
	v54 =	vmul.f32 v46, v46  }
0xe5: {  	v61 =	vadd.f32 v61, v14;
	v53 =	vmul.f32 v40, v40;
	v15 =	vadd.f32 v55, v15  }
0xe6: {  	v50 =	vld [tilespmem:s24+$0xA0];
	v16 =	vadd.f32 v62, v16;
	v17 =	vsub.f32 v17, v54  }
0xe7: {  	v1 =	vmul.f32 v55, v55;
	v51 =	vadd.f32 v53, v51;
	v15 =	vadd.f32 v59, v15;
	v54 =	vld [tilespmem:s24+$0x20]  }
0xe8: {  	v63 =	vadd.f32 v44, v60;
	v60 =	vld [tilespmem:s24+$0xFFFFFF30];
	v17 =	vadd.f32 $9.999999960e-13, v17  }
0xe9: {  	v1 =	vadd.f32 v1, v61;
	v56 =	vadd.f32 v57, v56;
	v2 =	vmul.f32 v44, v44  }
0xea: {  	v0 =	vmul.f32 v57, v57;
	v58 =	vshrl.u32 v17, $0x1;
	v17 =	vmul.f32 $5.000000000e-01, v17  }
0xeb: {  	v14 =	vld [tilespmem:s24+$0xB0];
	v63 =	vadd.f32 v50, v63;
	v3 =	vadd.f32 v2, v51;
	v53 =	vsub.s32 $0x5F3759DF, v58  }
0xec: {  	v2 =	vadd.f32 v0, v18;
	v18 =	vmul.f32 v50, v50;
	v58 =	vld [tilespmem:s24+$0x30];
	v45 =	vmul.f32 v53, v17  }
0xed: {  	v51 =	vadd.f32 v60, v56;
	v56 =	vmul.f32 v54, v54;
	v0 =	vmul.f32 v60, v60  }
0xee: {  	v19 =	vadd.f32 v54, v19;
	v3 =	vadd.f32 v18, v3;
	v62 =	vmul.f32 v53, v45  }
0xef: {  	v16 =	vadd.f32 v56, v16;
	v0 =	vadd.f32 v0, v2;
	v61 =	vperm.xlane v51, v43  }
0xf0: {  	v56 =	vadd.f32 v14, v63;
	v45 =	vsub.f32 $1.500000000e+00, v62;
	v62 =	vmul.f32 v59, v59  }
0xf1: {  	v2 =	vmul.f32 v58, v58;
	v51 =	vadd.f32 v61, v51;
	v61 =	vperm.xlane v0, v43  }
0xf2: {  	v19 =	vadd.f32 v58, v19;
	v18 =	vmul.f32 v53, v45;
	v45 =	vmul.f32 v14, v14  }
0xf3: {  	v1 =	vadd.f32 v62, v1;
	v62 =	vperm.xlane v15, v43;
	v2 =	vadd.f32 v2, v16  }
0xf4: {  	v16 =	vperm.xlane v19, v43;
	v0 =	vadd.f32 v61, v0;
	v3 =	vadd.f32 v45, v3  }
0xf5: {  	v45 =	vperm.xlane v56, v43;
	v15 =	vadd.f32 v62, v15;
	v62 =	vperm.xlane v1, v43  }
0xf6: {  	v16 =	vadd.f32 v16, v19;
	v19 =	vperm.xlane v2, v43;
	v17 =	vmul.f32 v18, v17  }
0xf7: {  	v53 =	vadd.f32 v45, v56;
	v56 =	vperm.xlane v3, v43;
	v45 =	vperm.xlane v51, v20  }
0xf8: {  	v61 =	vperm.xlane v15, v20;
	v1 =	vadd.f32 v62, v1;
	v62 =	vperm.xlane v16, v20  }
0xf9: {  	v2 =	vadd.f32 v19, v2;
	v19 =	vadd.f32 v45, v51;
	v43 =	vperm.xlane v53, v20  }
0xfa: {  	v3 =	vadd.f32 v56, v3;
	v45 =	vperm.xlane v0, v20;
	v15 =	vadd.f32 v61, v15  }
0xfb: {  	v61 =	vperm.xlane v1, v20;
	v16 =	vadd.f32 v62, v16;
	v62 =	vperm.xlane v2, v20  }
0xfc: {  	v51 =	vadd.f32 v43, v53;
	v43 =	vperm.xlane v3, v20;
	v63 =	vperm.xlane v19, v21  }
0xfd: {  	v0 =	vadd.f32 v45, v0;
	v45 =	vperm.xlane v15, v21;
	v1 =	vadd.f32 v61, v1  }
0xfe: {  	v61 =	vperm.xlane v16, v21;
	v2 =	vadd.f32 v62, v2;
	v62 =	vperm.xlane v51, v21  }
0xff: {  	v3 =	vadd.f32 v43, v3;
	v19 =	vadd.f32 v63, v19;
	v43 =	vperm.xlane v0, v21  }
0x100: {  	v15 =	vadd.f32 v45, v15;
	v45 =	vperm.xlane v1, v21;
	v16 =	vadd.f32 v61, v16  }
0x101: {  	v61 =	vperm.xlane v2, v21;
	v63 =	vperm.xlane v19, v5;
	v51 =	vadd.f32 v62, v51  }
0x102: {  	v62 =	vperm.xlane v3, v21;
	v0 =	vadd.f32 v43, v0;
	v43 =	vperm.xlane v15, v5  }
0x103: {  	v1 =	vadd.f32 v45, v1;
	v45 =	vperm.xlane v16, v5;
	v2 =	vadd.f32 v61, v2  }
0x104: {  	v61 =	vperm.xlane v51, v5;
	v19 =	vadd.f32 v63, v19;
	v3 =	vadd.f32 v62, v3  }
0x105: {  	v63 =	vperm.xlane v0, v5;
	v15 =	vadd.f32 v43, v15;
	v43 =	vperm.xlane v1, v5  }
0x106: {  	v16 =	vadd.f32 v45, v16;
	v45 =	vperm.xlane v2, v5;
	v62 =	vperm.xlane v3, v5  }
0x107: {  	v0 =	vadd.f32 v63, v0;
	v51 =	vadd.f32 v61, v51;
	v19 =	vmul.f32 $7.812500000e-03, v19  }
0x108: {  	v61 =	vmul.f32 $7.812500000e-03, v15;
	v1 =	vadd.f32 v43, v1;
	v16 =	vmul.f32 $7.812500000e-03, v16  }
0x109: {  	v0 =	vmul.f32 $7.812500000e-03, v0;
	v15 =	vmul.f32 v19, v19  }
0x10a: {  	v2 =	vadd.f32 v45, v2;
	v1 =	vmul.f32 $7.812500000e-03, v1;
	v56 =	vmul.f32 v61, v61  }
0x10b: {  	v63 =	vmul.f32 $7.812500000e-03, v51;
	v3 =	vadd.f32 v62, v3;
	v0 =	vsub.f32 v0, v15  }
0x10c: {  	v2 =	vmul.f32 $7.812500000e-03, v2;
	v15 =	vmul.f32 v16, v16;
	v1 =	vsub.f32 v1, v56  }
0x10d: {  	v3 =	vmul.f32 $7.812500000e-03, v3;
	v62 =	vmul.f32 v63, v63;
	v0 =	vadd.f32 $9.999999960e-13, v0  }
0x10e: {  	v2 =	vsub.f32 v2, v15;
	v1 =	vadd.f32 $9.999999960e-13, v1  }
0x10f: {  	v3 =	vsub.f32 v3, v62;
	v15 =	vmul.f32 v17, v18;
	v17 =	vshrl.u32 v0, $0x1  }
0x110: {  	v2 =	vadd.f32 $9.999999960e-13, v2;
	v6 =	vmul.f32 $5.000000000e-01, v0;
	v43 =	vshrl.u32 v1, $0x1  }
0x111: {  	v3 =	vadd.f32 $9.999999960e-13, v3;
	v5 =	vmul.f32 $5.000000000e-01, v1;
	v15 =	vsub.f32 $1.500000000e+00, v15  }
0x112: {  	v17 =	vsub.s32 $0x5F3759DF, v17;
	v51 =	vsub.s32 $0x5F3759DF, v43;
	v53 =	vshrl.u32 v2, $0x1  }
0x113: {  	v4 =	vmul.f32 $5.000000000e-01, v2;
	v45 =	vshrl.u32 v3, $0x1;
	v3 =	vmul.f32 $5.000000000e-01, v3  }
0x114: {  	v43 =	vmul.f32 v17, v6;
	v0 =	vmul.f32 v51, v5;
	v53 =	vsub.s32 $0x5F3759DF, v53  }
0x115: {  	v15 =	vmul.f32 v15, v18;
	v56 =	vsub.s32 $0x5F3759DF, v45;
	v1 =	vmul.f32 v53, v4  }
0x116: {  	v62 =	vmul.f32 v17, v43;
	v2 =	vmul.f32 v56, v3  }
0x117: {  	v0 =	vmul.f32 v51, v0;
	v18 =	vmul.f32 v15, v46  }
0x118: {  	v8 =	vmul.f32 v15, v8;
	v30 =	vmul.f32 v15, v30  }
0x119: {  	v31 =	vmul.f32 v15, v31;
	v32 =	vmul.f32 v15, v32  }
0x11a: {  	v34 =	vmul.f32 v15, v34;
	v1 =	vmul.f32 v53, v1  }
0x11b: {  	v28 =	vmul.f32 v15, v28;
	v62 =	vsub.f32 $1.500000000e+00, v62;
	v2 =	vmul.f32 v56, v2  }
0x11c: {  	v33 =	vmul.f32 v15, v33;
	v0 =	vsub.f32 $1.500000000e+00, v0;
	v1 =	vsub.f32 $1.500000000e+00, v1  }
0x11d: {  	v35 =	vmul.f32 v15, v35;
	v17 =	vmul.f32 v17, v62;
	v2 =	vsub.f32 $1.500000000e+00, v2  }
0x11e: {  	v0 =	vmul.f32 v51, v0;
	v1 =	vmul.f32 v53, v1  }
0x11f: {  	v2 =	vmul.f32 v56, v2;
	v6 =	vmul.f32 v17, v6  }
0x120: {  	v5 =	vmul.f32 v0, v5;
	v4 =	vmul.f32 v1, v4  }
0x121: {  	v6 =	vmul.f32 v6, v17;
	v3 =	vmul.f32 v2, v3  }
0x122: {  	v15 =	vsub.f32 v31, v18;
	v5 =	vmul.f32 v5, v0;
	v4 =	vmul.f32 v4, v1  }
0x123: {  	v46 =	vsub.f32 v28, v18;
	v6 =	vsub.f32 $1.500000000e+00, v6;
	v3 =	vmul.f32 v3, v2  }
0x124: {  	v5 =	vsub.f32 $1.500000000e+00, v5;
	v4 =	vsub.f32 $1.500000000e+00, v4  }
0x125: {  	v51 =	vsub.f32 v34, v18;
	v6 =	vmul.f32 v6, v17;
	v3 =	vsub.f32 $1.500000000e+00, v3  }
0x126: {  	v53 =	vsub.f32 v32, v18;
	v0 =	vmul.f32 v5, v0;
	v1 =	vmul.f32 v4, v1  }
0x127: {  	v56 =	vsub.f32 v33, v18;
	v2 =	vmul.f32 v3, v2;
	v5 =	vmul.f32 v6, v19  }
0x128: {  	v3 =	vsub.f32 v8, v18;
	v17 =	vmul.f32 v6, v38;
	v28 =	vmul.f32 v6, v36  }
0x129: {  	v4 =	vsub.f32 v30, v18;
	v8 =	vld [tilespmem:$0x1FE10];
	v30 =	vmul.f32 v6, v41;
	v31 =	vmul.f32 v6, v47  }
0x12a: {  	v45 =	vmul.f32 v6, v48;
	v48 =	vsub.f32 v35, v18;
	v18 =	vmul.f32 v6, v57  }
0x12b: {  	v33 =	vmul.f32 v0, v61;
	v29 =	vmul.f32 v0, v29  }
0x12c: {  	v61 =	vmul.f32 v0, v9;
	v17 =	vsub.f32 v17, v5;
	v28 =	vsub.f32 v28, v5  }
0x12d: {  	v62 =	vmul.f32 v0, v55;
	v30 =	vsub.f32 v30, v5;
	v31 =	vsub.f32 v31, v5  }
0x12e: {  	v32 =	vsub.f32 v45, v5;
	v16 =	vmul.f32 v1, v16;
	v19 =	vmul.f32 v6, v8;
	v8 =	vld [tilespmem:$0x1FE20]  }
0x12f: {  	v18 =	vsub.f32 v18, v5;
	v12 =	vmul.f32 v1, v12;
	v6 =	vmul.f32 v6, v60  }
0x130: {  	v38 =	vsub.f32 v61, v33;
	v61 =	vmul.f32 v2, v25;
	v25 =	vld [tilespmem:$0x1FEC0];
	v60 =	vmul.f32 v0, v39  }
0x131: {  	v37 =	vmul.f32 v1, v37;
	v19 =	vsub.f32 v19, v5;
	v5 =	vsub.f32 v6, v5;
	v6 =	vld [tilespmem:$0x1FE40]  }
0x132: {  	v42 =	vmul.f32 v1, v42;
	v36 =	vsub.f32 v60, v33;
	v60 =	vmul.f32 v2, v10;
	v10 =	vld [tilespmem:$0x1FE50]  }
0x133: {  	v29 =	vsub.f32 v29, v33;
	v7 =	vmul.f32 v2, v7;
	v47 =	vmul.f32 v0, v8;
	v8 =	vld [tilespmem:$0x1FE30]  }
0x134: {  	v41 =	vsub.f32 v62, v33;
	v13 =	vmul.f32 v2, v13;
	v62 =	vmul.f32 v2, v40  }
0x135: {  	v12 =	vsub.f32 v12, v16;
	v39 =	vmul.f32 v0, v52;
	v3 =	vmul.f32 v3, v25  }
0x136: {  	v37 =	vsub.f32 v37, v16;
	v42 =	vsub.f32 v42, v16;
	v6 =	vmul.f32 v1, v6  }
0x137: {  	v39 =	vsub.f32 v39, v33;
	v3 =	vadd.f32 v3, v27;
	v4 =	vmul.f32 v4, v10  }
0x138: {  	v34 =	vsub.f32 v47, v33;
	v6 =	vsub.f32 v6, v16;
	v57 =	vmul.f32 v0, v8  }
0x139: {  	v4 =	vadd.f32 v4, v26;
	v0 =	vmul.f32 v0, v59;
	v8 =	vmul.f32 v1, v11  }
0x13a: {  	v59 =	vmul.f32 v1, v54;
	v35 =	vsub.f32 v57, v33;
	v57 =	vmul.f32 v1, v49  }
0x13b: {  	v11 =	vld [tilespmem:$0x1FE60];
	v1 =	vmul.f32 v1, v58;
	v49 =	vmul.f32 v2, v63;
	v0 =	vsub.f32 v0, v33  }
0x13c: {  	v40 =	vsub.f32 v8, v16;
	v8 =	vmul.f32 v2, v44;
	v63 =	vmul.f32 v2, v50;
	v58 =	vld [tilespmem:$0x1FE70]  }
0x13d: {  	v2 =	vmul.f32 v2, v14;
	v14 =	vsub.f32 v59, v16;
	v9 =	vsub.f32 v57, v16  }
0x13e: {  	v1 =	vsub.f32 v1, v16;
	v47 =	vsub.f32 v60, v49;
	v60 =	vld [tilespmem:$0x1FE80]  }
0x13f: {  	v16 =	vmul.f32 v17, v10;
	v50 =	vsub.f32 v61, v49;
	v52 =	vsub.f32 v7, v49;
	v61 =	vld [tilespmem:$0x1FE90]  }
0x140: {  	v54 =	vsub.f32 v13, v49;
	v33 =	vsub.f32 v62, v49;
	v62 =	vld [tilespmem:$0x1FEA0];
	v7 =	vmul.f32 v19, v11  }
0x141: {  	v44 =	vsub.f32 v63, v49;
	v63 =	vld [tilespmem:$0x1FEB0];
	[tilespmem:s24+$0x130] =	vst v3;
	v3 =	vadd.f32 v16, v26;
	v13 =	vmul.f32 v28, v58  }
0x142: {  	[tilespmem:s24+$0xC0] =	vst v4;
	v4 =	vadd.f32 v7, v22  }
0x143: {  	[tilespmem:s24+$0xFFFFFEC0] =	vst v3;
	v3 =	vadd.f32 v13, v23  }
0x144: {  	[tilespmem:s24+$0xFFFFFED0] =	vst v4  }
0x145: {  	[tilespmem:s24+$0xFFFFFEE0] =	vst v3  }
0x146: {  	v20 =	vld [tilespmem:$0x1FED0];
	_ =	sdelay $0x1  }
0x147: {  	v8 =	vsub.f32 v8, v49;
	v49 =	vsub.f32 v2, v49;
	v2 =	vmul.f32 v30, v60  }
0x148: {  	v5 =	vmul.f32 v5, v25;
	v17 =	vmul.f32 v31, v61  }
0x149: {  	v34 =	vmul.f32 v34, v10;
	v35 =	vmul.f32 v35, v11;
	v2 =	vadd.f32 v2, v24  }
0x14a: {  	v19 =	vmul.f32 v6, v11;
	v28 =	vmul.f32 v0, v25;
	v0 =	vadd.f32 v17, v20  }
0x14b: {  	v16 =	vmul.f32 v40, v10;
	v6 =	vmul.f32 v50, v11;
	[tilespmem:s24+$0xFFFFFEF0] =	vst v2  }
0x14c: {  	v45 =	vmul.f32 v29, v58;
	v31 =	vmul.f32 v32, v62;
	v2 =	vld [tilespmem:$0x1FEE0];
	[tilespmem:s24+$0xFFFFFF00] =	vst v0  }
0x14d: {  	v43 =	vmul.f32 v18, v63;
	v36 =	vmul.f32 v36, v60;
	v21 =	vld [tilespmem:$0x1FEF0]  }
0x14e: {  	v32 =	vmul.f32 v38, v61;
	v30 =	vmul.f32 v39, v62  }
0x14f: {  	v13 =	vmul.f32 v41, v63;
	v29 =	vmul.f32 v37, v60  }
0x150: {  	v18 =	vmul.f32 v42, v61;
	v7 =	vmul.f32 v14, v63;
	v14 =	vadd.f32 v35, v22  }
0x151: {  	v4 =	vmul.f32 v52, v58;
	v42 =	vmul.f32 v49, v25;
	v2 =	vadd.f32 v31, v2  }
0x152: {  	v39 =	vmul.f32 v15, v11;
	v3 =	vmul.f32 v54, v60;
	[tilespmem:s24+$0xFFFFFF50] =	vst v14;
	v0 =	vadd.f32 v43, v21  }
0x153: {  	v17 =	vmul.f32 v12, v58;
	v12 =	vmul.f32 v1, v25;
	[tilespmem:s24+$0xFFFFFF10] =	vst v2;
	v2 =	vadd.f32 v5, v27  }
0x154: {  	v1 =	vmul.f32 v8, v62;
	v15 =	vmov v20;
	[tilespmem:s24+$0xFFFFFF20] =	vst v0;
	v0 =	vadd.f32 v34, v26  }
0x155: {  	v31 =	vmul.f32 v9, v62;
	[tilespmem:s24+$0xFFFFFF30] =	vst v2;
	v2 =	vmul.f32 v33, v61;
	v33 =	vadd.f32 v45, v23  }
0x156: {  	s18 =	simm.s32 $0x0;
	s19 =	simm.s32 $0x540;
	v5 =	vmul.f32 v47, v10;
	v34 =	vadd.f32 v36, v24;
	[tilespmem:s24+$0xFFFFFF40] =	vst v0;
	v0 =	vmul.f32 v44, v63  }
.LBB2_3:
0x157: {  	[tilespmem:s24+$0xFFFFFF60] =	vst v33;
	v8 =	vmul.f32 v53, v58  }
0x158: {  	v14 =	vadd.f32 v32, v15;
	[tilespmem:s24+$0xFFFFFF70] =	vst v34  }
0x159: {  	v13 =	vadd.f32 v13, v21;
	[tilespmem:$0x1FDC0] =	vst v8  }
0x15a: {  	v45 =	vld [tilespmem:$0x1FEE0];
	v5 =	vadd.f32 v5, v26;
	[tilespmem:s24+$0xFFFFFF80] =	vst v14  }
0x15b: {  	v3 =	vadd.f32 v3, v24;
	v37 =	vld [tilespmem:s19+$0x50];
	[tilespmem:s24+$0xFFFFFFA0] =	vst v13  }
0x15c: {  	v6 =	vadd.f32 v6, v22;
	v34 =	vld [tilespmem:s19+$0x40];
	[tilespmem:s24+$0x40] =	vst v5  }
0x15d: {  	v55 =	vld [tilespmem:s19+$0xC0];
	v8 =	vmul.f32 v51, v60;
	[tilespmem:s24+$0x70] =	vst v3  }
0x15e: {  	v53 =	vld [tilespmem:s19+$0xD0];
	v4 =	vadd.f32 v4, v23;
	[tilespmem:s24+$0x50] =	vst v6  }
0x15f: {  	v33 =	vld [tilespmem:s19+$0xFFFFFED0];
	[tilespmem:$0x1FDD0] =	vst v8;
	v8 =	vmul.f32 v46, v61  }
0x160: {  	v59 =	vld [tilespmem:s19+$0xE0];
	[tilespmem:s24+$0x60] =	vst v4;
	v15 =	vadd.f32 v30, v45  }
0x161: {  	v49 =	vld [tilespmem:s19+$0xFFFFFEC0];
	[tilespmem:$0x1FDE0] =	vst v8;
	v8 =	vmul.f32 v56, v62  }
0x162: {  	v6 =	vld [tilespmem:$0x1FED0];
	[tilespmem:s24+$0xFFFFFF90] =	vst v15;
	v15 =	vadd.f32 v16, v26  }
0x163: {  	v32 =	vld [tilespmem:s19+$0xFFFFFF40];
	v16 =	vadd.f32 v19, v22;
	[tilespmem:$0x1FDF0] =	vst v8  }
0x164: {  	v51 =	vld [tilespmem:s19+$0x100];
	v8 =	vmul.f32 v48, v63;
	[tilespmem:s24+$0xFFFFFFC0] =	vst v15  }
0x165: {  	v13 =	vadd.f32 v17, v23;
	v46 =	vld [tilespmem:s19+$0xF0];
	[tilespmem:s24+$0xFFFFFFD0] =	vst v16  }
0x166: {  	v17 =	vadd.f32 v29, v24;
	v40 =	vmul.f32 v55, v55;
	[tilespmem:$0x1FE00] =	vst v8;
	v8 =	vld [tilespmem:$0x1FED0]  }
0x167: {  	v36 =	vmul.f32 v53, v53;
	v19 =	vadd.f32 v53, v55;
	v2 =	vadd.f32 v2, v6;
	v30 =	vld [tilespmem:s19+$0xFFFFFFC0];
	[tilespmem:s24+$0xFFFFFFE0] =	vst v13  }
0x168: {  	v14 =	vadd.f32 v28, v27;
	v56 =	vld [tilespmem:s19+$0x110];
	[tilespmem:s24+$0xFFFFFFF0] =	vst v17  }
0x169: {  	v16 =	vadd.f32 v59, v19;
	v19 =	vadd.f32 v36, v40;
	[tilespmem:s24+$0x80] =	vst v2;
	v36 =	vld [tilespmem:s19+$0xFFFFFFD0]  }
0x16a: {  	v1 =	vadd.f32 v1, v45;
	v40 =	vld [tilespmem:s19+$0x60]  }
0x16b: {  	[tilespmem:s24+$0xFFFFFFB0] =	vst v14;
	v41 =	vmul.f32 v59, v59;
	v14 =	vadd.f32 v18, v8;
	v18 =	vadd.f32 v31, v45;
	v31 =	vld [tilespmem:s19+$0xFFFFFF50]  }
0x16c: {  	v12 =	vadd.f32 v12, v27;
	v16 =	vadd.f32 v46, v16;
	[tilespmem:s24+$0x90] =	vst v1;
	v1 =	vld [tilespmem:$0x1FEF0]  }
0x16d: {  	v7 =	vadd.f32 v7, v21;
	v17 =	vadd.f32 v41, v19;
	v19 =	vmul.f32 v46, v46  }
0x16e: {  	v50 =	vld [tilespmem:s19+$0xFFFFFEE0];
	[tilespmem:s24+$0x30] =	vst v12;
	v4 =	vmul.f32 v34, v34;
	v15 =	vmul.f32 v33, v33;
	v16 =	vadd.f32 v51, v16  }
0x16f: {  	v48 =	vld [tilespmem:s19+$0x120];
	v13 =	vmul.f32 v32, v32;
	v2 =	vadd.f32 v37, v34;
	v17 =	vadd.f32 v19, v17;
	[tilespmem:s24+$0x0] =	vst v14  }
0x170: {  	v60 =	vld [tilespmem:s19+$0xFFFFFEF0];
	v12 =	vadd.f32 v56, v16;
	v5 =	vadd.f32 v36, v30;
	[tilespmem:s24+$0x10] =	vst v18;
	v14 =	vmul.f32 v31, v31  }
0x171: {  	v0 =	vadd.f32 v0, v1;
	v1 =	vadd.f32 v33, v49;
	v18 =	vmul.f32 v51, v51;
	v29 =	vld [tilespmem:s19+$0xFFFFFFE0]  }
0x172: {  	[tilespmem:s24+$0x20] =	vst v7;
	v2 =	vadd.f32 v40, v2;
	v9 =	vmul.f32 v40, v40;
	v7 =	vadd.f32 v14, v13;
	v14 =	vld [tilespmem:s19+$0x130]  }
0x173: {  	[tilespmem:s24+$0xA0] =	vst v0;
	v1 =	vadd.f32 v50, v1;
	v0 =	vld [tilespmem:s19+$0xFFFFFF00];
	v16 =	vadd.f32 v18, v17;
	v17 =	vmul.f32 v56, v56  }
0x174: {  	v11 =	vld [tilespmem:$0x1FFD0];
	v6 =	vadd.f32 v48, v12;
	v18 =	vmul.f32 v36, v36;
	v44 =	vadd.f32 v31, v32  }
0x175: {  	v47 =	vld [tilespmem:s19+$0xFFFFFFF0];
	v20 =	vadd.f32 v60, v1;
	v12 =	vadd.f32 v17, v16;
	v16 =	vmul.f32 v48, v48  }
0x176: {  	v17 =	vmul.f32 v49, v49;
	v13 =	vmul.f32 v30, v30;
	v5 =	vadd.f32 v29, v5  }
0x177: {  	v57 =	vld [tilespmem:s19+$0x0];
	v3 =	vadd.f32 v14, v6;
	v6 =	vadd.f32 v16, v12;
	v12 =	vmul.f32 v14, v14  }
0x178: {  	v41 =	vld [tilespmem:$0x1FFE0];
	v43 =	vmul.f32 v29, v29;
	v20 =	vadd.f32 v0, v20;
	v13 =	vadd.f32 v18, v13  }
0x179: {  	v28 =	vld [tilespmem:s19+$0xFFFFFF60];
	v16 =	vmul.f32 v37, v37;
	v6 =	vadd.f32 v12, v6;
	v12 =	vperm.xlane v3, v11  }
0x17a: {  	v23 =	vmul.f32 v47, v47;
	v21 =	vadd.f32 v47, v5;
	v13 =	vadd.f32 v43, v13  }
0x17b: {  	v62 =	vld [tilespmem:s19+$0x10];
	v16 =	vadd.f32 v16, v4;
	v3 =	vadd.f32 v12, v3;
	v4 =	vperm.xlane v6, v11  }
0x17c: {  	v35 =	vld [tilespmem:$0x1FFF0];
	v25 =	vmul.f32 v0, v0;
	v27 =	vmul.f32 v57, v57;
	v21 =	vadd.f32 v57, v21  }
0x17d: {  	v23 =	vadd.f32 v23, v13;
	v19 =	vperm.xlane v3, v41;
	v6 =	vadd.f32 v4, v6  }
0x17e: {  	v18 =	vmul.f32 v50, v50;
	v12 =	vadd.f32 v15, v17;
	v15 =	vadd.f32 v28, v44;
	v44 =	vld [tilespmem:s19+$0x70]  }
0x17f: {  	v54 =	vld [tilespmem:s19+$0xFFFFFF70];
	v17 =	vmul.f32 v28, v28;
	v3 =	vadd.f32 v19, v3;
	v1 =	vperm.xlane v6, v41  }
0x180: {  	v38 =	vld [tilespmem:$0x1FFC0];
	v43 =	vadd.f32 v62, v21;
	v21 =	vadd.f32 v27, v23;
	v23 =	vmul.f32 v62, v62  }
0x181: {  	v61 =	vld [tilespmem:s19+$0xFFFFFF80];
	v17 =	vadd.f32 v17, v7;
	v7 =	vperm.xlane v3, v35;
	v6 =	vadd.f32 v1, v6  }
0x182: {  	v16 =	vadd.f32 v9, v16;
	v12 =	vadd.f32 v18, v12;
	v18 =	vmul.f32 v60, v60  }
0x183: {  	v52 =	vld [tilespmem:s19+$0x80];
	v22 =	vadd.f32 v44, v2;
	v3 =	vadd.f32 v7, v3;
	v2 =	vperm.xlane v6, v35  }
0x184: {  	v58 =	vld [tilespmem:s19+$0x90];
	v21 =	vadd.f32 v23, v21;
	v15 =	vadd.f32 v54, v15;
	v19 =	vmul.f32 v54, v54  }
0x185: {  	v4 =	vld [tilespmem:s19+$0xFFFFFF10];
	v18 =	vadd.f32 v18, v12;
	v10 =	vperm.xlane v3, v38;
	v6 =	vadd.f32 v2, v6  }
0x186: {  	v63 =	vld [tilespmem:s19+$0xA0];
	v15 =	vadd.f32 v61, v15;
	v24 =	vmul.f32 v44, v44;
	v17 =	vadd.f32 v19, v17  }
0x187: {  	v5 =	vld [tilespmem:s19+$0xFFFFFFA0];
	v18 =	vadd.f32 v25, v18;
	v3 =	vadd.f32 v10, v3;
	v12 =	vperm.xlane v6, v38  }
0x188: {  	v1 =	vld [tilespmem:s19+$0xFFFFFF90];
	v19 =	vmul.f32 v61, v61;
	v22 =	vadd.f32 v52, v22;
	v16 =	vadd.f32 v24, v16  }
0x189: {  	v24 =	vmul.f32 v52, v52;
	v7 =	vld [tilespmem:s19+$0xFFFFFF20];
	v26 =	vmul.f32 $7.812500000e-03, v3;
	v3 =	vadd.f32 v12, v6  }
0x18a: {  	v13 =	vld [tilespmem:s19+$0xFFFFFF30];
	v20 =	vadd.f32 v4, v20;
	v25 =	vmul.f32 v4, v4;
	v17 =	vadd.f32 v19, v17  }
0x18b: {  	v22 =	vadd.f32 v58, v22;
	v2 =	vld [tilespmem:s19+$0x20];
	v8 =	vmul.f32 $7.812500000e-03, v3;
	v9 =	vmul.f32 v26, v26  }
0x18c: {  	v27 =	vmul.f32 v58, v58;
	v16 =	vadd.f32 v24, v16;
	v18 =	vadd.f32 v25, v18  }
0x18d: {  	v15 =	vadd.f32 v1, v15;
	v19 =	vmul.f32 v1, v1;
	v8 =	vsub.f32 v8, v9  }
0x18e: {  	v22 =	vadd.f32 v63, v22;
	v16 =	vadd.f32 v27, v16;
	v10 =	vmul.f32 v7, v7  }
0x18f: {  	v27 =	vmul.f32 v13, v13;
	v20 =	vadd.f32 v7, v20;
	v8 =	vadd.f32 $9.999999960e-13, v8  }
0x190: {  	v15 =	vadd.f32 v5, v15;
	v12 =	vld [tilespmem:s19+$0xFFFFFFB0];
	v25 =	vmul.f32 v2, v2;
	v10 =	vadd.f32 v10, v18  }
0x191: {  	v18 =	vmul.f32 v63, v63;
	v24 =	vshrl.u32 v8, $0x1;
	v8 =	vmul.f32 $5.000000000e-01, v8  }
0x192: {  	v17 =	vadd.f32 v19, v17;
	v6 =	vld [tilespmem:s19+$0x30];
	v20 =	vadd.f32 v13, v20;
	v19 =	vsub.s32 $0x5F3759DF, v24  }
0x193: {  	v21 =	vadd.f32 v25, v21;
	v16 =	vadd.f32 v18, v16;
	v23 =	vmul.f32 v19, v8  }
0x194: {  	v3 =	vld [tilespmem:s19+$0xB0];
	v10 =	vadd.f32 v27, v10;
	v25 =	vperm.xlane v20, v11;
	v24 =	vmul.f32 v5, v5  }
0x195: {  	v9 =	vadd.f32 v2, v43;
	v15 =	vadd.f32 v12, v15;
	v23 =	vmul.f32 v19, v23  }
0x196: {  	v20 =	vadd.f32 v25, v20;
	v17 =	vadd.f32 v24, v17;
	v24 =	vmul.f32 v12, v12  }
0x197: {  	v25 =	vperm.xlane v10, v11;
	v9 =	vadd.f32 v6, v9;
	v23 =	vsub.f32 $1.500000000e+00, v23  }
0x198: {  	v43 =	vperm.xlane v20, v41;
	v17 =	vadd.f32 v24, v17;
	v24 =	vperm.xlane v15, v11  }
0x199: {  	v22 =	vadd.f32 v3, v22;
	v18 =	vmul.f32 v19, v23;
	v19 =	vmul.f32 v6, v6  }
0x19a: {  	v10 =	vadd.f32 v25, v10;
	v24 =	vadd.f32 v24, v15;
	v23 =	vmul.f32 v3, v3  }
0x19b: {  	v8 =	vmul.f32 v18, v8;
	v19 =	vadd.f32 v19, v21;
	v21 =	vperm.xlane v9, v11  }
0x19c: {  	v15 =	vperm.xlane v17, v11;
	v23 =	vadd.f32 v23, v16;
	v16 =	vperm.xlane v22, v11  }
0x19d: {  	v8 =	vmul.f32 v8, v18;
	v9 =	vadd.f32 v21, v9;
	v21 =	vperm.xlane v19, v11  }
0x19e: {  	v22 =	vadd.f32 v16, v22;
	v27 =	vperm.xlane v23, v11;
	v11 =	vadd.f32 v43, v20  }
0x19f: {  	v8 =	vsub.f32 $1.500000000e+00, v8;
	v19 =	vadd.f32 v21, v19  }
0x1a0: {  	v20 =	vperm.xlane v22, v41;
	v21 =	vadd.f32 v27, v23;
	v23 =	vperm.xlane v10, v41  }
0x1a1: {  	v17 =	vadd.f32 v15, v17;
	v25 =	vperm.xlane v11, v35;
	v16 =	vmul.f32 v8, v18  }
0x1a2: {  	v43 =	vld [tilespmem:$0x1FEC0];
	v8 =	vperm.xlane v24, v41;
	v18 =	vperm.xlane v9, v41;
	v20 =	vadd.f32 v20, v22  }
0x1a3: {  	v10 =	vadd.f32 v23, v10;
	v15 =	vmul.f32 v16, v26;
	v14 =	vmul.f32 v16, v14  }
0x1a4: {  	v22 =	vperm.xlane v21, v41;
	v11 =	vadd.f32 v25, v11;
	v8 =	vadd.f32 v8, v24;
	v26 =	vld [tilespmem:$0x1FF40]  }
0x1a5: {  	v24 =	vperm.xlane v17, v41;
	v9 =	vadd.f32 v18, v9;
	v14 =	vsub.f32 v14, v15  }
0x1a6: {  	v18 =	vperm.xlane v19, v41;
	v21 =	vadd.f32 v22, v21;
	v22 =	vperm.xlane v10, v35  }
0x1a7: {  	v23 =	vperm.xlane v8, v35;
	v17 =	vadd.f32 v24, v17;
	v14 =	vmul.f32 v14, v43  }
0x1a8: {  	v24 =	vperm.xlane v9, v35;
	v18 =	vadd.f32 v18, v19;
	v10 =	vadd.f32 v22, v10  }
0x1a9: {  	v19 =	vperm.xlane v20, v35;
	v8 =	vadd.f32 v23, v8;
	v14 =	vadd.f32 v14, v26  }
0x1aa: {  	v9 =	vadd.f32 v24, v9;
	v23 =	vperm.xlane v18, v35;
	v24 =	vperm.xlane v11, v38  }
0x1ab: {  	v19 =	vadd.f32 v19, v20;
	v20 =	vperm.xlane v21, v35;
	[tilespmem:s19+$0x130] =	vst v14;
	v14 =	vperm.xlane v17, v35  }
0x1ac: {  	v22 =	vperm.xlane v8, v38;
	v23 =	vadd.f32 v23, v18;
	v11 =	vadd.f32 v24, v11  }
0x1ad: {  	v18 =	vperm.xlane v19, v38;
	v20 =	vadd.f32 v20, v21;
	v14 =	vadd.f32 v14, v17  }
0x1ae: {  	v24 =	vperm.xlane v10, v38;
	v8 =	vadd.f32 v22, v8;
	v17 =	vperm.xlane v9, v38  }
0x1af: {  	v22 =	vadd.f32 v18, v19;
	v25 =	vperm.xlane v20, v38;
	v21 =	vperm.xlane v14, v38  }
0x1b0: {  	v10 =	vadd.f32 v24, v10;
	v9 =	vadd.f32 v17, v9;
	v17 =	vperm.xlane v23, v38  }
0x1b1: {  	v11 =	vmul.f32 $7.812500000e-03, v11;
	v19 =	vmul.f32 $7.812500000e-03, v8;
	v8 =	vadd.f32 v21, v14;
	v21 =	vld [tilespmem:$0x1FF40]  }
0x1b2: {  	v10 =	vmul.f32 $7.812500000e-03, v10;
	v18 =	vmul.f32 $7.812500000e-03, v9;
	v35 =	vadd.f32 v17, v23  }
0x1b3: {  	v17 =	vmul.f32 $7.812500000e-03, v22;
	v14 =	vadd.f32 v25, v20;
	v20 =	vmul.f32 v11, v11;
	v23 =	vld [tilespmem:$0x1FF10]  }
0x1b4: {  	v22 =	vmul.f32 v19, v19;
	v8 =	vmul.f32 $7.812500000e-03, v8  }
0x1b5: {  	v9 =	vmul.f32 $7.812500000e-03, v35;
	v10 =	vsub.f32 v10, v20;
	v20 =	vmul.f32 v18, v18  }
0x1b6: {  	v46 =	vmul.f32 v16, v46;
	v14 =	vmul.f32 $7.812500000e-03, v14;
	v21 =	vadd.f32 v42, v21  }
0x1b7: {  	v8 =	vsub.f32 v8, v22;
	v22 =	vmul.f32 v16, v55;
	v9 =	vsub.f32 v9, v20  }
0x1b8: {  	v10 =	vadd.f32 $9.999999960e-13, v10;
	v23 =	vadd.f32 v39, v23;
	[tilespmem:s24+$0xB0] =	vst v21;
	v21 =	vmul.f32 v17, v17  }
0x1b9: {  	v20 =	vmul.f32 v16, v53;
	v8 =	vadd.f32 $9.999999960e-13, v8;
	v9 =	vadd.f32 $9.999999960e-13, v9  }
0x1ba: {  	[tilespmem:s24+$0xD0] =	vst v23;
	v23 =	vshrl.u32 v10, $0x1;
	v10 =	vmul.f32 $5.000000000e-01, v10;
	v14 =	vsub.f32 v14, v21  }
0x1bb: {  	v24 =	vshrl.u32 v8, $0x1;
	v8 =	vmul.f32 $5.000000000e-01, v8;
	v23 =	vsub.s32 $0x5F3759DF, v23  }
0x1bc: {  	v25 =	vshrl.u32 v9, $0x1;
	v9 =	vmul.f32 $5.000000000e-01, v9;
	v14 =	vadd.f32 $9.999999960e-13, v14  }
0x1bd: {  	v21 =	vmul.f32 v16, v59;
	v24 =	vsub.s32 $0x5F3759DF, v24;
	v25 =	vsub.s32 $0x5F3759DF, v25  }
0x1be: {  	v26 =	vshrl.u32 v14, $0x1;
	v27 =	vmul.f32 $5.000000000e-01, v14;
	v14 =	vmul.f32 v23, v10  }
0x1bf: {  	v38 =	vmul.f32 v24, v8;
	v39 =	vmul.f32 v25, v9;
	v26 =	vsub.s32 $0x5F3759DF, v26  }
0x1c0: {  	v53 =	vsub.f32 v21, v15;
	v55 =	vmul.f32 v23, v14;
	v35 =	vmul.f32 v26, v27  }
0x1c1: {  	v14 =	vsub.f32 v20, v15;
	v20 =	vmul.f32 v24, v38;
	v38 =	vmul.f32 v25, v39  }
0x1c2: {  	v39 =	vmul.f32 v16, v56;
	v21 =	vsub.f32 $1.500000000e+00, v55;
	v35 =	vmul.f32 v26, v35  }
0x1c3: {  	v20 =	vsub.f32 $1.500000000e+00, v20;
	v41 =	vsub.f32 $1.500000000e+00, v38;
	v38 =	vmul.f32 v16, v51  }
0x1c4: {  	v16 =	vmul.f32 v16, v48;
	v21 =	vmul.f32 v23, v21;
	v23 =	vsub.f32 $1.500000000e+00, v35  }
0x1c5: {  	v20 =	vmul.f32 v24, v20;
	v24 =	vmul.f32 v25, v41  }
0x1c6: {  	v22 =	vsub.f32 v22, v15;
	v59 =	vld [tilespmem:$0x1FE50];
	v10 =	vmul.f32 v21, v10;
	v23 =	vmul.f32 v26, v23  }
0x1c7: {  	v51 =	vsub.f32 v46, v15;
	v8 =	vmul.f32 v20, v8;
	v9 =	vmul.f32 v24, v9;
	v26 =	vld [tilespmem:$0x1FF20]  }
0x1c8: {  	v56 =	vsub.f32 v39, v15;
	v10 =	vmul.f32 v10, v21;
	v25 =	vmul.f32 v23, v27;
	v27 =	vld [tilespmem:$0x1FDC0]  }
0x1c9: {  	v46 =	vsub.f32 v38, v15;
	v8 =	vmul.f32 v8, v20;
	v9 =	vmul.f32 v9, v24  }
0x1ca: {  	v48 =	vsub.f32 v16, v15;
	v15 =	vld [tilespmem:$0x1FF00];
	v10 =	vsub.f32 $1.500000000e+00, v10;
	v25 =	vmul.f32 v25, v23  }
0x1cb: {  	v8 =	vsub.f32 $1.500000000e+00, v8;
	v9 =	vsub.f32 $1.500000000e+00, v9  }
0x1cc: {  	v42 =	vld [tilespmem:$0x1FDD0];
	v22 =	vmul.f32 v22, v59;
	v10 =	vmul.f32 v10, v21;
	v21 =	vsub.f32 $1.500000000e+00, v25  }
0x1cd: {  	v8 =	vmul.f32 v8, v20;
	v9 =	vmul.f32 v9, v24;
	v26 =	vadd.f32 v27, v26;
	v27 =	vld [tilespmem:$0x1FF30]  }
0x1ce: {  	v20 =	vld [tilespmem:$0x1FED0];
	v11 =	vmul.f32 v10, v11;
	v16 =	vmul.f32 v21, v23  }
0x1cf: {  	v15 =	vadd.f32 v22, v15;
	v21 =	vld [tilespmem:$0x1FDE0];
	v22 =	vmul.f32 v10, v33;
	v23 =	vmul.f32 v10, v50  }
0x1d0: {  	v24 =	vmul.f32 v10, v60;
	v0 =	vmul.f32 v10, v0  }
0x1d1: {  	v4 =	vmul.f32 v10, v4;
	v7 =	vmul.f32 v10, v7  }
0x1d2: {  	v19 =	vmul.f32 v8, v19;
	v1 =	vmul.f32 v8, v1;
	v27 =	vadd.f32 v42, v27  }
0x1d3: {  	v5 =	vmul.f32 v8, v5;
	v55 =	vmul.f32 v9, v30;
	[tilespmem:s24+$0xE0] =	vst v26  }
0x1d4: {  	v25 =	vld [tilespmem:$0x1FE00];
	v30 =	vmul.f32 v9, v62;
	v2 =	vmul.f32 v9, v2;
	v20 =	vadd.f32 v21, v20;
	[tilespmem:s24+$0xF0] =	vst v27  }
0x1d5: {  	v6 =	vmul.f32 v9, v6;
	v26 =	vmul.f32 v8, v61;
	v0 =	vsub.f32 v0, v11;
	[tilespmem:s19+$0xC0] =	vst v15;
	v15 =	vld [tilespmem:$0x1FDF0]  }
0x1d6: {  	v4 =	vsub.f32 v4, v11;
	v7 =	vsub.f32 v7, v11;
	v17 =	vmul.f32 v16, v17;
	[tilespmem:s24+$0x100] =	vst v20;
	v20 =	vld [tilespmem:$0x1FEF0]  }
0x1d7: {  	v41 =	vmul.f32 v16, v40;
	v1 =	vsub.f32 v1, v19;
	v50 =	vmul.f32 v16, v63  }
0x1d8: {  	v5 =	vsub.f32 v5, v19;
	v3 =	vmul.f32 v16, v3;
	v42 =	vmul.f32 v16, v44  }
0x1d9: {  	v26 =	vsub.f32 v26, v19;
	v44 =	vmul.f32 v16, v52;
	v21 =	vmul.f32 v10, v49  }
0x1da: {  	v10 =	vmul.f32 v10, v13;
	v13 =	vsub.f32 v23, v11;
	v15 =	vadd.f32 v15, v45  }
0x1db: {  	v23 =	vmul.f32 v8, v31;
	v31 =	vmul.f32 v16, v37;
	v20 =	vadd.f32 v25, v20  }
0x1dc: {  	v27 =	vmul.f32 v9, v29;
	v29 =	vmul.f32 v9, v57;
	v57 =	vsub.f32 v3, v17;
	[tilespmem:s24+$0x110] =	vst v15  }
0x1dd: {  	v25 =	vmul.f32 v8, v54;
	v15 =	vsub.f32 v22, v11;
	[tilespmem:s24+$0x120] =	vst v20;
	v20 =	vmul.f32 v8, v32  }
0x1de: {  	v3 =	vld [tilespmem:$0x1FF00];
	v22 =	vsub.f32 v24, v11;
	v24 =	vmul.f32 v8, v28;
	v8 =	vmul.f32 v8, v12  }
0x1df: {  	v21 =	vsub.f32 v21, v11;
	v12 =	vmul.f32 v9, v18;
	v18 =	vmul.f32 v9, v36  }
0x1e0: {  	v60 =	vld [tilespmem:$0x1FE80];
	v28 =	vmul.f32 v9, v47;
	v9 =	vsub.f32 v25, v19;
	v25 =	vmul.f32 v16, v34  }
0x1e1: {  	v62 =	vld [tilespmem:$0x1FEA0];
	v10 =	vsub.f32 v10, v11;
	v47 =	vmul.f32 v16, v58;
	v16 =	vmul.f32 v21, v59  }
0x1e2: {  	v61 =	vld [tilespmem:$0x1FE90];
	v23 =	vsub.f32 v23, v19;
	v20 =	vsub.f32 v20, v19  }
0x1e3: {  	v58 =	vld [tilespmem:$0x1FE70];
	v24 =	vsub.f32 v24, v19;
	v3 =	vadd.f32 v16, v3  }
0x1e4: {  	v63 =	vld [tilespmem:$0x1FEB0];
	v8 =	vsub.f32 v8, v19;
	v11 =	vsub.f32 v55, v12  }
0x1e5: {  	v18 =	vsub.f32 v18, v12;
	v21 =	vsub.f32 v27, v12;
	[tilespmem:s19+$0xFFFFFEC0] =	vst v3;
	v3 =	vld [tilespmem:$0x1FF20]  }
0x1e6: {  	v49 =	vld [tilespmem:$0x1FE60];
	v27 =	vsub.f32 v28, v12;
	v52 =	vsub.f32 v29, v12  }
0x1e7: {  	v54 =	vsub.f32 v30, v12;
	v2 =	vsub.f32 v2, v12;
	v19 =	vmul.f32 v22, v60  }
0x1e8: {  	v6 =	vsub.f32 v6, v12;
	v22 =	vsub.f32 v25, v17;
	v12 =	vld [tilespmem:$0x1FF10];
	v13 =	vmul.f32 v13, v58  }
0x1e9: {  	v4 =	vmul.f32 v4, v62;
	v0 =	vmul.f32 v0, v61  }
0x1ea: {  	v3 =	vadd.f32 v13, v3;
	v13 =	vmul.f32 v5, v63;
	v5 =	vmul.f32 v22, v59;
	v22 =	vld [tilespmem:$0x1FF10]  }
0x1eb: {  	v33 =	vsub.f32 v42, v17;
	v15 =	vmul.f32 v15, v49;
	v30 =	vmul.f32 v1, v62;
	v1 =	vld [tilespmem:$0x1FF30]  }
0x1ec: {  	v7 =	vmul.f32 v7, v63;
	v34 =	vsub.f32 v44, v17;
	v36 =	vsub.f32 v50, v17  }
0x1ed: {  	v23 =	vmul.f32 v23, v49;
	v25 =	vsub.f32 v31, v17;
	v12 =	vadd.f32 v15, v12;
	v15 =	vld [tilespmem:$0x1FED0]  }
0x1ee: {  	v55 =	vsub.f32 v41, v17;
	v35 =	vsub.f32 v47, v17;
	v17 =	vmul.f32 v21, v58;
	v21 =	vld [tilespmem:$0x1FEF0]  }
0x1ef: {  	v42 =	vmul.f32 v57, v43;
	v28 =	vmul.f32 v8, v43;
	v8 =	vadd.f32 v23, v22;
	v23 =	vld [tilespmem:$0x1FF20]  }
0x1f0: {  	v10 =	vmul.f32 v10, v43;
	v29 =	vmul.f32 v27, v60;
	v27 =	vld [tilespmem:$0x1FF40];
	v1 =	vadd.f32 v19, v1  }
0x1f1: {  	v39 =	vmul.f32 v14, v49;
	v32 =	vmul.f32 v26, v61;
	v26 =	vld [tilespmem:$0x1FF00];
	[tilespmem:s19+$0xFFFFFED0] =	vst v12  }
0x1f2: {  	v9 =	vmul.f32 v9, v60;
	v24 =	vmul.f32 v24, v58;
	[tilespmem:s19+$0xFFFFFEF0] =	vst v1;
	v0 =	vadd.f32 v0, v15  }
0x1f3: {  	s18 =	sadd.s32 $0x5, s18;
	v20 =	vmul.f32 v20, v59;
	v16 =	vmul.f32 v11, v59;
	v1 =	vadd.f32 v4, v45;
	[tilespmem:s19+$0xFFFFFEE0] =	vst v3  }
0x1f4: {  	p1 =	slt.u32 s18, $0x78;
	v3 =	vmul.f32 v33, v60;
	[tilespmem:s19+$0xFFFFFF00] =	vst v0;
	v0 =	vadd.f32 v7, v21;
	v33 =	vadd.f32 v24, v23;
	v24 =	vld [tilespmem:$0x1FF30]  }
.Ltmp2:
0x1f5: {  	v31 =	vmul.f32 v54, v62;
	v19 =	vmul.f32 v18, v49;
	[tilespmem:s19+$0xFFFFFF10] =	vst v1;
	v1 =	vadd.f32 v10, v27;
	(pc) =	sbr.rel @p1 .LBB2_3-.Ltmp2, $4  }
0x1f6: {  	v18 =	vmul.f32 v52, v61;
	v12 =	vmul.f32 v6, v43;
	[tilespmem:s19+$0xFFFFFF20] =	vst v0;
	v0 =	vadd.f32 v20, v26  }
0x1f7: {  	v6 =	vmul.f32 v25, v49;
	v4 =	vmul.f32 v55, v58;
	[tilespmem:s19+$0xFFFFFF30] =	vst v1  }
0x1f8: {  	s24 =	smov.u32 s19;
	v1 =	vmul.f32 v35, v62;
	v7 =	vmul.f32 v2, v63;
	[tilespmem:s19+$0xFFFFFF40] =	vst v0  }
0x1f9: {  	s20 =	simm.s32 $0x0;
	v2 =	vmul.f32 v34, v61;
	v0 =	vmul.f32 v36, v63;
	s19 =	sadd.s32 $0x280, s19;
	[tilespmem:s24+$0xFFFFFF50] =	vst v8;
	v34 =	vadd.f32 v9, v24  }
0x1fa: {  	[tilespmem:s24+$0xFFFFFF60] =	vst v33;
	v8 =	vadd.f32 v32, v15  }
0x1fb: {  	v33 =	vadd.f32 v13, v21;
	[tilespmem:s24+$0xFFFFFF70] =	vst v34  }
0x1fc: {  	v10 =	vadd.f32 v28, v27;
	v11 =	vld [tilespmem:$0x1FEE0];
	[tilespmem:s24+$0xFFFFFF80] =	vst v8  }
0x1fd: {  	v35 =	vadd.f32 v19, v22;
	[tilespmem:s24+$0xFFFFFFA0] =	vst v33  }
0x1fe: {  	v36 =	vadd.f32 v17, v23;
	[tilespmem:s24+$0xFFFFFFB0] =	vst v10  }
0x1ff: {  	v37 =	vadd.f32 v29, v24;
	[tilespmem:s24+$0xFFFFFFD0] =	vst v35  }
0x200: {  	v38 =	vadd.f32 v18, v15;
	[tilespmem:s24+$0xFFFFFFE0] =	vst v36  }
0x201: {  	v7 =	vadd.f32 v7, v21;
	[tilespmem:s24+$0xFFFFFFF0] =	vst v37  }
0x202: {  	v41 =	vadd.f32 v12, v27;
	[tilespmem:s24+$0x0] =	vst v38  }
0x203: {  	v5 =	vadd.f32 v5, v26;
	[tilespmem:s24+$0x20] =	vst v7  }
0x204: {  	v6 =	vadd.f32 v6, v22;
	[tilespmem:s24+$0x30] =	vst v41  }
0x205: {  	v4 =	vadd.f32 v4, v23;
	[tilespmem:s24+$0x40] =	vst v5  }
0x206: {  	v3 =	vadd.f32 v3, v24;
	[tilespmem:s24+$0x50] =	vst v6  }
0x207: {  	v44 =	vadd.f32 v42, v27;
	[tilespmem:s24+$0x60] =	vst v4  }
0x208: {  	v47 =	vadd.f32 v39, v22;
	[tilespmem:s24+$0x70] =	vst v3  }
0x209: {  	v34 =	vadd.f32 v16, v26;
	[tilespmem:s24+$0xB0] =	vst v44  }
0x20a: {  	v43 =	vmul.f32 v53, v58;
	v2 =	vadd.f32 v2, v15;
	[tilespmem:s24+$0xD0] =	vst v47  }
0x20b: {  	v45 =	vmul.f32 v51, v60;
	v0 =	vadd.f32 v0, v21;
	[tilespmem:s24+$0xFFFFFFC0] =	vst v34  }
0x20c: {  	v50 =	vmul.f32 v46, v61;
	v51 =	vadd.f32 v43, v23;
	[tilespmem:s24+$0x80] =	vst v2  }
0x20d: {  	v54 =	vmul.f32 v48, v63;
	v53 =	vadd.f32 v45, v24;
	[tilespmem:s24+$0xA0] =	vst v0  }
0x20e: {  	v55 =	vadd.f32 v50, v15;
	[tilespmem:s24+$0xE0] =	vst v51  }
0x20f: {  	v57 =	vadd.f32 v54, v21;
	[tilespmem:s24+$0xF0] =	vst v53  }
0x210: {  	[tilespmem:s24+$0x100] =	vst v55;
	v9 =	vadd.f32 v30, v11  }
0x211: {  	v52 =	vmul.f32 v56, v62;
	[tilespmem:s24+$0x120] =	vst v57;
	v40 =	vadd.f32 v31, v11  }
0x212: {  	v1 =	vadd.f32 v1, v11;
	[tilespmem:s24+$0xFFFFFF90] =	vst v9  }
0x213: {  	v56 =	vadd.f32 v52, v11;
	[tilespmem:s24+$0x10] =	vst v40  }
0x214: {  	[tilespmem:s24+$0x90] =	vst v1  }
0x215: {  	[tilespmem:s24+$0x110] =	vst v56  }
0x216: {  	v50 =	vld [tilespmem:$0x1FFD0]  }
0x217: {  	v44 =	vld [tilespmem:$0x1FFE0]  }
0x218: {  	v56 =	vld [tilespmem:$0x1FFF0]  }
0x219: {  	v47 =	vld [tilespmem:$0x1FFC0]  }
0x21a: {  	v13 =	vmov v11;
	v40 =	vld [tilespmem:$0x1FEC0]  }
.LBB2_5:
0x21b: {  	s18 =	sshra.s32 s20, $0x2  }
0x21c: {  	v0 =	vld [tilespmem:s18+$0x4000]  }
0x21d: {  	v1 =	vld [tilespmem:s18+$0x4010];
	_ =	sdelay $0x1  }
0x21e: {  	v2 =	vld [tilespmem:s18+$0x4020];
	_ =	sdelay $0x1  }
0x21f: {  	v3 =	vld [tilespmem:s18+$0x4030]  }
0x220: {  	v4 =	vadd.f32 v1, v0;
	v5 =	vmul.f32 v0, v0;
	v6 =	vmul.f32 v1, v1  }
0x221: {  	v7 =	vld [tilespmem:s18+$0x4040]  }
0x222: {  	v18 =	vmul.f32 v2, v2;
	v4 =	vadd.f32 v2, v4;
	v5 =	vadd.f32 v6, v5  }
0x223: {  	v8 =	vld [tilespmem:s18+$0x4050]  }
0x224: {  	v19 =	vmul.f32 v3, v3;
	v4 =	vadd.f32 v3, v4;
	v5 =	vadd.f32 v18, v5  }
0x225: {  	v9 =	vld [tilespmem:s18+$0x4060]  }
0x226: {  	v30 =	vmul.f32 v7, v7;
	v4 =	vadd.f32 v7, v4;
	v5 =	vadd.f32 v19, v5  }
0x227: {  	v10 =	vld [tilespmem:s18+$0x4070]  }
0x228: {  	v31 =	vmul.f32 v8, v8;
	v4 =	vadd.f32 v8, v4;
	v5 =	vadd.f32 v30, v5;
	_ =	sdelay $0x1  }
0x229: {  	v32 =	vmul.f32 v9, v9;
	v4 =	vadd.f32 v9, v4;
	v5 =	vadd.f32 v31, v5;
	_ =	sdelay $0x1  }
0x22a: {  	v33 =	vmul.f32 v10, v10;
	v4 =	vadd.f32 v10, v4;
	v5 =	vadd.f32 v32, v5;
	_ =	sdelay $0x1  }
0x22b: {  	v5 =	vadd.f32 v33, v5;
	v34 =	vperm.xlane v4, v50;
	_ =	sdelay $0x1  }
0x22c: {  	v4 =	vadd.f32 v34, v4;
	v35 =	vperm.xlane v5, v50;
	_ =	sdelay $0x1  }
0x22d: {  	v11 =	vperm.xlane v4, v44;
	v5 =	vadd.f32 v35, v5;
	_ =	sdelay $0x1  }
0x22e: {  	v4 =	vadd.f32 v11, v4;
	v6 =	vperm.xlane v5, v44;
	_ =	sdelay $0x1  }
0x22f: {  	v11 =	vperm.xlane v4, v56;
	v5 =	vadd.f32 v6, v5;
	_ =	sdelay $0x1  }
0x230: {  	v4 =	vadd.f32 v11, v4;
	v6 =	vperm.xlane v5, v56;
	_ =	sdelay $0x1  }
0x231: {  	v11 =	vperm.xlane v4, v47;
	v5 =	vadd.f32 v6, v5;
	_ =	sdelay $0x1  }
0x232: {  	v4 =	vadd.f32 v11, v4;
	v6 =	vperm.xlane v5, v47;
	_ =	sdelay $0x1  }
0x233: {  	v4 =	vmul.f32 $7.812500000e-03, v4;
	v5 =	vadd.f32 v6, v5;
	_ =	sdelay $0x1  }
0x234: {  	v5 =	vmul.f32 $7.812500000e-03, v5;
	v36 =	vmul.f32 v4, v4;
	_ =	sdelay $0x1  }
0x235: {  	v5 =	vsub.f32 v5, v36;
	_ =	sdelay $0x1  }
0x236: {  	v5 =	vadd.f32 $9.999999960e-13, v5;
	_ =	sdelay $0x1  }
0x237: {  	v37 =	vshrl.u32 v5, $0x1;
	v5 =	vmul.f32 $5.000000000e-01, v5  }
0x238: {  	v6 =	vsub.s32 $0x5F3759DF, v37  }
0x239: {  	v38 =	vmul.f32 v6, v5;
	_ =	sdelay $0x1  }
0x23a: {  	v11 =	vmul.f32 v6, v38;
	_ =	sdelay $0x1  }
0x23b: {  	v11 =	vsub.f32 $1.500000000e+00, v11;
	_ =	sdelay $0x1  }
0x23c: {  	v6 =	vmul.f32 v6, v11;
	_ =	sdelay $0x1  }
0x23d: {  	v5 =	vmul.f32 v6, v5;
	_ =	sdelay $0x1  }
0x23e: {  	v5 =	vmul.f32 v5, v6;
	_ =	sdelay $0x1  }
0x23f: {  	v5 =	vsub.f32 $1.500000000e+00, v5;
	_ =	sdelay $0x1  }
0x240: {  	v5 =	vmul.f32 v5, v6;
	_ =	sdelay $0x1  }
0x241: {  	v4 =	vmul.f32 v5, v4;
	v0 =	vmul.f32 v5, v0  }
0x242: {  	v1 =	vmul.f32 v5, v1  }
0x243: {  	v2 =	vmul.f32 v5, v2;
	v3 =	vmul.f32 v5, v3;
	v0 =	vsub.f32 v0, v4  }
0x244: {  	v6 =	vmul.f32 v5, v7;
	v39 =	vmul.f32 v5, v8;
	v1 =	vsub.f32 v1, v4  }
0x245: {  	v41 =	vmul.f32 v5, v9;
	v2 =	vsub.f32 v2, v4;
	v0 =	vmul.f32 v0, v59  }
0x246: {  	v5 =	vmul.f32 v5, v10;
	v3 =	vsub.f32 v3, v4;
	v1 =	vmul.f32 v1, v49  }
0x247: {  	v6 =	vsub.f32 v6, v4;
	v2 =	vmul.f32 v2, v58;
	v0 =	vadd.f32 v0, v26  }
0x248: {  	v7 =	vsub.f32 v39, v4;
	v3 =	vmul.f32 v3, v60;
	v1 =	vadd.f32 v1, v22  }
0x249: {  	v45 =	vsub.f32 v41, v4;
	v43 =	vmul.f32 v6, v61;
	v42 =	vadd.f32 v2, v23;
	[tilespmem:s18+$0x4000] =	vst v0  }
0x24a: {  	v4 =	vsub.f32 v5, v4;
	v48 =	vmul.f32 v7, v62;
	v46 =	vadd.f32 v3, v24;
	[tilespmem:s18+$0x4010] =	vst v1  }
0x24b: {  	p1 =	sne.s32 s20, $0x400;
	v52 =	vmul.f32 v45, v63;
	v51 =	vadd.f32 v43, v15;
	[tilespmem:s18+$0x4020] =	vst v42  }
.Ltmp3:
0x24c: {  	v54 =	vmul.f32 v4, v40;
	v53 =	vadd.f32 v48, v13;
	[tilespmem:s18+$0x4030] =	vst v46;
	(pc) =	sbr.rel @p1 .LBB2_5-.Ltmp3, $4  }
0x24d: {  	v55 =	vadd.f32 v52, v21;
	[tilespmem:s18+$0x4040] =	vst v51  }
0x24e: {  	v57 =	vadd.f32 v54, v27;
	[tilespmem:s18+$0x4050] =	vst v53  }
0x24f: {  	[tilespmem:s18+$0x4060] =	vst v55  }
0x250: {  	s20 =	sadd.s32 $0x200, s20;
	[tilespmem:s18+$0x4070] =	vst v57  }
0x251: {  	s18 =	sshll.u32 s15, $0xD  }
0x252: {  	s20 =	rddreg [dreg:$0x6];
	s24 =	sadd.s32 s23, s18  }
0x253: {  	p1 =	seq.s32 s15, $0x0;
	s18 =	sadd.s32 s20, s24  }
0x254: {  	[hbm4b:s18+s8] =	stream.linear.scatter [tilespmem:s5], [sflag:$0x3], $0x4000, $0x38;
	[tilespmem:$0x10700] =	vst v63  }
0x255: {  	s18 =	simm.s32 @!p1 $0xF  }
0x256: {  	_ =	swait.ge @!p1 [sflag:s18], $0x4000  }
0x257: {  	[sflag:s18] =	ssyncset.done @!p1 $0x0  }
0x258: {  	[sflag:s18] =	ssyncadd.s32 @!p1 $0xFFFFC000  }
0x259: {  	_ =	swait.ge [sflag:s25], $0x80  }
0x25a: {  	[sflag:s25] =	ssyncset.done $0x0  }
0x25b: {  	[sflag:s25] =	ssyncadd.s32 $0xFFFFFF80  }
0x25c: {  	_ =	swait.ge [sflag:s25], $0x80  }
0x25d: {  	[sflag:s25] =	ssyncset.done $0x0  }
0x25e: {  	[sflag:s25] =	ssyncadd.s32 $0xFFFFFF80  }
0x25f: {  	v0 =	vld [tilespmem:$0xC500];
	_ =	sdelay $0x4  }
0x260: {  	v6 =	vlaneseq.u32;
	v0 =	vshll.u32 v0, $0x7  }
0x261: {  	v1 =	vld [tilespmem:$0xC510];
	v0 =	vor.u32 v6, v0  }
0x262: {  	[tilespmem:$0xC580] =	vst v0;
	v0 =	vld [tilespmem:$0x1FF50];
	_ =	sdelay $0x3  }
0x263: {  	v1 =	vshll.u32 v1, $0x7  }
0x264: {  	v2 =	vld [tilespmem:$0xC520];
	v0 =	vor.u32 v0, v1  }
0x265: {  	[tilespmem:$0xC590] =	vst v0;
	v0 =	vld [tilespmem:$0x1FF60];
	_ =	sdelay $0x3  }
0x266: {  	v1 =	vshll.u32 v2, $0x7  }
0x267: {  	v3 =	vld [tilespmem:$0xC530];
	v0 =	vor.u32 v0, v1  }
0x268: {  	[tilespmem:$0xC5A0] =	vst v0;
	v0 =	vld [tilespmem:$0x1FF70];
	_ =	sdelay $0x3  }
0x269: {  	v1 =	vshll.u32 v3, $0x7  }
0x26a: {  	v4 =	vld [tilespmem:$0xC540];
	v0 =	vor.u32 v0, v1  }
0x26b: {  	[tilespmem:$0xC5B0] =	vst v0;
	v0 =	vld [tilespmem:$0x1FF80];
	_ =	sdelay $0x3  }
0x26c: {  	v1 =	vshll.u32 v4, $0x7  }
0x26d: {  	v5 =	vld [tilespmem:$0xC550];
	v0 =	vor.u32 v0, v1  }
0x26e: {  	[tilespmem:$0xC5C0] =	vst v0;
	v0 =	vld [tilespmem:$0x1FF90];
	_ =	sdelay $0x3  }
0x26f: {  	v1 =	vshll.u32 v5, $0x7  }
0x270: {  	v6 =	vld [tilespmem:$0xC560];
	v0 =	vor.u32 v0, v1  }
0x271: {  	[tilespmem:$0xC5D0] =	vst v0;
	v0 =	vld [tilespmem:$0x1FFA0];
	_ =	sdelay $0x3  }
0x272: {  	v1 =	vshll.u32 v6, $0x7  }
0x273: {  	v2 =	vld [tilespmem:$0xC570];
	v0 =	vor.u32 v0, v1  }
0x274: {  	[tilespmem:$0xC5E0] =	vst v0;
	v0 =	vld [tilespmem:$0x1FFB0];
	_ =	sdelay $0x3  }
0x275: {  	v1 =	vshll.u32 v2, $0x7  }
0x276: {  	v0 =	vor.u32 v0, v1  }
0x277: {  	s19 =	simm.s32 $0xC580;
	[tilespmem:$0xC5F0] =	vst v0  }
0x278: {  	[tilespmem:s28], [sflag:$0xD] =	stream.indirect.gather [hbm4b:s9+s31], $0x80, s19, s31, $0xb8;
	[tilespmem:$0x10700] =	vst v63  }
0x279: {  	_ =	swait.ge [sflag:s10], $0x4000  }
0x27a: {  	[sflag:s10] =	ssyncset.done $0x0  }
0x27b: {  	s20 =	simm.s32 $0x8300;
	[sflag:s10] =	ssyncadd.s32 $0xFFFFC000  }
0x27c: {  	[tilespmem:s12], [sflag:$0xA] =	stream.indirect.gather.add.f32 [hbm:s3], $0x80, s20, s31, $0xb8;
	[tilespmem:$0x10700] =	vst v63  }
0x27d: {  	_ =	swait.ge [sflag:s14], $0x4000  }
0x27e: {  	s18 =	rddreg [dreg:$0x11]  }
0x27f: {  	s11 =	sadd.s32 @!p0 s11, s18  }
0x280: {  	s19 =	simm.s32 @!p0 $0x0;
	[sflag:s14] =	ssyncset.done $0x0;
	s11 =	sshrl.u32 @!p0 s11, $0x3  }
0x281: {  	s20 =	simm.s32 @!p0 $0x4180;
	[sflag:s14] =	ssyncadd.s32 $0xFFFFC000;
	s18 =	sadd.s32 @!p0 s0, s11  }
0x282: {  	[tilespmem:s20], [sflag:$0x8] =	stream.linear.gather @!p0 [hbm4b:s18+s19], $0x80, $0x38;
	[tilespmem:$0x10700] =	vst v63  }
0x283: {  	s11 =	sadd.s32 @!p0 s1, s11;
	s18 =	simm.s32 @!p0 $0x4200  }
0x284: {  	[tilespmem:s18], [sflag:$0x8] =	stream.linear.gather @!p0 [hbm4b:s11+s19], $0x80, $0x38;
	[tilespmem:$0x10700] =	vst v63  }
0x285: {  	s11 =	simm.s32 $0x4440  }
0x286: {  	v30 =	vld [tilespmem:s11+$0xC0]  }
0x287: {  	v31 =	vld [tilespmem:s11+$0xD0]  }
0x288: {  	v6 =	vld [tilespmem:s11+$0xFFFFFED0]  }
0x289: {  	v32 =	vld [tilespmem:s11+$0xE0]  }
0x28a: {  	v4 =	vld [tilespmem:s11+$0xFFFFFF40]  }
0x28b: {  	v34 =	vld [tilespmem:s11+$0xF0]  }
0x28c: {  	v5 =	vld [tilespmem:s11+$0xFFFFFF50]  }
0x28d: {  	v28 =	vld [tilespmem:s11+$0x100]  }
0x28e: {  	v1 =	vld [tilespmem:s11+$0xFFFFFFC0]  }
0x28f: {  	v33 =	vld [tilespmem:s11+$0x110]  }
0x290: {  	v35 =	vld [tilespmem:s11+$0x120]  }
0x291: {  	v45 =	vld [tilespmem:s11+$0xFFFFFEC0]  }
0x292: {  	v36 =	vld [tilespmem:s11+$0xFFFFFEE0]  }
0x293: {  	v29 =	vld [tilespmem:s11+$0xFFFFFF60];
	v2 =	vmul.f32 v30, v30  }
0x294: {  	v41 =	vld [tilespmem:s11+$0xFFFFFEF0];
	v0 =	vadd.f32 v31, v30;
	v3 =	vmul.f32 v31, v31;
	v10 =	vmul.f32 v4, v4  }
0x295: {  	v39 =	vld [tilespmem:s11+$0xFFFFFF70];
	v11 =	vadd.f32 v5, v4;
	v12 =	vmul.f32 v5, v5;
	v14 =	vmul.f32 v6, v6  }
0x296: {  	v62 =	vld [tilespmem:s11+$0xFFFFFF80];
	v20 =	vadd.f32 v6, v45;
	v21 =	vmul.f32 v45, v45;
	v0 =	vadd.f32 v32, v0  }
0x297: {  	v42 =	vld [tilespmem:s11+$0x0];
	v7 =	vmul.f32 v32, v32;
	v2 =	vadd.f32 v3, v2;
	v10 =	vadd.f32 v12, v10  }
0x298: {  	v22 =	vmul.f32 v36, v36;
	v3 =	vld [tilespmem:s11+$0xFFFFFFD0];
	v14 =	vadd.f32 v14, v21;
	v11 =	vadd.f32 v29, v11  }
0x299: {  	v52 =	vld [tilespmem:s11+$0xFFFFFF90];
	v9 =	vmul.f32 v28, v28;
	v8 =	vadd.f32 v34, v0;
	v2 =	vadd.f32 v7, v2  }
0x29a: {  	v55 =	vld [tilespmem:s11+$0xFFFFFFA0];
	v7 =	vmul.f32 v34, v34;
	v14 =	vadd.f32 v22, v14;
	v22 =	vmul.f32 v41, v41  }
0x29b: {  	v58 =	vmul.f32 v33, v33;
	v0 =	vld [tilespmem:s11+$0x40];
	v11 =	vadd.f32 v39, v11;
	v8 =	vadd.f32 v28, v8  }
0x29c: {  	v12 =	vmul.f32 v1, v1;
	v7 =	vadd.f32 v7, v2;
	v2 =	vld [tilespmem:s11+$0x50];
	v14 =	vadd.f32 v22, v14  }
0x29d: {  	v53 =	vld [tilespmem:s11+$0x130];
	v11 =	vadd.f32 v62, v11;
	v13 =	vmul.f32 v3, v3;
	v15 =	vadd.f32 v3, v1  }
0x29e: {  	v59 =	vmul.f32 v35, v35;
	v8 =	vadd.f32 v33, v8;
	v7 =	vadd.f32 v9, v7  }
0x29f: {  	v60 =	vmul.f32 v42, v42;
	v11 =	vadd.f32 v52, v11;
	v16 =	vadd.f32 v13, v12;
	v12 =	vld [tilespmem:s11+$0xFFFFFFE0]  }
0x2a0: {  	v17 =	vmul.f32 v0, v0;
	v8 =	vadd.f32 v35, v8;
	v7 =	vadd.f32 v58, v7  }
0x2a1: {  	v37 =	vld [tilespmem:s11+$0xFFFFFFF0];
	v11 =	vadd.f32 v55, v11;
	v18 =	vadd.f32 v2, v0;
	v19 =	vmul.f32 v2, v2  }
0x2a2: {  	v13 =	vmul.f32 v53, v53;
	v8 =	vadd.f32 v53, v8;
	v9 =	vadd.f32 v59, v7;
	v7 =	vld [tilespmem:s11+$0x60]  }
0x2a3: {  	v63 =	vld [tilespmem:s11+$0xFFFFFF00];
	v17 =	vadd.f32 v19, v17;
	v19 =	vadd.f32 v36, v20;
	v20 =	vmul.f32 v29, v29  }
0x2a4: {  	v59 =	vld [tilespmem:s11+$0xFFFFFFB0];
	v9 =	vadd.f32 v13, v9;
	v13 =	vperm.xlane v8, v50;
	v15 =	vadd.f32 v12, v15  }
0x2a5: {  	v48 =	vld [tilespmem:s11+$0xFFFFFF10];
	v23 =	vmul.f32 v12, v12;
	v19 =	vadd.f32 v41, v19;
	v10 =	vadd.f32 v20, v10  }
0x2a6: {  	v49 =	vld [tilespmem:s11+$0x10];
	v8 =	vadd.f32 v13, v8;
	v13 =	vperm.xlane v9, v50;
	v15 =	vadd.f32 v37, v15  }
0x2a7: {  	v57 =	vld [tilespmem:s11+$0xFFFFFF20];
	v16 =	vadd.f32 v23, v16;
	v23 =	vmul.f32 v37, v37;
	v18 =	vadd.f32 v7, v18  }
0x2a8: {  	v54 =	vld [tilespmem:s11+$0x20];
	v19 =	vadd.f32 v63, v19;
	v21 =	vperm.xlane v8, v44;
	v9 =	vadd.f32 v13, v9  }
0x2a9: {  	v24 =	vmul.f32 v7, v7;
	v11 =	vadd.f32 v59, v11;
	v13 =	vld [tilespmem:s11+$0x70];
	v15 =	vadd.f32 v42, v15  }
0x2aa: {  	v58 =	vld [tilespmem:s11+$0x30];
	v16 =	vadd.f32 v23, v16;
	v8 =	vadd.f32 v21, v8;
	v21 =	vperm.xlane v9, v44  }
0x2ab: {  	v43 =	vld [tilespmem:s11+$0x80];
	v22 =	vmul.f32 v62, v62;
	v19 =	vadd.f32 v48, v19;
	v15 =	vadd.f32 v49, v15  }
0x2ac: {  	v17 =	vadd.f32 v24, v17;
	v20 =	vperm.xlane v8, v56;
	v9 =	vadd.f32 v21, v9  }
0x2ad: {  	v19 =	vadd.f32 v57, v19;
	v21 =	vmul.f32 v39, v39;
	v15 =	vadd.f32 v54, v15  }
0x2ae: {  	v61 =	vld [tilespmem:s11+$0x90];
	v18 =	vadd.f32 v13, v18;
	v8 =	vadd.f32 v20, v8;
	v20 =	vperm.xlane v9, v56  }
0x2af: {  	v24 =	vmul.f32 v13, v13;
	v10 =	vadd.f32 v21, v10;
	v15 =	vadd.f32 v58, v15  }
0x2b0: {  	v18 =	vadd.f32 v43, v18;
	v25 =	vperm.xlane v8, v47;
	v9 =	vadd.f32 v20, v9  }
0x2b1: {  	v17 =	vadd.f32 v24, v17;
	v24 =	vmul.f32 v57, v57;
	v20 =	vmul.f32 v63, v63  }
0x2b2: {  	v10 =	vadd.f32 v22, v10;
	v8 =	vadd.f32 v25, v8;
	v21 =	vperm.xlane v9, v47  }
0x2b3: {  	v22 =	vmul.f32 v52, v52;
	v18 =	vadd.f32 v61, v18;
	v14 =	vadd.f32 v20, v14  }
0x2b4: {  	v20 =	vmul.f32 v48, v48;
	v46 =	vmul.f32 $7.812500000e-03, v8;
	v8 =	vadd.f32 v21, v9  }
0x2b5: {  	v38 =	vld [tilespmem:s11+$0xA0];
	v10 =	vadd.f32 v22, v10;
	v22 =	vmul.f32 v55, v55;
	v21 =	vmul.f32 v43, v43  }
0x2b6: {  	v9 =	vadd.f32 v60, v16;
	v60 =	vld [tilespmem:s11+$0xFFFFFF30];
	v8 =	vmul.f32 $7.812500000e-03, v8;
	v23 =	vmul.f32 v46, v46  }
0x2b7: {  	v16 =	vmul.f32 v49, v49;
	v20 =	vadd.f32 v20, v14;
	v10 =	vadd.f32 v22, v10  }
0x2b8: {  	v22 =	vmul.f32 v59, v59;
	v17 =	vadd.f32 v21, v17;
	v8 =	vsub.f32 v8, v23  }
0x2b9: {  	v9 =	vadd.f32 v16, v9;
	v20 =	vadd.f32 v24, v20;
	v23 =	vmul.f32 v61, v61  }
0x2ba: {  	v24 =	vmul.f32 v38, v38;
	v10 =	vadd.f32 v22, v10;
	v8 =	vadd.f32 $9.999999960e-13, v8  }
0x2bb: {  	v22 =	vperm.xlane v11, v50;
	v19 =	vadd.f32 v60, v19;
	v17 =	vadd.f32 v23, v17  }
0x2bc: {  	v25 =	vmul.f32 v60, v60;
	v14 =	vshrl.u32 v8, $0x1;
	v8 =	vmul.f32 $5.000000000e-01, v8  }
0x2bd: {  	v17 =	vadd.f32 v24, v17;
	v24 =	vperm.xlane v19, v50;
	v21 =	vsub.s32 $0x5F3759DF, v14  }
0x2be: {  	v11 =	vadd.f32 v22, v11;
	v20 =	vadd.f32 v25, v20;
	v14 =	vld [tilespmem:s11+$0xB0];
	v16 =	vmul.f32 v21, v8  }
0x2bf: {  	v22 =	vperm.xlane v10, v50;
	v23 =	vmul.f32 v54, v54;
	v19 =	vadd.f32 v24, v19  }
0x2c0: {  	v18 =	vadd.f32 v38, v18;
	v24 =	vperm.xlane v20, v50;
	v16 =	vmul.f32 v21, v16  }
0x2c1: {  	v10 =	vadd.f32 v22, v10;
	v9 =	vadd.f32 v23, v9;
	v25 =	vperm.xlane v19, v44  }
0x2c2: {  	v20 =	vadd.f32 v24, v20;
	v24 =	vperm.xlane v11, v44;
	v16 =	vsub.f32 $1.500000000e+00, v16  }
0x2c3: {  	v18 =	vadd.f32 v14, v18;
	v23 =	vmul.f32 v14, v14;
	v19 =	vadd.f32 v25, v19  }
0x2c4: {  	v11 =	vadd.f32 v24, v11;
	v16 =	vmul.f32 v21, v16;
	v21 =	vmul.f32 v58, v58  }
0x2c5: {  	v17 =	vadd.f32 v23, v17;
	v23 =	vperm.xlane v18, v50;
	v25 =	vperm.xlane v19, v56  }
0x2c6: {  	v24 =	vperm.xlane v10, v44;
	v9 =	vadd.f32 v21, v9;
	v21 =	vperm.xlane v15, v50  }
0x2c7: {  	v18 =	vadd.f32 v23, v18;
	v23 =	vperm.xlane v17, v50;
	v19 =	vadd.f32 v25, v19  }
0x2c8: {  	v8 =	vmul.f32 v16, v8;
	v15 =	vadd.f32 v21, v15;
	v21 =	vperm.xlane v9, v50  }
0x2c9: {  	v17 =	vadd.f32 v23, v17;
	v23 =	vperm.xlane v20, v44;
	v25 =	vperm.xlane v19, v47  }
0x2ca: {  	v10 =	vadd.f32 v24, v10;
	v8 =	vmul.f32 v8, v16;
	v22 =	vperm.xlane v15, v44  }
0x2cb: {  	v9 =	vadd.f32 v21, v9;
	v21 =	vperm.xlane v18, v44;
	v20 =	vadd.f32 v23, v20  }
0x2cc: {  	v23 =	vperm.xlane v11, v56;
	v19 =	vadd.f32 v25, v19;
	v8 =	vsub.f32 $1.500000000e+00, v8  }
0x2cd: {  	v15 =	vadd.f32 v22, v15;
	v22 =	vperm.xlane v9, v44;
	v18 =	vadd.f32 v21, v18  }
0x2ce: {  	v21 =	vperm.xlane v17, v44;
	v11 =	vadd.f32 v23, v11;
	v23 =	vperm.xlane v10, v56  }
0x2cf: {  	v19 =	vmul.f32 $7.812500000e-03, v19;
	v24 =	vperm.xlane v15, v56;
	v9 =	vadd.f32 v22, v9  }
0x2d0: {  	v22 =	vperm.xlane v18, v56;
	v17 =	vadd.f32 v21, v17;
	v21 =	vperm.xlane v20, v56  }
0x2d1: {  	v10 =	vadd.f32 v23, v10;
	v15 =	vadd.f32 v24, v15;
	v24 =	vperm.xlane v9, v56  }
0x2d2: {  	v18 =	vadd.f32 v22, v18;
	v22 =	vperm.xlane v17, v56;
	v20 =	vadd.f32 v21, v20  }
0x2d3: {  	v21 =	vperm.xlane v11, v47;
	v23 =	vperm.xlane v15, v47;
	v9 =	vadd.f32 v24, v9  }
0x2d4: {  	v24 =	vperm.xlane v18, v47;
	v25 =	vperm.xlane v20, v47;
	v17 =	vadd.f32 v22, v17  }
0x2d5: {  	v11 =	vadd.f32 v21, v11;
	v21 =	vperm.xlane v10, v47;
	v15 =	vadd.f32 v23, v15  }
0x2d6: {  	v22 =	vperm.xlane v9, v47;
	v23 =	vperm.xlane v17, v47;
	v20 =	vadd.f32 v25, v20  }
0x2d7: {  	v11 =	vmul.f32 $7.812500000e-03, v11;
	v10 =	vadd.f32 v21, v10;
	v21 =	vmul.f32 $7.812500000e-03, v15  }
0x2d8: {  	v18 =	vadd.f32 v24, v18;
	v15 =	vmul.f32 $7.812500000e-03, v20;
	v20 =	vmul.f32 v19, v19  }
0x2d9: {  	v9 =	vadd.f32 v22, v9;
	v10 =	vmul.f32 $7.812500000e-03, v10;
	v22 =	vmul.f32 v11, v11  }
0x2da: {  	v18 =	vmul.f32 $7.812500000e-03, v18;
	v17 =	vadd.f32 v23, v17;
	v15 =	vsub.f32 v15, v20  }
0x2db: {  	v9 =	vmul.f32 $7.812500000e-03, v9;
	v20 =	vmul.f32 v21, v21;
	v10 =	vsub.f32 v10, v22  }
0x2dc: {  	v17 =	vmul.f32 $7.812500000e-03, v17;
	v22 =	vmul.f32 v18, v18;
	v15 =	vadd.f32 $9.999999960e-13, v15  }
0x2dd: {  	v9 =	vsub.f32 v9, v20;
	v10 =	vadd.f32 $9.999999960e-13, v10  }
0x2de: {  	v8 =	vmul.f32 v8, v16;
	v17 =	vsub.f32 v17, v22;
	v20 =	vshrl.u32 v15, $0x1  }
0x2df: {  	v9 =	vadd.f32 $9.999999960e-13, v9;
	v15 =	vmul.f32 $5.000000000e-01, v15;
	v22 =	vshrl.u32 v10, $0x1  }
0x2e0: {  	v17 =	vadd.f32 $9.999999960e-13, v17;
	v10 =	vmul.f32 $5.000000000e-01, v10;
	v20 =	vsub.s32 $0x5F3759DF, v20  }
0x2e1: {  	v22 =	vsub.s32 $0x5F3759DF, v22;
	v23 =	vshrl.u32 v9, $0x1;
	v25 =	vmul.f32 v20, v15  }
0x2e2: {  	v9 =	vmul.f32 $5.000000000e-01, v9;
	v24 =	vshrl.u32 v17, $0x1;
	v26 =	vmul.f32 v22, v10  }
0x2e3: {  	v17 =	vmul.f32 $5.000000000e-01, v17;
	v23 =	vsub.s32 $0x5F3759DF, v23;
	v25 =	vmul.f32 v20, v25  }
0x2e4: {  	v24 =	vsub.s32 $0x5F3759DF, v24;
	v27 =	vmul.f32 v23, v9;
	v26 =	vmul.f32 v22, v26  }
0x2e5: {  	v51 =	vmul.f32 v24, v17;
	v25 =	vsub.f32 $1.500000000e+00, v25  }
0x2e6: {  	v28 =	vmul.f32 v8, v28;
	v27 =	vmul.f32 v23, v27;
	v26 =	vsub.f32 $1.500000000e+00, v26  }
0x2e7: {  	v51 =	vmul.f32 v24, v51;
	v16 =	vmul.f32 v20, v25  }
0x2e8: {  	v27 =	vsub.f32 $1.500000000e+00, v27;
	v22 =	vmul.f32 v22, v26;
	v25 =	vmul.f32 v8, v53  }
0x2e9: {  	v20 =	vsub.f32 $1.500000000e+00, v51;
	v26 =	vmul.f32 v8, v30;
	v30 =	vmul.f32 v8, v32  }
0x2ea: {  	v32 =	vmul.f32 v8, v33;
	v23 =	vmul.f32 v23, v27  }
0x2eb: {  	v20 =	vmul.f32 v24, v20;
	v15 =	vmul.f32 v16, v15  }
0x2ec: {  	v10 =	vmul.f32 v22, v10;
	v9 =	vmul.f32 v23, v9  }
0x2ed: {  	v15 =	vmul.f32 v15, v16;
	v17 =	vmul.f32 v20, v17  }
0x2ee: {  	v24 =	vmul.f32 v8, v46;
	v10 =	vmul.f32 v10, v22  }
0x2ef: {  	v9 =	vmul.f32 v9, v23;
	v15 =	vsub.f32 $1.500000000e+00, v15;
	v17 =	vmul.f32 v17, v20  }
0x2f0: {  	v27 =	vmul.f32 v8, v31;
	v31 =	vmul.f32 v8, v34;
	v10 =	vsub.f32 $1.500000000e+00, v10  }
0x2f1: {  	v9 =	vsub.f32 $1.500000000e+00, v9;
	v16 =	vmul.f32 v15, v16;
	v15 =	vsub.f32 $1.500000000e+00, v17  }
0x2f2: {  	v8 =	vmul.f32 v8, v35;
	v10 =	vmul.f32 v10, v22  }
0x2f3: {  	v46 =	vsub.f32 v28, v24;
	v9 =	vmul.f32 v9, v23;
	v17 =	vmul.f32 v15, v20  }
0x2f4: {  	v22 =	vsub.f32 v26, v24;
	v19 =	vmul.f32 v16, v19;
	v23 =	vmul.f32 v16, v45  }
0x2f5: {  	v20 =	vsub.f32 v25, v24;
	v6 =	vmul.f32 v16, v6;
	v25 =	vmul.f32 v16, v36  }
0x2f6: {  	v15 =	vsub.f32 v27, v24;
	v26 =	vmul.f32 v16, v41;
	v27 =	vmul.f32 v16, v63  }
0x2f7: {  	v28 =	vmul.f32 v16, v48;
	v48 =	vsub.f32 v8, v24;
	v8 =	vmul.f32 v16, v57  }
0x2f8: {  	v53 =	vsub.f32 v30, v24;
	v16 =	vmul.f32 v16, v60;
	v11 =	vmul.f32 v10, v11  }
0x2f9: {  	v51 =	vsub.f32 v31, v24;
	v4 =	vmul.f32 v10, v4;
	v5 =	vmul.f32 v10, v5  }
0x2fa: {  	v45 =	vmovc v56;
	v56 =	vsub.f32 v32, v24;
	v24 =	vmul.f32 v10, v29;
	v29 =	vmul.f32 v10, v39  }
0x2fb: {  	v30 =	vmul.f32 v10, v62;
	v31 =	vmul.f32 v10, v52;
	v23 =	vsub.f32 v23, v19  }
0x2fc: {  	v62 =	vmul.f32 v10, v55;
	v6 =	vsub.f32 v6, v19;
	v25 =	vsub.f32 v25, v19  }
0x2fd: {  	v10 =	vmul.f32 v10, v59;
	v26 =	vsub.f32 v26, v19;
	v27 =	vsub.f32 v27, v19  }
0x2fe: {  	v28 =	vsub.f32 v28, v19;
	v21 =	vmul.f32 v9, v21;
	v1 =	vmul.f32 v9, v1  }
0x2ff: {  	v8 =	vsub.f32 v8, v19;
	v3 =	vmul.f32 v9, v3;
	v12 =	vmul.f32 v9, v12  }
0x300: {  	v16 =	vsub.f32 v16, v19;
	v19 =	vmul.f32 v9, v37;
	v33 =	vmul.f32 v9, v42  }
0x301: {  	v39 =	vld [tilespmem:$0x1FE50];
	v34 =	vmul.f32 v9, v49;
	v35 =	vmul.f32 v9, v54  }
0x302: {  	v9 =	vmul.f32 v9, v58;
	v18 =	vmul.f32 v17, v18;
	v1 =	vsub.f32 v1, v21  }
0x303: {  	v59 =	vmul.f32 v17, v13;
	v3 =	vsub.f32 v3, v21;
	v12 =	vsub.f32 v12, v21  }
0x304: {  	v13 =	vmul.f32 v17, v43;
	v37 =	vsub.f32 v19, v21;
	v33 =	vsub.f32 v33, v21  }
0x305: {  	v0 =	vmul.f32 v17, v0;
	v34 =	vsub.f32 v34, v21;
	v35 =	vsub.f32 v35, v21  }
0x306: {  	v9 =	vsub.f32 v9, v21;
	v21 =	vmul.f32 v23, v39;
	v23 =	vsub.f32 v13, v18;
	v13 =	vld [tilespmem:$0x1FF40]  }
0x307: {  	v63 =	vld [tilespmem:$0x1FEB0];
	v2 =	vmul.f32 v17, v2;
	v7 =	vmul.f32 v17, v7  }
0x308: {  	v60 =	vld [tilespmem:$0x1FE80];
	v58 =	vsub.f32 v62, v11;
	v62 =	vmul.f32 v17, v61;
	v14 =	vmul.f32 v17, v14  }
0x309: {  	v57 =	vld [tilespmem:$0x1FEA0];
	v19 =	vmul.f32 v17, v38;
	v17 =	vmul.f32 v20, v40  }
0x30a: {  	v52 =	vld [tilespmem:$0x1FE70]  }
0x30b: {  	v13 =	vadd.f32 v17, v13;
	v17 =	vld [tilespmem:$0x1FF00]  }
0x30c: {  	v49 =	vld [tilespmem:$0x1FE60]  }
0x30d: {  	v54 =	vld [tilespmem:$0x1FE90];
	[tilespmem:s11+$0x130] =	vst v13  }
0x30e: {  	v20 =	vmul.f32 v22, v39;
	v13 =	vld [tilespmem:$0x1FF00];
	_ =	sdelay $0x1  }
0x30f: {  	v17 =	vadd.f32 v20, v17  }
0x310: {  	v5 =	vsub.f32 v5, v11  }
0x311: {  	[tilespmem:s11+$0xC0] =	vst v17  }
0x312: {  	v13 =	vadd.f32 v21, v13;
	v21 =	vmul.f32 v5, v49;
	v5 =	vld [tilespmem:$0x1FF10];
	_ =	sdelay $0x2  }
0x313: {  	v6 =	vmul.f32 v6, v49  }
0x314: {  	[tilespmem:s11+$0xFFFFFEC0] =	vst v13  }
0x315: {  	v5 =	vadd.f32 v6, v5;
	v6 =	vld [tilespmem:$0x1FF20]  }
0x316: {  	v4 =	vsub.f32 v4, v11;
	v24 =	vsub.f32 v24, v11  }
0x317: {  	v29 =	vsub.f32 v29, v11;
	v30 =	vsub.f32 v30, v11  }
0x318: {  	v31 =	vsub.f32 v31, v11;
	v22 =	vsub.f32 v7, v18;
	v7 =	vmul.f32 v25, v52  }
0x319: {  	v10 =	vsub.f32 v10, v11;
	v0 =	vsub.f32 v0, v18;
	[tilespmem:s11+$0xFFFFFED0] =	vst v5  }
0x31a: {  	v2 =	vsub.f32 v2, v18;
	v5 =	vld [tilespmem:$0x1FF30];
	v6 =	vadd.f32 v7, v6  }
0x31b: {  	v11 =	vsub.f32 v59, v18;
	v14 =	vsub.f32 v14, v18  }
0x31c: {  	v25 =	vsub.f32 v62, v18;
	v38 =	vsub.f32 v19, v18;
	v18 =	vmul.f32 v26, v60;
	[tilespmem:s11+$0xFFFFFEE0] =	vst v6  }
0x31d: {  	v20 =	vmul.f32 v16, v40;
	v16 =	vmul.f32 v1, v39;
	v1 =	vld [tilespmem:$0x1FED0];
	_ =	sdelay $0x1  }
0x31e: {  	v5 =	vadd.f32 v18, v5  }
0x31f: {  	v19 =	vmul.f32 v27, v54  }
0x320: {  	[tilespmem:s11+$0xFFFFFEF0] =	vst v5  }
0x321: {  	v1 =	vadd.f32 v19, v1;
	v19 =	vmul.f32 v3, v49;
	v3 =	vld [tilespmem:$0x1FEE0];
	_ =	sdelay $0x2  }
0x322: {  	v26 =	vmul.f32 v28, v57;
	_ =	sdelay $0x1  }
0x323: {  	v27 =	vmul.f32 v29, v60;
	v29 =	vmul.f32 v37, v60;
	v37 =	vld [tilespmem:$0x1FEF0];
	v3 =	vadd.f32 v26, v3  }
0x324: {  	v26 =	vld [tilespmem:$0x1FF00];
	[tilespmem:s11+$0xFFFFFF00] =	vst v1  }
0x325: {  	[tilespmem:s11+$0xFFFFFF10] =	vst v3  }
0x326: {  	v3 =	vld [tilespmem:$0x1FF40];
	_ =	sdelay $0x1  }
0x327: {  	v8 =	vmul.f32 v8, v63;
	_ =	sdelay $0x1  }
0x328: {  	v1 =	vadd.f32 v8, v37  }
0x329: {  	v4 =	vmul.f32 v4, v39;
	v3 =	vadd.f32 v20, v3  }
0x32a: {  	[tilespmem:s11+$0xFFFFFF20] =	vst v1  }
0x32b: {  	v5 =	vmul.f32 v0, v39;
	v0 =	vadd.f32 v4, v26;
	v4 =	vmul.f32 v22, v52;
	v22 =	vld [tilespmem:$0x1FF10];
	[tilespmem:s11+$0xFFFFFF30] =	vst v3  }
0x32c: {  	v20 =	vld [tilespmem:$0x1FF20];
	_ =	sdelay $0x1  }
0x32d: {  	v24 =	vmul.f32 v24, v52  }
0x32e: {  	v28 =	vmul.f32 v10, v40;
	v42 =	vmul.f32 v14, v40  }
0x32f: {  	v32 =	vmul.f32 v30, v54;
	v30 =	vmul.f32 v31, v57;
	[tilespmem:s11+$0xFFFFFF40] =	vst v0  }
0x330: {  	v31 =	vmul.f32 v34, v57;
	v18 =	vmul.f32 v33, v54;
	v33 =	vadd.f32 v24, v20;
	v24 =	vld [tilespmem:$0x1FF30]  }
0x331: {  	v41 =	vmul.f32 v15, v49;
	v17 =	vmul.f32 v12, v52;
	v8 =	vadd.f32 v21, v22  }
0x332: {  	v12 =	vmul.f32 v9, v40;
	v13 =	vmul.f32 v58, v63  }
0x333: {  	v7 =	vmul.f32 v35, v63;
	v6 =	vmul.f32 v2, v49;
	[tilespmem:s11+$0xFFFFFF50] =	vst v8  }
0x334: {  	v2 =	vmul.f32 v23, v54;
	v1 =	vmul.f32 v25, v57;
	v21 =	vld [tilespmem:$0x1FF40]  }
0x335: {  	s18 =	simm.s32 $0x0;
	s19 =	simm.s32 $0x46C0;
	v3 =	vmul.f32 v11, v60;
	v0 =	vmul.f32 v38, v63;
	v15 =	vld [tilespmem:$0x1FED0];
	v34 =	vadd.f32 v27, v24  }
.LBB2_7:
0x336: {  	_ = 	snop  }
0x337: {  	v55 =	vld [tilespmem:s19+$0xC0];
	v9 =	vmul.f32 v53, v52;
	[tilespmem:s11+$0xFFFFFF60] =	vst v33  }
0x338: {  	v51 =	vmul.f32 v51, v60;
	v53 =	vld [tilespmem:s19+$0xD0];
	[tilespmem:s11+$0xFFFFFF70] =	vst v34  }
0x339: {  	v23 =	vld [tilespmem:$0x1FEE0];
	v10 =	vmul.f32 v46, v54;
	[tilespmem:$0x1FD70] =	vst v9  }
0x33a: {  	v8 =	vadd.f32 v32, v15;
	v32 =	vld [tilespmem:s19+$0xFFFFFED0];
	[tilespmem:$0x1FD80] =	vst v51  }
0x33b: {  	v11 =	vmul.f32 v48, v63;
	v59 =	vld [tilespmem:s19+$0xE0];
	v63 =	vadd.f32 v19, v22;
	[tilespmem:$0x1FD90] =	vst v10  }
0x33c: {  	v46 =	vld [tilespmem:s19+$0xF0];
	v5 =	vadd.f32 v5, v26;
	[tilespmem:s11+$0xFFFFFF80] =	vst v8  }
0x33d: {  	v62 =	vadd.f32 v16, v26;
	v34 =	vld [tilespmem:s19+$0x40];
	[tilespmem:s11+$0xFFFFFFD0] =	vst v63  }
0x33e: {  	v7 =	vadd.f32 v7, v37;
	v8 =	vadd.f32 v13, v37;
	v37 =	vld [tilespmem:s19+$0x50];
	[tilespmem:s11+$0x40] =	vst v5  }
0x33f: {  	v60 =	vmul.f32 v56, v57;
	v56 =	vld [tilespmem:s19+$0x110];
	v6 =	vadd.f32 v6, v22;
	[tilespmem:s11+$0xFFFFFFC0] =	vst v62  }
0x340: {  	v43 =	vadd.f32 v18, v15;
	v48 =	vld [tilespmem:s19+$0x120];
	v61 =	vadd.f32 v28, v21;
	[tilespmem:s11+$0x20] =	vst v7  }
0x341: {  	v3 =	vadd.f32 v3, v24;
	v39 =	vld [tilespmem:s19+$0xFFFFFF40];
	v13 =	vadd.f32 v29, v24;
	[tilespmem:s11+$0x50] =	vst v6  }
0x342: {  	v6 =	vld [tilespmem:$0x1FED0];
	[tilespmem:s11+$0xFFFFFFA0] =	vst v8;
	v8 =	vadd.f32 v17, v20;
	v4 =	vadd.f32 v4, v20  }
0x343: {  	v38 =	vld [tilespmem:s19+$0xFFFFFFC0];
	[tilespmem:s11+$0xFFFFFFF0] =	vst v13;
	v52 =	vadd.f32 v30, v23;
	v14 =	vadd.f32 v31, v23  }
0x344: {  	v35 =	vld [tilespmem:s19+$0xFFFFFF50];
	v15 =	vadd.f32 v53, v55;
	v16 =	vmul.f32 v55, v55;
	v17 =	vmul.f32 v53, v53;
	[tilespmem:s11+$0xFFFFFFE0] =	vst v8  }
0x345: {  	v51 =	vld [tilespmem:s19+$0x100];
	v9 =	vmul.f32 v32, v32;
	v1 =	vadd.f32 v1, v23;
	[tilespmem:s11+$0xFFFFFF90] =	vst v52;
	v52 =	vadd.f32 v12, v21  }
0x346: {  	[tilespmem:s11+$0x60] =	vst v4;
	v12 =	vadd.f32 v59, v15;
	v15 =	vadd.f32 v17, v16;
	v16 =	vmul.f32 v59, v59;
	v36 =	vld [tilespmem:s19+$0xFFFFFFD0]  }
0x347: {  	v4 =	vmul.f32 v34, v34;
	v8 =	vmul.f32 v39, v39;
	[tilespmem:s11+$0x10] =	vst v14;
	v14 =	vld [tilespmem:s19+$0x130];
	v2 =	vadd.f32 v2, v6  }
0x348: {  	[tilespmem:s11+$0x0] =	vst v43;
	v30 =	vld [tilespmem:s19+$0xFFFFFF60];
	v12 =	vadd.f32 v46, v12;
	v13 =	vadd.f32 v16, v15;
	v15 =	vmul.f32 v46, v46  }
0x349: {  	v10 =	vadd.f32 v35, v39;
	v31 =	vld [tilespmem:s19+$0xFFFFFFE0];
	v16 =	vmul.f32 v35, v35;
	[tilespmem:s11+$0x80] =	vst v2;
	v2 =	vadd.f32 v37, v34  }
0x34a: {  	[tilespmem:s11+$0x70] =	vst v3;
	v29 =	vld [tilespmem:s19+$0xFFFFFFF0];
	v12 =	vadd.f32 v51, v12;
	v13 =	vadd.f32 v15, v13;
	v15 =	vmul.f32 v51, v51  }
0x34b: {  	v7 =	vadd.f32 v16, v8;
	v8 =	vmul.f32 v38, v38;
	v40 =	vld [tilespmem:s19+$0x60];
	v5 =	vadd.f32 v36, v38  }
0x34c: {  	[tilespmem:s11+$0x90] =	vst v1;
	v1 =	vld [tilespmem:$0x1FEF0];
	v54 =	vadd.f32 v56, v12;
	v12 =	vadd.f32 v15, v13;
	v13 =	vmul.f32 v56, v56  }
0x34d: {  	v58 =	vmul.f32 v14, v14;
	v15 =	vmul.f32 v36, v36;
	v10 =	vadd.f32 v30, v10  }
0x34e: {  	v49 =	vld [tilespmem:s19+$0xFFFFFEC0];
	v6 =	vadd.f32 v48, v54;
	v57 =	vadd.f32 v13, v12;
	v12 =	vmul.f32 v48, v48  }
0x34f: {  	v43 =	vmul.f32 v30, v30;
	v5 =	vadd.f32 v31, v5;
	v8 =	vadd.f32 v15, v8  }
0x350: {  	v28 =	vld [tilespmem:s19+$0xFFFFFEE0];
	v16 =	vmul.f32 v31, v31;
	v3 =	vadd.f32 v14, v6;
	v6 =	vadd.f32 v12, v57  }
0x351: {  	[tilespmem:$0x1FDB0] =	vst v11;
	v20 =	vmul.f32 v29, v29;
	v11 =	vadd.f32 v43, v7;
	v0 =	vadd.f32 v0, v1  }
0x352: {  	v12 =	vmul.f32 v37, v37;
	v6 =	vadd.f32 v58, v6;
	v33 =	vperm.xlane v3, v50  }
0x353: {  	[tilespmem:$0x1FDA0] =	vst v60;
	v60 =	vld [tilespmem:s19+$0xFFFFFEF0];
	v13 =	vmul.f32 v49, v49;
	v1 =	vadd.f32 v32, v49;
	v2 =	vadd.f32 v40, v2  }
0x354: {  	[tilespmem:s11+$0xFFFFFFB0] =	vst v61;
	v54 =	vld [tilespmem:s19+$0xFFFFFF70];
	v12 =	vadd.f32 v12, v4;
	v3 =	vadd.f32 v33, v3;
	v4 =	vperm.xlane v6, v50  }
0x355: {  	v61 =	vld [tilespmem:s19+$0xFFFFFF80];
	[tilespmem:s11+$0x30] =	vst v52;
	v15 =	vmul.f32 v28, v28;
	v19 =	vadd.f32 v29, v5;
	v9 =	vadd.f32 v9, v13  }
0x356: {  	v57 =	vld [tilespmem:s19+$0x0];
	[tilespmem:s11+$0xA0] =	vst v0;
	v1 =	vadd.f32 v28, v1;
	v13 =	vperm.xlane v3, v44;
	v6 =	vadd.f32 v4, v6  }
0x357: {  	v17 =	vmul.f32 v40, v40;
	v8 =	vadd.f32 v16, v8;
	v9 =	vadd.f32 v15, v9;
	v33 =	vld [tilespmem:s19+$0x70]  }
0x358: {  	v0 =	vld [tilespmem:s19+$0xFFFFFF00];
	v18 =	vadd.f32 v60, v1;
	v3 =	vadd.f32 v13, v3;
	v1 =	vperm.xlane v6, v44  }
0x359: {  	v8 =	vadd.f32 v20, v8;
	v10 =	vadd.f32 v54, v10;
	v15 =	vmul.f32 v54, v54  }
0x35a: {  	v62 =	vld [tilespmem:s19+$0x10];
	v17 =	vadd.f32 v17, v12;
	v7 =	vperm.xlane v3, v45;
	v6 =	vadd.f32 v1, v6  }
0x35b: {  	v10 =	vadd.f32 v61, v10;
	v11 =	vadd.f32 v15, v11;
	v15 =	vmul.f32 v61, v61  }
0x35c: {  	v16 =	vadd.f32 v33, v2;
	v3 =	vadd.f32 v7, v3;
	v2 =	vperm.xlane v6, v45  }
0x35d: {  	v19 =	vadd.f32 v57, v19;
	v23 =	vmul.f32 v57, v57;
	v18 =	vadd.f32 v0, v18  }
0x35e: {  	v52 =	vld [tilespmem:s19+$0x80];
	v22 =	vmul.f32 v0, v0;
	v12 =	vperm.xlane v3, v47;
	v6 =	vadd.f32 v2, v6  }
0x35f: {  	v4 =	vld [tilespmem:s19+$0xFFFFFF10];
	v11 =	vadd.f32 v15, v11;
	v8 =	vadd.f32 v23, v8;
	v23 =	vmul.f32 v62, v62  }
0x360: {  	v58 =	vld [tilespmem:s19+$0x90];
	v13 =	vmul.f32 v60, v60;
	v3 =	vadd.f32 v12, v3;
	v12 =	vperm.xlane v6, v47  }
0x361: {  	v5 =	vld [tilespmem:s19+$0xFFFFFFA0];
	v19 =	vadd.f32 v62, v19;
	v21 =	vmul.f32 v33, v33;
	v8 =	vadd.f32 v23, v8  }
0x362: {  	v1 =	vld [tilespmem:s19+$0xFFFFFF90];
	v9 =	vadd.f32 v13, v9;
	v20 =	vmul.f32 $7.812500000e-03, v3;
	v3 =	vadd.f32 v12, v6  }
0x363: {  	v63 =	vld [tilespmem:s19+$0xA0];
	v16 =	vadd.f32 v52, v16;
	v17 =	vadd.f32 v21, v17;
	v21 =	vmul.f32 v52, v52  }
0x364: {  	v18 =	vadd.f32 v4, v18;
	v7 =	vld [tilespmem:s19+$0xFFFFFF20];
	v24 =	vmul.f32 $7.812500000e-03, v3;
	v25 =	vmul.f32 v20, v20  }
0x365: {  	v9 =	vadd.f32 v22, v9;
	v22 =	vmul.f32 v4, v4;
	v16 =	vadd.f32 v58, v16  }
0x366: {  	v13 =	vld [tilespmem:s19+$0xFFFFFF30];
	v17 =	vadd.f32 v21, v17;
	v24 =	vsub.f32 v24, v25  }
0x367: {  	v23 =	vmul.f32 v5, v5;
	v2 =	vld [tilespmem:s19+$0x20];
	v9 =	vadd.f32 v22, v9;
	v10 =	vadd.f32 v1, v10  }
0x368: {  	v15 =	vmul.f32 v1, v1;
	v16 =	vadd.f32 v63, v16;
	v24 =	vadd.f32 $9.999999960e-13, v24  }
0x369: {  	v18 =	vadd.f32 v7, v18;
	v26 =	vmul.f32 v7, v7;
	v10 =	vadd.f32 v5, v10;
	v12 =	vld [tilespmem:s19+$0xFFFFFFB0]  }
0x36a: {  	v11 =	vadd.f32 v15, v11;
	v6 =	vld [tilespmem:s19+$0x30];
	v21 =	vshrl.u32 v24, $0x1;
	v22 =	vmul.f32 $5.000000000e-01, v24  }
0x36b: {  	v9 =	vadd.f32 v26, v9;
	v26 =	vmul.f32 v13, v13;
	v15 =	vsub.s32 $0x5F3759DF, v21  }
0x36c: {  	v19 =	vadd.f32 v2, v19;
	v18 =	vadd.f32 v13, v18;
	v21 =	vmul.f32 v15, v22  }
0x36d: {  	v11 =	vadd.f32 v23, v11;
	v9 =	vadd.f32 v26, v9;
	v25 =	vmul.f32 v58, v58  }
0x36e: {  	v3 =	vld [tilespmem:s19+$0xB0];
	v10 =	vadd.f32 v12, v10;
	v23 =	vmul.f32 v12, v12;
	v21 =	vmul.f32 v15, v21  }
0x36f: {  	v19 =	vadd.f32 v6, v19;
	v17 =	vadd.f32 v25, v17;
	v25 =	vmul.f32 v63, v63  }
0x370: {  	v11 =	vadd.f32 v23, v11;
	v23 =	vperm.xlane v10, v50;
	v21 =	vsub.f32 $1.500000000e+00, v21  }
0x371: {  	v24 =	vmul.f32 v2, v2;
	v17 =	vadd.f32 v25, v17;
	v25 =	vperm.xlane v18, v50  }
0x372: {  	v10 =	vadd.f32 v23, v10;
	v23 =	vperm.xlane v11, v50;
	v15 =	vmul.f32 v15, v21  }
0x373: {  	v8 =	vadd.f32 v24, v8;
	v24 =	vmul.f32 v3, v3;
	v18 =	vadd.f32 v25, v18  }
0x374: {  	v16 =	vadd.f32 v3, v16;
	v21 =	vmul.f32 v6, v6;
	v22 =	vmul.f32 v15, v22  }
0x375: {  	v25 =	vperm.xlane v9, v50;
	v17 =	vadd.f32 v24, v17;
	v27 =	vperm.xlane v18, v44  }
0x376: {  	v8 =	vadd.f32 v21, v8;
	v21 =	vperm.xlane v19, v50;
	v22 =	vmul.f32 v22, v15  }
0x377: {  	v11 =	vadd.f32 v23, v11;
	v24 =	vperm.xlane v16, v50;
	v18 =	vadd.f32 v27, v18  }
0x378: {  	v26 =	vperm.xlane v17, v50;
	v19 =	vadd.f32 v21, v19;
	v21 =	vsub.f32 $1.500000000e+00, v22  }
0x379: {  	v9 =	vadd.f32 v25, v9;
	v24 =	vadd.f32 v24, v16;
	v25 =	vperm.xlane v18, v45  }
0x37a: {  	v17 =	vadd.f32 v26, v17;
	v22 =	vperm.xlane v8, v50;
	v16 =	vmul.f32 v21, v15  }
0x37b: {  	v18 =	vadd.f32 v25, v18;
	v23 =	vperm.xlane v19, v44;
	v21 =	vperm.xlane v10, v44  }
0x37c: {  	v43 =	vld [tilespmem:$0x1FEC0];
	v8 =	vadd.f32 v22, v8;
	v22 =	vperm.xlane v9, v44;
	v15 =	vmul.f32 v16, v20  }
0x37d: {  	v19 =	vadd.f32 v23, v19;
	v14 =	vmul.f32 v16, v14;
	v20 =	vperm.xlane v24, v44  }
0x37e: {  	v10 =	vadd.f32 v21, v10;
	v21 =	vperm.xlane v11, v44;
	v9 =	vadd.f32 v22, v9  }
0x37f: {  	v26 =	vld [tilespmem:$0x1FF40];
	v23 =	vperm.xlane v8, v44;
	v14 =	vsub.f32 v14, v15;
	v20 =	vadd.f32 v20, v24  }
0x380: {  	v24 =	vperm.xlane v17, v44;
	v22 =	vperm.xlane v10, v45;
	v11 =	vadd.f32 v21, v11  }
0x381: {  	v21 =	vperm.xlane v19, v45;
	v8 =	vadd.f32 v23, v8;
	v14 =	vmul.f32 v14, v43  }
0x382: {  	v23 =	vperm.xlane v20, v45;
	v17 =	vadd.f32 v24, v17;
	v24 =	vperm.xlane v9, v45  }
0x383: {  	v10 =	vadd.f32 v22, v10;
	v19 =	vadd.f32 v21, v19;
	v21 =	vperm.xlane v8, v45  }
0x384: {  	v22 =	vperm.xlane v18, v47;
	v14 =	vadd.f32 v14, v26;
	v20 =	vadd.f32 v23, v20  }
0x385: {  	v23 =	vperm.xlane v17, v45;
	v9 =	vadd.f32 v24, v9;
	v24 =	vperm.xlane v10, v47  }
0x386: {  	v8 =	vadd.f32 v21, v8;
	v18 =	vadd.f32 v22, v18;
	[tilespmem:s19+$0x130] =	vst v14;
	v14 =	vperm.xlane v11, v45  }
0x387: {  	v21 =	vperm.xlane v20, v47;
	v22 =	vperm.xlane v9, v47;
	v23 =	vadd.f32 v23, v17  }
0x388: {  	v10 =	vadd.f32 v24, v10;
	v11 =	vadd.f32 v14, v11;
	v14 =	vperm.xlane v19, v47  }
0x389: {  	v24 =	vperm.xlane v8, v47;
	v25 =	vmul.f32 $7.812500000e-03, v18;
	v20 =	vadd.f32 v21, v20  }
0x38a: {  	v21 =	vperm.xlane v23, v47;
	v9 =	vadd.f32 v22, v9;
	v14 =	vadd.f32 v14, v19  }
0x38b: {  	v22 =	vld [tilespmem:$0x1FF10];
	v17 =	vperm.xlane v11, v47;
	v19 =	vmul.f32 $7.812500000e-03, v10  }
0x38c: {  	v9 =	vmul.f32 $7.812500000e-03, v9;
	v18 =	vmul.f32 $7.812500000e-03, v14  }
0x38d: {  	v10 =	vadd.f32 v17, v11;
	v17 =	vmul.f32 $7.812500000e-03, v20;
	v14 =	vmul.f32 v25, v25;
	v20 =	vld [tilespmem:$0x1FF40]  }
0x38e: {  	v8 =	vadd.f32 v24, v8;
	v11 =	vadd.f32 v21, v23  }
0x38f: {  	v21 =	vmul.f32 v19, v19;
	v10 =	vmul.f32 $7.812500000e-03, v10;
	v9 =	vsub.f32 v9, v14  }
0x390: {  	v8 =	vmul.f32 $7.812500000e-03, v8;
	v22 =	vadd.f32 v41, v22;
	v14 =	vmul.f32 v18, v18  }
0x391: {  	v11 =	vmul.f32 $7.812500000e-03, v11;
	v10 =	vsub.f32 v10, v21;
	v9 =	vadd.f32 $9.999999960e-13, v9  }
0x392: {  	v21 =	vmul.f32 v16, v55;
	v8 =	vsub.f32 v8, v14;
	v20 =	vadd.f32 v42, v20  }
0x393: {  	[tilespmem:s11+$0xD0] =	vst v22;
	v14 =	vmul.f32 v16, v53;
	v10 =	vadd.f32 $9.999999960e-13, v10;
	v22 =	vshrl.u32 v9, $0x1  }
0x394: {  	v9 =	vmul.f32 $5.000000000e-01, v9;
	v8 =	vadd.f32 $9.999999960e-13, v8;
	[tilespmem:s11+$0xB0] =	vst v20;
	v20 =	vmul.f32 v17, v17  }
0x395: {  	v22 =	vsub.s32 $0x5F3759DF, v22;
	v23 =	vshrl.u32 v10, $0x1;
	v10 =	vmul.f32 $5.000000000e-01, v10  }
0x396: {  	v24 =	vshrl.u32 v8, $0x1;
	v8 =	vmul.f32 $5.000000000e-01, v8;
	v11 =	vsub.f32 v11, v20  }
0x397: {  	v27 =	vmul.f32 v22, v9;
	v20 =	vmul.f32 v16, v59  }
0x398: {  	v23 =	vsub.s32 $0x5F3759DF, v23;
	v24 =	vsub.s32 $0x5F3759DF, v24;
	v11 =	vadd.f32 $9.999999960e-13, v11  }
0x399: {  	v41 =	vmul.f32 v23, v10;
	v42 =	vmul.f32 v24, v8  }
0x39a: {  	v27 =	vmul.f32 v22, v27;
	v26 =	vshrl.u32 v11, $0x1;
	v11 =	vmul.f32 $5.000000000e-01, v11  }
0x39b: {  	v53 =	vsub.f32 v20, v15;
	v41 =	vmul.f32 v23, v41;
	v26 =	vsub.s32 $0x5F3759DF, v26  }
0x39c: {  	v42 =	vmul.f32 v24, v42;
	v20 =	vsub.f32 $1.500000000e+00, v27;
	v55 =	vmul.f32 v26, v11  }
0x39d: {  	v41 =	vsub.f32 $1.500000000e+00, v41  }
0x39e: {  	v42 =	vsub.f32 $1.500000000e+00, v42;
	v20 =	vmul.f32 v22, v20;
	v27 =	vmul.f32 v26, v55  }
0x39f: {  	v46 =	vmul.f32 v16, v46;
	v23 =	vmul.f32 v23, v41  }
0x3a0: {  	v24 =	vmul.f32 v24, v42;
	v9 =	vmul.f32 v20, v9;
	v22 =	vsub.f32 $1.500000000e+00, v27  }
0x3a1: {  	v21 =	vsub.f32 v21, v15;
	v59 =	vld [tilespmem:$0x1FE50];
	v55 =	vmul.f32 v16, v51;
	v27 =	vmul.f32 v16, v56  }
0x3a2: {  	v14 =	vsub.f32 v14, v15;
	v16 =	vmul.f32 v16, v48;
	v22 =	vmul.f32 v26, v22;
	v26 =	vld [tilespmem:$0x1FF20]  }
0x3a3: {  	v51 =	vsub.f32 v46, v15;
	v9 =	vmul.f32 v9, v20;
	v56 =	vsub.f32 v27, v15;
	v27 =	vld [tilespmem:$0x1FD70]  }
0x3a4: {  	v10 =	vmul.f32 v23, v10;
	v46 =	vsub.f32 v55, v15;
	v48 =	vsub.f32 v16, v15;
	v15 =	vld [tilespmem:$0x1FF00]  }
0x3a5: {  	v8 =	vmul.f32 v24, v8;
	v9 =	vsub.f32 $1.500000000e+00, v9  }
0x3a6: {  	v21 =	vmul.f32 v21, v59;
	v55 =	vld [tilespmem:$0x1FD80];
	v10 =	vmul.f32 v10, v23  }
0x3a7: {  	v8 =	vmul.f32 v8, v24;
	v9 =	vmul.f32 v9, v20;
	v20 =	vld [tilespmem:$0x1FED0]  }
0x3a8: {  	v10 =	vsub.f32 $1.500000000e+00, v10;
	v26 =	vadd.f32 v27, v26;
	v27 =	vld [tilespmem:$0x1FF30]  }
0x3a9: {  	v8 =	vsub.f32 $1.500000000e+00, v8;
	v15 =	vadd.f32 v21, v15;
	v21 =	vld [tilespmem:$0x1FD90]  }
0x3aa: {  	v11 =	vmul.f32 v22, v11;
	v10 =	vmul.f32 v10, v23  }
0x3ab: {  	v8 =	vmul.f32 v8, v24;
	v16 =	vmul.f32 v9, v25  }
0x3ac: {  	v23 =	vmul.f32 v9, v28;
	v24 =	vmul.f32 v9, v60  }
0x3ad: {  	v0 =	vmul.f32 v9, v0;
	v4 =	vmul.f32 v9, v4;
	v27 =	vadd.f32 v55, v27  }
0x3ae: {  	v41 =	vld [tilespmem:$0x1FEE0];
	v7 =	vmul.f32 v9, v7;
	v11 =	vmul.f32 v11, v22;
	[tilespmem:s11+$0xE0] =	vst v26;
	v20 =	vadd.f32 v21, v20  }
0x3af: {  	v25 =	vld [tilespmem:$0x1FDB0];
	v19 =	vmul.f32 v10, v19;
	v1 =	vmul.f32 v10, v1;
	[tilespmem:s11+$0xF0] =	vst v27  }
0x3b0: {  	v0 =	vsub.f32 v0, v16;
	v5 =	vmul.f32 v10, v5;
	v28 =	vmul.f32 v8, v29;
	[tilespmem:s11+$0x100] =	vst v20;
	v20 =	vld [tilespmem:$0x1FEF0]  }
0x3b1: {  	v29 =	vmul.f32 v8, v57;
	v2 =	vmul.f32 v8, v2;
	v11 =	vsub.f32 $1.500000000e+00, v11;
	[tilespmem:s19+$0xC0] =	vst v15;
	v15 =	vld [tilespmem:$0x1FDA0]  }
0x3b2: {  	v4 =	vsub.f32 v4, v16;
	v6 =	vmul.f32 v8, v6;
	v26 =	vmul.f32 v10, v61  }
0x3b3: {  	v7 =	vsub.f32 v7, v16;
	v11 =	vmul.f32 v11, v22;
	v22 =	vmul.f32 v9, v32  }
0x3b4: {  	v21 =	vmul.f32 v9, v49;
	v9 =	vmul.f32 v9, v13;
	v13 =	vsub.f32 v23, v16  }
0x3b5: {  	v23 =	vmul.f32 v10, v35;
	v17 =	vmul.f32 v11, v17;
	v20 =	vadd.f32 v25, v20  }
0x3b6: {  	v42 =	vmul.f32 v11, v58;
	v58 =	vmul.f32 v11, v63;
	v15 =	vadd.f32 v15, v41  }
0x3b7: {  	v3 =	vmul.f32 v11, v3;
	v21 =	vsub.f32 v21, v16;
	v27 =	vmul.f32 v8, v31;
	[tilespmem:s11+$0x120] =	vst v20  }
0x3b8: {  	v25 =	vmul.f32 v10, v54;
	v20 =	vmul.f32 v10, v39;
	[tilespmem:s11+$0x110] =	vst v15;
	v15 =	vsub.f32 v22, v16  }
0x3b9: {  	v22 =	vsub.f32 v24, v16;
	v24 =	vmul.f32 v10, v30;
	v10 =	vmul.f32 v10, v12  }
0x3ba: {  	v9 =	vsub.f32 v9, v16;
	v12 =	vmul.f32 v8, v18;
	v16 =	vmul.f32 v8, v38  }
0x3bb: {  	v23 =	vsub.f32 v23, v19;
	v18 =	vmul.f32 v8, v36;
	v30 =	vmul.f32 v8, v62  }
0x3bc: {  	v49 =	vld [tilespmem:$0x1FE60];
	v8 =	vsub.f32 v25, v19;
	v25 =	vmul.f32 v11, v34;
	v36 =	vsub.f32 v58, v17  }
0x3bd: {  	v34 =	vmul.f32 v11, v52;
	v52 =	vld [tilespmem:$0x1FE70];
	v58 =	vsub.f32 v3, v17;
	v24 =	vsub.f32 v24, v19  }
0x3be: {  	v3 =	vld [tilespmem:$0x1FF00];
	v16 =	vsub.f32 v16, v12;
	v18 =	vsub.f32 v18, v12  }
0x3bf: {  	v60 =	vld [tilespmem:$0x1FE80];
	v61 =	vmul.f32 v21, v59;
	v21 =	vsub.f32 v27, v12;
	v27 =	vsub.f32 v28, v12  }
0x3c0: {  	v57 =	vld [tilespmem:$0x1FEA0];
	v31 =	vmul.f32 v11, v37;
	v37 =	vsub.f32 v29, v12;
	v62 =	vsub.f32 v30, v12  }
0x3c1: {  	v2 =	vsub.f32 v2, v12;
	v6 =	vsub.f32 v6, v12;
	v12 =	vld [tilespmem:$0x1FF10]  }
0x3c2: {  	v54 =	vld [tilespmem:$0x1FE90]  }
0x3c3: {  	v3 =	vadd.f32 v61, v3;
	v61 =	vmul.f32 v23, v49;
	v23 =	vmul.f32 v24, v52;
	v24 =	vld [tilespmem:$0x1FF30]  }
0x3c4: {  	v1 =	vsub.f32 v1, v19;
	v5 =	vsub.f32 v5, v19;
	v15 =	vmul.f32 v15, v49  }
0x3c5: {  	v26 =	vsub.f32 v26, v19;
	v40 =	vmul.f32 v11, v40;
	v63 =	vld [tilespmem:$0x1FEB0];
	v20 =	vsub.f32 v20, v19  }
0x3c6: {  	v10 =	vsub.f32 v10, v19;
	v19 =	vmul.f32 v22, v60;
	v12 =	vadd.f32 v15, v12;
	v15 =	vld [tilespmem:$0x1FED0]  }
0x3c7: {  	v33 =	vmul.f32 v11, v33;
	v30 =	vmul.f32 v1, v57  }
0x3c8: {  	v1 =	vadd.f32 v19, v24;
	v19 =	vmul.f32 v18, v49;
	v18 =	vmul.f32 v37, v54;
	v37 =	vld [tilespmem:$0x1FEF0]  }
0x3c9: {  	v4 =	vmul.f32 v4, v57;
	v55 =	vsub.f32 v40, v17;
	v0 =	vmul.f32 v0, v54;
	[tilespmem:s19+$0xFFFFFEC0] =	vst v3;
	v3 =	vld [tilespmem:$0x1FF20]  }
0x3ca: {  	v33 =	vsub.f32 v33, v17;
	v35 =	vsub.f32 v42, v17;
	v32 =	vmul.f32 v26, v54;
	v26 =	vld [tilespmem:$0x1FF00]  }
0x3cb: {  	v9 =	vmul.f32 v9, v43;
	v7 =	vmul.f32 v7, v63;
	v0 =	vadd.f32 v0, v15  }
0x3cc: {  	v22 =	vsub.f32 v25, v17;
	v25 =	vsub.f32 v31, v17;
	v13 =	vmul.f32 v13, v52  }
0x3cd: {  	v34 =	vsub.f32 v34, v17;
	v20 =	vmul.f32 v20, v59;
	[tilespmem:s19+$0xFFFFFF00] =	vst v0;
	v0 =	vadd.f32 v7, v37  }
0x3ce: {  	v8 =	vmul.f32 v8, v60;
	v17 =	vmul.f32 v21, v52;
	v21 =	vld [tilespmem:$0x1FF40];
	v3 =	vadd.f32 v13, v3  }
0x3cf: {  	v13 =	vmul.f32 v5, v63;
	v5 =	vmul.f32 v22, v59;
	v22 =	vld [tilespmem:$0x1FF10];
	[tilespmem:s19+$0xFFFFFF20] =	vst v0;
	v0 =	vadd.f32 v20, v26  }
0x3d0: {  	s18 =	sadd.s32 $0x5, s18;
	v42 =	vmul.f32 v58, v43;
	v28 =	vmul.f32 v10, v43;
	[tilespmem:s19+$0xFFFFFEF0] =	vst v1  }
0x3d1: {  	p1 =	slt.u32 s18, $0x78;
	v16 =	vmul.f32 v16, v59;
	v29 =	vmul.f32 v27, v60;
	v1 =	vadd.f32 v4, v41;
	[tilespmem:s19+$0xFFFFFF40] =	vst v0;
	v0 =	vld [tilespmem:$0x1FF20]  }
.Ltmp4:
0x3d2: {  	v31 =	vmul.f32 v62, v57;
	[tilespmem:s19+$0xFFFFFED0] =	vst v12;
	v12 =	vmul.f32 v6, v43;
	(pc) =	sbr.rel @p1 .LBB2_7-.Ltmp4, $4  }
0x3d3: {  	v6 =	vmul.f32 v25, v49;
	v4 =	vmul.f32 v55, v52;
	[tilespmem:s19+$0xFFFFFF10] =	vst v1;
	v1 =	vadd.f32 v9, v21  }
0x3d4: {  	v41 =	vmul.f32 v14, v49;
	[tilespmem:s19+$0xFFFFFEE0] =	vst v3;
	v3 =	vmul.f32 v33, v60;
	v62 =	vadd.f32 v61, v22  }
0x3d5: {  	s11 =	smov.u32 s19;
	v7 =	vmul.f32 v2, v63;
	v2 =	vmul.f32 v34, v54;
	v34 =	vadd.f32 v8, v24;
	[tilespmem:s19+$0xFFFFFF30] =	vst v1  }
0x3d6: {  	s20 =	simm.s32 $0x0;
	v1 =	vmul.f32 v35, v57;
	v20 =	vld [tilespmem:$0x1FF20];
	s19 =	sadd.s32 $0x280, s19;
	[tilespmem:s11+$0xFFFFFF50] =	vst v62;
	v33 =	vadd.f32 v23, v0;
	v0 =	vmul.f32 v36, v63  }
0x3d7: {  	v8 =	vadd.f32 v32, v15;
	[tilespmem:s11+$0xFFFFFF70] =	vst v34  }
0x3d8: {  	v62 =	vadd.f32 v13, v37;
	[tilespmem:s11+$0xFFFFFF60] =	vst v33  }
0x3d9: {  	v10 =	vadd.f32 v28, v21;
	v11 =	vld [tilespmem:$0x1FEE0];
	[tilespmem:s11+$0xFFFFFF80] =	vst v8  }
0x3da: {  	v32 =	vadd.f32 v19, v22;
	[tilespmem:s11+$0xFFFFFFA0] =	vst v62  }
0x3db: {  	v34 =	vadd.f32 v29, v24;
	[tilespmem:s11+$0xFFFFFFB0] =	vst v10  }
0x3dc: {  	v35 =	vadd.f32 v18, v15;
	[tilespmem:s11+$0xFFFFFFD0] =	vst v32  }
0x3dd: {  	v7 =	vadd.f32 v7, v37;
	[tilespmem:s11+$0xFFFFFFF0] =	vst v34  }
0x3de: {  	v38 =	vadd.f32 v12, v21;
	[tilespmem:s11+$0x0] =	vst v35  }
0x3df: {  	v5 =	vadd.f32 v5, v26;
	[tilespmem:s11+$0x20] =	vst v7  }
0x3e0: {  	v6 =	vadd.f32 v6, v22;
	[tilespmem:s11+$0x30] =	vst v38  }
0x3e1: {  	v3 =	vadd.f32 v3, v24;
	[tilespmem:s11+$0x40] =	vst v5  }
0x3e2: {  	v2 =	vadd.f32 v2, v15;
	[tilespmem:s11+$0x50] =	vst v6  }
0x3e3: {  	v40 =	vadd.f32 v42, v21;
	[tilespmem:s11+$0x70] =	vst v3  }
0x3e4: {  	v42 =	vmul.f32 v51, v60;
	v43 =	vadd.f32 v41, v22;
	[tilespmem:s11+$0x80] =	vst v2  }
0x3e5: {  	v39 =	vmul.f32 v53, v52;
	v46 =	vmul.f32 v46, v54;
	v0 =	vadd.f32 v0, v37;
	[tilespmem:s11+$0xB0] =	vst v40  }
0x3e6: {  	v53 =	vmul.f32 v56, v57;
	v56 =	vmul.f32 v48, v63;
	[tilespmem:s11+$0xD0] =	vst v43;
	v55 =	vadd.f32 v42, v24  }
0x3e7: {  	v58 =	vadd.f32 v46, v15;
	[tilespmem:s11+$0xA0] =	vst v0  }
0x3e8: {  	v62 =	vadd.f32 v56, v37;
	[tilespmem:s11+$0xF0] =	vst v55  }
0x3e9: {  	v33 =	vadd.f32 v17, v20;
	[tilespmem:s11+$0x100] =	vst v58  }
0x3ea: {  	v4 =	vadd.f32 v4, v20;
	[tilespmem:s11+$0x120] =	vst v62  }
0x3eb: {  	v51 =	vadd.f32 v39, v20;
	[tilespmem:s11+$0xFFFFFFE0] =	vst v33  }
0x3ec: {  	[tilespmem:s11+$0x60] =	vst v4;
	v9 =	vadd.f32 v30, v11  }
0x3ed: {  	[tilespmem:s11+$0xE0] =	vst v51;
	v30 =	vadd.f32 v16, v26  }
0x3ee: {  	v36 =	vadd.f32 v31, v11;
	[tilespmem:s11+$0xFFFFFF90] =	vst v9  }
0x3ef: {  	v1 =	vadd.f32 v1, v11;
	[tilespmem:s11+$0xFFFFFFC0] =	vst v30  }
0x3f0: {  	v61 =	vadd.f32 v53, v11;
	[tilespmem:s11+$0x10] =	vst v36  }
0x3f1: {  	[tilespmem:s11+$0x90] =	vst v1  }
0x3f2: {  	[tilespmem:s11+$0x110] =	vst v61  }
0x3f3: {  	v53 =	vmov v50;
	v13 =	vmov v11;
	v12 =	vld [tilespmem:$0x1FEC0]  }
.LBB2_9:
0x3f4: {  	s11 =	sshra.s32 s20, $0x2  }
0x3f5: {  	v0 =	vld [tilespmem:s11+$0x8180]  }
0x3f6: {  	v1 =	vld [tilespmem:s11+$0x8190];
	_ =	sdelay $0x1  }
0x3f7: {  	v2 =	vld [tilespmem:s11+$0x81A0];
	_ =	sdelay $0x1  }
0x3f8: {  	v3 =	vld [tilespmem:s11+$0x81B0]  }
0x3f9: {  	v4 =	vadd.f32 v1, v0;
	v5 =	vmul.f32 v0, v0;
	v6 =	vmul.f32 v1, v1  }
0x3fa: {  	v7 =	vld [tilespmem:s11+$0x81C0]  }
0x3fb: {  	v28 =	vmul.f32 v2, v2;
	v4 =	vadd.f32 v2, v4;
	v5 =	vadd.f32 v6, v5  }
0x3fc: {  	v8 =	vld [tilespmem:s11+$0x81D0]  }
0x3fd: {  	v29 =	vmul.f32 v3, v3;
	v4 =	vadd.f32 v3, v4;
	v5 =	vadd.f32 v28, v5  }
0x3fe: {  	v9 =	vld [tilespmem:s11+$0x81E0]  }
0x3ff: {  	v30 =	vmul.f32 v7, v7;
	v4 =	vadd.f32 v7, v4;
	v5 =	vadd.f32 v29, v5  }
0x400: {  	v10 =	vld [tilespmem:s11+$0x81F0]  }
0x401: {  	v31 =	vmul.f32 v8, v8;
	v4 =	vadd.f32 v8, v4;
	v5 =	vadd.f32 v30, v5;
	_ =	sdelay $0x1  }
0x402: {  	v32 =	vmul.f32 v9, v9;
	v4 =	vadd.f32 v9, v4;
	v5 =	vadd.f32 v31, v5;
	_ =	sdelay $0x1  }
0x403: {  	v33 =	vmul.f32 v10, v10;
	v4 =	vadd.f32 v10, v4;
	v5 =	vadd.f32 v32, v5;
	_ =	sdelay $0x1  }
0x404: {  	v5 =	vadd.f32 v33, v5;
	v34 =	vperm.xlane v4, v53;
	_ =	sdelay $0x1  }
0x405: {  	v4 =	vadd.f32 v34, v4;
	v35 =	vperm.xlane v5, v53;
	_ =	sdelay $0x1  }
0x406: {  	v11 =	vperm.xlane v4, v44;
	v5 =	vadd.f32 v35, v5;
	_ =	sdelay $0x1  }
0x407: {  	v4 =	vadd.f32 v11, v4;
	v6 =	vperm.xlane v5, v44;
	_ =	sdelay $0x1  }
0x408: {  	v11 =	vperm.xlane v4, v45;
	v5 =	vadd.f32 v6, v5;
	_ =	sdelay $0x1  }
0x409: {  	v4 =	vadd.f32 v11, v4;
	v6 =	vperm.xlane v5, v45;
	_ =	sdelay $0x1  }
0x40a: {  	v11 =	vperm.xlane v4, v47;
	v5 =	vadd.f32 v6, v5;
	_ =	sdelay $0x1  }
0x40b: {  	v4 =	vadd.f32 v11, v4;
	v6 =	vperm.xlane v5, v47;
	_ =	sdelay $0x1  }
0x40c: {  	v4 =	vmul.f32 $7.812500000e-03, v4;
	v5 =	vadd.f32 v6, v5;
	_ =	sdelay $0x1  }
0x40d: {  	v5 =	vmul.f32 $7.812500000e-03, v5;
	v36 =	vmul.f32 v4, v4;
	_ =	sdelay $0x1  }
0x40e: {  	v5 =	vsub.f32 v5, v36;
	_ =	sdelay $0x1  }
0x40f: {  	v5 =	vadd.f32 $9.999999960e-13, v5;
	_ =	sdelay $0x1  }
0x410: {  	v38 =	vshrl.u32 v5, $0x1;
	v5 =	vmul.f32 $5.000000000e-01, v5  }
0x411: {  	v6 =	vsub.s32 $0x5F3759DF, v38  }
0x412: {  	v39 =	vmul.f32 v6, v5;
	_ =	sdelay $0x1  }
0x413: {  	v11 =	vmul.f32 v6, v39;
	_ =	sdelay $0x1  }
0x414: {  	v11 =	vsub.f32 $1.500000000e+00, v11;
	_ =	sdelay $0x1  }
0x415: {  	v6 =	vmul.f32 v6, v11;
	_ =	sdelay $0x1  }
0x416: {  	v5 =	vmul.f32 v6, v5;
	_ =	sdelay $0x1  }
0x417: {  	v5 =	vmul.f32 v5, v6;
	_ =	sdelay $0x1  }
0x418: {  	v5 =	vsub.f32 $1.500000000e+00, v5;
	_ =	sdelay $0x1  }
0x419: {  	v5 =	vmul.f32 v5, v6;
	_ =	sdelay $0x1  }
0x41a: {  	v4 =	vmul.f32 v5, v4;
	v0 =	vmul.f32 v5, v0  }
0x41b: {  	v1 =	vmul.f32 v5, v1  }
0x41c: {  	v2 =	vmul.f32 v5, v2;
	v3 =	vmul.f32 v5, v3;
	v0 =	vsub.f32 v0, v4  }
0x41d: {  	v6 =	vmul.f32 v5, v7;
	v40 =	vmul.f32 v5, v8;
	v1 =	vsub.f32 v1, v4  }
0x41e: {  	v41 =	vmul.f32 v5, v9;
	v2 =	vsub.f32 v2, v4;
	v0 =	vmul.f32 v0, v59  }
0x41f: {  	v5 =	vmul.f32 v5, v10;
	v3 =	vsub.f32 v3, v4;
	v1 =	vmul.f32 v1, v49  }
0x420: {  	v6 =	vsub.f32 v6, v4;
	v2 =	vmul.f32 v2, v52;
	v0 =	vadd.f32 v0, v26  }
0x421: {  	v7 =	vsub.f32 v40, v4;
	v3 =	vmul.f32 v3, v60;
	v1 =	vadd.f32 v1, v22  }
0x422: {  	v46 =	vsub.f32 v41, v4;
	v43 =	vmul.f32 v6, v54;
	v42 =	vadd.f32 v2, v20;
	[tilespmem:s11+$0x8180] =	vst v0  }
0x423: {  	v4 =	vsub.f32 v5, v4;
	v50 =	vmul.f32 v7, v57;
	v48 =	vadd.f32 v3, v24;
	[tilespmem:s11+$0x8190] =	vst v1  }
0x424: {  	p1 =	sne.s32 s20, $0x400;
	v55 =	vmul.f32 v46, v63;
	v51 =	vadd.f32 v43, v15;
	[tilespmem:s11+$0x81A0] =	vst v42  }
.Ltmp5:
0x425: {  	v58 =	vmul.f32 v4, v12;
	v56 =	vadd.f32 v50, v13;
	[tilespmem:s11+$0x81B0] =	vst v48;
	(pc) =	sbr.rel @p1 .LBB2_9-.Ltmp5, $4  }
0x426: {  	v61 =	vadd.f32 v55, v37;
	[tilespmem:s11+$0x81C0] =	vst v51  }
0x427: {  	v62 =	vadd.f32 v58, v21;
	[tilespmem:s11+$0x81D0] =	vst v56  }
0x428: {  	[tilespmem:s11+$0x81E0] =	vst v61  }
0x429: {  	s20 =	sadd.s32 $0x200, s20;
	[tilespmem:s11+$0x81F0] =	vst v62  }
.Ltmp6:
0x42a: {  	(pc) =	sbr.rel @!p0 .LBB2_11-.Ltmp6, $4  }
0x42b: {  	_ = 	snop  }
0x42c: {  	s11 =	rddreg [dreg:$0x12]  }
0x42d: {  	s11 =	sadd.s32 s24, s11  }
0x42e: {  	[hbm4b:s11+s8] =	stream.linear.scatter [tilespmem:s30], [sflag:$0x7], $0x4000, $0x38;
	[tilespmem:$0x10700] =	vst v63  }
0x42f: {  	_ =	swait.ge [sflag:s29], $0x4000  }
0x430: {  	[sflag:s29] =	ssyncset.done $0x0  }
.Ltmp7:
0x431: {  	s11 =	simm.s32 $0xC480;
	[sflag:s29] =	ssyncadd.s32 $0xFFFFC000;
	(pc) =	sbr.rel .LBB2_13-.Ltmp7, $4  }
0x432: {  	[tilespmem:s28], [sflag:$0xE] =	stream.indirect.gather.add.f32 [hbm:s3], $0x80, s11, s31, $0xb8;
	[tilespmem:$0x10700] =	vst v63  }
0x433: {  	_ =	swait.ge [sflag:s7], $0x4000  }
0x434: {  	[sflag:s7] =	ssyncset.done $0x0  }
0x435: {  	[sflag:s7] =	ssyncadd.s32 $0xFFFFC000  }
.LBB2_11:
0x436: {  	s11 =	simm.s32 $0x3  }
0x437: {  	_ =	swait.ge [sflag:s11], $0x4000  }
0x438: {  	[sflag:s11] =	ssyncset.done $0x0  }
0x439: {  	[sflag:s11] =	ssyncadd.s32 $0xFFFFC000  }
0x43a: {  	_ =	swait.ge [sflag:s13], $0x80  }
0x43b: {  	[sflag:s13] =	ssyncset.done $0x0  }
0x43c: {  	[sflag:s13] =	ssyncadd.s32 $0xFFFFFF80  }
0x43d: {  	_ =	swait.ge [sflag:s13], $0x80  }
0x43e: {  	v49 =	vld [tilespmem:$0x1FF50]  }
0x43f: {  	v52 =	vld [tilespmem:$0x1FF60]  }
0x440: {  	v55 =	vld [tilespmem:$0x1FF70]  }
0x441: {  	v57 =	vld [tilespmem:$0x1FF80]  }
0x442: {  	[sflag:s13] =	ssyncset.done $0x0;
	v59 =	vld [tilespmem:$0x1FF90]  }
0x443: {  	v61 =	vld [tilespmem:$0x1FFA0];
	[sflag:s13] =	ssyncadd.s32 $0xFFFFFF80  }
0x444: {  	v0 =	vld [tilespmem:$0x80]  }
0x445: {  	v1 =	vld [tilespmem:$0x90]  }
0x446: {  	v2 =	vld [tilespmem:$0xA0]  }
0x447: {  	v3 =	vld [tilespmem:$0xB0]  }
0x448: {  	v4 =	vld [tilespmem:$0xC0]  }
0x449: {  	v6 =	vlaneseq.u32;
	v5 =	vld [tilespmem:$0xD0];
	v0 =	vshll.u32 v0, $0x7  }
0x44a: {  	v48 =	vld [tilespmem:$0xE0];
	v1 =	vshll.u32 v1, $0x7;
	v0 =	vor.u32 v6, v0  }
0x44b: {  	v51 =	vld [tilespmem:$0xF0];
	v50 =	vshll.u32 v2, $0x7;
	[tilespmem:$0x100] =	vst v0;
	v0 =	vor.u32 v49, v1  }
0x44c: {  	v63 =	vld [tilespmem:$0x1FFB0];
	v54 =	vshll.u32 v3, $0x7;
	[tilespmem:$0x110] =	vst v0;
	v0 =	vor.u32 v52, v50  }
0x44d: {  	v56 =	vshll.u32 v4, $0x7;
	[tilespmem:$0x120] =	vst v0;
	v0 =	vor.u32 v55, v54  }
0x44e: {  	v58 =	vshll.u32 v5, $0x7;
	[tilespmem:$0x130] =	vst v0;
	v0 =	vor.u32 v57, v56  }
0x44f: {  	v60 =	vshll.u32 v48, $0x7;
	[tilespmem:$0x140] =	vst v0;
	v0 =	vor.u32 v59, v58  }
0x450: {  	v62 =	vshll.u32 v51, $0x7;
	[tilespmem:$0x150] =	vst v0;
	v0 =	vor.u32 v61, v60  }
0x451: {  	[tilespmem:$0x160] =	vst v0;
	v0 =	vor.u32 v63, v62  }
0x452: {  	s20 =	simm.s32 $0x100;
	[tilespmem:$0x170] =	vst v0  }
0x453: {  	[tilespmem:s5], [sflag:$0x1] =	stream.indirect.gather [hbm4b:s9+s31], $0x80, s20, s31, $0xb8;
	[tilespmem:$0x10700] =	vst v63  }
0x454: {  	_ =	swait.ge [sflag:s29], $0x4000  }
0x455: {  	[sflag:s29] =	ssyncset.done $0x0  }
0x456: {  	s18 =	simm.s32 $0xC480;
	[sflag:s29] =	ssyncadd.s32 $0xFFFFC000  }
0x457: {  	[tilespmem:s28], [sflag:$0xE] =	stream.indirect.gather.add.f32 [hbm:s3], $0x80, s18, s31, $0xb8;
	[tilespmem:$0x10700] =	vst v63  }
0x458: {  	_ =	swait.ge [sflag:s7], $0x4000  }
0x459: {  	s19 =	sshll.u32 s15, $0x9;
	s18 =	rddreg [dreg:$0x13]  }
0x45a: {  	s11 =	sadd.s32 s19, s18  }
0x45b: {  	[sflag:s7] =	ssyncset.done $0x0;
	s11 =	sshrl.u32 s11, $0x3  }
0x45c: {  	[sflag:s7] =	ssyncadd.s32 $0xFFFFC000;
	s19 =	simm.s32 $0x8300;
	s20 =	sadd.s32 s0, s11  }
0x45d: {  	[tilespmem:s19], [sflag:$0xC] =	stream.linear.gather [hbm4b:s20+s8], $0x80, $0x38;
	[tilespmem:$0x10700] =	vst v63  }
0x45e: {  	s11 =	sadd.s32 s1, s11;
	s20 =	simm.s32 $0x8380  }
0x45f: {  	[tilespmem:s20], [sflag:$0xC] =	stream.linear.gather [hbm4b:s11+s8], $0x80, $0x38;
	[tilespmem:$0x10700] =	vst v63  }
.LBB2_13:
0x460: {  	s11 =	simm.s32 $0x85C0  }
0x461: {  	v30 =	vld [tilespmem:s11+$0xC0]  }
0x462: {  	v31 =	vld [tilespmem:s11+$0xD0]  }
0x463: {  	v6 =	vld [tilespmem:s11+$0xFFFFFED0]  }
0x464: {  	v32 =	vld [tilespmem:s11+$0xE0]  }
0x465: {  	v4 =	vld [tilespmem:s11+$0xFFFFFF40]  }
0x466: {  	v34 =	vld [tilespmem:s11+$0xF0]  }
0x467: {  	v5 =	vld [tilespmem:s11+$0xFFFFFF50]  }
0x468: {  	v28 =	vld [tilespmem:s11+$0x100]  }
0x469: {  	v1 =	vld [tilespmem:s11+$0xFFFFFFC0]  }
0x46a: {  	v33 =	vld [tilespmem:s11+$0x110]  }
0x46b: {  	v35 =	vld [tilespmem:s11+$0x120]  }
0x46c: {  	v17 =	vld [tilespmem:s11+$0x40];
	v0 =	vadd.f32 v31, v30;
	v2 =	vmul.f32 v30, v30;
	v3 =	vmul.f32 v31, v31  }
0x46d: {  	v29 =	vld [tilespmem:s11+$0xFFFFFF60];
	v7 =	vmul.f32 v32, v32  }
0x46e: {  	v9 =	vmul.f32 v28, v28;
	v0 =	vadd.f32 v32, v0;
	v2 =	vadd.f32 v3, v2;
	v3 =	vld [tilespmem:s11+$0xFFFFFFD0]  }
0x46f: {  	v56 =	vld [tilespmem:s11+$0x130];
	v10 =	vmul.f32 v4, v4;
	v12 =	vmul.f32 v5, v5  }
0x470: {  	v8 =	vadd.f32 v34, v0;
	v2 =	vadd.f32 v7, v2;
	v7 =	vmul.f32 v34, v34;
	v0 =	vld [tilespmem:s11+$0xFFFFFEC0]  }
0x471: {  	v36 =	vld [tilespmem:s11+$0xFFFFFEE0];
	v11 =	vadd.f32 v5, v4;
	v49 =	vmul.f32 v33, v33;
	v10 =	vadd.f32 v12, v10  }
0x472: {  	v50 =	vmul.f32 v35, v35;
	v8 =	vadd.f32 v28, v8;
	v7 =	vadd.f32 v7, v2;
	v2 =	vld [tilespmem:s11+$0x50];
	[tilespmem:$0x1FD60] =	vst v17  }
0x473: {  	v12 =	vmul.f32 v1, v1;
	v11 =	vadd.f32 v29, v11;
	v13 =	vmul.f32 v3, v3;
	v41 =	vld [tilespmem:s11+$0xFFFFFEF0]  }
0x474: {  	v14 =	vmul.f32 v6, v6;
	v39 =	vld [tilespmem:s11+$0xFFFFFF70];
	v8 =	vadd.f32 v33, v8;
	v7 =	vadd.f32 v9, v7  }
0x475: {  	v15 =	vadd.f32 v3, v1;
	v16 =	vadd.f32 v13, v12;
	v12 =	vld [tilespmem:s11+$0xFFFFFFE0];
	v21 =	vmul.f32 v0, v0  }
0x476: {  	v22 =	vmul.f32 v36, v36;
	v62 =	vld [tilespmem:s11+$0xFFFFFF80];
	v8 =	vadd.f32 v35, v8;
	v7 =	vadd.f32 v49, v7  }
0x477: {  	v37 =	vld [tilespmem:s11+$0xFFFFFFF0];
	v13 =	vmul.f32 v56, v56;
	v20 =	vadd.f32 v6, v0;
	v14 =	vadd.f32 v14, v21  }
0x478: {  	v63 =	vld [tilespmem:s11+$0xFFFFFF00];
	v19 =	vmul.f32 v2, v2;
	v8 =	vadd.f32 v56, v8;
	v9 =	vadd.f32 v50, v7  }
0x479: {  	v42 =	vld [tilespmem:s11+$0x0];
	v11 =	vadd.f32 v39, v11;
	v14 =	vadd.f32 v22, v14;
	v22 =	vmul.f32 v41, v41  }
0x47a: {  	v52 =	vld [tilespmem:s11+$0xFFFFFF90];
	v7 =	vmovc v17;
	v17 =	vmul.f32 v17, v17;
	v9 =	vadd.f32 v13, v9;
	v15 =	vadd.f32 v12, v15  }
0x47b: {  	v40 =	vld [tilespmem:s11+$0x80];
	v13 =	vperm.xlane v8, v53;
	v11 =	vadd.f32 v62, v11;
	v18 =	vadd.f32 v2, v7  }
0x47c: {  	v55 =	vld [tilespmem:s11+$0xFFFFFFA0];
	v23 =	vmul.f32 v12, v12;
	v14 =	vadd.f32 v22, v14;
	v17 =	vadd.f32 v19, v17  }
0x47d: {  	v7 =	vld [tilespmem:s11+$0x60];
	v19 =	vadd.f32 v36, v20;
	v8 =	vadd.f32 v13, v8;
	v13 =	vperm.xlane v9, v53  }
0x47e: {  	v59 =	vld [tilespmem:s11+$0xFFFFFFB0];
	v20 =	vmul.f32 v29, v29;
	v15 =	vadd.f32 v37, v15;
	v16 =	vadd.f32 v23, v16  }
0x47f: {  	v49 =	vld [tilespmem:s11+$0x10];
	v23 =	vmul.f32 v37, v37;
	v11 =	vadd.f32 v52, v11;
	v9 =	vadd.f32 v13, v9  }
0x480: {  	v48 =	vld [tilespmem:s11+$0xFFFFFF10];
	v19 =	vadd.f32 v41, v19;
	v10 =	vadd.f32 v20, v10  }
0x481: {  	v54 =	vld [tilespmem:s11+$0x20];
	v21 =	vperm.xlane v8, v44;
	v15 =	vadd.f32 v42, v15;
	v16 =	vadd.f32 v23, v16  }
0x482: {  	v13 =	vld [tilespmem:s11+$0x70];
	v11 =	vadd.f32 v55, v11;
	v18 =	vadd.f32 v7, v18;
	v24 =	vmul.f32 v7, v7  }
0x483: {  	v57 =	vld [tilespmem:s11+$0xFFFFFF20];
	v8 =	vadd.f32 v21, v8;
	v21 =	vperm.xlane v9, v44;
	v19 =	vadd.f32 v63, v19  }
0x484: {  	v58 =	vld [tilespmem:s11+$0x30];
	v51 =	vmul.f32 v42, v42;
	v15 =	vadd.f32 v49, v15;
	v11 =	vadd.f32 v59, v11  }
0x485: {  	v20 =	vperm.xlane v8, v45;
	v9 =	vadd.f32 v21, v9;
	v17 =	vadd.f32 v24, v17  }
0x486: {  	v61 =	vld [tilespmem:s11+$0x90];
	v21 =	vmul.f32 v39, v39;
	v19 =	vadd.f32 v48, v19;
	v15 =	vadd.f32 v54, v15  }
0x487: {  	v60 =	vld [tilespmem:s11+$0xFFFFFF30];
	v22 =	vmul.f32 v62, v62;
	v18 =	vadd.f32 v13, v18;
	v8 =	vadd.f32 v20, v8  }
0x488: {  	v24 =	vmul.f32 v13, v13;
	v10 =	vadd.f32 v21, v10;
	v19 =	vadd.f32 v57, v19  }
0x489: {  	v20 =	vperm.xlane v9, v45;
	v15 =	vadd.f32 v58, v15;
	v18 =	vadd.f32 v40, v18  }
0x48a: {  	v17 =	vadd.f32 v24, v17;
	v24 =	vmul.f32 v57, v57;
	v25 =	vperm.xlane v8, v47  }
0x48b: {  	v50 =	vld [tilespmem:s11+$0xA0];
	v9 =	vadd.f32 v20, v9;
	v20 =	vmul.f32 v63, v63;
	v10 =	vadd.f32 v22, v10  }
0x48c: {  	v22 =	vmul.f32 v52, v52;
	v19 =	vadd.f32 v60, v19;
	v18 =	vadd.f32 v61, v18  }
0x48d: {  	v38 =	vld [tilespmem:s11+$0xB0];
	v8 =	vadd.f32 v25, v8;
	v21 =	vperm.xlane v9, v47;
	v14 =	vadd.f32 v20, v14  }
0x48e: {  	v20 =	vmul.f32 v48, v48;
	v10 =	vadd.f32 v22, v10;
	v22 =	vmul.f32 v55, v55  }
0x48f: {  	v25 =	vmul.f32 v60, v60;
	v46 =	vmul.f32 $7.812500000e-03, v8;
	v8 =	vadd.f32 v21, v9  }
0x490: {  	v18 =	vadd.f32 v50, v18;
	v21 =	vmul.f32 v40, v40;
	v9 =	vadd.f32 v51, v16  }
0x491: {  	v20 =	vadd.f32 v20, v14;
	v8 =	vmul.f32 $7.812500000e-03, v8;
	v23 =	vmul.f32 v46, v46  }
0x492: {  	v16 =	vmul.f32 v49, v49;
	v10 =	vadd.f32 v22, v10;
	v18 =	vadd.f32 v38, v18  }
0x493: {  	v22 =	vmul.f32 v59, v59;
	v17 =	vadd.f32 v21, v17;
	v8 =	vsub.f32 v8, v23  }
0x494: {  	v9 =	vadd.f32 v16, v9;
	v20 =	vadd.f32 v24, v20;
	v23 =	vmul.f32 v61, v61  }
0x495: {  	v24 =	vmul.f32 v50, v50;
	v10 =	vadd.f32 v22, v10;
	v8 =	vadd.f32 $9.999999960e-13, v8  }
0x496: {  	v22 =	vperm.xlane v11, v53;
	v20 =	vadd.f32 v25, v20;
	v17 =	vadd.f32 v23, v17  }
0x497: {  	v23 =	vmul.f32 v54, v54;
	v14 =	vshrl.u32 v8, $0x1;
	v8 =	vmul.f32 $5.000000000e-01, v8  }
0x498: {  	v17 =	vadd.f32 v24, v17;
	v24 =	vperm.xlane v19, v53;
	v21 =	vsub.s32 $0x5F3759DF, v14  }
0x499: {  	v9 =	vadd.f32 v23, v9;
	v23 =	vmul.f32 v38, v38;
	v16 =	vmul.f32 v21, v8  }
0x49a: {  	v11 =	vadd.f32 v22, v11;
	v22 =	vperm.xlane v10, v53;
	v19 =	vadd.f32 v24, v19  }
0x49b: {  	v17 =	vadd.f32 v23, v17;
	v23 =	vperm.xlane v18, v53;
	v16 =	vmul.f32 v21, v16  }
0x49c: {  	v10 =	vadd.f32 v22, v10;
	v24 =	vperm.xlane v20, v53;
	v25 =	vperm.xlane v19, v44  }
0x49d: {  	v18 =	vadd.f32 v23, v18;
	v23 =	vperm.xlane v17, v53;
	v16 =	vsub.f32 $1.500000000e+00, v16  }
0x49e: {  	v20 =	vadd.f32 v24, v20;
	v24 =	vperm.xlane v11, v44;
	v19 =	vadd.f32 v25, v19  }
0x49f: {  	v17 =	vadd.f32 v23, v17;
	v16 =	vmul.f32 v21, v16;
	v21 =	vmul.f32 v58, v58  }
0x4a0: {  	v23 =	vperm.xlane v20, v44;
	v11 =	vadd.f32 v24, v11;
	v24 =	vperm.xlane v10, v44  }
0x4a1: {  	v25 =	vperm.xlane v19, v45;
	v9 =	vadd.f32 v21, v9;
	v21 =	vperm.xlane v15, v53  }
0x4a2: {  	v20 =	vadd.f32 v23, v20;
	v23 =	vperm.xlane v11, v45;
	v10 =	vadd.f32 v24, v10  }
0x4a3: {  	v15 =	vadd.f32 v21, v15;
	v21 =	vperm.xlane v9, v53  }
0x4a4: {  	v19 =	vadd.f32 v25, v19;
	v11 =	vadd.f32 v23, v11;
	v23 =	vperm.xlane v10, v45  }
0x4a5: {  	v8 =	vmul.f32 v16, v8;
	v22 =	vperm.xlane v15, v44;
	v9 =	vadd.f32 v21, v9  }
0x4a6: {  	v25 =	vperm.xlane v19, v47;
	v21 =	vperm.xlane v18, v44  }
0x4a7: {  	v10 =	vadd.f32 v23, v10;
	v15 =	vadd.f32 v22, v15;
	v22 =	vperm.xlane v9, v44  }
0x4a8: {  	v8 =	vmul.f32 v8, v16;
	v18 =	vadd.f32 v21, v18;
	v21 =	vperm.xlane v17, v44  }
0x4a9: {  	v19 =	vadd.f32 v25, v19;
	v24 =	vperm.xlane v15, v45;
	v9 =	vadd.f32 v22, v9  }
0x4aa: {  	v22 =	vperm.xlane v18, v45;
	v17 =	vadd.f32 v21, v17;
	v21 =	vperm.xlane v20, v45  }
0x4ab: {  	v19 =	vmul.f32 $7.812500000e-03, v19;
	v15 =	vadd.f32 v24, v15;
	v24 =	vperm.xlane v9, v45  }
0x4ac: {  	v18 =	vadd.f32 v22, v18;
	v22 =	vperm.xlane v17, v45;
	v20 =	vadd.f32 v21, v20  }
0x4ad: {  	v21 =	vperm.xlane v11, v47;
	v23 =	vperm.xlane v15, v47;
	v9 =	vadd.f32 v24, v9  }
0x4ae: {  	v24 =	vperm.xlane v18, v47;
	v25 =	vperm.xlane v20, v47;
	v17 =	vadd.f32 v22, v17  }
0x4af: {  	v11 =	vadd.f32 v21, v11;
	v21 =	vperm.xlane v10, v47;
	v15 =	vadd.f32 v23, v15  }
0x4b0: {  	v22 =	vperm.xlane v9, v47;
	v23 =	vperm.xlane v17, v47;
	v20 =	vadd.f32 v25, v20  }
0x4b1: {  	v11 =	vmul.f32 $7.812500000e-03, v11;
	v10 =	vadd.f32 v21, v10;
	v21 =	vmul.f32 $7.812500000e-03, v15  }
0x4b2: {  	v18 =	vadd.f32 v24, v18;
	v15 =	vmul.f32 $7.812500000e-03, v20;
	v20 =	vmul.f32 v19, v19  }
0x4b3: {  	v9 =	vadd.f32 v22, v9;
	v10 =	vmul.f32 $7.812500000e-03, v10;
	v22 =	vmul.f32 v11, v11  }
0x4b4: {  	v18 =	vmul.f32 $7.812500000e-03, v18;
	v17 =	vadd.f32 v23, v17;
	v15 =	vsub.f32 v15, v20  }
0x4b5: {  	v9 =	vmul.f32 $7.812500000e-03, v9;
	v20 =	vmul.f32 v21, v21;
	v10 =	vsub.f32 v10, v22  }
0x4b6: {  	v17 =	vmul.f32 $7.812500000e-03, v17;
	v22 =	vmul.f32 v18, v18;
	v15 =	vadd.f32 $9.999999960e-13, v15  }
0x4b7: {  	v9 =	vsub.f32 v9, v20;
	v10 =	vadd.f32 $9.999999960e-13, v10  }
0x4b8: {  	v8 =	vsub.f32 $1.500000000e+00, v8;
	v17 =	vsub.f32 v17, v22;
	v20 =	vshrl.u32 v15, $0x1  }
0x4b9: {  	v9 =	vadd.f32 $9.999999960e-13, v9;
	v15 =	vmul.f32 $5.000000000e-01, v15;
	v22 =	vshrl.u32 v10, $0x1  }
0x4ba: {  	v17 =	vadd.f32 $9.999999960e-13, v17;
	v10 =	vmul.f32 $5.000000000e-01, v10;
	v20 =	vsub.s32 $0x5F3759DF, v20  }
0x4bb: {  	v22 =	vsub.s32 $0x5F3759DF, v22;
	v23 =	vshrl.u32 v9, $0x1;
	v9 =	vmul.f32 $5.000000000e-01, v9  }
0x4bc: {  	v25 =	vmul.f32 v20, v15;
	v26 =	vmul.f32 v22, v10;
	v23 =	vsub.s32 $0x5F3759DF, v23  }
0x4bd: {  	v24 =	vshrl.u32 v17, $0x1;
	v17 =	vmul.f32 $5.000000000e-01, v17;
	v27 =	vmul.f32 v23, v9  }
0x4be: {  	v24 =	vsub.s32 $0x5F3759DF, v24;
	v25 =	vmul.f32 v20, v25;
	v26 =	vmul.f32 v22, v26  }
0x4bf: {  	v8 =	vmul.f32 v8, v16;
	v51 =	vmul.f32 v24, v17  }
0x4c0: {  	v27 =	vmul.f32 v23, v27;
	v25 =	vsub.f32 $1.500000000e+00, v25;
	v26 =	vsub.f32 $1.500000000e+00, v26  }
0x4c1: {  	v28 =	vmul.f32 v8, v28;
	v51 =	vmul.f32 v24, v51  }
0x4c2: {  	v27 =	vsub.f32 $1.500000000e+00, v27;
	v16 =	vmul.f32 v20, v25;
	v22 =	vmul.f32 v22, v26  }
0x4c3: {  	v20 =	vsub.f32 $1.500000000e+00, v51;
	v25 =	vmul.f32 v8, v56;
	v26 =	vmul.f32 v8, v30  }
0x4c4: {  	v30 =	vmul.f32 v8, v32;
	v56 =	vmul.f32 v8, v33  }
0x4c5: {  	v23 =	vmul.f32 v23, v27;
	v20 =	vmul.f32 v24, v20  }
0x4c6: {  	v24 =	vmul.f32 v8, v46;
	v15 =	vmul.f32 v16, v15  }
0x4c7: {  	v10 =	vmul.f32 v22, v10;
	v9 =	vmul.f32 v23, v9  }
0x4c8: {  	v15 =	vmul.f32 v15, v16;
	v17 =	vmul.f32 v20, v17  }
0x4c9: {  	v10 =	vmul.f32 v10, v22;
	v9 =	vmul.f32 v9, v23  }
0x4ca: {  	v27 =	vmul.f32 v8, v31;
	v15 =	vsub.f32 $1.500000000e+00, v15;
	v17 =	vmul.f32 v17, v20  }
0x4cb: {  	v31 =	vmul.f32 v8, v34;
	v10 =	vsub.f32 $1.500000000e+00, v10;
	v9 =	vsub.f32 $1.500000000e+00, v9  }
0x4cc: {  	v8 =	vmul.f32 v8, v35;
	v16 =	vmul.f32 v15, v16;
	v15 =	vsub.f32 $1.500000000e+00, v17  }
0x4cd: {  	v14 =	vsub.f32 v30, v24;
	v10 =	vmul.f32 v10, v22;
	v9 =	vmul.f32 v9, v23  }
0x4ce: {  	v46 =	vsub.f32 v28, v24;
	v17 =	vmul.f32 v15, v20;
	v19 =	vmul.f32 v16, v19  }
0x4cf: {  	v22 =	vsub.f32 v26, v24;
	v23 =	vmul.f32 v16, v0;
	v6 =	vmul.f32 v16, v6  }
0x4d0: {  	v20 =	vsub.f32 v25, v24;
	v25 =	vmul.f32 v16, v36;
	v26 =	vmul.f32 v16, v41  }
0x4d1: {  	v15 =	vsub.f32 v27, v24;
	v27 =	vmul.f32 v16, v63;
	v28 =	vmul.f32 v16, v48  }
0x4d2: {  	v48 =	vsub.f32 v8, v24;
	v8 =	vmul.f32 v16, v57;
	v16 =	vmul.f32 v16, v60  }
0x4d3: {  	v51 =	vsub.f32 v31, v24;
	v11 =	vmul.f32 v10, v11;
	v4 =	vmul.f32 v10, v4  }
0x4d4: {  	v56 =	vsub.f32 v56, v24;
	v5 =	vmul.f32 v10, v5;
	v24 =	vmul.f32 v10, v29  }
0x4d5: {  	v29 =	vmul.f32 v10, v39;
	v30 =	vmul.f32 v10, v62  }
0x4d6: {  	v31 =	vmul.f32 v10, v52;
	v23 =	vsub.f32 v23, v19;
	v6 =	vsub.f32 v6, v19  }
0x4d7: {  	v41 =	vmul.f32 v10, v55;
	v25 =	vsub.f32 v25, v19;
	v26 =	vsub.f32 v26, v19  }
0x4d8: {  	v10 =	vmul.f32 v10, v59;
	v27 =	vsub.f32 v27, v19;
	v28 =	vsub.f32 v28, v19  }
0x4d9: {  	v8 =	vsub.f32 v8, v19;
	v21 =	vmul.f32 v9, v21;
	v1 =	vmul.f32 v9, v1  }
0x4da: {  	v16 =	vsub.f32 v16, v19;
	v3 =	vmul.f32 v9, v3;
	v12 =	vmul.f32 v9, v12  }
0x4db: {  	v4 =	vsub.f32 v4, v11;
	v19 =	vmul.f32 v9, v37;
	v43 =	vmul.f32 v9, v42  }
0x4dc: {  	v5 =	vsub.f32 v5, v11;
	v52 =	vmul.f32 v9, v49;
	v54 =	vmul.f32 v9, v54  }
0x4dd: {  	v9 =	vmul.f32 v9, v58;
	v24 =	vsub.f32 v24, v11;
	v29 =	vsub.f32 v29, v11  }
0x4de: {  	v0 =	vld [tilespmem:$0x1FD60];
	v18 =	vmul.f32 v17, v18;
	v30 =	vsub.f32 v30, v11;
	v2 =	vmul.f32 v17, v2  }
0x4df: {  	v31 =	vsub.f32 v31, v11;
	v55 =	vmul.f32 v17, v13;
	v33 =	vsub.f32 v43, v21;
	v43 =	vld [tilespmem:$0x1FEC0]  }
0x4e0: {  	v39 =	vld [tilespmem:$0x1FE50];
	v36 =	vsub.f32 v41, v11;
	v10 =	vsub.f32 v10, v11;
	v7 =	vmul.f32 v17, v7  }
0x4e1: {  	v13 =	vmul.f32 v17, v40;
	v57 =	vmul.f32 v17, v61;
	v11 =	vsub.f32 v55, v18;
	v55 =	vld [tilespmem:$0x1FF40]  }
0x4e2: {  	v58 =	vmul.f32 v17, v38;
	v41 =	vld [tilespmem:$0x1FF00];
	v1 =	vsub.f32 v1, v21;
	v3 =	vsub.f32 v3, v21  }
0x4e3: {  	v12 =	vsub.f32 v12, v21;
	v37 =	vsub.f32 v19, v21;
	v19 =	vmul.f32 v17, v50;
	v50 =	vld [tilespmem:$0x1FE70]  }
0x4e4: {  	v60 =	vld [tilespmem:$0x1FE80];
	v34 =	vsub.f32 v52, v21;
	v0 =	vmul.f32 v17, v0;
	v17 =	vmul.f32 v20, v43  }
0x4e5: {  	v40 =	vld [tilespmem:$0x1FE60];
	v35 =	vsub.f32 v54, v21;
	v9 =	vsub.f32 v9, v21;
	v20 =	vmul.f32 v22, v39  }
0x4e6: {  	v54 =	vld [tilespmem:$0x1FE90];
	v21 =	vmul.f32 v23, v39;
	v23 =	vsub.f32 v13, v18;
	v13 =	vadd.f32 v17, v55  }
0x4e7: {  	v52 =	vld [tilespmem:$0x1FEB0];
	v22 =	vsub.f32 v7, v18;
	v17 =	vadd.f32 v20, v41  }
0x4e8: {  	v7 =	vmul.f32 v25, v50;
	v25 =	vsub.f32 v57, v18;
	v57 =	vld [tilespmem:$0x1FEA0];
	[tilespmem:s11+$0x130] =	vst v13;
	v13 =	vadd.f32 v21, v41  }
0x4e9: {  	[tilespmem:s11+$0xC0] =	vst v17  }
0x4ea: {  	v59 =	vld [tilespmem:$0x1FF10];
	[tilespmem:s11+$0xFFFFFEC0] =	vst v13  }
0x4eb: {  	v61 =	vld [tilespmem:$0x1FF20];
	_ =	sdelay $0x1  }
0x4ec: {  	v6 =	vmul.f32 v6, v40;
	_ =	sdelay $0x1  }
0x4ed: {  	v21 =	vmul.f32 v5, v40;
	v5 =	vadd.f32 v6, v59  }
0x4ee: {  	v6 =	vadd.f32 v7, v61  }
0x4ef: {  	[tilespmem:s11+$0xFFFFFED0] =	vst v5  }
0x4f0: {  	v62 =	vld [tilespmem:$0x1FF30];
	[tilespmem:s11+$0xFFFFFEE0] =	vst v6  }
0x4f1: {  	v63 =	vld [tilespmem:$0x1FED0]  }
0x4f2: {  	v2 =	vsub.f32 v2, v18;
	v58 =	vsub.f32 v58, v18;
	v4 =	vmul.f32 v4, v39  }
0x4f3: {  	v38 =	vsub.f32 v19, v18;
	v0 =	vsub.f32 v0, v18;
	v18 =	vmul.f32 v26, v60  }
0x4f4: {  	v19 =	vmul.f32 v27, v54;
	v8 =	vmul.f32 v8, v52  }
0x4f5: {  	v24 =	vmul.f32 v24, v50;
	v27 =	vmul.f32 v29, v60;
	v5 =	vadd.f32 v18, v62  }
0x4f6: {  	v20 =	vmul.f32 v16, v43;
	v16 =	vmul.f32 v1, v39;
	v1 =	vadd.f32 v19, v63  }
0x4f7: {  	v32 =	vmul.f32 v30, v54;
	v29 =	vmul.f32 v37, v60;
	[tilespmem:s11+$0xFFFFFEF0] =	vst v5  }
0x4f8: {  	v42 =	vmul.f32 v58, v43;
	v19 =	vmul.f32 v3, v40;
	v3 =	vld [tilespmem:$0x1FEE0];
	[tilespmem:s11+$0xFFFFFF00] =	vst v1  }
0x4f9: {  	v17 =	vmul.f32 v12, v50;
	v12 =	vmul.f32 v9, v43;
	v37 =	vld [tilespmem:$0x1FEF0]  }
0x4fa: {  	v26 =	vmul.f32 v28, v57;
	v30 =	vmul.f32 v31, v57  }
0x4fb: {  	v28 =	vmul.f32 v10, v43;
	v31 =	vmul.f32 v34, v57  }
0x4fc: {  	v13 =	vmul.f32 v36, v52;
	v5 =	vmul.f32 v0, v39;
	v0 =	vadd.f32 v4, v41  }
0x4fd: {  	v7 =	vmul.f32 v35, v52;
	v6 =	vmul.f32 v2, v40;
	v3 =	vadd.f32 v26, v3  }
0x4fe: {  	v18 =	vmul.f32 v33, v54;
	v33 =	vadd.f32 v24, v61;
	[tilespmem:s11+$0xFFFFFF40] =	vst v0;
	v1 =	vadd.f32 v8, v37  }
0x4ff: {  	v2 =	vmul.f32 v23, v54;
	v34 =	vadd.f32 v27, v62;
	[tilespmem:s11+$0xFFFFFF10] =	vst v3;
	v3 =	vadd.f32 v20, v55  }
0x500: {  	v24 =	vmovc v62;
	v4 =	vmul.f32 v22, v50;
	v22 =	vmov v59;
	v8 =	vadd.f32 v21, v59;
	[tilespmem:s11+$0xFFFFFF20] =	vst v1  }
0x501: {  	v0 =	vmul.f32 v38, v52;
	v26 =	vmovc v41;
	v41 =	vmul.f32 v15, v40;
	v15 =	vmov v63;
	[tilespmem:s11+$0xFFFFFF30] =	vst v3  }
0x502: {  	s18 =	simm.s32 $0x0;
	s19 =	simm.s32 $0x8840;
	v20 =	vmovc v61;
	v21 =	vmov v55;
	v3 =	vmul.f32 v11, v60;
	v1 =	vmul.f32 v25, v57;
	[tilespmem:s11+$0xFFFFFF50] =	vst v8  }
.LBB2_14:
0x503: {  	v55 =	vld [tilespmem:s19+$0xC0]  }
0x504: {  	v8 =	vadd.f32 v32, v15;
	v9 =	vmul.f32 v14, v50;
	v32 =	vld [tilespmem:s19+$0xD0];
	[tilespmem:s11+$0xFFFFFF70] =	vst v34  }
0x505: {  	v23 =	vld [tilespmem:$0x1FEE0];
	v10 =	vmul.f32 v46, v54;
	[tilespmem:s11+$0xFFFFFF60] =	vst v33  }
0x506: {  	v35 =	vld [tilespmem:s19+$0xFFFFFED0];
	[tilespmem:$0x1FD00] =	vst v9  }
0x507: {  	v59 =	vld [tilespmem:s19+$0xE0];
	v34 =	vadd.f32 v19, v22;
	[tilespmem:$0x1FD20] =	vst v10  }
0x508: {  	v46 =	vld [tilespmem:s19+$0xF0];
	v7 =	vadd.f32 v7, v37;
	[tilespmem:s11+$0xFFFFFF80] =	vst v8  }
0x509: {  	v60 =	vmul.f32 v51, v60;
	v51 =	vld [tilespmem:s19+$0x100];
	v5 =	vadd.f32 v5, v26;
	[tilespmem:s11+$0xFFFFFFD0] =	vst v34  }
0x50a: {  	v33 =	vadd.f32 v16, v26;
	v34 =	vld [tilespmem:s19+$0x40];
	[tilespmem:s11+$0x20] =	vst v7  }
0x50b: {  	v6 =	vadd.f32 v6, v22;
	v8 =	vadd.f32 v13, v37;
	v37 =	vld [tilespmem:s19+$0x50];
	[tilespmem:s11+$0x40] =	vst v5  }
0x50c: {  	v62 =	vmul.f32 v56, v57;
	v43 =	vadd.f32 v18, v15;
	v56 =	vld [tilespmem:s19+$0x110];
	v63 =	vadd.f32 v28, v21;
	[tilespmem:s11+$0xFFFFFFC0] =	vst v33  }
0x50d: {  	v11 =	vmul.f32 v48, v52;
	v52 =	vadd.f32 v12, v21;
	v39 =	vld [tilespmem:s19+$0xFFFFFF40];
	v13 =	vadd.f32 v29, v24;
	[tilespmem:s11+$0x50] =	vst v6  }
0x50e: {  	v6 =	vld [tilespmem:$0x1FED0];
	[tilespmem:s11+$0xFFFFFFA0] =	vst v8;
	v8 =	vadd.f32 v17, v20;
	v4 =	vadd.f32 v4, v20  }
0x50f: {  	v38 =	vld [tilespmem:s19+$0xFFFFFFC0];
	[tilespmem:s11+$0xFFFFFFF0] =	vst v13;
	v61 =	vadd.f32 v30, v23;
	v14 =	vadd.f32 v31, v23  }
0x510: {  	v31 =	vld [tilespmem:s19+$0xFFFFFF50];
	v15 =	vadd.f32 v32, v55;
	v16 =	vmul.f32 v55, v55;
	v17 =	vmul.f32 v32, v32;
	[tilespmem:s11+$0xFFFFFFE0] =	vst v8  }
0x511: {  	v48 =	vld [tilespmem:s19+$0x120];
	v3 =	vadd.f32 v3, v24;
	v9 =	vmul.f32 v35, v35;
	v1 =	vadd.f32 v1, v23;
	[tilespmem:s11+$0x60] =	vst v4  }
0x512: {  	[tilespmem:s11+$0xFFFFFF90] =	vst v61;
	v12 =	vadd.f32 v59, v15;
	v15 =	vadd.f32 v17, v16;
	v16 =	vmul.f32 v59, v59;
	v36 =	vld [tilespmem:s19+$0xFFFFFFD0]  }
0x513: {  	v8 =	vmul.f32 v39, v39;
	[tilespmem:s11+$0x10] =	vst v14;
	v14 =	vld [tilespmem:s19+$0x130];
	v4 =	vmul.f32 v34, v34;
	v2 =	vadd.f32 v2, v6  }
0x514: {  	[tilespmem:s11+$0x0] =	vst v43;
	v29 =	vld [tilespmem:s19+$0xFFFFFF60];
	v12 =	vadd.f32 v46, v12;
	v13 =	vadd.f32 v16, v15;
	v15 =	vmul.f32 v46, v46  }
0x515: {  	v30 =	vld [tilespmem:s19+$0xFFFFFFE0];
	v10 =	vadd.f32 v31, v39;
	v16 =	vmul.f32 v31, v31;
	[tilespmem:s11+$0x80] =	vst v2;
	v2 =	vadd.f32 v37, v34  }
0x516: {  	[tilespmem:s11+$0x70] =	vst v3;
	v28 =	vld [tilespmem:s19+$0xFFFFFFF0];
	v12 =	vadd.f32 v51, v12;
	v13 =	vadd.f32 v15, v13;
	v15 =	vmul.f32 v51, v51  }
0x517: {  	v40 =	vld [tilespmem:s19+$0x60];
	v7 =	vadd.f32 v16, v8;
	v8 =	vmul.f32 v38, v38;
	v5 =	vadd.f32 v36, v38  }
0x518: {  	[tilespmem:s11+$0x90] =	vst v1;
	v1 =	vld [tilespmem:$0x1FEF0];
	v54 =	vadd.f32 v56, v12;
	v12 =	vadd.f32 v15, v13;
	v13 =	vmul.f32 v56, v56  }
0x519: {  	v58 =	vmul.f32 v14, v14;
	v15 =	vmul.f32 v36, v36;
	v10 =	vadd.f32 v29, v10  }
0x51a: {  	v49 =	vld [tilespmem:s19+$0xFFFFFEC0];
	v6 =	vadd.f32 v48, v54;
	v57 =	vadd.f32 v13, v12;
	v12 =	vmul.f32 v48, v48  }
0x51b: {  	v43 =	vmul.f32 v29, v29;
	v5 =	vadd.f32 v30, v5;
	v8 =	vadd.f32 v15, v8  }
0x51c: {  	v50 =	vld [tilespmem:s19+$0xFFFFFEE0];
	v16 =	vmul.f32 v30, v30;
	v3 =	vadd.f32 v14, v6;
	v6 =	vadd.f32 v12, v57  }
0x51d: {  	[tilespmem:$0x1FD40] =	vst v11;
	v20 =	vmul.f32 v28, v28;
	v11 =	vadd.f32 v43, v7;
	v0 =	vadd.f32 v0, v1  }
0x51e: {  	v12 =	vmul.f32 v37, v37;
	v6 =	vadd.f32 v58, v6;
	v33 =	vperm.xlane v3, v53  }
0x51f: {  	[tilespmem:$0x1FD10] =	vst v60;
	v60 =	vld [tilespmem:s19+$0xFFFFFEF0];
	v13 =	vmul.f32 v49, v49;
	v1 =	vadd.f32 v35, v49;
	v2 =	vadd.f32 v40, v2  }
0x520: {  	[tilespmem:s11+$0xFFFFFFB0] =	vst v63;
	v54 =	vld [tilespmem:s19+$0xFFFFFF70];
	v12 =	vadd.f32 v12, v4;
	v3 =	vadd.f32 v33, v3;
	v4 =	vperm.xlane v6, v53  }
0x521: {  	[tilespmem:s11+$0x30] =	vst v52;
	v61 =	vld [tilespmem:s19+$0xFFFFFF80];
	v15 =	vmul.f32 v50, v50;
	v19 =	vadd.f32 v28, v5;
	v9 =	vadd.f32 v9, v13  }
0x522: {  	v57 =	vld [tilespmem:s19+$0x0];
	[tilespmem:s11+$0xA0] =	vst v0;
	v1 =	vadd.f32 v50, v1;
	v13 =	vperm.xlane v3, v44;
	v6 =	vadd.f32 v4, v6  }
0x523: {  	v17 =	vmul.f32 v40, v40;
	v8 =	vadd.f32 v16, v8;
	v9 =	vadd.f32 v15, v9;
	v33 =	vld [tilespmem:s19+$0x70]  }
0x524: {  	v0 =	vld [tilespmem:s19+$0xFFFFFF00];
	v18 =	vadd.f32 v60, v1;
	v3 =	vadd.f32 v13, v3;
	v1 =	vperm.xlane v6, v44  }
0x525: {  	v8 =	vadd.f32 v20, v8;
	v10 =	vadd.f32 v54, v10;
	v15 =	vmul.f32 v54, v54  }
0x526: {  	[tilespmem:$0x1FD30] =	vst v62;
	v62 =	vld [tilespmem:s19+$0x10];
	v17 =	vadd.f32 v17, v12;
	v7 =	vperm.xlane v3, v45;
	v6 =	vadd.f32 v1, v6  }
0x527: {  	v10 =	vadd.f32 v61, v10;
	v11 =	vadd.f32 v15, v11;
	v15 =	vmul.f32 v61, v61  }
0x528: {  	v16 =	vadd.f32 v33, v2;
	v3 =	vadd.f32 v7, v3;
	v2 =	vperm.xlane v6, v45  }
0x529: {  	v19 =	vadd.f32 v57, v19;
	v23 =	vmul.f32 v57, v57;
	v18 =	vadd.f32 v0, v18  }
0x52a: {  	v52 =	vld [tilespmem:s19+$0x80];
	v22 =	vmul.f32 v0, v0;
	v12 =	vperm.xlane v3, v47;
	v6 =	vadd.f32 v2, v6  }
0x52b: {  	v4 =	vld [tilespmem:s19+$0xFFFFFF10];
	v11 =	vadd.f32 v15, v11;
	v8 =	vadd.f32 v23, v8;
	v23 =	vmul.f32 v62, v62  }
0x52c: {  	v58 =	vld [tilespmem:s19+$0x90];
	v13 =	vmul.f32 v60, v60;
	v3 =	vadd.f32 v12, v3;
	v12 =	vperm.xlane v6, v47  }
0x52d: {  	v5 =	vld [tilespmem:s19+$0xFFFFFFA0];
	v19 =	vadd.f32 v62, v19;
	v21 =	vmul.f32 v33, v33;
	v8 =	vadd.f32 v23, v8  }
0x52e: {  	v1 =	vld [tilespmem:s19+$0xFFFFFF90];
	v9 =	vadd.f32 v13, v9;
	v20 =	vmul.f32 $7.812500000e-03, v3;
	v3 =	vadd.f32 v12, v6  }
0x52f: {  	v63 =	vld [tilespmem:s19+$0xA0];
	v16 =	vadd.f32 v52, v16;
	v17 =	vadd.f32 v21, v17;
	v21 =	vmul.f32 v52, v52  }
0x530: {  	v18 =	vadd.f32 v4, v18;
	v7 =	vld [tilespmem:s19+$0xFFFFFF20];
	v24 =	vmul.f32 $7.812500000e-03, v3;
	v25 =	vmul.f32 v20, v20  }
0x531: {  	v9 =	vadd.f32 v22, v9;
	v22 =	vmul.f32 v4, v4;
	v16 =	vadd.f32 v58, v16  }
0x532: {  	v13 =	vld [tilespmem:s19+$0xFFFFFF30];
	v17 =	vadd.f32 v21, v17;
	v24 =	vsub.f32 v24, v25  }
0x533: {  	v23 =	vmul.f32 v5, v5;
	v2 =	vld [tilespmem:s19+$0x20];
	v9 =	vadd.f32 v22, v9;
	v10 =	vadd.f32 v1, v10  }
0x534: {  	v15 =	vmul.f32 v1, v1;
	v16 =	vadd.f32 v63, v16;
	v24 =	vadd.f32 $9.999999960e-13, v24  }
0x535: {  	v18 =	vadd.f32 v7, v18;
	v26 =	vmul.f32 v7, v7;
	v10 =	vadd.f32 v5, v10;
	v12 =	vld [tilespmem:s19+$0xFFFFFFB0]  }
0x536: {  	v11 =	vadd.f32 v15, v11;
	v6 =	vld [tilespmem:s19+$0x30];
	v21 =	vshrl.u32 v24, $0x1;
	v22 =	vmul.f32 $5.000000000e-01, v24  }
0x537: {  	v9 =	vadd.f32 v26, v9;
	v26 =	vmul.f32 v13, v13;
	v15 =	vsub.s32 $0x5F3759DF, v21  }
0x538: {  	v19 =	vadd.f32 v2, v19;
	v18 =	vadd.f32 v13, v18;
	v21 =	vmul.f32 v15, v22  }
0x539: {  	v11 =	vadd.f32 v23, v11;
	v9 =	vadd.f32 v26, v9;
	v25 =	vmul.f32 v58, v58  }
0x53a: {  	v3 =	vld [tilespmem:s19+$0xB0];
	v10 =	vadd.f32 v12, v10;
	v23 =	vmul.f32 v12, v12;
	v21 =	vmul.f32 v15, v21  }
0x53b: {  	v19 =	vadd.f32 v6, v19;
	v17 =	vadd.f32 v25, v17;
	v25 =	vmul.f32 v63, v63  }
0x53c: {  	v11 =	vadd.f32 v23, v11;
	v23 =	vperm.xlane v10, v53;
	v21 =	vsub.f32 $1.500000000e+00, v21  }
0x53d: {  	v24 =	vmul.f32 v2, v2;
	v17 =	vadd.f32 v25, v17;
	v25 =	vperm.xlane v18, v53  }
0x53e: {  	v10 =	vadd.f32 v23, v10;
	v23 =	vperm.xlane v11, v53;
	v15 =	vmul.f32 v15, v21  }
0x53f: {  	v8 =	vadd.f32 v24, v8;
	v24 =	vmul.f32 v3, v3;
	v18 =	vadd.f32 v25, v18  }
0x540: {  	v16 =	vadd.f32 v3, v16;
	v21 =	vmul.f32 v6, v6;
	v22 =	vmul.f32 v15, v22  }
0x541: {  	v25 =	vperm.xlane v9, v53;
	v17 =	vadd.f32 v24, v17;
	v27 =	vperm.xlane v18, v44  }
0x542: {  	v8 =	vadd.f32 v21, v8;
	v21 =	vperm.xlane v19, v53;
	v22 =	vmul.f32 v22, v15  }
0x543: {  	v11 =	vadd.f32 v23, v11;
	v24 =	vperm.xlane v16, v53;
	v18 =	vadd.f32 v27, v18  }
0x544: {  	v26 =	vperm.xlane v17, v53;
	v19 =	vadd.f32 v21, v19;
	v21 =	vsub.f32 $1.500000000e+00, v22  }
0x545: {  	v9 =	vadd.f32 v25, v9;
	v24 =	vadd.f32 v24, v16;
	v25 =	vperm.xlane v18, v45  }
0x546: {  	v17 =	vadd.f32 v26, v17;
	v22 =	vperm.xlane v8, v53;
	v16 =	vmul.f32 v21, v15  }
0x547: {  	v18 =	vadd.f32 v25, v18;
	v23 =	vperm.xlane v19, v44;
	v21 =	vperm.xlane v10, v44  }
0x548: {  	v43 =	vld [tilespmem:$0x1FEC0];
	v8 =	vadd.f32 v22, v8;
	v22 =	vperm.xlane v9, v44;
	v15 =	vmul.f32 v16, v20  }
0x549: {  	v19 =	vadd.f32 v23, v19;
	v14 =	vmul.f32 v16, v14;
	v20 =	vperm.xlane v24, v44  }
0x54a: {  	v10 =	vadd.f32 v21, v10;
	v21 =	vperm.xlane v11, v44;
	v9 =	vadd.f32 v22, v9  }
0x54b: {  	v26 =	vld [tilespmem:$0x1FF40];
	v23 =	vperm.xlane v8, v44;
	v14 =	vsub.f32 v14, v15;
	v20 =	vadd.f32 v20, v24  }
0x54c: {  	v24 =	vperm.xlane v17, v44;
	v22 =	vperm.xlane v10, v45;
	v11 =	vadd.f32 v21, v11  }
0x54d: {  	v21 =	vperm.xlane v19, v45;
	v8 =	vadd.f32 v23, v8;
	v14 =	vmul.f32 v14, v43  }
0x54e: {  	v23 =	vperm.xlane v20, v45;
	v17 =	vadd.f32 v24, v17;
	v24 =	vperm.xlane v9, v45  }
0x54f: {  	v10 =	vadd.f32 v22, v10;
	v19 =	vadd.f32 v21, v19;
	v21 =	vperm.xlane v8, v45  }
0x550: {  	v22 =	vperm.xlane v18, v47;
	v14 =	vadd.f32 v14, v26;
	v20 =	vadd.f32 v23, v20  }
0x551: {  	v23 =	vperm.xlane v17, v45;
	v9 =	vadd.f32 v24, v9;
	v24 =	vperm.xlane v10, v47  }
0x552: {  	v8 =	vadd.f32 v21, v8;
	v18 =	vadd.f32 v22, v18;
	[tilespmem:s19+$0x130] =	vst v14;
	v14 =	vperm.xlane v11, v45  }
0x553: {  	v21 =	vperm.xlane v20, v47;
	v22 =	vperm.xlane v9, v47;
	v23 =	vadd.f32 v23, v17  }
0x554: {  	v10 =	vadd.f32 v24, v10;
	v11 =	vadd.f32 v14, v11;
	v14 =	vperm.xlane v19, v47  }
0x555: {  	v24 =	vperm.xlane v8, v47;
	v25 =	vmul.f32 $7.812500000e-03, v18;
	v20 =	vadd.f32 v21, v20  }
0x556: {  	v21 =	vperm.xlane v23, v47;
	v9 =	vadd.f32 v22, v9;
	v14 =	vadd.f32 v14, v19  }
0x557: {  	v22 =	vld [tilespmem:$0x1FF10];
	v17 =	vperm.xlane v11, v47;
	v19 =	vmul.f32 $7.812500000e-03, v10  }
0x558: {  	v9 =	vmul.f32 $7.812500000e-03, v9;
	v18 =	vmul.f32 $7.812500000e-03, v14  }
0x559: {  	v10 =	vadd.f32 v17, v11;
	v17 =	vmul.f32 $7.812500000e-03, v20;
	v14 =	vmul.f32 v25, v25;
	v20 =	vld [tilespmem:$0x1FF40]  }
0x55a: {  	v8 =	vadd.f32 v24, v8;
	v11 =	vadd.f32 v21, v23  }
0x55b: {  	v21 =	vmul.f32 v19, v19;
	v10 =	vmul.f32 $7.812500000e-03, v10;
	v9 =	vsub.f32 v9, v14  }
0x55c: {  	v8 =	vmul.f32 $7.812500000e-03, v8;
	v22 =	vadd.f32 v41, v22;
	v14 =	vmul.f32 v18, v18  }
0x55d: {  	v10 =	vsub.f32 v10, v21;
	v9 =	vadd.f32 $9.999999960e-13, v9  }
0x55e: {  	v11 =	vmul.f32 $7.812500000e-03, v11;
	v8 =	vsub.f32 v8, v14;
	v20 =	vadd.f32 v42, v20  }
0x55f: {  	[tilespmem:s11+$0xD0] =	vst v22;
	v14 =	vmul.f32 v16, v32;
	v10 =	vadd.f32 $9.999999960e-13, v10;
	v22 =	vshrl.u32 v9, $0x1  }
0x560: {  	v9 =	vmul.f32 $5.000000000e-01, v9;
	v8 =	vadd.f32 $9.999999960e-13, v8;
	[tilespmem:s11+$0xB0] =	vst v20;
	v20 =	vmul.f32 v17, v17  }
0x561: {  	v22 =	vsub.s32 $0x5F3759DF, v22;
	v23 =	vshrl.u32 v10, $0x1;
	v10 =	vmul.f32 $5.000000000e-01, v10  }
0x562: {  	v24 =	vshrl.u32 v8, $0x1;
	v8 =	vmul.f32 $5.000000000e-01, v8;
	v11 =	vsub.f32 v11, v20  }
0x563: {  	v27 =	vmul.f32 v22, v9;
	v20 =	vmul.f32 v16, v59  }
0x564: {  	v23 =	vsub.s32 $0x5F3759DF, v23;
	v24 =	vsub.s32 $0x5F3759DF, v24;
	v11 =	vadd.f32 $9.999999960e-13, v11  }
0x565: {  	v14 =	vsub.f32 v14, v15;
	v41 =	vmul.f32 v23, v10;
	v42 =	vmul.f32 v24, v8  }
0x566: {  	v27 =	vmul.f32 v22, v27;
	v26 =	vshrl.u32 v11, $0x1;
	v11 =	vmul.f32 $5.000000000e-01, v11  }
0x567: {  	[tilespmem:$0x1FD50] =	vst v14;
	v14 =	vsub.f32 v20, v15;
	v41 =	vmul.f32 v23, v41;
	v26 =	vsub.s32 $0x5F3759DF, v26  }
0x568: {  	v42 =	vmul.f32 v24, v42;
	v20 =	vsub.f32 $1.500000000e+00, v27;
	v32 =	vmul.f32 v26, v11  }
0x569: {  	v46 =	vmul.f32 v16, v46;
	v41 =	vsub.f32 $1.500000000e+00, v41  }
0x56a: {  	v42 =	vsub.f32 $1.500000000e+00, v42;
	v20 =	vmul.f32 v22, v20;
	v27 =	vmul.f32 v26, v32  }
0x56b: {  	v21 =	vmul.f32 v16, v55;
	v23 =	vmul.f32 v23, v41  }
0x56c: {  	v24 =	vmul.f32 v24, v42;
	v9 =	vmul.f32 v20, v9;
	v22 =	vsub.f32 $1.500000000e+00, v27  }
0x56d: {  	v59 =	vld [tilespmem:$0x1FE50];
	v32 =	vmul.f32 v16, v51;
	v27 =	vmul.f32 v16, v56  }
0x56e: {  	v21 =	vsub.f32 v21, v15;
	v16 =	vmul.f32 v16, v48;
	v22 =	vmul.f32 v26, v22;
	v26 =	vld [tilespmem:$0x1FF20]  }
0x56f: {  	v51 =	vsub.f32 v46, v15;
	v9 =	vmul.f32 v9, v20;
	v56 =	vsub.f32 v27, v15;
	v27 =	vld [tilespmem:$0x1FD00]  }
0x570: {  	v10 =	vmul.f32 v23, v10;
	v46 =	vsub.f32 v32, v15;
	v48 =	vsub.f32 v16, v15;
	v15 =	vld [tilespmem:$0x1FF00]  }
0x571: {  	v8 =	vmul.f32 v24, v8;
	v9 =	vsub.f32 $1.500000000e+00, v9  }
0x572: {  	v55 =	vld [tilespmem:$0x1FD10];
	v21 =	vmul.f32 v21, v59;
	v10 =	vmul.f32 v10, v23  }
0x573: {  	v8 =	vmul.f32 v8, v24;
	v9 =	vmul.f32 v9, v20;
	v20 =	vld [tilespmem:$0x1FED0]  }
0x574: {  	v10 =	vsub.f32 $1.500000000e+00, v10;
	v26 =	vadd.f32 v27, v26;
	v27 =	vld [tilespmem:$0x1FF30]  }
0x575: {  	v8 =	vsub.f32 $1.500000000e+00, v8;
	v15 =	vadd.f32 v21, v15;
	v21 =	vld [tilespmem:$0x1FD20]  }
0x576: {  	v11 =	vmul.f32 v22, v11  }
0x577: {  	v10 =	vmul.f32 v10, v23;
	v8 =	vmul.f32 v8, v24  }
0x578: {  	v16 =	vmul.f32 v9, v25;
	v23 =	vmul.f32 v9, v50  }
0x579: {  	v24 =	vmul.f32 v9, v60;
	v0 =	vmul.f32 v9, v0;
	v27 =	vadd.f32 v55, v27  }
0x57a: {  	v41 =	vld [tilespmem:$0x1FEE0];
	v4 =	vmul.f32 v9, v4;
	v7 =	vmul.f32 v9, v7;
	[tilespmem:s11+$0xE0] =	vst v26;
	v20 =	vadd.f32 v21, v20  }
0x57b: {  	v25 =	vld [tilespmem:$0x1FD40];
	v11 =	vmul.f32 v11, v22;
	v19 =	vmul.f32 v10, v19;
	v0 =	vsub.f32 v0, v16;
	[tilespmem:s11+$0xF0] =	vst v27  }
0x57c: {  	v4 =	vsub.f32 v4, v16;
	v1 =	vmul.f32 v10, v1;
	v5 =	vmul.f32 v10, v5;
	[tilespmem:s11+$0x100] =	vst v20;
	v20 =	vld [tilespmem:$0x1FEF0]  }
0x57d: {  	v28 =	vmul.f32 v8, v28;
	v2 =	vmul.f32 v8, v2;
	v11 =	vsub.f32 $1.500000000e+00, v11;
	[tilespmem:s19+$0xC0] =	vst v15;
	v15 =	vld [tilespmem:$0x1FD30]  }
0x57e: {  	v7 =	vsub.f32 v7, v16;
	v6 =	vmul.f32 v8, v6;
	v26 =	vmul.f32 v10, v61  }
0x57f: {  	v1 =	vsub.f32 v1, v19;
	v11 =	vmul.f32 v11, v22;
	v22 =	vmul.f32 v9, v35  }
0x580: {  	v21 =	vmul.f32 v9, v49;
	v9 =	vmul.f32 v9, v13;
	v13 =	vsub.f32 v23, v16  }
0x581: {  	v23 =	vmul.f32 v10, v31;
	v17 =	vmul.f32 v11, v17;
	v20 =	vadd.f32 v25, v20  }
0x582: {  	v40 =	vmul.f32 v11, v40;
	v61 =	vmul.f32 v11, v63;
	v15 =	vadd.f32 v15, v41  }
0x583: {  	v5 =	vsub.f32 v5, v19;
	v25 =	vmul.f32 v10, v54;
	[tilespmem:s11+$0x120] =	vst v20;
	v20 =	vmul.f32 v10, v39  }
0x584: {  	[tilespmem:s11+$0x110] =	vst v15;
	v15 =	vsub.f32 v22, v16;
	v22 =	vsub.f32 v24, v16;
	v24 =	vmul.f32 v10, v29  }
0x585: {  	v21 =	vsub.f32 v21, v16;
	v10 =	vmul.f32 v10, v12;
	v12 =	vmul.f32 v8, v18  }
0x586: {  	v9 =	vsub.f32 v9, v16;
	v16 =	vmul.f32 v8, v38;
	v18 =	vmul.f32 v8, v36  }
0x587: {  	v26 =	vsub.f32 v26, v19;
	v27 =	vmul.f32 v8, v30;
	v30 =	vmul.f32 v8, v62  }
0x588: {  	v60 =	vld [tilespmem:$0x1FE80];
	v29 =	vmul.f32 v8, v57;
	v16 =	vsub.f32 v16, v12;
	v18 =	vsub.f32 v18, v12  }
0x589: {  	v49 =	vld [tilespmem:$0x1FE60];
	v62 =	vmul.f32 v21, v59;
	v21 =	vsub.f32 v27, v12;
	v27 =	vsub.f32 v28, v12  }
0x58a: {  	v50 =	vld [tilespmem:$0x1FE70];
	v3 =	vmul.f32 v11, v3;
	v63 =	vsub.f32 v29, v12;
	v55 =	vsub.f32 v30, v12  }
0x58b: {  	v33 =	vmul.f32 v11, v33;
	v2 =	vsub.f32 v2, v12;
	v6 =	vsub.f32 v6, v12;
	v12 =	vld [tilespmem:$0x1FF10]  }
0x58c: {  	v42 =	vmul.f32 v11, v58;
	v36 =	vsub.f32 v61, v17;
	v61 =	vsub.f32 v3, v17;
	v3 =	vld [tilespmem:$0x1FF00]  }
0x58d: {  	v31 =	vmul.f32 v11, v37;
	v37 =	vld [tilespmem:$0x1FEF0];
	v23 =	vsub.f32 v23, v19;
	v58 =	vsub.f32 v40, v17  }
0x58e: {  	v33 =	vsub.f32 v33, v17;
	v35 =	vsub.f32 v42, v17;
	v54 =	vld [tilespmem:$0x1FE90];
	v15 =	vmul.f32 v15, v49  }
0x58f: {  	v8 =	vsub.f32 v25, v19;
	v25 =	vmul.f32 v11, v34;
	v34 =	vmul.f32 v11, v52;
	v52 =	vld [tilespmem:$0x1FEB0]  }
0x590: {  	v13 =	vmul.f32 v13, v50;
	v24 =	vsub.f32 v24, v19;
	v12 =	vadd.f32 v15, v12;
	v15 =	vld [tilespmem:$0x1FED0]  }
0x591: {  	v9 =	vmul.f32 v9, v43;
	v57 =	vld [tilespmem:$0x1FEA0];
	v20 =	vsub.f32 v20, v19;
	v3 =	vadd.f32 v62, v3  }
0x592: {  	v10 =	vsub.f32 v10, v19;
	v62 =	vmul.f32 v23, v49;
	v23 =	vmul.f32 v24, v50;
	v24 =	vld [tilespmem:$0x1FF30]  }
0x593: {  	v19 =	vmul.f32 v22, v60;
	v22 =	vsub.f32 v25, v17;
	v0 =	vmul.f32 v0, v54;
	[tilespmem:s19+$0xFFFFFEC0] =	vst v3;
	v3 =	vld [tilespmem:$0x1FF20]  }
0x594: {  	v25 =	vsub.f32 v31, v17;
	v8 =	vmul.f32 v8, v60;
	v32 =	vmul.f32 v26, v54;
	v26 =	vld [tilespmem:$0x1FF00]  }
0x595: {  	v42 =	vmul.f32 v61, v43;
	v7 =	vmul.f32 v7, v52;
	v0 =	vadd.f32 v0, v15  }
0x596: {  	v34 =	vsub.f32 v34, v17;
	v20 =	vmul.f32 v20, v59;
	v28 =	vmul.f32 v10, v43  }
0x597: {  	v17 =	vmul.f32 v21, v50;
	v4 =	vmul.f32 v4, v57;
	[tilespmem:s19+$0xFFFFFF00] =	vst v0;
	v0 =	vadd.f32 v7, v37  }
0x598: {  	v21 =	vld [tilespmem:$0x1FF40];
	v30 =	vmul.f32 v1, v57;
	v1 =	vadd.f32 v19, v24;
	v3 =	vadd.f32 v13, v3  }
0x599: {  	v13 =	vmul.f32 v5, v52;
	v5 =	vmul.f32 v22, v59;
	v22 =	vld [tilespmem:$0x1FF10];
	[tilespmem:s19+$0xFFFFFF20] =	vst v0;
	v0 =	vadd.f32 v20, v26  }
0x59a: {  	s18 =	sadd.s32 $0x5, s18;
	[tilespmem:s19+$0xFFFFFEF0] =	vst v1;
	v7 =	vmul.f32 v2, v52;
	v2 =	vmul.f32 v34, v54;
	v34 =	vadd.f32 v8, v24;
	v8 =	vld [tilespmem:$0x1FD50]  }
0x59b: {  	p1 =	slt.u32 s18, $0x78;
	v16 =	vmul.f32 v16, v59;
	v29 =	vmul.f32 v27, v60;
	v1 =	vadd.f32 v4, v41;
	[tilespmem:s19+$0xFFFFFF40] =	vst v0;
	v0 =	vld [tilespmem:$0x1FF20]  }
.Ltmp8:
0x59c: {  	v31 =	vmul.f32 v55, v57;
	[tilespmem:s19+$0xFFFFFED0] =	vst v12;
	v12 =	vmul.f32 v6, v43;
	(pc) =	sbr.rel @p1 .LBB2_14-.Ltmp8, $4  }
0x59d: {  	v6 =	vmul.f32 v25, v49;
	v19 =	vmul.f32 v18, v49;
	[tilespmem:s19+$0xFFFFFF10] =	vst v1;
	v1 =	vadd.f32 v9, v21  }
0x59e: {  	v18 =	vmul.f32 v63, v54;
	v4 =	vmul.f32 v58, v50;
	[tilespmem:s19+$0xFFFFFEE0] =	vst v3;
	v63 =	vadd.f32 v62, v22  }
0x59f: {  	s11 =	smov.u32 s19;
	v3 =	vmul.f32 v33, v60;
	[tilespmem:s19+$0xFFFFFF30] =	vst v1;
	v1 =	vmul.f32 v35, v57  }
0x5a0: {  	s20 =	simm.s32 $0x0;
	v20 =	vld [tilespmem:$0x1FF20];
	s19 =	sadd.s32 $0x280, s19;
	[tilespmem:s11+$0xFFFFFF50] =	vst v63;
	v41 =	vmul.f32 v8, v49;
	v33 =	vadd.f32 v23, v0;
	v0 =	vmul.f32 v36, v52  }
0x5a1: {  	v8 =	vadd.f32 v32, v15;
	[tilespmem:s11+$0xFFFFFF70] =	vst v34  }
0x5a2: {  	v63 =	vadd.f32 v13, v37;
	[tilespmem:s11+$0xFFFFFF60] =	vst v33  }
0x5a3: {  	v10 =	vadd.f32 v28, v21;
	v11 =	vld [tilespmem:$0x1FEE0];
	[tilespmem:s11+$0xFFFFFF80] =	vst v8  }
0x5a4: {  	v32 =	vadd.f32 v19, v22;
	[tilespmem:s11+$0xFFFFFFA0] =	vst v63  }
0x5a5: {  	v34 =	vadd.f32 v29, v24;
	[tilespmem:s11+$0xFFFFFFB0] =	vst v10  }
0x5a6: {  	v35 =	vadd.f32 v18, v15;
	[tilespmem:s11+$0xFFFFFFD0] =	vst v32  }
0x5a7: {  	v7 =	vadd.f32 v7, v37;
	[tilespmem:s11+$0xFFFFFFF0] =	vst v34  }
0x5a8: {  	v38 =	vadd.f32 v12, v21;
	[tilespmem:s11+$0x0] =	vst v35  }
0x5a9: {  	v5 =	vadd.f32 v5, v26;
	[tilespmem:s11+$0x20] =	vst v7  }
0x5aa: {  	v6 =	vadd.f32 v6, v22;
	[tilespmem:s11+$0x30] =	vst v38  }
0x5ab: {  	v3 =	vadd.f32 v3, v24;
	[tilespmem:s11+$0x40] =	vst v5  }
0x5ac: {  	v2 =	vadd.f32 v2, v15;
	[tilespmem:s11+$0x50] =	vst v6  }
0x5ad: {  	v40 =	vadd.f32 v42, v21;
	[tilespmem:s11+$0x70] =	vst v3  }
0x5ae: {  	v42 =	vmul.f32 v51, v60;
	v0 =	vadd.f32 v0, v37;
	[tilespmem:s11+$0x80] =	vst v2  }
0x5af: {  	v46 =	vmul.f32 v46, v54;
	v43 =	vadd.f32 v41, v22;
	[tilespmem:s11+$0xB0] =	vst v40  }
0x5b0: {  	v55 =	vmul.f32 v56, v57;
	v58 =	vmul.f32 v48, v52;
	v56 =	vadd.f32 v42, v24;
	[tilespmem:s11+$0xA0] =	vst v0  }
0x5b1: {  	v61 =	vadd.f32 v46, v15;
	[tilespmem:s11+$0xD0] =	vst v43  }
0x5b2: {  	v63 =	vadd.f32 v58, v37;
	[tilespmem:s11+$0xF0] =	vst v56  }
0x5b3: {  	v39 =	vmul.f32 v14, v50;
	v33 =	vadd.f32 v17, v20;
	[tilespmem:s11+$0x100] =	vst v61  }
0x5b4: {  	v4 =	vadd.f32 v4, v20;
	[tilespmem:s11+$0x120] =	vst v63  }
0x5b5: {  	v51 =	vadd.f32 v39, v20;
	[tilespmem:s11+$0xFFFFFFE0] =	vst v33  }
0x5b6: {  	[tilespmem:s11+$0x60] =	vst v4;
	v9 =	vadd.f32 v30, v11  }
0x5b7: {  	[tilespmem:s11+$0xE0] =	vst v51;
	v30 =	vadd.f32 v16, v26  }
0x5b8: {  	v36 =	vadd.f32 v31, v11;
	[tilespmem:s11+$0xFFFFFF90] =	vst v9  }
0x5b9: {  	v1 =	vadd.f32 v1, v11;
	[tilespmem:s11+$0xFFFFFFC0] =	vst v30  }
0x5ba: {  	v62 =	vadd.f32 v55, v11;
	[tilespmem:s11+$0x10] =	vst v36  }
0x5bb: {  	[tilespmem:s11+$0x90] =	vst v1  }
0x5bc: {  	[tilespmem:s11+$0x110] =	vst v62  }
0x5bd: {  	v43 =	vmov v53;
	v53 =	vmov v44;
	v13 =	vmov v11;
	v12 =	vld [tilespmem:$0x1FEC0]  }
.LBB2_16:
0x5be: {  	s11 =	sshra.s32 s20, $0x2  }
0x5bf: {  	v0 =	vld [tilespmem:s11+$0xC300]  }
0x5c0: {  	v1 =	vld [tilespmem:s11+$0xC310];
	_ =	sdelay $0x1  }
0x5c1: {  	v2 =	vld [tilespmem:s11+$0xC320];
	_ =	sdelay $0x1  }
0x5c2: {  	v3 =	vld [tilespmem:s11+$0xC330]  }
0x5c3: {  	v4 =	vadd.f32 v1, v0;
	v5 =	vmul.f32 v0, v0;
	v6 =	vmul.f32 v1, v1  }
0x5c4: {  	v7 =	vld [tilespmem:s11+$0xC340]  }
0x5c5: {  	v28 =	vmul.f32 v2, v2;
	v4 =	vadd.f32 v2, v4;
	v5 =	vadd.f32 v6, v5  }
0x5c6: {  	v8 =	vld [tilespmem:s11+$0xC350]  }
0x5c7: {  	v29 =	vmul.f32 v3, v3;
	v4 =	vadd.f32 v3, v4;
	v5 =	vadd.f32 v28, v5  }
0x5c8: {  	v9 =	vld [tilespmem:s11+$0xC360]  }
0x5c9: {  	v30 =	vmul.f32 v7, v7;
	v4 =	vadd.f32 v7, v4;
	v5 =	vadd.f32 v29, v5  }
0x5ca: {  	v10 =	vld [tilespmem:s11+$0xC370]  }
0x5cb: {  	v31 =	vmul.f32 v8, v8;
	v4 =	vadd.f32 v8, v4;
	v5 =	vadd.f32 v30, v5;
	_ =	sdelay $0x1  }
0x5cc: {  	v32 =	vmul.f32 v9, v9;
	v4 =	vadd.f32 v9, v4;
	v5 =	vadd.f32 v31, v5;
	_ =	sdelay $0x1  }
0x5cd: {  	v33 =	vmul.f32 v10, v10;
	v4 =	vadd.f32 v10, v4;
	v5 =	vadd.f32 v32, v5;
	_ =	sdelay $0x1  }
0x5ce: {  	v5 =	vadd.f32 v33, v5;
	v34 =	vperm.xlane v4, v43;
	_ =	sdelay $0x1  }
0x5cf: {  	v4 =	vadd.f32 v34, v4;
	v35 =	vperm.xlane v5, v43;
	_ =	sdelay $0x1  }
0x5d0: {  	v11 =	vperm.xlane v4, v53;
	v5 =	vadd.f32 v35, v5;
	_ =	sdelay $0x1  }
0x5d1: {  	v4 =	vadd.f32 v11, v4;
	v6 =	vperm.xlane v5, v53;
	_ =	sdelay $0x1  }
0x5d2: {  	v11 =	vperm.xlane v4, v45;
	v5 =	vadd.f32 v6, v5;
	_ =	sdelay $0x1  }
0x5d3: {  	v4 =	vadd.f32 v11, v4;
	v6 =	vperm.xlane v5, v45;
	_ =	sdelay $0x1  }
0x5d4: {  	v11 =	vperm.xlane v4, v47;
	v5 =	vadd.f32 v6, v5;
	_ =	sdelay $0x1  }
0x5d5: {  	v4 =	vadd.f32 v11, v4;
	v6 =	vperm.xlane v5, v47;
	_ =	sdelay $0x1  }
0x5d6: {  	v4 =	vmul.f32 $7.812500000e-03, v4;
	v5 =	vadd.f32 v6, v5;
	_ =	sdelay $0x1  }
0x5d7: {  	v5 =	vmul.f32 $7.812500000e-03, v5;
	v36 =	vmul.f32 v4, v4;
	_ =	sdelay $0x1  }
0x5d8: {  	v5 =	vsub.f32 v5, v36;
	_ =	sdelay $0x1  }
0x5d9: {  	v5 =	vadd.f32 $9.999999960e-13, v5;
	_ =	sdelay $0x1  }
0x5da: {  	v38 =	vshrl.u32 v5, $0x1;
	v5 =	vmul.f32 $5.000000000e-01, v5  }
0x5db: {  	v6 =	vsub.s32 $0x5F3759DF, v38  }
0x5dc: {  	v39 =	vmul.f32 v6, v5;
	_ =	sdelay $0x1  }
0x5dd: {  	v11 =	vmul.f32 v6, v39;
	_ =	sdelay $0x1  }
0x5de: {  	v11 =	vsub.f32 $1.500000000e+00, v11;
	_ =	sdelay $0x1  }
0x5df: {  	v6 =	vmul.f32 v6, v11;
	_ =	sdelay $0x1  }
0x5e0: {  	v5 =	vmul.f32 v6, v5;
	_ =	sdelay $0x1  }
0x5e1: {  	v5 =	vmul.f32 v5, v6;
	_ =	sdelay $0x1  }
0x5e2: {  	v5 =	vsub.f32 $1.500000000e+00, v5;
	_ =	sdelay $0x1  }
0x5e3: {  	v5 =	vmul.f32 v5, v6;
	_ =	sdelay $0x1  }
0x5e4: {  	v4 =	vmul.f32 v5, v4;
	v0 =	vmul.f32 v5, v0  }
0x5e5: {  	v1 =	vmul.f32 v5, v1  }
0x5e6: {  	v2 =	vmul.f32 v5, v2;
	v3 =	vmul.f32 v5, v3;
	v0 =	vsub.f32 v0, v4  }
0x5e7: {  	v6 =	vmul.f32 v5, v7;
	v40 =	vmul.f32 v5, v8;
	v1 =	vsub.f32 v1, v4  }
0x5e8: {  	v41 =	vmul.f32 v5, v9;
	v2 =	vsub.f32 v2, v4;
	v0 =	vmul.f32 v0, v59  }
0x5e9: {  	v5 =	vmul.f32 v5, v10;
	v3 =	vsub.f32 v3, v4;
	v1 =	vmul.f32 v1, v49  }
0x5ea: {  	v6 =	vsub.f32 v6, v4;
	v2 =	vmul.f32 v2, v50;
	v0 =	vadd.f32 v0, v26  }
0x5eb: {  	v7 =	vsub.f32 v40, v4;
	v3 =	vmul.f32 v3, v60;
	v1 =	vadd.f32 v1, v22  }
0x5ec: {  	v46 =	vsub.f32 v41, v4;
	v44 =	vmul.f32 v6, v54;
	v42 =	vadd.f32 v2, v20;
	[tilespmem:s11+$0xC300] =	vst v0  }
0x5ed: {  	v4 =	vsub.f32 v5, v4;
	v51 =	vmul.f32 v7, v57;
	v48 =	vadd.f32 v3, v24;
	[tilespmem:s11+$0xC310] =	vst v1  }
0x5ee: {  	p1 =	sne.s32 s20, $0x400;
	v56 =	vmul.f32 v46, v52;
	v55 =	vadd.f32 v44, v15;
	[tilespmem:s11+$0xC320] =	vst v42  }
.Ltmp9:
0x5ef: {  	v61 =	vmul.f32 v4, v12;
	v58 =	vadd.f32 v51, v13;
	[tilespmem:s11+$0xC330] =	vst v48;
	(pc) =	sbr.rel @p1 .LBB2_16-.Ltmp9, $4  }
0x5f0: {  	v62 =	vadd.f32 v56, v37;
	[tilespmem:s11+$0xC340] =	vst v55  }
0x5f1: {  	v63 =	vadd.f32 v61, v21;
	[tilespmem:s11+$0xC350] =	vst v58  }
0x5f2: {  	[tilespmem:s11+$0xC360] =	vst v62  }
0x5f3: {  	s20 =	sadd.s32 $0x200, s20;
	[tilespmem:s11+$0xC370] =	vst v63  }
0x5f4: {  	p1 =	sne.s32 s15, $0xF  }
.Ltmp10:
0x5f5: {  	_ = 	snop;
	(pc) =	sbr.rel @p1 .LBB2_19-.Ltmp10, $3  }
0x5f6: {  	_ =	sdelay $0x1  }
0x5f7: {  	s11 =	sadd.s32 s24, s22  }
0x5f8: {  	[hbm4b:s11+s8] =	stream.linear.scatter [tilespmem:s12], [sflag:$0xB], $0x4000, $0x38;
	[tilespmem:$0x10700] =	vst v63  }
.Ltmp11:
0x5f9: {  	(pc) =	sbr.rel .LBB2_20-.Ltmp11, $4  }
0x5fa: {  	_ = 	snop  }
0x5fb: {  	_ =	swait.ge [sflag:s21], $0x4000  }
0x5fc: {  	[sflag:s21] =	ssyncset.done $0x0  }
0x5fd: {  	[sflag:s21] =	ssyncadd.s32 $0xFFFFC000  }
.LBB2_19:
0x5fe: {  	s11 =	simm.s32 $0x7  }
0x5ff: {  	_ =	swait.ge [sflag:s11], $0x4000  }
0x600: {  	[sflag:s11] =	ssyncset.done $0x0  }
0x601: {  	[sflag:s11] =	ssyncadd.s32 $0xFFFFC000  }
0x602: {  	_ =	swait.ge [sflag:s6], $0x80  }
0x603: {  	[sflag:s6] =	ssyncset.done $0x0  }
0x604: {  	[sflag:s6] =	ssyncadd.s32 $0xFFFFFF80  }
0x605: {  	_ =	swait.ge [sflag:s6], $0x80  }
0x606: {  	v49 =	vld [tilespmem:$0x1FF50]  }
0x607: {  	v52 =	vld [tilespmem:$0x1FF60]  }
0x608: {  	v55 =	vld [tilespmem:$0x1FF70]  }
0x609: {  	v57 =	vld [tilespmem:$0x1FF80]  }
0x60a: {  	[sflag:s6] =	ssyncset.done $0x0;
	v59 =	vld [tilespmem:$0x1FF90]  }
0x60b: {  	v61 =	vld [tilespmem:$0x1FFA0];
	[sflag:s6] =	ssyncadd.s32 $0xFFFFFF80  }
0x60c: {  	v0 =	vld [tilespmem:$0x4200]  }
0x60d: {  	v1 =	vld [tilespmem:$0x4210]  }
0x60e: {  	v2 =	vld [tilespmem:$0x4220]  }
0x60f: {  	v3 =	vld [tilespmem:$0x4230]  }
0x610: {  	v4 =	vld [tilespmem:$0x4240]  }
0x611: {  	v6 =	vlaneseq.u32;
	v5 =	vld [tilespmem:$0x4250];
	v0 =	vshll.u32 v0, $0x7  }
0x612: {  	v48 =	vld [tilespmem:$0x4260];
	v1 =	vshll.u32 v1, $0x7;
	v0 =	vor.u32 v6, v0  }
0x613: {  	v51 =	vld [tilespmem:$0x4270];
	v50 =	vshll.u32 v2, $0x7;
	[tilespmem:$0x4280] =	vst v0;
	v0 =	vor.u32 v49, v1  }
0x614: {  	v63 =	vld [tilespmem:$0x1FFB0];
	v54 =	vshll.u32 v3, $0x7;
	[tilespmem:$0x4290] =	vst v0;
	v0 =	vor.u32 v52, v50  }
0x615: {  	v56 =	vshll.u32 v4, $0x7;
	[tilespmem:$0x42A0] =	vst v0;
	v0 =	vor.u32 v55, v54  }
0x616: {  	v58 =	vshll.u32 v5, $0x7;
	[tilespmem:$0x42B0] =	vst v0;
	v0 =	vor.u32 v57, v56  }
0x617: {  	v60 =	vshll.u32 v48, $0x7;
	[tilespmem:$0x42C0] =	vst v0;
	v0 =	vor.u32 v59, v58  }
0x618: {  	v62 =	vshll.u32 v51, $0x7;
	[tilespmem:$0x42D0] =	vst v0;
	v0 =	vor.u32 v61, v60  }
0x619: {  	[tilespmem:$0x42E0] =	vst v0;
	v0 =	vor.u32 v63, v62  }
0x61a: {  	s20 =	simm.s32 $0x4280;
	s18 =	simm.s32 $0x1;
	[tilespmem:$0x42F0] =	vst v0  }
0x61b: {  	[tilespmem:s30], [sflag:$0x5] =	stream.indirect.gather [hbm4b:s9+s31], $0x80, s20, s31, $0xb8;
	[tilespmem:$0x10700] =	vst v63  }
0x61c: {  	_ =	swait.ge [sflag:s18], $0x4000  }
0x61d: {  	[sflag:s18] =	ssyncset.done $0x0  }
0x61e: {  	[sflag:s18] =	ssyncadd.s32 $0xFFFFC000  }
0x61f: {  	[tilespmem:s5], [sflag:$0x2] =	stream.indirect.gather.add.f32 [hbm:s3], $0x80, s8, s31, $0xb8;
	[tilespmem:$0x10700] =	vst v63  }
0x620: {  	_ =	swait.ge [sflag:s21], $0x4000  }
0x621: {  	s19 =	sshll.u32 s15, $0x9;
	s18 =	rddreg [dreg:$0x14]  }
0x622: {  	s11 =	sadd.s32 s19, s18  }
0x623: {  	[sflag:s21] =	ssyncset.done $0x0;
	s11 =	sshrl.u32 s11, $0x3  }
0x624: {  	[sflag:s21] =	ssyncadd.s32 $0xFFFFC000;
	s19 =	simm.s32 $0xC480;
	s20 =	sadd.s32 s0, s11  }
0x625: {  	[tilespmem:s19], [sflag:$0x10] =	stream.linear.gather [hbm4b:s20+s8], $0x80, $0x38;
	[tilespmem:$0x10700] =	vst v63  }
0x626: {  	s11 =	sadd.s32 s1, s11;
	s20 =	simm.s32 $0xC500  }
0x627: {  	[tilespmem:s20], [sflag:$0x10] =	stream.linear.gather [hbm4b:s11+s8], $0x80, $0x38;
	[tilespmem:$0x10700] =	vst v63  }
.LBB2_20:
0x628: {  	s11 =	simm.s32 $0xC740  }
0x629: {  	v30 =	vld [tilespmem:s11+$0xC0]  }
0x62a: {  	v31 =	vld [tilespmem:s11+$0xD0]  }
0x62b: {  	v6 =	vld [tilespmem:s11+$0xFFFFFED0]  }
0x62c: {  	v32 =	vld [tilespmem:s11+$0xE0]  }
0x62d: {  	v4 =	vld [tilespmem:s11+$0xFFFFFF40]  }
0x62e: {  	v34 =	vld [tilespmem:s11+$0xF0]  }
0x62f: {  	v5 =	vld [tilespmem:s11+$0xFFFFFF50]  }
0x630: {  	v28 =	vld [tilespmem:s11+$0x100]  }
0x631: {  	v1 =	vld [tilespmem:s11+$0xFFFFFFC0]  }
0x632: {  	v33 =	vld [tilespmem:s11+$0x110]  }
0x633: {  	v35 =	vld [tilespmem:s11+$0x120]  }
0x634: {  	v17 =	vld [tilespmem:s11+$0x40];
	v0 =	vadd.f32 v31, v30;
	v2 =	vmul.f32 v30, v30;
	v3 =	vmul.f32 v31, v31  }
0x635: {  	v29 =	vld [tilespmem:s11+$0xFFFFFF60];
	v7 =	vmul.f32 v32, v32  }
0x636: {  	v9 =	vmul.f32 v28, v28;
	v0 =	vadd.f32 v32, v0;
	v2 =	vadd.f32 v3, v2;
	v3 =	vld [tilespmem:s11+$0xFFFFFFD0]  }
0x637: {  	v56 =	vld [tilespmem:s11+$0x130];
	v10 =	vmul.f32 v4, v4;
	v12 =	vmul.f32 v5, v5  }
0x638: {  	v8 =	vadd.f32 v34, v0;
	v2 =	vadd.f32 v7, v2;
	v7 =	vmul.f32 v34, v34;
	v0 =	vld [tilespmem:s11+$0xFFFFFEC0]  }
0x639: {  	v36 =	vld [tilespmem:s11+$0xFFFFFEE0];
	v11 =	vadd.f32 v5, v4;
	v49 =	vmul.f32 v33, v33;
	v10 =	vadd.f32 v12, v10  }
0x63a: {  	v50 =	vmul.f32 v35, v35;
	v8 =	vadd.f32 v28, v8;
	v7 =	vadd.f32 v7, v2;
	v2 =	vld [tilespmem:s11+$0x50];
	[tilespmem:$0x1FCF0] =	vst v17  }
0x63b: {  	v12 =	vmul.f32 v1, v1;
	v11 =	vadd.f32 v29, v11;
	v13 =	vmul.f32 v3, v3;
	v41 =	vld [tilespmem:s11+$0xFFFFFEF0]  }
0x63c: {  	v14 =	vmul.f32 v6, v6;
	v39 =	vld [tilespmem:s11+$0xFFFFFF70];
	v8 =	vadd.f32 v33, v8;
	v7 =	vadd.f32 v9, v7  }
0x63d: {  	v15 =	vadd.f32 v3, v1;
	v16 =	vadd.f32 v13, v12;
	v12 =	vld [tilespmem:s11+$0xFFFFFFE0];
	v21 =	vmul.f32 v0, v0  }
0x63e: {  	v22 =	vmul.f32 v36, v36;
	v62 =	vld [tilespmem:s11+$0xFFFFFF80];
	v8 =	vadd.f32 v35, v8;
	v7 =	vadd.f32 v49, v7  }
0x63f: {  	v37 =	vld [tilespmem:s11+$0xFFFFFFF0];
	v13 =	vmul.f32 v56, v56;
	v20 =	vadd.f32 v6, v0;
	v14 =	vadd.f32 v14, v21  }
0x640: {  	v63 =	vld [tilespmem:s11+$0xFFFFFF00];
	v19 =	vmul.f32 v2, v2;
	v8 =	vadd.f32 v56, v8;
	v9 =	vadd.f32 v50, v7  }
0x641: {  	v42 =	vld [tilespmem:s11+$0x0];
	v11 =	vadd.f32 v39, v11;
	v14 =	vadd.f32 v22, v14;
	v22 =	vmul.f32 v41, v41  }
0x642: {  	v52 =	vld [tilespmem:s11+$0xFFFFFF90];
	v7 =	vmovc v17;
	v17 =	vmul.f32 v17, v17;
	v9 =	vadd.f32 v13, v9;
	v15 =	vadd.f32 v12, v15  }
0x643: {  	v40 =	vld [tilespmem:s11+$0x80];
	v13 =	vperm.xlane v8, v43;
	v11 =	vadd.f32 v62, v11;
	v18 =	vadd.f32 v2, v7  }
0x644: {  	v55 =	vld [tilespmem:s11+$0xFFFFFFA0];
	v23 =	vmul.f32 v12, v12;
	v14 =	vadd.f32 v22, v14;
	v17 =	vadd.f32 v19, v17  }
0x645: {  	v7 =	vld [tilespmem:s11+$0x60];
	v19 =	vadd.f32 v36, v20;
	v8 =	vadd.f32 v13, v8;
	v13 =	vperm.xlane v9, v43  }
0x646: {  	v59 =	vld [tilespmem:s11+$0xFFFFFFB0];
	v20 =	vmul.f32 v29, v29;
	v15 =	vadd.f32 v37, v15;
	v16 =	vadd.f32 v23, v16  }
0x647: {  	v49 =	vld [tilespmem:s11+$0x10];
	v23 =	vmul.f32 v37, v37;
	v11 =	vadd.f32 v52, v11;
	v9 =	vadd.f32 v13, v9  }
0x648: {  	v48 =	vld [tilespmem:s11+$0xFFFFFF10];
	v19 =	vadd.f32 v41, v19;
	v10 =	vadd.f32 v20, v10  }
0x649: {  	v54 =	vld [tilespmem:s11+$0x20];
	v21 =	vperm.xlane v8, v53;
	v15 =	vadd.f32 v42, v15;
	v16 =	vadd.f32 v23, v16  }
0x64a: {  	v13 =	vld [tilespmem:s11+$0x70];
	v11 =	vadd.f32 v55, v11;
	v18 =	vadd.f32 v7, v18;
	v24 =	vmul.f32 v7, v7  }
0x64b: {  	v57 =	vld [tilespmem:s11+$0xFFFFFF20];
	v8 =	vadd.f32 v21, v8;
	v21 =	vperm.xlane v9, v53;
	v19 =	vadd.f32 v63, v19  }
0x64c: {  	v58 =	vld [tilespmem:s11+$0x30];
	v51 =	vmul.f32 v42, v42;
	v15 =	vadd.f32 v49, v15;
	v11 =	vadd.f32 v59, v11  }
0x64d: {  	v20 =	vperm.xlane v8, v45;
	v9 =	vadd.f32 v21, v9;
	v17 =	vadd.f32 v24, v17  }
0x64e: {  	v61 =	vld [tilespmem:s11+$0x90];
	v21 =	vmul.f32 v39, v39;
	v19 =	vadd.f32 v48, v19;
	v15 =	vadd.f32 v54, v15  }
0x64f: {  	v60 =	vld [tilespmem:s11+$0xFFFFFF30];
	v22 =	vmul.f32 v62, v62;
	v18 =	vadd.f32 v13, v18;
	v8 =	vadd.f32 v20, v8  }
0x650: {  	v24 =	vmul.f32 v13, v13;
	v10 =	vadd.f32 v21, v10;
	v19 =	vadd.f32 v57, v19  }
0x651: {  	v20 =	vperm.xlane v9, v45;
	v15 =	vadd.f32 v58, v15;
	v18 =	vadd.f32 v40, v18  }
0x652: {  	v17 =	vadd.f32 v24, v17;
	v24 =	vmul.f32 v57, v57;
	v25 =	vperm.xlane v8, v47  }
0x653: {  	v50 =	vld [tilespmem:s11+$0xA0];
	v9 =	vadd.f32 v20, v9;
	v20 =	vmul.f32 v63, v63;
	v10 =	vadd.f32 v22, v10  }
0x654: {  	v22 =	vmul.f32 v52, v52;
	v19 =	vadd.f32 v60, v19;
	v18 =	vadd.f32 v61, v18  }
0x655: {  	v38 =	vld [tilespmem:s11+$0xB0];
	v8 =	vadd.f32 v25, v8;
	v21 =	vperm.xlane v9, v47;
	v14 =	vadd.f32 v20, v14  }
0x656: {  	v20 =	vmul.f32 v48, v48;
	v10 =	vadd.f32 v22, v10;
	v22 =	vmul.f32 v55, v55  }
0x657: {  	v25 =	vmul.f32 v60, v60;
	v46 =	vmul.f32 $7.812500000e-03, v8;
	v8 =	vadd.f32 v21, v9  }
0x658: {  	v18 =	vadd.f32 v50, v18;
	v21 =	vmul.f32 v40, v40;
	v9 =	vadd.f32 v51, v16  }
0x659: {  	v20 =	vadd.f32 v20, v14;
	v8 =	vmul.f32 $7.812500000e-03, v8;
	v23 =	vmul.f32 v46, v46  }
0x65a: {  	v16 =	vmul.f32 v49, v49;
	v10 =	vadd.f32 v22, v10;
	v18 =	vadd.f32 v38, v18  }
0x65b: {  	v22 =	vmul.f32 v59, v59;
	v17 =	vadd.f32 v21, v17;
	v8 =	vsub.f32 v8, v23  }
0x65c: {  	v9 =	vadd.f32 v16, v9;
	v20 =	vadd.f32 v24, v20;
	v23 =	vmul.f32 v61, v61  }
0x65d: {  	v24 =	vmul.f32 v50, v50;
	v10 =	vadd.f32 v22, v10;
	v8 =	vadd.f32 $9.999999960e-13, v8  }
0x65e: {  	v22 =	vperm.xlane v11, v43;
	v20 =	vadd.f32 v25, v20;
	v17 =	vadd.f32 v23, v17  }
0x65f: {  	v23 =	vmul.f32 v54, v54;
	v14 =	vshrl.u32 v8, $0x1;
	v8 =	vmul.f32 $5.000000000e-01, v8  }
0x660: {  	v17 =	vadd.f32 v24, v17;
	v24 =	vperm.xlane v19, v43;
	v21 =	vsub.s32 $0x5F3759DF, v14  }
0x661: {  	v9 =	vadd.f32 v23, v9;
	v23 =	vmul.f32 v38, v38;
	v16 =	vmul.f32 v21, v8  }
0x662: {  	v11 =	vadd.f32 v22, v11;
	v22 =	vperm.xlane v10, v43;
	v19 =	vadd.f32 v24, v19  }
0x663: {  	v17 =	vadd.f32 v23, v17;
	v23 =	vperm.xlane v18, v43;
	v16 =	vmul.f32 v21, v16  }
0x664: {  	v10 =	vadd.f32 v22, v10;
	v24 =	vperm.xlane v20, v43;
	v25 =	vperm.xlane v19, v53  }
0x665: {  	v18 =	vadd.f32 v23, v18;
	v23 =	vperm.xlane v17, v43;
	v16 =	vsub.f32 $1.500000000e+00, v16  }
0x666: {  	v20 =	vadd.f32 v24, v20;
	v24 =	vperm.xlane v11, v53;
	v19 =	vadd.f32 v25, v19  }
0x667: {  	v17 =	vadd.f32 v23, v17;
	v16 =	vmul.f32 v21, v16;
	v21 =	vmul.f32 v58, v58  }
0x668: {  	v23 =	vperm.xlane v20, v53;
	v11 =	vadd.f32 v24, v11;
	v24 =	vperm.xlane v10, v53  }
0x669: {  	v25 =	vperm.xlane v19, v45;
	v9 =	vadd.f32 v21, v9;
	v21 =	vperm.xlane v15, v43  }
0x66a: {  	v20 =	vadd.f32 v23, v20;
	v23 =	vperm.xlane v11, v45;
	v10 =	vadd.f32 v24, v10  }
0x66b: {  	v15 =	vadd.f32 v21, v15;
	v21 =	vperm.xlane v9, v43  }
0x66c: {  	v19 =	vadd.f32 v25, v19;
	v11 =	vadd.f32 v23, v11;
	v23 =	vperm.xlane v10, v45  }
0x66d: {  	v8 =	vmul.f32 v16, v8;
	v22 =	vperm.xlane v15, v53;
	v9 =	vadd.f32 v21, v9  }
0x66e: {  	v25 =	vperm.xlane v19, v47;
	v21 =	vperm.xlane v18, v53  }
0x66f: {  	v10 =	vadd.f32 v23, v10;
	v15 =	vadd.f32 v22, v15;
	v22 =	vperm.xlane v9, v53  }
0x670: {  	v8 =	vmul.f32 v8, v16;
	v18 =	vadd.f32 v21, v18;
	v21 =	vperm.xlane v17, v53  }
0x671: {  	v19 =	vadd.f32 v25, v19;
	v24 =	vperm.xlane v15, v45;
	v9 =	vadd.f32 v22, v9  }
0x672: {  	v22 =	vperm.xlane v18, v45;
	v17 =	vadd.f32 v21, v17;
	v21 =	vperm.xlane v20, v45  }
0x673: {  	v19 =	vmul.f32 $7.812500000e-03, v19;
	v15 =	vadd.f32 v24, v15;
	v24 =	vperm.xlane v9, v45  }
0x674: {  	v18 =	vadd.f32 v22, v18;
	v22 =	vperm.xlane v17, v45;
	v20 =	vadd.f32 v21, v20  }
0x675: {  	v21 =	vperm.xlane v11, v47;
	v23 =	vperm.xlane v15, v47;
	v9 =	vadd.f32 v24, v9  }
0x676: {  	v24 =	vperm.xlane v18, v47;
	v25 =	vperm.xlane v20, v47;
	v17 =	vadd.f32 v22, v17  }
0x677: {  	v11 =	vadd.f32 v21, v11;
	v21 =	vperm.xlane v10, v47;
	v15 =	vadd.f32 v23, v15  }
0x678: {  	v22 =	vperm.xlane v9, v47;
	v23 =	vperm.xlane v17, v47;
	v20 =	vadd.f32 v25, v20  }
0x679: {  	v11 =	vmul.f32 $7.812500000e-03, v11;
	v10 =	vadd.f32 v21, v10;
	v21 =	vmul.f32 $7.812500000e-03, v15  }
0x67a: {  	v18 =	vadd.f32 v24, v18;
	v15 =	vmul.f32 $7.812500000e-03, v20;
	v20 =	vmul.f32 v19, v19  }
0x67b: {  	v9 =	vadd.f32 v22, v9;
	v10 =	vmul.f32 $7.812500000e-03, v10;
	v22 =	vmul.f32 v11, v11  }
0x67c: {  	v18 =	vmul.f32 $7.812500000e-03, v18;
	v17 =	vadd.f32 v23, v17;
	v15 =	vsub.f32 v15, v20  }
0x67d: {  	v9 =	vmul.f32 $7.812500000e-03, v9;
	v20 =	vmul.f32 v21, v21;
	v10 =	vsub.f32 v10, v22  }
0x67e: {  	v17 =	vmul.f32 $7.812500000e-03, v17;
	v22 =	vmul.f32 v18, v18;
	v15 =	vadd.f32 $9.999999960e-13, v15  }
0x67f: {  	v9 =	vsub.f32 v9, v20;
	v10 =	vadd.f32 $9.999999960e-13, v10  }
0x680: {  	v8 =	vsub.f32 $1.500000000e+00, v8;
	v17 =	vsub.f32 v17, v22;
	v20 =	vshrl.u32 v15, $0x1  }
0x681: {  	v9 =	vadd.f32 $9.999999960e-13, v9;
	v15 =	vmul.f32 $5.000000000e-01, v15;
	v22 =	vshrl.u32 v10, $0x1  }
0x682: {  	v17 =	vadd.f32 $9.999999960e-13, v17;
	v10 =	vmul.f32 $5.000000000e-01, v10;
	v20 =	vsub.s32 $0x5F3759DF, v20  }
0x683: {  	v22 =	vsub.s32 $0x5F3759DF, v22;
	v23 =	vshrl.u32 v9, $0x1;
	v9 =	vmul.f32 $5.000000000e-01, v9  }
0x684: {  	v25 =	vmul.f32 v20, v15;
	v26 =	vmul.f32 v22, v10;
	v23 =	vsub.s32 $0x5F3759DF, v23  }
0x685: {  	v24 =	vshrl.u32 v17, $0x1;
	v17 =	vmul.f32 $5.000000000e-01, v17;
	v27 =	vmul.f32 v23, v9  }
0x686: {  	v24 =	vsub.s32 $0x5F3759DF, v24;
	v25 =	vmul.f32 v20, v25;
	v26 =	vmul.f32 v22, v26  }
0x687: {  	v8 =	vmul.f32 v8, v16;
	v51 =	vmul.f32 v24, v17  }
0x688: {  	v27 =	vmul.f32 v23, v27;
	v25 =	vsub.f32 $1.500000000e+00, v25;
	v26 =	vsub.f32 $1.500000000e+00, v26  }
0x689: {  	v28 =	vmul.f32 v8, v28;
	v51 =	vmul.f32 v24, v51  }
0x68a: {  	v27 =	vsub.f32 $1.500000000e+00, v27;
	v16 =	vmul.f32 v20, v25;
	v22 =	vmul.f32 v22, v26  }
0x68b: {  	v20 =	vsub.f32 $1.500000000e+00, v51;
	v25 =	vmul.f32 v8, v56;
	v26 =	vmul.f32 v8, v30  }
0x68c: {  	v30 =	vmul.f32 v8, v32;
	v56 =	vmul.f32 v8, v33  }
0x68d: {  	v23 =	vmul.f32 v23, v27;
	v20 =	vmul.f32 v24, v20  }
0x68e: {  	v24 =	vmul.f32 v8, v46;
	v15 =	vmul.f32 v16, v15  }
0x68f: {  	v10 =	vmul.f32 v22, v10;
	v9 =	vmul.f32 v23, v9  }
0x690: {  	v15 =	vmul.f32 v15, v16;
	v17 =	vmul.f32 v20, v17  }
0x691: {  	v10 =	vmul.f32 v10, v22;
	v9 =	vmul.f32 v9, v23  }
0x692: {  	v27 =	vmul.f32 v8, v31;
	v15 =	vsub.f32 $1.500000000e+00, v15;
	v17 =	vmul.f32 v17, v20  }
0x693: {  	v31 =	vmul.f32 v8, v34;
	v10 =	vsub.f32 $1.500000000e+00, v10;
	v9 =	vsub.f32 $1.500000000e+00, v9  }
0x694: {  	v8 =	vmul.f32 v8, v35;
	v16 =	vmul.f32 v15, v16;
	v15 =	vsub.f32 $1.500000000e+00, v17  }
0x695: {  	v14 =	vsub.f32 v30, v24;
	v10 =	vmul.f32 v10, v22;
	v9 =	vmul.f32 v9, v23  }
0x696: {  	v46 =	vsub.f32 v28, v24;
	v17 =	vmul.f32 v15, v20;
	v19 =	vmul.f32 v16, v19  }
0x697: {  	v22 =	vsub.f32 v26, v24;
	v23 =	vmul.f32 v16, v0;
	v6 =	vmul.f32 v16, v6  }
0x698: {  	v20 =	vsub.f32 v25, v24;
	v25 =	vmul.f32 v16, v36;
	v26 =	vmul.f32 v16, v41  }
0x699: {  	v15 =	vsub.f32 v27, v24;
	v27 =	vmul.f32 v16, v63;
	v28 =	vmul.f32 v16, v48  }
0x69a: {  	v48 =	vsub.f32 v8, v24;
	v8 =	vmul.f32 v16, v57;
	v16 =	vmul.f32 v16, v60  }
0x69b: {  	v51 =	vsub.f32 v31, v24;
	v11 =	vmul.f32 v10, v11;
	v4 =	vmul.f32 v10, v4  }
0x69c: {  	v56 =	vsub.f32 v56, v24;
	v5 =	vmul.f32 v10, v5;
	v24 =	vmul.f32 v10, v29  }
0x69d: {  	v29 =	vmul.f32 v10, v39;
	v30 =	vmul.f32 v10, v62  }
0x69e: {  	v31 =	vmul.f32 v10, v52;
	v23 =	vsub.f32 v23, v19;
	v6 =	vsub.f32 v6, v19  }
0x69f: {  	v41 =	vmul.f32 v10, v55;
	v25 =	vsub.f32 v25, v19;
	v26 =	vsub.f32 v26, v19  }
0x6a0: {  	v10 =	vmul.f32 v10, v59;
	v27 =	vsub.f32 v27, v19;
	v28 =	vsub.f32 v28, v19  }
0x6a1: {  	v8 =	vsub.f32 v8, v19;
	v21 =	vmul.f32 v9, v21;
	v1 =	vmul.f32 v9, v1  }
0x6a2: {  	v16 =	vsub.f32 v16, v19;
	v3 =	vmul.f32 v9, v3;
	v12 =	vmul.f32 v9, v12  }
0x6a3: {  	v4 =	vsub.f32 v4, v11;
	v19 =	vmul.f32 v9, v37;
	v44 =	vmul.f32 v9, v42  }
0x6a4: {  	v5 =	vsub.f32 v5, v11;
	v52 =	vmul.f32 v9, v49;
	v54 =	vmul.f32 v9, v54  }
0x6a5: {  	v9 =	vmul.f32 v9, v58;
	v24 =	vsub.f32 v24, v11;
	v29 =	vsub.f32 v29, v11  }
0x6a6: {  	v0 =	vld [tilespmem:$0x1FCF0];
	v18 =	vmul.f32 v17, v18;
	v30 =	vsub.f32 v30, v11;
	v2 =	vmul.f32 v17, v2  }
0x6a7: {  	v31 =	vsub.f32 v31, v11;
	v55 =	vmul.f32 v17, v13;
	v33 =	vsub.f32 v44, v21;
	v44 =	vld [tilespmem:$0x1FEC0]  }
0x6a8: {  	v39 =	vld [tilespmem:$0x1FE50];
	v36 =	vsub.f32 v41, v11;
	v10 =	vsub.f32 v10, v11;
	v7 =	vmul.f32 v17, v7  }
0x6a9: {  	v13 =	vmul.f32 v17, v40;
	v57 =	vmul.f32 v17, v61;
	v11 =	vsub.f32 v55, v18;
	v55 =	vld [tilespmem:$0x1FF40]  }
0x6aa: {  	v58 =	vmul.f32 v17, v38;
	v41 =	vld [tilespmem:$0x1FF00];
	v1 =	vsub.f32 v1, v21;
	v3 =	vsub.f32 v3, v21  }
0x6ab: {  	v12 =	vsub.f32 v12, v21;
	v37 =	vsub.f32 v19, v21;
	v19 =	vmul.f32 v17, v50;
	v50 =	vld [tilespmem:$0x1FE70]  }
0x6ac: {  	v60 =	vld [tilespmem:$0x1FE80];
	v34 =	vsub.f32 v52, v21;
	v0 =	vmul.f32 v17, v0;
	v17 =	vmul.f32 v20, v44  }
0x6ad: {  	v40 =	vld [tilespmem:$0x1FE60];
	v35 =	vsub.f32 v54, v21;
	v9 =	vsub.f32 v9, v21;
	v20 =	vmul.f32 v22, v39  }
0x6ae: {  	v54 =	vld [tilespmem:$0x1FE90];
	v21 =	vmul.f32 v23, v39;
	v23 =	vsub.f32 v13, v18;
	v13 =	vadd.f32 v17, v55  }
0x6af: {  	v52 =	vld [tilespmem:$0x1FEB0];
	v22 =	vsub.f32 v7, v18;
	v17 =	vadd.f32 v20, v41  }
0x6b0: {  	v7 =	vmul.f32 v25, v50;
	v25 =	vsub.f32 v57, v18;
	v57 =	vld [tilespmem:$0x1FEA0];
	[tilespmem:s11+$0x130] =	vst v13;
	v13 =	vadd.f32 v21, v41  }
0x6b1: {  	[tilespmem:s11+$0xC0] =	vst v17  }
0x6b2: {  	v59 =	vld [tilespmem:$0x1FF10];
	[tilespmem:s11+$0xFFFFFEC0] =	vst v13  }
0x6b3: {  	v61 =	vld [tilespmem:$0x1FF20];
	_ =	sdelay $0x1  }
0x6b4: {  	v6 =	vmul.f32 v6, v40;
	_ =	sdelay $0x1  }
0x6b5: {  	v21 =	vmul.f32 v5, v40;
	v5 =	vadd.f32 v6, v59  }
0x6b6: {  	v6 =	vadd.f32 v7, v61  }
0x6b7: {  	[tilespmem:s11+$0xFFFFFED0] =	vst v5  }
0x6b8: {  	v62 =	vld [tilespmem:$0x1FF30];
	[tilespmem:s11+$0xFFFFFEE0] =	vst v6  }
0x6b9: {  	v63 =	vld [tilespmem:$0x1FED0]  }
0x6ba: {  	v2 =	vsub.f32 v2, v18;
	v58 =	vsub.f32 v58, v18;
	v4 =	vmul.f32 v4, v39  }
0x6bb: {  	v38 =	vsub.f32 v19, v18;
	v0 =	vsub.f32 v0, v18;
	v18 =	vmul.f32 v26, v60  }
0x6bc: {  	v19 =	vmul.f32 v27, v54;
	v8 =	vmul.f32 v8, v52  }
0x6bd: {  	v24 =	vmul.f32 v24, v50;
	v27 =	vmul.f32 v29, v60;
	v5 =	vadd.f32 v18, v62  }
0x6be: {  	v20 =	vmul.f32 v16, v44;
	v16 =	vmul.f32 v1, v39;
	v1 =	vadd.f32 v19, v63  }
0x6bf: {  	v32 =	vmul.f32 v30, v54;
	v29 =	vmul.f32 v37, v60;
	[tilespmem:s11+$0xFFFFFEF0] =	vst v5  }
0x6c0: {  	v42 =	vmul.f32 v58, v44;
	v19 =	vmul.f32 v3, v40;
	v3 =	vld [tilespmem:$0x1FEE0];
	[tilespmem:s11+$0xFFFFFF00] =	vst v1  }
0x6c1: {  	v17 =	vmul.f32 v12, v50;
	v12 =	vmul.f32 v9, v44;
	v37 =	vld [tilespmem:$0x1FEF0]  }
0x6c2: {  	v26 =	vmul.f32 v28, v57;
	v30 =	vmul.f32 v31, v57  }
0x6c3: {  	v28 =	vmul.f32 v10, v44;
	v31 =	vmul.f32 v34, v57  }
0x6c4: {  	v13 =	vmul.f32 v36, v52;
	v5 =	vmul.f32 v0, v39;
	v0 =	vadd.f32 v4, v41  }
0x6c5: {  	v7 =	vmul.f32 v35, v52;
	v6 =	vmul.f32 v2, v40;
	v3 =	vadd.f32 v26, v3  }
0x6c6: {  	v2 =	vmul.f32 v23, v54;
	v18 =	vmul.f32 v33, v54;
	[tilespmem:s11+$0xFFFFFF40] =	vst v0;
	v1 =	vadd.f32 v8, v37  }
0x6c7: {  	v23 =	vmovc v61;
	v33 =	vadd.f32 v24, v61;
	v24 =	vmov v62;
	[tilespmem:s11+$0xFFFFFF10] =	vst v3;
	v3 =	vadd.f32 v20, v55  }
0x6c8: {  	v34 =	vadd.f32 v27, v62;
	v4 =	vmul.f32 v22, v50;
	v8 =	vadd.f32 v21, v59;
	[tilespmem:s11+$0xFFFFFF20] =	vst v1  }
0x6c9: {  	v27 =	vmovc v55;
	v0 =	vmul.f32 v38, v52;
	v26 =	vmov v41;
	v41 =	vmul.f32 v15, v40;
	[tilespmem:s11+$0xFFFFFF30] =	vst v3  }
0x6ca: {  	s18 =	simm.s32 $0x0;
	s19 =	simm.s32 $0xC9C0;
	v22 =	vmovc v59;
	v15 =	vmov v63;
	v3 =	vmul.f32 v11, v60;
	v1 =	vmul.f32 v25, v57;
	[tilespmem:s11+$0xFFFFFF50] =	vst v8  }
.LBB2_21:
0x6cb: {  	v55 =	vld [tilespmem:s19+$0xC0]  }
0x6cc: {  	v8 =	vadd.f32 v32, v15;
	v9 =	vmul.f32 v14, v50;
	v32 =	vld [tilespmem:s19+$0xD0];
	[tilespmem:s11+$0xFFFFFF70] =	vst v34  }
0x6cd: {  	v59 =	vmul.f32 v51, v60;
	v20 =	vld [tilespmem:$0x1FEE0];
	[tilespmem:s11+$0xFFFFFF60] =	vst v33  }
0x6ce: {  	v35 =	vld [tilespmem:s19+$0xFFFFFED0];
	[tilespmem:$0x1FC90] =	vst v9  }
0x6cf: {  	v10 =	vmul.f32 v46, v54;
	v46 =	vld [tilespmem:s19+$0xF0];
	v63 =	vadd.f32 v16, v26;
	[tilespmem:$0x1FCA0] =	vst v59  }
0x6d0: {  	v51 =	vld [tilespmem:s19+$0x100];
	v33 =	vadd.f32 v19, v22;
	[tilespmem:s11+$0xFFFFFF80] =	vst v8  }
0x6d1: {  	v34 =	vadd.f32 v18, v15;
	v8 =	vadd.f32 v13, v37;
	v59 =	vld [tilespmem:s19+$0xE0];
	[tilespmem:s11+$0xFFFFFFC0] =	vst v63  }
0x6d2: {  	v7 =	vadd.f32 v7, v37;
	v39 =	vld [tilespmem:s19+$0xFFFFFF40];
	v13 =	vadd.f32 v29, v24;
	[tilespmem:s11+$0xFFFFFFD0] =	vst v33  }
0x6d3: {  	v5 =	vadd.f32 v5, v26;
	v37 =	vld [tilespmem:s19+$0x50];
	[tilespmem:s11+$0xFFFFFFA0] =	vst v8;
	v8 =	vadd.f32 v17, v23  }
0x6d4: {  	v62 =	vadd.f32 v28, v27;
	v40 =	vadd.f32 v12, v27;
	v38 =	vld [tilespmem:s19+$0xFFFFFFC0];
	[tilespmem:s11+$0xFFFFFFF0] =	vst v13  }
0x6d5: {  	v61 =	vmul.f32 v56, v57;
	v6 =	vadd.f32 v6, v22;
	v14 =	vadd.f32 v31, v20;
	v31 =	vld [tilespmem:s19+$0xFFFFFF50];
	[tilespmem:s11+$0xFFFFFFE0] =	vst v8  }
0x6d6: {  	[tilespmem:$0x1FCB0] =	vst v10;
	v15 =	vadd.f32 v32, v55;
	v16 =	vmul.f32 v55, v55;
	v17 =	vmul.f32 v32, v32;
	v36 =	vld [tilespmem:s19+$0xFFFFFFD0]  }
0x6d7: {  	v11 =	vmul.f32 v48, v52;
	v3 =	vadd.f32 v3, v24;
	v60 =	vadd.f32 v30, v20;
	[tilespmem:s11+$0x0] =	vst v34;
	v34 =	vld [tilespmem:s19+$0x40]  }
0x6d8: {  	v12 =	vadd.f32 v59, v15;
	v15 =	vadd.f32 v17, v16;
	v16 =	vmul.f32 v59, v59;
	[tilespmem:s11+$0x50] =	vst v6;
	v6 =	vld [tilespmem:$0x1FED0]  }
0x6d9: {  	v4 =	vadd.f32 v4, v23;
	v9 =	vmul.f32 v35, v35;
	v1 =	vadd.f32 v1, v20;
	[tilespmem:s11+$0x10] =	vst v14;
	v14 =	vld [tilespmem:s19+$0x130]  }
0x6da: {  	v56 =	vld [tilespmem:s19+$0x110];
	[tilespmem:s11+$0xFFFFFF90] =	vst v60;
	v12 =	vadd.f32 v46, v12;
	v13 =	vadd.f32 v16, v15;
	v15 =	vmul.f32 v46, v46  }
0x6db: {  	[tilespmem:s11+$0x20] =	vst v7;
	v8 =	vmul.f32 v39, v39;
	v29 =	vld [tilespmem:s19+$0xFFFFFF60];
	v44 =	vadd.f32 v31, v39;
	v16 =	vmul.f32 v31, v31  }
0x6dc: {  	v48 =	vld [tilespmem:s19+$0x120];
	[tilespmem:s11+$0x40] =	vst v5;
	v12 =	vadd.f32 v51, v12;
	v13 =	vadd.f32 v15, v13;
	v15 =	vmul.f32 v51, v51  }
0x6dd: {  	[tilespmem:s11+$0x60] =	vst v4;
	v30 =	vld [tilespmem:s19+$0xFFFFFFE0];
	v7 =	vadd.f32 v16, v8;
	v8 =	vmul.f32 v38, v38;
	v2 =	vadd.f32 v2, v6  }
0x6de: {  	[tilespmem:s11+$0x70] =	vst v3;
	v28 =	vld [tilespmem:s19+$0xFFFFFFF0];
	v5 =	vadd.f32 v36, v38;
	v4 =	vmul.f32 v34, v34;
	v58 =	vmul.f32 v14, v14  }
0x6df: {  	v49 =	vld [tilespmem:s19+$0xFFFFFEC0];
	v54 =	vadd.f32 v56, v12;
	v12 =	vadd.f32 v15, v13;
	v13 =	vmul.f32 v56, v56;
	[tilespmem:s11+$0x80] =	vst v2  }
0x6e0: {  	[tilespmem:s11+$0x30] =	vst v40;
	v15 =	vmul.f32 v36, v36;
	v10 =	vadd.f32 v29, v44;
	v44 =	vmul.f32 v29, v29;
	v40 =	vld [tilespmem:s19+$0x60]  }
0x6e1: {  	v6 =	vadd.f32 v48, v54;
	v57 =	vadd.f32 v13, v12;
	v12 =	vmul.f32 v48, v48;
	[tilespmem:s11+$0x90] =	vst v1;
	v1 =	vld [tilespmem:$0x1FEF0]  }
0x6e2: {  	v16 =	vmul.f32 v30, v30;
	v2 =	vadd.f32 v37, v34;
	v5 =	vadd.f32 v30, v5  }
0x6e3: {  	v50 =	vld [tilespmem:s19+$0xFFFFFEE0];
	v20 =	vmul.f32 v28, v28;
	v3 =	vadd.f32 v14, v6;
	v6 =	vadd.f32 v12, v57  }
0x6e4: {  	[tilespmem:$0x1FCD0] =	vst v11;
	v8 =	vadd.f32 v15, v8;
	v11 =	vadd.f32 v44, v7;
	v12 =	vmul.f32 v37, v37  }
0x6e5: {  	v19 =	vadd.f32 v28, v5;
	v6 =	vadd.f32 v58, v6;
	v33 =	vperm.xlane v3, v43  }
0x6e6: {  	v60 =	vld [tilespmem:s19+$0xFFFFFEF0];
	v13 =	vmul.f32 v49, v49;
	v12 =	vadd.f32 v12, v4;
	v0 =	vadd.f32 v0, v1  }
0x6e7: {  	[tilespmem:s11+$0xFFFFFFB0] =	vst v62;
	v54 =	vld [tilespmem:s19+$0xFFFFFF70];
	v1 =	vadd.f32 v35, v49;
	v3 =	vadd.f32 v33, v3;
	v4 =	vperm.xlane v6, v43  }
0x6e8: {  	[tilespmem:$0x1FCC0] =	vst v61;
	v61 =	vld [tilespmem:s19+$0xFFFFFF80];
	v15 =	vmul.f32 v50, v50;
	v9 =	vadd.f32 v9, v13;
	v8 =	vadd.f32 v16, v8  }
0x6e9: {  	v57 =	vld [tilespmem:s19+$0x0];
	[tilespmem:s11+$0xA0] =	vst v0;
	v1 =	vadd.f32 v50, v1;
	v13 =	vperm.xlane v3, v53;
	v6 =	vadd.f32 v4, v6  }
0x6ea: {  	v9 =	vadd.f32 v15, v9;
	v8 =	vadd.f32 v20, v8;
	v17 =	vmul.f32 v40, v40;
	v33 =	vld [tilespmem:s19+$0x70]  }
0x6eb: {  	v18 =	vadd.f32 v60, v1;
	v3 =	vadd.f32 v13, v3;
	v1 =	vperm.xlane v6, v53  }
0x6ec: {  	v62 =	vld [tilespmem:s19+$0x10];
	v2 =	vadd.f32 v40, v2;
	v10 =	vadd.f32 v54, v10;
	v15 =	vmul.f32 v54, v54  }
0x6ed: {  	v17 =	vadd.f32 v17, v12;
	v7 =	vperm.xlane v3, v45;
	v6 =	vadd.f32 v1, v6  }
0x6ee: {  	v10 =	vadd.f32 v61, v10;
	v11 =	vadd.f32 v15, v11;
	v23 =	vmul.f32 v57, v57  }
0x6ef: {  	v0 =	vld [tilespmem:s19+$0xFFFFFF00];
	v16 =	vadd.f32 v33, v2;
	v3 =	vadd.f32 v7, v3;
	v2 =	vperm.xlane v6, v45  }
0x6f0: {  	v15 =	vmul.f32 v61, v61;
	v19 =	vadd.f32 v57, v19;
	v8 =	vadd.f32 v23, v8  }
0x6f1: {  	v4 =	vld [tilespmem:s19+$0xFFFFFF10];
	v23 =	vmul.f32 v62, v62;
	v12 =	vperm.xlane v3, v47;
	v6 =	vadd.f32 v2, v6  }
0x6f2: {  	v52 =	vld [tilespmem:s19+$0x80];
	v11 =	vadd.f32 v15, v11;
	v19 =	vadd.f32 v62, v19;
	v13 =	vmul.f32 v60, v60  }
0x6f3: {  	v5 =	vld [tilespmem:s19+$0xFFFFFFA0];
	v8 =	vadd.f32 v23, v8;
	v3 =	vadd.f32 v12, v3;
	v12 =	vperm.xlane v6, v47  }
0x6f4: {  	v1 =	vld [tilespmem:s19+$0xFFFFFF90];
	v18 =	vadd.f32 v0, v18;
	v9 =	vadd.f32 v13, v9;
	v22 =	vmul.f32 v0, v0  }
0x6f5: {  	v58 =	vld [tilespmem:s19+$0x90];
	v21 =	vmul.f32 v33, v33;
	v20 =	vmul.f32 $7.812500000e-03, v3;
	v3 =	vadd.f32 v12, v6  }
0x6f6: {  	v7 =	vld [tilespmem:s19+$0xFFFFFF20];
	v18 =	vadd.f32 v4, v18;
	v9 =	vadd.f32 v22, v9;
	v22 =	vmul.f32 v4, v4  }
0x6f7: {  	v16 =	vadd.f32 v52, v16;
	v24 =	vmul.f32 $7.812500000e-03, v3;
	v25 =	vmul.f32 v20, v20  }
0x6f8: {  	v63 =	vld [tilespmem:s19+$0xA0];
	v17 =	vadd.f32 v21, v17;
	v21 =	vmul.f32 v52, v52;
	v9 =	vadd.f32 v22, v9  }
0x6f9: {  	v13 =	vld [tilespmem:s19+$0xFFFFFF30];
	v10 =	vadd.f32 v1, v10;
	v24 =	vsub.f32 v24, v25  }
0x6fa: {  	v2 =	vld [tilespmem:s19+$0x20];
	v15 =	vmul.f32 v1, v1;
	v16 =	vadd.f32 v58, v16;
	v17 =	vadd.f32 v21, v17  }
0x6fb: {  	v23 =	vmul.f32 v5, v5;
	v18 =	vadd.f32 v7, v18;
	v24 =	vadd.f32 $9.999999960e-13, v24  }
0x6fc: {  	v26 =	vmul.f32 v7, v7;
	v10 =	vadd.f32 v5, v10;
	v11 =	vadd.f32 v15, v11;
	v12 =	vld [tilespmem:s19+$0xFFFFFFB0]  }
0x6fd: {  	v16 =	vadd.f32 v63, v16;
	v6 =	vld [tilespmem:s19+$0x30];
	v21 =	vshrl.u32 v24, $0x1;
	v22 =	vmul.f32 $5.000000000e-01, v24  }
0x6fe: {  	v9 =	vadd.f32 v26, v9;
	v26 =	vmul.f32 v13, v13;
	v15 =	vsub.s32 $0x5F3759DF, v21  }
0x6ff: {  	v19 =	vadd.f32 v2, v19;
	v18 =	vadd.f32 v13, v18;
	v21 =	vmul.f32 v15, v22  }
0x700: {  	v11 =	vadd.f32 v23, v11;
	v9 =	vadd.f32 v26, v9;
	v25 =	vmul.f32 v58, v58  }
0x701: {  	v3 =	vld [tilespmem:s19+$0xB0];
	v10 =	vadd.f32 v12, v10;
	v23 =	vmul.f32 v12, v12;
	v21 =	vmul.f32 v15, v21  }
0x702: {  	v19 =	vadd.f32 v6, v19;
	v17 =	vadd.f32 v25, v17;
	v25 =	vmul.f32 v63, v63  }
0x703: {  	v11 =	vadd.f32 v23, v11;
	v23 =	vperm.xlane v10, v43;
	v21 =	vsub.f32 $1.500000000e+00, v21  }
0x704: {  	v24 =	vmul.f32 v2, v2;
	v17 =	vadd.f32 v25, v17;
	v25 =	vperm.xlane v18, v43  }
0x705: {  	v10 =	vadd.f32 v23, v10;
	v23 =	vperm.xlane v11, v43;
	v15 =	vmul.f32 v15, v21  }
0x706: {  	v8 =	vadd.f32 v24, v8;
	v24 =	vmul.f32 v3, v3;
	v18 =	vadd.f32 v25, v18  }
0x707: {  	v16 =	vadd.f32 v3, v16;
	v21 =	vmul.f32 v6, v6;
	v22 =	vmul.f32 v15, v22  }
0x708: {  	v25 =	vperm.xlane v9, v43;
	v17 =	vadd.f32 v24, v17;
	v27 =	vperm.xlane v18, v53  }
0x709: {  	v8 =	vadd.f32 v21, v8;
	v21 =	vperm.xlane v19, v43;
	v22 =	vmul.f32 v22, v15  }
0x70a: {  	v11 =	vadd.f32 v23, v11;
	v24 =	vperm.xlane v16, v43;
	v18 =	vadd.f32 v27, v18  }
0x70b: {  	v26 =	vperm.xlane v17, v43;
	v19 =	vadd.f32 v21, v19;
	v21 =	vsub.f32 $1.500000000e+00, v22  }
0x70c: {  	v9 =	vadd.f32 v25, v9;
	v24 =	vadd.f32 v24, v16;
	v25 =	vperm.xlane v18, v45  }
0x70d: {  	v17 =	vadd.f32 v26, v17;
	v22 =	vperm.xlane v8, v43;
	v16 =	vmul.f32 v21, v15  }
0x70e: {  	v18 =	vadd.f32 v25, v18;
	v23 =	vperm.xlane v19, v53;
	v21 =	vperm.xlane v10, v53  }
0x70f: {  	v44 =	vld [tilespmem:$0x1FEC0];
	v8 =	vadd.f32 v22, v8;
	v22 =	vperm.xlane v9, v53;
	v15 =	vmul.f32 v16, v20  }
0x710: {  	v19 =	vadd.f32 v23, v19;
	v14 =	vmul.f32 v16, v14;
	v20 =	vperm.xlane v24, v53  }
0x711: {  	v10 =	vadd.f32 v21, v10;
	v21 =	vperm.xlane v11, v53;
	v9 =	vadd.f32 v22, v9  }
0x712: {  	v26 =	vld [tilespmem:$0x1FF40];
	v23 =	vperm.xlane v8, v53;
	v14 =	vsub.f32 v14, v15;
	v20 =	vadd.f32 v20, v24  }
0x713: {  	v24 =	vperm.xlane v17, v53;
	v22 =	vperm.xlane v10, v45;
	v11 =	vadd.f32 v21, v11  }
0x714: {  	v21 =	vperm.xlane v19, v45;
	v8 =	vadd.f32 v23, v8;
	v14 =	vmul.f32 v14, v44  }
0x715: {  	v23 =	vperm.xlane v20, v45;
	v17 =	vadd.f32 v24, v17;
	v24 =	vperm.xlane v9, v45  }
0x716: {  	v10 =	vadd.f32 v22, v10;
	v19 =	vadd.f32 v21, v19;
	v21 =	vperm.xlane v8, v45  }
0x717: {  	v22 =	vperm.xlane v18, v47;
	v14 =	vadd.f32 v14, v26;
	v20 =	vadd.f32 v23, v20  }
0x718: {  	v23 =	vperm.xlane v17, v45;
	v9 =	vadd.f32 v24, v9;
	v24 =	vperm.xlane v10, v47  }
0x719: {  	v8 =	vadd.f32 v21, v8;
	v18 =	vadd.f32 v22, v18;
	[tilespmem:s19+$0x130] =	vst v14;
	v14 =	vperm.xlane v11, v45  }
0x71a: {  	v21 =	vperm.xlane v20, v47;
	v22 =	vperm.xlane v9, v47;
	v23 =	vadd.f32 v23, v17  }
0x71b: {  	v10 =	vadd.f32 v24, v10;
	v11 =	vadd.f32 v14, v11;
	v14 =	vperm.xlane v19, v47  }
0x71c: {  	v24 =	vperm.xlane v8, v47;
	v25 =	vmul.f32 $7.812500000e-03, v18;
	v20 =	vadd.f32 v21, v20  }
0x71d: {  	v21 =	vperm.xlane v23, v47;
	v9 =	vadd.f32 v22, v9;
	v14 =	vadd.f32 v14, v19  }
0x71e: {  	v22 =	vld [tilespmem:$0x1FF10];
	v17 =	vperm.xlane v11, v47;
	v19 =	vmul.f32 $7.812500000e-03, v10  }
0x71f: {  	v9 =	vmul.f32 $7.812500000e-03, v9;
	v18 =	vmul.f32 $7.812500000e-03, v14  }
0x720: {  	v10 =	vadd.f32 v17, v11;
	v17 =	vmul.f32 $7.812500000e-03, v20;
	v14 =	vmul.f32 v25, v25;
	v20 =	vld [tilespmem:$0x1FF40]  }
0x721: {  	v8 =	vadd.f32 v24, v8;
	v11 =	vadd.f32 v21, v23  }
0x722: {  	v21 =	vmul.f32 v19, v19;
	v10 =	vmul.f32 $7.812500000e-03, v10;
	v9 =	vsub.f32 v9, v14  }
0x723: {  	v8 =	vmul.f32 $7.812500000e-03, v8;
	v22 =	vadd.f32 v41, v22;
	v14 =	vmul.f32 v18, v18  }
0x724: {  	v10 =	vsub.f32 v10, v21;
	v9 =	vadd.f32 $9.999999960e-13, v9  }
0x725: {  	v11 =	vmul.f32 $7.812500000e-03, v11;
	v8 =	vsub.f32 v8, v14;
	v20 =	vadd.f32 v42, v20  }
0x726: {  	[tilespmem:s11+$0xD0] =	vst v22;
	v14 =	vmul.f32 v16, v32;
	v10 =	vadd.f32 $9.999999960e-13, v10;
	v22 =	vshrl.u32 v9, $0x1  }
0x727: {  	v9 =	vmul.f32 $5.000000000e-01, v9;
	v8 =	vadd.f32 $9.999999960e-13, v8;
	[tilespmem:s11+$0xB0] =	vst v20;
	v20 =	vmul.f32 v17, v17  }
0x728: {  	v22 =	vsub.s32 $0x5F3759DF, v22;
	v23 =	vshrl.u32 v10, $0x1;
	v10 =	vmul.f32 $5.000000000e-01, v10  }
0x729: {  	v24 =	vshrl.u32 v8, $0x1;
	v8 =	vmul.f32 $5.000000000e-01, v8;
	v11 =	vsub.f32 v11, v20  }
0x72a: {  	v27 =	vmul.f32 v22, v9;
	v20 =	vmul.f32 v16, v59  }
0x72b: {  	v23 =	vsub.s32 $0x5F3759DF, v23;
	v24 =	vsub.s32 $0x5F3759DF, v24;
	v11 =	vadd.f32 $9.999999960e-13, v11  }
0x72c: {  	v14 =	vsub.f32 v14, v15;
	v41 =	vmul.f32 v23, v10;
	v42 =	vmul.f32 v24, v8  }
0x72d: {  	v27 =	vmul.f32 v22, v27;
	v26 =	vshrl.u32 v11, $0x1;
	v11 =	vmul.f32 $5.000000000e-01, v11  }
0x72e: {  	[tilespmem:$0x1FCE0] =	vst v14;
	v14 =	vsub.f32 v20, v15;
	v41 =	vmul.f32 v23, v41;
	v26 =	vsub.s32 $0x5F3759DF, v26  }
0x72f: {  	v42 =	vmul.f32 v24, v42;
	v20 =	vsub.f32 $1.500000000e+00, v27;
	v32 =	vmul.f32 v26, v11  }
0x730: {  	v46 =	vmul.f32 v16, v46;
	v41 =	vsub.f32 $1.500000000e+00, v41  }
0x731: {  	v42 =	vsub.f32 $1.500000000e+00, v42;
	v20 =	vmul.f32 v22, v20;
	v27 =	vmul.f32 v26, v32  }
0x732: {  	v21 =	vmul.f32 v16, v55;
	v23 =	vmul.f32 v23, v41  }
0x733: {  	v24 =	vmul.f32 v24, v42;
	v9 =	vmul.f32 v20, v9;
	v22 =	vsub.f32 $1.500000000e+00, v27  }
0x734: {  	v59 =	vld [tilespmem:$0x1FE50];
	v32 =	vmul.f32 v16, v51;
	v27 =	vmul.f32 v16, v56  }
0x735: {  	v21 =	vsub.f32 v21, v15;
	v16 =	vmul.f32 v16, v48;
	v22 =	vmul.f32 v26, v22;
	v26 =	vld [tilespmem:$0x1FF20]  }
0x736: {  	v51 =	vsub.f32 v46, v15;
	v9 =	vmul.f32 v9, v20;
	v56 =	vsub.f32 v27, v15;
	v27 =	vld [tilespmem:$0x1FC90]  }
0x737: {  	v10 =	vmul.f32 v23, v10;
	v46 =	vsub.f32 v32, v15;
	v48 =	vsub.f32 v16, v15;
	v15 =	vld [tilespmem:$0x1FF00]  }
0x738: {  	v8 =	vmul.f32 v24, v8;
	v9 =	vsub.f32 $1.500000000e+00, v9  }
0x739: {  	v55 =	vld [tilespmem:$0x1FCA0];
	v21 =	vmul.f32 v21, v59;
	v10 =	vmul.f32 v10, v23  }
0x73a: {  	v8 =	vmul.f32 v8, v24;
	v9 =	vmul.f32 v9, v20;
	v20 =	vld [tilespmem:$0x1FED0]  }
0x73b: {  	v10 =	vsub.f32 $1.500000000e+00, v10;
	v26 =	vadd.f32 v27, v26;
	v27 =	vld [tilespmem:$0x1FF30]  }
0x73c: {  	v8 =	vsub.f32 $1.500000000e+00, v8;
	v15 =	vadd.f32 v21, v15;
	v21 =	vld [tilespmem:$0x1FCB0]  }
0x73d: {  	v11 =	vmul.f32 v22, v11  }
0x73e: {  	v10 =	vmul.f32 v10, v23;
	v8 =	vmul.f32 v8, v24  }
0x73f: {  	v16 =	vmul.f32 v9, v25;
	v23 =	vmul.f32 v9, v50  }
0x740: {  	v24 =	vmul.f32 v9, v60;
	v0 =	vmul.f32 v9, v0;
	v27 =	vadd.f32 v55, v27  }
0x741: {  	v41 =	vld [tilespmem:$0x1FEE0];
	v4 =	vmul.f32 v9, v4;
	v7 =	vmul.f32 v9, v7;
	[tilespmem:s11+$0xE0] =	vst v26;
	v20 =	vadd.f32 v21, v20  }
0x742: {  	v25 =	vld [tilespmem:$0x1FCD0];
	v11 =	vmul.f32 v11, v22;
	v19 =	vmul.f32 v10, v19;
	v0 =	vsub.f32 v0, v16;
	[tilespmem:s11+$0xF0] =	vst v27  }
0x743: {  	v4 =	vsub.f32 v4, v16;
	v1 =	vmul.f32 v10, v1;
	v5 =	vmul.f32 v10, v5;
	[tilespmem:s11+$0x100] =	vst v20;
	v20 =	vld [tilespmem:$0x1FEF0]  }
0x744: {  	v28 =	vmul.f32 v8, v28;
	v2 =	vmul.f32 v8, v2;
	v11 =	vsub.f32 $1.500000000e+00, v11;
	[tilespmem:s19+$0xC0] =	vst v15;
	v15 =	vld [tilespmem:$0x1FCC0]  }
0x745: {  	v7 =	vsub.f32 v7, v16;
	v6 =	vmul.f32 v8, v6;
	v26 =	vmul.f32 v10, v61  }
0x746: {  	v1 =	vsub.f32 v1, v19;
	v11 =	vmul.f32 v11, v22;
	v22 =	vmul.f32 v9, v35  }
0x747: {  	v21 =	vmul.f32 v9, v49;
	v9 =	vmul.f32 v9, v13;
	v13 =	vsub.f32 v23, v16  }
0x748: {  	v23 =	vmul.f32 v10, v31;
	v17 =	vmul.f32 v11, v17;
	v20 =	vadd.f32 v25, v20  }
0x749: {  	v40 =	vmul.f32 v11, v40;
	v61 =	vmul.f32 v11, v63;
	v15 =	vadd.f32 v15, v41  }
0x74a: {  	v5 =	vsub.f32 v5, v19;
	v25 =	vmul.f32 v10, v54;
	[tilespmem:s11+$0x120] =	vst v20;
	v20 =	vmul.f32 v10, v39  }
0x74b: {  	[tilespmem:s11+$0x110] =	vst v15;
	v15 =	vsub.f32 v22, v16;
	v22 =	vsub.f32 v24, v16;
	v24 =	vmul.f32 v10, v29  }
0x74c: {  	v21 =	vsub.f32 v21, v16;
	v10 =	vmul.f32 v10, v12;
	v12 =	vmul.f32 v8, v18  }
0x74d: {  	v9 =	vsub.f32 v9, v16;
	v16 =	vmul.f32 v8, v38;
	v18 =	vmul.f32 v8, v36  }
0x74e: {  	v26 =	vsub.f32 v26, v19;
	v27 =	vmul.f32 v8, v30;
	v30 =	vmul.f32 v8, v62  }
0x74f: {  	v60 =	vld [tilespmem:$0x1FE80];
	v29 =	vmul.f32 v8, v57;
	v16 =	vsub.f32 v16, v12;
	v18 =	vsub.f32 v18, v12  }
0x750: {  	v49 =	vld [tilespmem:$0x1FE60];
	v62 =	vmul.f32 v21, v59;
	v21 =	vsub.f32 v27, v12;
	v27 =	vsub.f32 v28, v12  }
0x751: {  	v50 =	vld [tilespmem:$0x1FE70];
	v3 =	vmul.f32 v11, v3;
	v63 =	vsub.f32 v29, v12;
	v55 =	vsub.f32 v30, v12  }
0x752: {  	v33 =	vmul.f32 v11, v33;
	v2 =	vsub.f32 v2, v12;
	v6 =	vsub.f32 v6, v12;
	v12 =	vld [tilespmem:$0x1FF10]  }
0x753: {  	v42 =	vmul.f32 v11, v58;
	v36 =	vsub.f32 v61, v17;
	v61 =	vsub.f32 v3, v17;
	v3 =	vld [tilespmem:$0x1FF00]  }
0x754: {  	v31 =	vmul.f32 v11, v37;
	v37 =	vld [tilespmem:$0x1FEF0];
	v23 =	vsub.f32 v23, v19;
	v58 =	vsub.f32 v40, v17  }
0x755: {  	v33 =	vsub.f32 v33, v17;
	v35 =	vsub.f32 v42, v17;
	v54 =	vld [tilespmem:$0x1FE90];
	v15 =	vmul.f32 v15, v49  }
0x756: {  	v8 =	vsub.f32 v25, v19;
	v25 =	vmul.f32 v11, v34;
	v34 =	vmul.f32 v11, v52;
	v52 =	vld [tilespmem:$0x1FEB0]  }
0x757: {  	v13 =	vmul.f32 v13, v50;
	v24 =	vsub.f32 v24, v19;
	v12 =	vadd.f32 v15, v12;
	v15 =	vld [tilespmem:$0x1FED0]  }
0x758: {  	v9 =	vmul.f32 v9, v44;
	v57 =	vld [tilespmem:$0x1FEA0];
	v20 =	vsub.f32 v20, v19;
	v3 =	vadd.f32 v62, v3  }
0x759: {  	v10 =	vsub.f32 v10, v19;
	v62 =	vmul.f32 v23, v49;
	v23 =	vmul.f32 v24, v50;
	v24 =	vld [tilespmem:$0x1FF30]  }
0x75a: {  	v19 =	vmul.f32 v22, v60;
	v22 =	vsub.f32 v25, v17;
	v0 =	vmul.f32 v0, v54;
	[tilespmem:s19+$0xFFFFFEC0] =	vst v3;
	v3 =	vld [tilespmem:$0x1FF20]  }
0x75b: {  	v25 =	vsub.f32 v31, v17;
	v8 =	vmul.f32 v8, v60;
	v32 =	vmul.f32 v26, v54;
	v26 =	vld [tilespmem:$0x1FF00]  }
0x75c: {  	v42 =	vmul.f32 v61, v44;
	v7 =	vmul.f32 v7, v52;
	v0 =	vadd.f32 v0, v15  }
0x75d: {  	v34 =	vsub.f32 v34, v17;
	v20 =	vmul.f32 v20, v59;
	v28 =	vmul.f32 v10, v44  }
0x75e: {  	v29 =	vmul.f32 v27, v60;
	v4 =	vmul.f32 v4, v57;
	[tilespmem:s19+$0xFFFFFF00] =	vst v0;
	v0 =	vadd.f32 v7, v37  }
0x75f: {  	v27 =	vld [tilespmem:$0x1FF40];
	v30 =	vmul.f32 v1, v57;
	v1 =	vadd.f32 v19, v24;
	v3 =	vadd.f32 v13, v3  }
0x760: {  	v13 =	vmul.f32 v5, v52;
	v5 =	vmul.f32 v22, v59;
	v22 =	vld [tilespmem:$0x1FF10];
	[tilespmem:s19+$0xFFFFFF20] =	vst v0;
	v0 =	vadd.f32 v20, v26  }
0x761: {  	s18 =	sadd.s32 $0x5, s18;
	[tilespmem:s19+$0xFFFFFEF0] =	vst v1;
	v7 =	vmul.f32 v2, v52;
	v2 =	vmul.f32 v34, v54;
	v34 =	vadd.f32 v8, v24;
	v8 =	vld [tilespmem:$0x1FCE0]  }
0x762: {  	p1 =	slt.u32 s18, $0x78;
	v16 =	vmul.f32 v16, v59;
	v17 =	vmul.f32 v21, v50;
	v1 =	vadd.f32 v4, v41;
	[tilespmem:s19+$0xFFFFFF40] =	vst v0;
	v0 =	vld [tilespmem:$0x1FF20]  }
.Ltmp12:
0x763: {  	v31 =	vmul.f32 v55, v57;
	[tilespmem:s19+$0xFFFFFED0] =	vst v12;
	v12 =	vmul.f32 v6, v44;
	(pc) =	sbr.rel @p1 .LBB2_21-.Ltmp12, $4  }
0x764: {  	v6 =	vmul.f32 v25, v49;
	v19 =	vmul.f32 v18, v49;
	[tilespmem:s19+$0xFFFFFF10] =	vst v1;
	v1 =	vadd.f32 v9, v27  }
0x765: {  	v18 =	vmul.f32 v63, v54;
	v4 =	vmul.f32 v58, v50;
	[tilespmem:s19+$0xFFFFFEE0] =	vst v3;
	v63 =	vadd.f32 v62, v22  }
0x766: {  	s11 =	smov.u32 s19;
	v3 =	vmul.f32 v33, v60;
	[tilespmem:s19+$0xFFFFFF30] =	vst v1;
	v1 =	vmul.f32 v35, v57  }
0x767: {  	s20 =	simm.s32 $0x0;
	s19 =	sadd.s32 $0x280, s19;
	[tilespmem:s11+$0xFFFFFF50] =	vst v63;
	v41 =	vmul.f32 v8, v49;
	v33 =	vadd.f32 v23, v0;
	v23 =	vld [tilespmem:$0x1FF20];
	v0 =	vmul.f32 v36, v52  }
0x768: {  	v8 =	vadd.f32 v32, v15;
	[tilespmem:s11+$0xFFFFFF70] =	vst v34  }
0x769: {  	v63 =	vadd.f32 v13, v37;
	[tilespmem:s11+$0xFFFFFF60] =	vst v33  }
0x76a: {  	v10 =	vadd.f32 v28, v27;
	v11 =	vld [tilespmem:$0x1FEE0];
	[tilespmem:s11+$0xFFFFFF80] =	vst v8  }
0x76b: {  	v32 =	vadd.f32 v19, v22;
	[tilespmem:s11+$0xFFFFFFA0] =	vst v63  }
0x76c: {  	v34 =	vadd.f32 v29, v24;
	[tilespmem:s11+$0xFFFFFFB0] =	vst v10  }
0x76d: {  	v35 =	vadd.f32 v18, v15;
	[tilespmem:s11+$0xFFFFFFD0] =	vst v32  }
0x76e: {  	v7 =	vadd.f32 v7, v37;
	[tilespmem:s11+$0xFFFFFFF0] =	vst v34  }
0x76f: {  	v38 =	vadd.f32 v12, v27;
	[tilespmem:s11+$0x0] =	vst v35  }
0x770: {  	v5 =	vadd.f32 v5, v26;
	[tilespmem:s11+$0x20] =	vst v7  }
0x771: {  	v6 =	vadd.f32 v6, v22;
	[tilespmem:s11+$0x30] =	vst v38  }
0x772: {  	v3 =	vadd.f32 v3, v24;
	[tilespmem:s11+$0x40] =	vst v5  }
0x773: {  	v2 =	vadd.f32 v2, v15;
	[tilespmem:s11+$0x50] =	vst v6  }
0x774: {  	v40 =	vadd.f32 v42, v27;
	[tilespmem:s11+$0x70] =	vst v3  }
0x775: {  	v42 =	vmul.f32 v51, v60;
	v0 =	vadd.f32 v0, v37;
	[tilespmem:s11+$0x80] =	vst v2  }
0x776: {  	v46 =	vmul.f32 v46, v54;
	v44 =	vadd.f32 v41, v22;
	[tilespmem:s11+$0xB0] =	vst v40  }
0x777: {  	v55 =	vmul.f32 v56, v57;
	v58 =	vmul.f32 v48, v52;
	v56 =	vadd.f32 v42, v24;
	[tilespmem:s11+$0xA0] =	vst v0  }
0x778: {  	v61 =	vadd.f32 v46, v15;
	[tilespmem:s11+$0xD0] =	vst v44  }
0x779: {  	v63 =	vadd.f32 v58, v37;
	[tilespmem:s11+$0xF0] =	vst v56  }
0x77a: {  	v39 =	vmul.f32 v14, v50;
	v33 =	vadd.f32 v17, v23;
	[tilespmem:s11+$0x100] =	vst v61  }
0x77b: {  	v4 =	vadd.f32 v4, v23;
	[tilespmem:s11+$0x120] =	vst v63  }
0x77c: {  	v51 =	vadd.f32 v39, v23;
	[tilespmem:s11+$0xFFFFFFE0] =	vst v33  }
0x77d: {  	[tilespmem:s11+$0x60] =	vst v4;
	v9 =	vadd.f32 v30, v11  }
0x77e: {  	[tilespmem:s11+$0xE0] =	vst v51;
	v30 =	vadd.f32 v16, v26  }
0x77f: {  	v36 =	vadd.f32 v31, v11;
	[tilespmem:s11+$0xFFFFFF90] =	vst v9  }
0x780: {  	v1 =	vadd.f32 v1, v11;
	[tilespmem:s11+$0xFFFFFFC0] =	vst v30  }
0x781: {  	v62 =	vadd.f32 v55, v11;
	[tilespmem:s11+$0x10] =	vst v36  }
0x782: {  	[tilespmem:s11+$0x90] =	vst v1  }
0x783: {  	[tilespmem:s11+$0x110] =	vst v62  }
0x784: {  	v21 =	vmov v45;
	v13 =	vmov v11;
	v12 =	vld [tilespmem:$0x1FEC0]  }
.LBB2_23:
0x785: {  	s11 =	sshra.s32 s20, $0x2  }
0x786: {  	v0 =	vld [tilespmem:s11+$0x10480]  }
0x787: {  	v1 =	vld [tilespmem:s11+$0x10490];
	_ =	sdelay $0x1  }
0x788: {  	v2 =	vld [tilespmem:s11+$0x104A0];
	_ =	sdelay $0x1  }
0x789: {  	v3 =	vld [tilespmem:s11+$0x104B0]  }
0x78a: {  	v4 =	vadd.f32 v1, v0;
	v5 =	vmul.f32 v0, v0;
	v6 =	vmul.f32 v1, v1  }
0x78b: {  	v7 =	vld [tilespmem:s11+$0x104C0]  }
0x78c: {  	v19 =	vmul.f32 v2, v2;
	v4 =	vadd.f32 v2, v4;
	v5 =	vadd.f32 v6, v5  }
0x78d: {  	v8 =	vld [tilespmem:s11+$0x104D0]  }
0x78e: {  	v30 =	vmul.f32 v3, v3;
	v4 =	vadd.f32 v3, v4;
	v5 =	vadd.f32 v19, v5  }
0x78f: {  	v9 =	vld [tilespmem:s11+$0x104E0]  }
0x790: {  	v31 =	vmul.f32 v7, v7;
	v4 =	vadd.f32 v7, v4;
	v5 =	vadd.f32 v30, v5  }
0x791: {  	v10 =	vld [tilespmem:s11+$0x104F0]  }
0x792: {  	v32 =	vmul.f32 v8, v8;
	v4 =	vadd.f32 v8, v4;
	v5 =	vadd.f32 v31, v5;
	_ =	sdelay $0x1  }
0x793: {  	v33 =	vmul.f32 v9, v9;
	v4 =	vadd.f32 v9, v4;
	v5 =	vadd.f32 v32, v5;
	_ =	sdelay $0x1  }
0x794: {  	v34 =	vmul.f32 v10, v10;
	v4 =	vadd.f32 v10, v4;
	v5 =	vadd.f32 v33, v5;
	_ =	sdelay $0x1  }
0x795: {  	v5 =	vadd.f32 v34, v5;
	v35 =	vperm.xlane v4, v43;
	_ =	sdelay $0x1  }
0x796: {  	v4 =	vadd.f32 v35, v4;
	v36 =	vperm.xlane v5, v43;
	_ =	sdelay $0x1  }
0x797: {  	v11 =	vperm.xlane v4, v53;
	v5 =	vadd.f32 v36, v5;
	_ =	sdelay $0x1  }
0x798: {  	v4 =	vadd.f32 v11, v4;
	v6 =	vperm.xlane v5, v53;
	_ =	sdelay $0x1  }
0x799: {  	v11 =	vperm.xlane v4, v21;
	v5 =	vadd.f32 v6, v5;
	_ =	sdelay $0x1  }
0x79a: {  	v4 =	vadd.f32 v11, v4;
	v6 =	vperm.xlane v5, v21;
	_ =	sdelay $0x1  }
0x79b: {  	v11 =	vperm.xlane v4, v47;
	v5 =	vadd.f32 v6, v5;
	_ =	sdelay $0x1  }
0x79c: {  	v4 =	vadd.f32 v11, v4;
	v6 =	vperm.xlane v5, v47;
	_ =	sdelay $0x1  }
0x79d: {  	v4 =	vmul.f32 $7.812500000e-03, v4;
	v5 =	vadd.f32 v6, v5;
	_ =	sdelay $0x1  }
0x79e: {  	v5 =	vmul.f32 $7.812500000e-03, v5;
	v38 =	vmul.f32 v4, v4;
	_ =	sdelay $0x1  }
0x79f: {  	v5 =	vsub.f32 v5, v38;
	_ =	sdelay $0x1  }
0x7a0: {  	v5 =	vadd.f32 $9.999999960e-13, v5;
	_ =	sdelay $0x1  }
0x7a1: {  	v39 =	vshrl.u32 v5, $0x1;
	v5 =	vmul.f32 $5.000000000e-01, v5  }
0x7a2: {  	v6 =	vsub.s32 $0x5F3759DF, v39  }
0x7a3: {  	v40 =	vmul.f32 v6, v5;
	_ =	sdelay $0x1  }
0x7a4: {  	v11 =	vmul.f32 v6, v40;
	_ =	sdelay $0x1  }
0x7a5: {  	v11 =	vsub.f32 $1.500000000e+00, v11;
	_ =	sdelay $0x1  }
0x7a6: {  	v6 =	vmul.f32 v6, v11;
	_ =	sdelay $0x1  }
0x7a7: {  	v5 =	vmul.f32 v6, v5;
	_ =	sdelay $0x1  }
0x7a8: {  	v5 =	vmul.f32 v5, v6;
	_ =	sdelay $0x1  }
0x7a9: {  	v5 =	vsub.f32 $1.500000000e+00, v5;
	_ =	sdelay $0x1  }
0x7aa: {  	v5 =	vmul.f32 v5, v6;
	_ =	sdelay $0x1  }
0x7ab: {  	v4 =	vmul.f32 v5, v4;
	v0 =	vmul.f32 v5, v0  }
0x7ac: {  	v1 =	vmul.f32 v5, v1  }
0x7ad: {  	v2 =	vmul.f32 v5, v2;
	v3 =	vmul.f32 v5, v3;
	v0 =	vsub.f32 v0, v4  }
0x7ae: {  	v6 =	vmul.f32 v5, v7;
	v41 =	vmul.f32 v5, v8;
	v1 =	vsub.f32 v1, v4  }
0x7af: {  	v42 =	vmul.f32 v5, v9;
	v2 =	vsub.f32 v2, v4;
	v0 =	vmul.f32 v0, v59  }
0x7b0: {  	v5 =	vmul.f32 v5, v10;
	v3 =	vsub.f32 v3, v4;
	v1 =	vmul.f32 v1, v49  }
0x7b1: {  	v6 =	vsub.f32 v6, v4;
	v2 =	vmul.f32 v2, v50;
	v0 =	vadd.f32 v0, v26  }
0x7b2: {  	v7 =	vsub.f32 v41, v4;
	v3 =	vmul.f32 v3, v60;
	v1 =	vadd.f32 v1, v22  }
0x7b3: {  	v46 =	vsub.f32 v42, v4;
	v45 =	vmul.f32 v6, v54;
	v44 =	vadd.f32 v2, v23;
	[tilespmem:s11+$0x10480] =	vst v0  }
0x7b4: {  	v4 =	vsub.f32 v5, v4;
	v51 =	vmul.f32 v7, v57;
	v48 =	vadd.f32 v3, v24;
	[tilespmem:s11+$0x10490] =	vst v1  }
0x7b5: {  	p1 =	sne.s32 s20, $0x400;
	v56 =	vmul.f32 v46, v52;
	v55 =	vadd.f32 v45, v15;
	[tilespmem:s11+$0x104A0] =	vst v44  }
.Ltmp13:
0x7b6: {  	v61 =	vmul.f32 v4, v12;
	v58 =	vadd.f32 v51, v13;
	[tilespmem:s11+$0x104B0] =	vst v48;
	(pc) =	sbr.rel @p1 .LBB2_23-.Ltmp13, $4  }
0x7b7: {  	v62 =	vadd.f32 v56, v37;
	[tilespmem:s11+$0x104C0] =	vst v55  }
0x7b8: {  	v63 =	vadd.f32 v61, v27;
	[tilespmem:s11+$0x104D0] =	vst v58  }
0x7b9: {  	[tilespmem:s11+$0x104E0] =	vst v62  }
0x7ba: {  	s20 =	sadd.s32 $0x200, s20;
	[tilespmem:s11+$0x104F0] =	vst v63  }
.Ltmp14:
0x7bb: {  	(pc) =	sbr.rel @p0 .LBB2_26-.Ltmp14, $3  }
0x7bc: {  	_ =	sdelay $0x1  }
0x7bd: {  	s11 =	sadd.s32 s24, s26  }
0x7be: {  	[hbm4b:s11+s8] =	stream.linear.scatter [tilespmem:s28], [sflag:$0xF], $0x4000, $0x38;
	[tilespmem:$0x10700] =	vst v63  }
0x7bf: {  	_ =	swait.ge [sflag:s2], $0x4000  }
0x7c0: {  	[sflag:s2] =	ssyncset.done $0x0  }
0x7c1: {  	[sflag:s2] =	ssyncadd.s32 $0xFFFFC000  }
0x7c2: {  	_ =	swait.ge [sflag:s4], $0x80  }
0x7c3: {  	[sflag:s4] =	ssyncset.done $0x0  }
0x7c4: {  	[sflag:s4] =	ssyncadd.s32 $0xFFFFFF80  }
0x7c5: {  	_ =	swait.ge [sflag:s4], $0x80  }
0x7c6: {  	v49 =	vld [tilespmem:$0x1FF50]  }
0x7c7: {  	v52 =	vld [tilespmem:$0x1FF60]  }
0x7c8: {  	v55 =	vld [tilespmem:$0x1FF70]  }
0x7c9: {  	v57 =	vld [tilespmem:$0x1FF80]  }
0x7ca: {  	[sflag:s4] =	ssyncset.done $0x0;
	v59 =	vld [tilespmem:$0x1FF90]  }
0x7cb: {  	v61 =	vld [tilespmem:$0x1FFA0];
	[sflag:s4] =	ssyncadd.s32 $0xFFFFFF80  }
0x7cc: {  	v0 =	vld [tilespmem:$0x8380]  }
0x7cd: {  	v1 =	vld [tilespmem:$0x8390]  }
0x7ce: {  	v2 =	vld [tilespmem:$0x83A0]  }
0x7cf: {  	v3 =	vld [tilespmem:$0x83B0]  }
0x7d0: {  	v4 =	vld [tilespmem:$0x83C0]  }
0x7d1: {  	v6 =	vlaneseq.u32;
	v5 =	vld [tilespmem:$0x83D0];
	v0 =	vshll.u32 v0, $0x7  }
0x7d2: {  	v48 =	vld [tilespmem:$0x83E0];
	v1 =	vshll.u32 v1, $0x7;
	v0 =	vor.u32 v6, v0  }
0x7d3: {  	v51 =	vld [tilespmem:$0x83F0];
	v50 =	vshll.u32 v2, $0x7;
	[tilespmem:$0x8400] =	vst v0;
	v0 =	vor.u32 v49, v1  }
0x7d4: {  	v63 =	vld [tilespmem:$0x1FFB0];
	v54 =	vshll.u32 v3, $0x7;
	[tilespmem:$0x8410] =	vst v0;
	v0 =	vor.u32 v52, v50  }
0x7d5: {  	v56 =	vshll.u32 v4, $0x7;
	[tilespmem:$0x8420] =	vst v0;
	v0 =	vor.u32 v55, v54  }
0x7d6: {  	v58 =	vshll.u32 v5, $0x7;
	[tilespmem:$0x8430] =	vst v0;
	v0 =	vor.u32 v57, v56  }
.Ltmp15:
0x7d7: {  	v60 =	vshll.u32 v48, $0x7;
	[tilespmem:$0x8440] =	vst v0;
	v0 =	vor.u32 v59, v58;
	(pc) =	sbr.rel .LBB2_2-.Ltmp15, $4  }
0x7d8: {  	v62 =	vshll.u32 v51, $0x7;
	[tilespmem:$0x8450] =	vst v0;
	v0 =	vor.u32 v61, v60  }
0x7d9: {  	[tilespmem:$0x8460] =	vst v0;
	v0 =	vor.u32 v63, v62  }
0x7da: {  	s11 =	simm.s32 $0x8400;
	s15 =	sadd.s32 $0x1, s15;
	[tilespmem:$0x8470] =	vst v0  }
0x7db: {  	[tilespmem:s12], [sflag:$0x9] =	stream.indirect.gather [hbm4b:s9+s31], $0x80, s11, s31, $0xb8;
	[tilespmem:$0x10700] =	vst v63  }
.LBB2_27:
0x7dc: {  	_ =	sfence.sel $0x180000  }
0x7dd: {  	[bflag:$0x0] =	sbarrier.arrive $0xFFFF  }
0x7de: {  	_ =	strace $0x90000047  }
0x7df: {  	s0 =	stileid.u32;
	[bflag:$0x2] =	sbarrier.arrive $0xFFFF  }
0x7e0: {  	p0 =	sne.s32 s0, $0x0;
	s0 =	rddreg [dreg:$0x7]  }
0x7e1: {  	s0 =	sadd.s32 @!p0 $0x100000, s0  }
0x7e2: {  	[sflag:s0] =	ssyncadd.tile.s32 @!p0 $0x1;
	_ =	shalt  }
.Lfunc_end2:
_tile_overlayer_lowered:
.L_overlay_start_2:
0x7e3: {  	(tag) =	ssettag $0x2  }
0x7e4: {  	s0 =	rddreg [dreg:$0x0];
	s2 =	stileid.u32  }
0x7e5: {  	s1 =	rddreg [dreg:$0x1];
	p0 =	sne.s32 s2, $0x0  }
0x7e6: {  	s3 =	rddreg [dreg:$0x2];
	[bflag:$0x3] =	sbarrier.arrive $0xFFFF;
	s2 =	simm.s32 @!p0 $0x1C11  }
0x7e7: {  	[timem:s3], [sflag:s2] =	dma.local @!p0 [hbm:s0], s1  }
0x7e8: {  	s0 =	simm.s32 @!p0 $0x11  }
0x7e9: {  	_ =	swait.ge @!p0 [sflag:s0], s1  }
0x7ea: {  	s1 =	ssub.s32 @!p0 $0x0, s1;
	[sflag:s0] =	ssyncset.done @!p0 $0x0  }
0x7eb: {  	[sflag:s0] =	ssyncadd.s32 @!p0 s1  }
0x7ec: {  	[bflag:$0x3] =	sbarrier.arrive $0xFFFF  }
0x7ed: {  	_ =	shalt  }

</sc_bundles>
